<compile_context>
chip_gen: v7x
topology: tpu7x:2x2x1
jax: 0.10.2.dev20260603
libtpu: 0.0.44.dev20260713+nightly
codegen_flags: <defaults>
</compile_context>

<pallas_src>
import functools

import jax
import jax.numpy as jnp
from jax import lax
from jax.experimental import pallas as pl
from jax.experimental.pallas import tpu as pltpu
from jax.experimental.pallas import tpu_sc as plsc

NUM_GRAPHS = 64
N_NODES = 10000
N_EDGES = 640000
D_FEAT = 128
D_EDGE = 16
HIDDEN = 256
OUT_DIM = 128

NW = 32
EDGE_CHUNK = 1280
EDGE_NCHUNKS = N_EDGES // EDGE_CHUNK
EDGE_SLOTS = 16


def _sc_pool_body(ei_hbm, ea_hbm, b_hbm,
                  esum_hbm,
                  btbl,
                  srcbufs, eabufs,
                  bsem, ssems, easems, osem, *eaccs):
    cid = lax.axis_index("c")
    sid = lax.axis_index("s")
    wid = sid * 2 + cid

    zero16 = jnp.zeros((16,), jnp.float32)
    ones16 = jnp.ones((16,), jnp.float32)
    lane8 = lax.iota(jnp.int32, 16) & 7

    btbl_copy = pltpu.async_copy(b_hbm, btbl, bsem)

    for f in range(D_EDGE + 1):
        for i in range(NUM_GRAPHS * 8 // 16):
            eaccs[f][pl.ds(i * 16, 16)] = zero16

    btbl_copy.wait()

    def e_start(b, s):
        ch = wid + s * NW
        base = jnp.where(ch < EDGE_NCHUNKS, ch, 0) * EDGE_CHUNK
        pltpu.async_copy(ei_hbm.at[pl.ds(base, EDGE_CHUNK)], srcbufs[b],
                         ssems[b])
        pltpu.async_copy(ea_hbm.at[:, pl.ds(base, EDGE_CHUNK)], eabufs[b],
                         easems[b])

    def e_wait(b):
        pltpu.make_async_copy(ei_hbm.at[pl.ds(0, EDGE_CHUNK)], srcbufs[b],
                              ssems[b]).wait()
        pltpu.make_async_copy(ea_hbm.at[:, pl.ds(0, EDGE_CHUNK)], eabufs[b],
                              easems[b]).wait()

    def e_proc(b, s):
        ch = wid + s * NW
        srcbuf, eabuf = srcbufs[b], eabufs[b]

        @pl.when(ch < EDGE_NCHUNKS)
        def _():
            def grp(g, cc):
                sv = srcbuf[pl.ds(g * 16, 16)]
                gv = plsc.load_gather(btbl, [sv]) * 8 + lane8
                plsc.addupdate_scatter(eaccs[D_EDGE], [gv], ones16)
                for f in range(D_EDGE):
                    plsc.addupdate_scatter(eaccs[f], [gv],
                                           eabuf[f, pl.ds(g * 16, 16)])
                return cc
            lax.fori_loop(0, EDGE_CHUNK // 16, grp, 0, unroll=4)

    e_start(0, 0)

    def e_pair(j, carry):
        s0 = j * 2
        e_start(1, s0 + 1)
        e_wait(0)
        e_proc(0, s0)
        e_start(0, s0 + 2)
        e_wait(1)
        e_proc(1, s0 + 1)
        return carry
    lax.fori_loop(0, EDGE_SLOTS // 2, e_pair, 0)
    e_wait(0)

    for f in range(D_EDGE + 1):
        pltpu.async_copy(eaccs[f], esum_hbm.at[wid * (D_EDGE + 1) + f], osem)
    for f in range(D_EDGE + 1):
        pltpu.make_async_copy(eaccs[f],
                              esum_hbm.at[wid * (D_EDGE + 1) + f], osem).wait()


_sc_pool = functools.partial(
    pl.kernel,
    out_type=[
        jax.ShapeDtypeStruct((NW * (D_EDGE + 1), NUM_GRAPHS * 8), jnp.float32),
    ],
    mesh=plsc.VectorSubcoreMesh(core_axis_name="c", subcore_axis_name="s"),
    compiler_params=pltpu.CompilerParams(needs_layout_passes=False,
                                         use_tc_tiling_on_sc=True),
    scratch_types=[
        pltpu.VMEM((N_NODES,), jnp.int32),
        [pltpu.VMEM((EDGE_CHUNK,), jnp.int32) for _ in range(2)],
        [pltpu.VMEM((D_EDGE, EDGE_CHUNK), jnp.float32) for _ in range(2)],
        pltpu.SemaphoreType.DMA,
        [pltpu.SemaphoreType.DMA for _ in range(2)],
        [pltpu.SemaphoreType.DMA for _ in range(2)],
        pltpu.SemaphoreType.DMA,
    ] + [pltpu.VMEM((NUM_GRAPHS * 8,), jnp.float32) for _ in range(D_EDGE + 1)],
)(_sc_pool_body)


def _node_pool_body(b2, x, nsum, ncnt):
    gid = jax.lax.broadcasted_iota(jnp.int32, (1, NUM_GRAPHS), 1)
    o = (b2[...] == gid).astype(jnp.float32)
    nsum[...] = jax.lax.dot_general(o, x[...], (((0,), (0,)), ((), ())),
                                    preferred_element_type=jnp.float32,
                                    precision=jax.lax.Precision.HIGHEST)
    ncnt[...] = jnp.sum(o, axis=0)[None, :]


def _mlp_body(nsum, ncnt, esum, w1, b1, w2, b2, out):
    ns = nsum[...]
    nc = ncnt[...].reshape(NUM_GRAPHS, 1)
    est = jnp.sum(esum[...].reshape(NW, D_EDGE + 1, NUM_GRAPHS, 8),
                  axis=(0, 3))
    es = est[:D_EDGE].T
    ec = est[D_EDGE][:, None]
    nmean = ns / jnp.maximum(nc, 1.0)
    emean = es / jnp.maximum(ec, 1.0)
    w = w1[...]
    h = (jnp.dot(nmean, w[:D_FEAT], preferred_element_type=jnp.float32)
         + jnp.dot(emean, w[D_FEAT:], preferred_element_type=jnp.float32)
         + b1[...])
    h = jnp.maximum(h, 0.0)
    out[...] = jnp.dot(h, w2[...], preferred_element_type=jnp.float32) + b2[...]


def kernel(x, edge_index, edge_attr, batch, W1, b1, W2, b2):
    ei = edge_index[0].astype(jnp.int32)
    b = batch.astype(jnp.int32)
    ea_t = edge_attr.T
    (esum,) = _sc_pool(ei, ea_t, b)
    nsum, ncnt = pl.pallas_call(
        _node_pool_body,
        out_shape=[jax.ShapeDtypeStruct((NUM_GRAPHS, D_FEAT), jnp.float32),
                   jax.ShapeDtypeStruct((1, NUM_GRAPHS), jnp.float32)],
    )(b.reshape(N_NODES, 1), x)
    out = pl.pallas_call(
        _mlp_body,
        out_shape=jax.ShapeDtypeStruct((NUM_GRAPHS, OUT_DIM), jnp.float32),
    )(nsum, ncnt, esum, W1, b1.reshape(1, HIDDEN), W2,
      b2.reshape(1, OUT_DIM))
    return out

# --- scband reference (transcript-rebuilt; emitter-appended) ---
"""Pipeline reference for scband-mlpnode-edge-readout-10582799417475 (READ-ONLY COPY).

The authoritative reference and input builder live on the scoring server;
editing this copy changes nothing except your own understanding.
"""

import jax, jax.numpy as jnp
import numpy as np

NUM_GRAPHS = 64
N_NODES = 10000
N_EDGES = 640000
D_FEAT = 128
D_EDGE = 16
IN_DIM = D_FEAT + D_EDGE
HIDDEN = 256
OUT_DIM = 128


def setup_inputs(seed: int = 0) -> dict:
    key = jax.random.key(seed)
    k_x, k_ei, k_ea, k_b, k_w1, k_b1, k_w2, k_b2 = jax.random.split(key, 8)
    x = jax.random.normal(k_x, (N_NODES, D_FEAT), dtype=jnp.float32)
    edge_index = jax.random.randint(k_ei, (2, N_EDGES), 0, N_NODES, dtype=jnp.int64)
    edge_attr = jax.random.normal(k_ea, (N_EDGES, D_EDGE), dtype=jnp.float32)
    batch = jnp.sort(jax.random.randint(k_b, (N_NODES,), 0, NUM_GRAPHS, dtype=jnp.int64))
    # MLP params (num_layers=2 -> Linear(in,hidden), ReLU, Linear(hidden,out))
    W1 = jax.random.normal(k_w1, (IN_DIM, HIDDEN), dtype=jnp.float32) * (1.0 / np.sqrt(IN_DIM))
    b1 = jnp.zeros((HIDDEN,), dtype=jnp.float32)
    W2 = jax.random.normal(k_w2, (HIDDEN, OUT_DIM), dtype=jnp.float32) * (1.0 / np.sqrt(HIDDEN))
    b2 = jnp.zeros((OUT_DIM,), dtype=jnp.float32)
    return {"x": x, "edge_index": edge_index, "edge_attr": edge_attr, "batch": batch,
            "W1": W1, "b1": b1, "W2": W2, "b2": b2}


def _scatter_mean(vals, seg_ids, num_segments):
    s = jax.ops.segment_sum(vals, seg_ids, num_segments=num_segments)
    cnt = jax.ops.segment_sum(jnp.ones((vals.shape[0], 1), dtype=vals.dtype), seg_ids,
                              num_segments=num_segments)
    return s / jnp.maximum(cnt, 1.0)


def reference(x, edge_index, edge_attr, batch, W1, b1, W2, b2):
    # node pooling: scatter-mean of x over graph ids
    node_feat = _scatter_mean(x, batch, NUM_GRAPHS)
    # edge pooling: edge gets graph id of its source node, then scatter-mean
    edge_batch = batch[edge_index[0]]
    edge_feat = _scatter_mean(edge_attr, edge_batch, NUM_GRAPHS)
    graph_feat = jnp.concatenate([node_feat, edge_feat], axis=-1)
    h = jax.nn.relu(graph_feat @ W1 + b1)
    out = h @ W2 + b2
    return out

if __name__ == "__main__":
    import jax
    _d = setup_inputs()
    print(jax.jit(kernel)(*tuple(_d.values())))

</pallas_src>

<mosaic_0001>
#map = affine_map<(d0, d1) -> (0)>
#map1 = affine_map<(d0, d1) -> (0, 0)>
module attributes {stable_mosaic.version = 14 : i64} {
  func.func @_sc_pool_body(%arg0: i32, %arg1: i32, %arg2: memref<640000xi32, #tpu.memory_space<hbm>>, %arg3: memref<16x640000xf32, #tpu.memory_space<hbm>>, %arg4: memref<10000xi32, #tpu.memory_space<hbm>>, %arg5: memref<544x512xf32, #tpu.memory_space<hbm>>, %arg6: memref<10000xi32, #tpu.memory_space<vmem>>, %arg7: memref<1280xi32, #tpu.memory_space<vmem>>, %arg8: memref<1280xi32, #tpu.memory_space<vmem>>, %arg9: memref<16x1280xf32, #tpu.memory_space<vmem>>, %arg10: memref<16x1280xf32, #tpu.memory_space<vmem>>, %arg11: memref<!tpu.dma_semaphore, #tpu.memory_space<semaphore_mem>>, %arg12: memref<!tpu.dma_semaphore, #tpu.memory_space<semaphore_mem>>, %arg13: memref<!tpu.dma_semaphore, #tpu.memory_space<semaphore_mem>>, %arg14: memref<!tpu.dma_semaphore, #tpu.memory_space<semaphore_mem>>, %arg15: memref<!tpu.dma_semaphore, #tpu.memory_space<semaphore_mem>>, %arg16: memref<!tpu.dma_semaphore, #tpu.memory_space<semaphore_mem>>, %arg17: memref<512xf32, #tpu.memory_space<vmem>>, %arg18: memref<512xf32, #tpu.memory_space<vmem>>, %arg19: memref<512xf32, #tpu.memory_space<vmem>>, %arg20: memref<512xf32, #tpu.memory_space<vmem>>, %arg21: memref<512xf32, #tpu.memory_space<vmem>>, %arg22: memref<512xf32, #tpu.memory_space<vmem>>, %arg23: memref<512xf32, #tpu.memory_space<vmem>>, %arg24: memref<512xf32, #tpu.memory_space<vmem>>, %arg25: memref<512xf32, #tpu.memory_space<vmem>>, %arg26: memref<512xf32, #tpu.memory_space<vmem>>, %arg27: memref<512xf32, #tpu.memory_space<vmem>>, %arg28: memref<512xf32, #tpu.memory_space<vmem>>, %arg29: memref<512xf32, #tpu.memory_space<vmem>>, %arg30: memref<512xf32, #tpu.memory_space<vmem>>, %arg31: memref<512xf32, #tpu.memory_space<vmem>>, %arg32: memref<512xf32, #tpu.memory_space<vmem>>, %arg33: memref<512xf32, #tpu.memory_space<vmem>>) attributes {dimension_semantics = [#tpu.dimension_semantics<core_parallel>, #tpu.dimension_semantics<subcore_parallel>], iteration_bounds = array<i64: 2, 16>, scalar_prefetch = 0 : i64, scratch_operands = 28 : i64, tpu.core_type = #tpu.core_type<sc_vector_subcore>, window_params = [{transform_indices = #map}, {transform_indices = #map1}, {transform_indices = #map}, {transform_indices = #map1}]} {
    %mul3A = arith.constant 2 : i32
    %mul3A_0 = arith.muli %arg1, %mul3A : i32
    %add3A = arith.addi %mul3A_0, %arg0 : i32
    %broadcast_in_dim3A = arith.constant 0.000000e+00 : f32
    %broadcast_in_dim3A_1 = vector.broadcast %broadcast_in_dim3A : f32 to vector<16xf32>
    %broadcast_in_dim3A_2 = arith.constant 1.000000e+00 : f32
    %broadcast_in_dim3A_3 = vector.broadcast %broadcast_in_dim3A_2 : f32 to vector<16xf32>
    %iota3A = tpu.iota {dimensions = array<i32: 0>} : vector<16xi32>
    %and3A = arith.constant 7 : i32
    %and3A_4 = vector.broadcast %and3A : i32 to vector<16xi32>
    %and3A_5 = arith.andi %iota3A, %and3A_4 : vector<16xi32>
    tpu.enqueue_dma source(%arg4 : memref<10000xi32, #tpu.memory_space<hbm>>) target(%arg6 : memref<10000xi32, #tpu.memory_space<vmem>>) target_semaphore(%arg11 : memref<!tpu.dma_semaphore, #tpu.memory_space<semaphore_mem>>)
    %swap3A = arith.constant 0 : index
    %swap3A_6 = tpu.vector_load %arg17[%swap3A] {strides = array<i32>} : memref<512xf32, #tpu.memory_space<vmem>>, vector<16xf32>,
    tpu.vector_store %arg17[%swap3A], %broadcast_in_dim3A_1 {strides = array<i32>} : memref<512xf32, #tpu.memory_space<vmem>>, vector<16xf32>,
    %swap3A_7 = arith.constant 16 : index
    %swap3A_8 = tpu.vector_load %arg17[%swap3A_7] {strides = array<i32>} : memref<512xf32, #tpu.memory_space<vmem>>, vector<16xf32>,
    tpu.vector_store %arg17[%swap3A_7], %broadcast_in_dim3A_1 {strides = array<i32>} : memref<512xf32, #tpu.memory_space<vmem>>, vector<16xf32>,
    %swap3A_9 = arith.constant 32 : index
    %swap3A_10 = tpu.vector_load %arg17[%swap3A_9] {strides = array<i32>} : memref<512xf32, #tpu.memory_space<vmem>>, vector<16xf32>,
    tpu.vector_store %arg17[%swap3A_9], %broadcast_in_dim3A_1 {strides = array<i32>} : memref<512xf32, #tpu.memory_space<vmem>>, vector<16xf32>,
    %swap3A_11 = arith.constant 48 : index
    %swap3A_12 = tpu.vector_load %arg17[%swap3A_11] {strides = array<i32>} : memref<512xf32, #tpu.memory_space<vmem>>, vector<16xf32>,
    tpu.vector_store %arg17[%swap3A_11], %broadcast_in_dim3A_1 {strides = array<i32>} : memref<512xf32, #tpu.memory_space<vmem>>, vector<16xf32>,
    %swap3A_13 = arith.constant 64 : index
    %swap3A_14 = tpu.vector_load %arg17[%swap3A_13] {strides = array<i32>} : memref<512xf32, #tpu.memory_space<vmem>>, vector<16xf32>,
    tpu.vector_store %arg17[%swap3A_13], %broadcast_in_dim3A_1 {strides = array<i32>} : memref<512xf32, #tpu.memory_space<vmem>>, vector<16xf32>,
    %swap3A_15 = arith.constant 80 : index
    %swap3A_16 = tpu.vector_load %arg17[%swap3A_15] {strides = array<i32>} : memref<512xf32, #tpu.memory_space<vmem>>, vector<16xf32>,
    tpu.vector_store %arg17[%swap3A_15], %broadcast_in_dim3A_1 {strides = array<i32>} : memref<512xf32, #tpu.memory_space<vmem>>, vector<16xf32>,
    %swap3A_17 = arith.constant 96 : index
    %swap3A_18 = tpu.vector_load %arg17[%swap3A_17] {strides = array<i32>} : memref<512xf32, #tpu.memory_space<vmem>>, vector<16xf32>,
    tpu.vector_store %arg17[%swap3A_17], %broadcast_in_dim3A_1 {strides = array<i32>} : memref<512xf32, #tpu.memory_space<vmem>>, vector<16xf32>,
    %swap3A_19 = arith.constant 112 : index
    %swap3A_20 = tpu.vector_load %arg17[%swap3A_19] {strides = array<i32>} : memref<512xf32, #tpu.memory_space<vmem>>, vector<16xf32>,
    tpu.vector_store %arg17[%swap3A_19], %broadcast_in_dim3A_1 {strides = array<i32>} : memref<512xf32, #tpu.memory_space<vmem>>, vector<16xf32>,
    %swap3A_21 = arith.constant 128 : index
    %swap3A_22 = tpu.vector_load %arg17[%swap3A_21] {strides = array<i32>} : memref<512xf32, #tpu.memory_space<vmem>>, vector<16xf32>,
    tpu.vector_store %arg17[%swap3A_21], %broadcast_in_dim3A_1 {strides = array<i32>} : memref<512xf32, #tpu.memory_space<vmem>>, vector<16xf32>,
    %swap3A_23 = arith.constant 144 : index
    %swap3A_24 = tpu.vector_load %arg17[%swap3A_23] {strides = array<i32>} : memref<512xf32, #tpu.memory_space<vmem>>, vector<16xf32>,
    tpu.vector_store %arg17[%swap3A_23], %broadcast_in_dim3A_1 {strides = array<i32>} : memref<512xf32, #tpu.memory_space<vmem>>, vector<16xf32>,
    %swap3A_25 = arith.constant 160 : index
    %swap3A_26 = tpu.vector_load %arg17[%swap3A_25] {strides = array<i32>} : memref<512xf32, #tpu.memory_space<vmem>>, vector<16xf32>,
    tpu.vector_store %arg17[%swap3A_25], %broadcast_in_dim3A_1 {strides = array<i32>} : memref<512xf32, #tpu.memory_space<vmem>>, vector<16xf32>,
    %swap3A_27 = arith.constant 176 : index
    %swap3A_28 = tpu.vector_load %arg17[%swap3A_27] {strides = array<i32>} : memref<512xf32, #tpu.memory_space<vmem>>, vector<16xf32>,
    tpu.vector_store %arg17[%swap3A_27], %broadcast_in_dim3A_1 {strides = array<i32>} : memref<512xf32, #tpu.memory_space<vmem>>, vector<16xf32>,
    %swap3A_29 = arith.constant 192 : index
    %swap3A_30 = tpu.vector_load %arg17[%swap3A_29] {strides = array<i32>} : memref<512xf32, #tpu.memory_space<vmem>>, vector<16xf32>,
    tpu.vector_store %arg17[%swap3A_29], %broadcast_in_dim3A_1 {strides = array<i32>} : memref<512xf32, #tpu.memory_space<vmem>>, vector<16xf32>,
    %swap3A_31 = arith.constant 208 : index
    %swap3A_32 = tpu.vector_load %arg17[%swap3A_31] {strides = array<i32>} : memref<512xf32, #tpu.memory_space<vmem>>, vector<16xf32>,
    tpu.vector_store %arg17[%swap3A_31], %broadcast_in_dim3A_1 {strides = array<i32>} : memref<512xf32, #tpu.memory_space<vmem>>, vector<16xf32>,
    %swap3A_33 = arith.constant 224 : index
    %swap3A_34 = tpu.vector_load %arg17[%swap3A_33] {strides = array<i32>} : memref<512xf32, #tpu.memory_space<vmem>>, vector<16xf32>,
    tpu.vector_store %arg17[%swap3A_33], %broadcast_in_dim3A_1 {strides = array<i32>} : memref<512xf32, #tpu.memory_space<vmem>>, vector<16xf32>,
    %swap3A_35 = arith.constant 240 : index
    %swap3A_36 = tpu.vector_load %arg17[%swap3A_35] {strides = array<i32>} : memref<512xf32, #tpu.memory_space<vmem>>, vector<16xf32>,
    tpu.vector_store %arg17[%swap3A_35], %broadcast_in_dim3A_1 {strides = array<i32>} : memref<512xf32, #tpu.memory_space<vmem>>, vector<16xf32>,
    %swap3A_37 = arith.constant 256 : index
    %swap3A_38 = tpu.vector_load %arg17[%swap3A_37] {strides = array<i32>} : memref<512xf32, #tpu.memory_space<vmem>>, vector<16xf32>,
    tpu.vector_store %arg17[%swap3A_37], %broadcast_in_dim3A_1 {strides = array<i32>} : memref<512xf32, #tpu.memory_space<vmem>>, vector<16xf32>,
    %swap3A_39 = arith.constant 272 : index
    %swap3A_40 = tpu.vector_load %arg17[%swap3A_39] {strides = array<i32>} : memref<512xf32, #tpu.memory_space<vmem>>, vector<16xf32>,
    tpu.vector_store %arg17[%swap3A_39], %broadcast_in_dim3A_1 {strides = array<i32>} : memref<512xf32, #tpu.memory_space<vmem>>, vector<16xf32>,
    %swap3A_41 = arith.constant 288 : index
    %swap3A_42 = tpu.vector_load %arg17[%swap3A_41] {strides = array<i32>} : memref<512xf32, #tpu.memory_space<vmem>>, vector<16xf32>,
    tpu.vector_store %arg17[%swap3A_41], %broadcast_in_dim3A_1 {strides = array<i32>} : memref<512xf32, #tpu.memory_space<vmem>>, vector<16xf32>,
    %swap3A_43 = arith.constant 304 : index
    %swap3A_44 = tpu.vector_load %arg17[%swap3A_43] {strides = array<i32>} : memref<512xf32, #tpu.memory_space<vmem>>, vector<16xf32>,
    tpu.vector_store %arg17[%swap3A_43], %broadcast_in_dim3A_1 {strides = array<i32>} : memref<512xf32, #tpu.memory_space<vmem>>, vector<16xf32>,
    %swap3A_45 = arith.constant 320 : index
    %swap3A_46 = tpu.vector_load %arg17[%swap3A_45] {strides = array<i32>} : memref<512xf32, #tpu.memory_space<vmem>>, vector<16xf32>,
    tpu.vector_store %arg17[%swap3A_45], %broadcast_in_dim3A_1 {strides = array<i32>} : memref<512xf32, #tpu.memory_space<vmem>>, vector<16xf32>,
    %swap3A_47 = arith.constant 336 : index
    %swap3A_48 = tpu.vector_load %arg17[%swap3A_47] {strides = array<i32>} : memref<512xf32, #tpu.memory_space<vmem>>, vector<16xf32>,
    tpu.vector_store %arg17[%swap3A_47], %broadcast_in_dim3A_1 {strides = array<i32>} : memref<512xf32, #tpu.memory_space<vmem>>, vector<16xf32>,
    %swap3A_49 = arith.constant 352 : index
    %swap3A_50 = tpu.vector_load %arg17[%swap3A_49] {strides = array<i32>} : memref<512xf32, #tpu.memory_space<vmem>>, vector<16xf32>,
    tpu.vector_store %arg17[%swap3A_49], %broadcast_in_dim3A_1 {strides = array<i32>} : memref<512xf32, #tpu.memory_space<vmem>>, vector<16xf32>,
    %swap3A_51 = arith.constant 368 : index
    %swap3A_52 = tpu.vector_load %arg17[%swap3A_51] {strides = array<i32>} : memref<512xf32, #tpu.memory_space<vmem>>, vector<16xf32>,
    tpu.vector_store %arg17[%swap3A_51], %broadcast_in_dim3A_1 {strides = array<i32>} : memref<512xf32, #tpu.memory_space<vmem>>, vector<16xf32>,
    %swap3A_53 = arith.constant 384 : index
    %swap3A_54 = tpu.vector_load %arg17[%swap3A_53] {strides = array<i32>} : memref<512xf32, #tpu.memory_space<vmem>>, vector<16xf32>,
    tpu.vector_store %arg17[%swap3A_53], %broadcast_in_dim3A_1 {strides = array<i32>} : memref<512xf32, #tpu.memory_space<vmem>>, vector<16xf32>,
    %swap3A_55 = arith.constant 400 : index
    %swap3A_56 = tpu.vector_load %arg17[%swap3A_55] {strides = array<i32>} : memref<512xf32, #tpu.memory_space<vmem>>, vector<16xf32>,
    tpu.vector_store %arg17[%swap3A_55], %broadcast_in_dim3A_1 {strides = array<i32>} : memref<512xf32, #tpu.memory_space<vmem>>, vector<16xf32>,
    %swap3A_57 = arith.constant 416 : index
    %swap3A_58 = tpu.vector_load %arg17[%swap3A_57] {strides = array<i32>} : memref<512xf32, #tpu.memory_space<vmem>>, vector<16xf32>,
    tpu.vector_store %arg17[%swap3A_57], %broadcast_in_dim3A_1 {strides = array<i32>} : memref<512xf32, #tpu.memory_space<vmem>>, vector<16xf32>,
    %swap3A_59 = arith.constant 432 : index
    %swap3A_60 = tpu.vector_load %arg17[%swap3A_59] {strides = array<i32>} : memref<512xf32, #tpu.memory_space<vmem>>, vector<16xf32>,
    tpu.vector_store %arg17[%swap3A_59], %broadcast_in_dim3A_1 {strides = array<i32>} : memref<512xf32, #tpu.memory_space<vmem>>, vector<16xf32>,
    %swap3A_61 = arith.constant 448 : index
    %swap3A_62 = tpu.vector_load %arg17[%swap3A_61] {strides = array<i32>} : memref<512xf32, #tpu.memory_space<vmem>>, vector<16xf32>,
    tpu.vector_store %arg17[%swap3A_61], %broadcast_in_dim3A_1 {strides = array<i32>} : memref<512xf32, #tpu.memory_space<vmem>>, vector<16xf32>,
    %swap3A_63 = arith.constant 464 : index
    %swap3A_64 = tpu.vector_load %arg17[%swap3A_63] {strides = array<i32>} : memref<512xf32, #tpu.memory_space<vmem>>, vector<16xf32>,
    tpu.vector_store %arg17[%swap3A_63], %broadcast_in_dim3A_1 {strides = array<i32>} : memref<512xf32, #tpu.memory_space<vmem>>, vector<16xf32>,
    %swap3A_65 = arith.constant 480 : index
    %swap3A_66 = tpu.vector_load %arg17[%swap3A_65] {strides = array<i32>} : memref<512xf32, #tpu.memory_space<vmem>>, vector<16xf32>,
    tpu.vector_store %arg17[%swap3A_65], %broadcast_in_dim3A_1 {strides = array<i32>} : memref<512xf32, #tpu.memory_space<vmem>>, vector<16xf32>,
    %swap3A_67 = arith.constant 496 : index
    %swap3A_68 = tpu.vector_load %arg17[%swap3A_67] {strides = array<i32>} : memref<512xf32, #tpu.memory_space<vmem>>, vector<16xf32>,
    tpu.vector_store %arg17[%swap3A_67], %broadcast_in_dim3A_1 {strides = array<i32>} : memref<512xf32, #tpu.memory_space<vmem>>, vector<16xf32>,
    %swap3A_69 = arith.constant 0 : index
    %swap3A_70 = tpu.vector_load %arg18[%swap3A_69] {strides = array<i32>} : memref<512xf32, #tpu.memory_space<vmem>>, vector<16xf32>,
    tpu.vector_store %arg18[%swap3A_69], %broadcast_in_dim3A_1 {strides = array<i32>} : memref<512xf32, #tpu.memory_space<vmem>>, vector<16xf32>,
    %swap3A_71 = arith.constant 16 : index
    %swap3A_72 = tpu.vector_load %arg18[%swap3A_71] {strides = array<i32>} : memref<512xf32, #tpu.memory_space<vmem>>, vector<16xf32>,
    tpu.vector_store %arg18[%swap3A_71], %broadcast_in_dim3A_1 {strides = array<i32>} : memref<512xf32, #tpu.memory_space<vmem>>, vector<16xf32>,
    %swap3A_73 = arith.constant 32 : index
    %swap3A_74 = tpu.vector_load %arg18[%swap3A_73] {strides = array<i32>} : memref<512xf32, #tpu.memory_space<vmem>>, vector<16xf32>,
    tpu.vector_store %arg18[%swap3A_73], %broadcast_in_dim3A_1 {strides = array<i32>} : memref<512xf32, #tpu.memory_space<vmem>>, vector<16xf32>,
    %swap3A_75 = arith.constant 48 : index
    %swap3A_76 = tpu.vector_load %arg18[%swap3A_75] {strides = array<i32>} : memref<512xf32, #tpu.memory_space<vmem>>, vector<16xf32>,
    tpu.vector_store %arg18[%swap3A_75], %broadcast_in_dim3A_1 {strides = array<i32>} : memref<512xf32, #tpu.memory_space<vmem>>, vector<16xf32>,
    %swap3A_77 = arith.constant 64 : index
    %swap3A_78 = tpu.vector_load %arg18[%swap3A_77] {strides = array<i32>} : memref<512xf32, #tpu.memory_space<vmem>>, vector<16xf32>,
    tpu.vector_store %arg18[%swap3A_77], %broadcast_in_dim3A_1 {strides = array<i32>} : memref<512xf32, #tpu.memory_space<vmem>>, vector<16xf32>,
    %swap3A_79 = arith.constant 80 : index
    %swap3A_80 = tpu.vector_load %arg18[%swap3A_79] {strides = array<i32>} : memref<512xf32, #tpu.memory_space<vmem>>, vector<16xf32>,
    tpu.vector_store %arg18[%swap3A_79], %broadcast_in_dim3A_1 {strides = array<i32>} : memref<512xf32, #tpu.memory_space<vmem>>, vector<16xf32>,
    %swap3A_81 = arith.constant 96 : index
    %swap3A_82 = tpu.vector_load %arg18[%swap3A_81] {strides = array<i32>} : memref<512xf32, #tpu.memory_space<vmem>>, vector<16xf32>,
    tpu.vector_store %arg18[%swap3A_81], %broadcast_in_dim3A_1 {strides = array<i32>} : memref<512xf32, #tpu.memory_space<vmem>>, vector<16xf32>,
    %swap3A_83 = arith.constant 112 : index
    %swap3A_84 = tpu.vector_load %arg18[%swap3A_83] {strides = array<i32>} : memref<512xf32, #tpu.memory_space<vmem>>, vector<16xf32>,
    tpu.vector_store %arg18[%swap3A_83], %broadcast_in_dim3A_1 {strides = array<i32>} : memref<512xf32, #tpu.memory_space<vmem>>, vector<16xf32>,
    %swap3A_85 = arith.constant 128 : index
    %swap3A_86 = tpu.vector_load %arg18[%swap3A_85] {strides = array<i32>} : memref<512xf32, #tpu.memory_space<vmem>>, vector<16xf32>,
    tpu.vector_store %arg18[%swap3A_85], %broadcast_in_dim3A_1 {strides = array<i32>} : memref<512xf32, #tpu.memory_space<vmem>>, vector<16xf32>,
    %swap3A_87 = arith.constant 144 : index
    %swap3A_88 = tpu.vector_load %arg18[%swap3A_87] {strides = array<i32>} : memref<512xf32, #tpu.memory_space<vmem>>, vector<16xf32>,
    tpu.vector_store %arg18[%swap3A_87], %broadcast_in_dim3A_1 {strides = array<i32>} : memref<512xf32, #tpu.memory_space<vmem>>, vector<16xf32>,
    %swap3A_89 = arith.constant 160 : index
    %swap3A_90 = tpu.vector_load %arg18[%swap3A_89] {strides = array<i32>} : memref<512xf32, #tpu.memory_space<vmem>>, vector<16xf32>,
    tpu.vector_store %arg18[%swap3A_89], %broadcast_in_dim3A_1 {strides = array<i32>} : memref<512xf32, #tpu.memory_space<vmem>>, vector<16xf32>,
    %swap3A_91 = arith.constant 176 : index
    %swap3A_92 = tpu.vector_load %arg18[%swap3A_91] {strides = array<i32>} : memref<512xf32, #tpu.memory_space<vmem>>, vector<16xf32>,
    tpu.vector_store %arg18[%swap3A_91], %broadcast_in_dim3A_1 {strides = array<i32>} : memref<512xf32, #tpu.memory_space<vmem>>, vector<16xf32>,
    %swap3A_93 = arith.constant 192 : index
    %swap3A_94 = tpu.vector_load %arg18[%swap3A_93] {strides = array<i32>} : memref<512xf32, #tpu.memory_space<vmem>>, vector<16xf32>,
    tpu.vector_store %arg18[%swap3A_93], %broadcast_in_dim3A_1 {strides = array<i32>} : memref<512xf32, #tpu.memory_space<vmem>>, vector<16xf32>,
    %swap3A_95 = arith.constant 208 : index
    %swap3A_96 = tpu.vector_load %arg18[%swap3A_95] {strides = array<i32>} : memref<512xf32, #tpu.memory_space<vmem>>, vector<16xf32>,
    tpu.vector_store %arg18[%swap3A_95], %broadcast_in_dim3A_1 {strides = array<i32>} : memref<512xf32, #tpu.memory_space<vmem>>, vector<16xf32>,
    %swap3A_97 = arith.constant 224 : index
    %swap3A_98 = tpu.vector_load %arg18[%swap3A_97] {strides = array<i32>} : memref<512xf32, #tpu.memory_space<vmem>>, vector<16xf32>,
    tpu.vector_store %arg18[%swap3A_97], %broadcast_in_dim3A_1 {strides = array<i32>} : memref<512xf32, #tpu.memory_space<vmem>>, vector<16xf32>,
    %swap3A_99 = arith.constant 240 : index
    %swap3A_100 = tpu.vector_load %arg18[%swap3A_99] {strides = array<i32>} : memref<512xf32, #tpu.memory_space<vmem>>, vector<16xf32>,
    tpu.vector_store %arg18[%swap3A_99], %broadcast_in_dim3A_1 {strides = array<i32>} : memref<512xf32, #tpu.memory_space<vmem>>, vector<16xf32>,
    %swap3A_101 = arith.constant 256 : index
    %swap3A_102 = tpu.vector_load %arg18[%swap3A_101] {strides = array<i32>} : memref<512xf32, #tpu.memory_space<vmem>>, vector<16xf32>,
    tpu.vector_store %arg18[%swap3A_101], %broadcast_in_dim3A_1 {strides = array<i32>} : memref<512xf32, #tpu.memory_space<vmem>>, vector<16xf32>,
    %swap3A_103 = arith.constant 272 : index
    %swap3A_104 = tpu.vector_load %arg18[%swap3A_103] {strides = array<i32>} : memref<512xf32, #tpu.memory_space<vmem>>, vector<16xf32>,
    tpu.vector_store %arg18[%swap3A_103], %broadcast_in_dim3A_1 {strides = array<i32>} : memref<512xf32, #tpu.memory_space<vmem>>, vector<16xf32>,
    %swap3A_105 = arith.constant 288 : index
    %swap3A_106 = tpu.vector_load %arg18[%swap3A_105] {strides = array<i32>} : memref<512xf32, #tpu.memory_space<vmem>>, vector<16xf32>,
    tpu.vector_store %arg18[%swap3A_105], %broadcast_in_dim3A_1 {strides = array<i32>} : memref<512xf32, #tpu.memory_space<vmem>>, vector<16xf32>,
    %swap3A_107 = arith.constant 304 : index
    %swap3A_108 = tpu.vector_load %arg18[%swap3A_107] {strides = array<i32>} : memref<512xf32, #tpu.memory_space<vmem>>, vector<16xf32>,
    tpu.vector_store %arg18[%swap3A_107], %broadcast_in_dim3A_1 {strides = array<i32>} : memref<512xf32, #tpu.memory_space<vmem>>, vector<16xf32>,
    %swap3A_109 = arith.constant 320 : index
    %swap3A_110 = tpu.vector_load %arg18[%swap3A_109] {strides = array<i32>} : memref<512xf32, #tpu.memory_space<vmem>>, vector<16xf32>,
    tpu.vector_store %arg18[%swap3A_109], %broadcast_in_dim3A_1 {strides = array<i32>} : memref<512xf32, #tpu.memory_space<vmem>>, vector<16xf32>,
    %swap3A_111 = arith.constant 336 : index
    %swap3A_112 = tpu.vector_load %arg18[%swap3A_111] {strides = array<i32>} : memref<512xf32, #tpu.memory_space<vmem>>, vector<16xf32>,
    tpu.vector_store %arg18[%swap3A_111], %broadcast_in_dim3A_1 {strides = array<i32>} : memref<512xf32, #tpu.memory_space<vmem>>, vector<16xf32>,
    %swap3A_113 = arith.constant 352 : index
    %swap3A_114 = tpu.vector_load %arg18[%swap3A_113] {strides = array<i32>} : memref<512xf32, #tpu.memory_space<vmem>>, vector<16xf32>,
    tpu.vector_store %arg18[%swap3A_113], %broadcast_in_dim3A_1 {strides = array<i32>} : memref<512xf32, #tpu.memory_space<vmem>>, vector<16xf32>,
    %swap3A_115 = arith.constant 368 : index
    %swap3A_116 = tpu.vector_load %arg18[%swap3A_115] {strides = array<i32>} : memref<512xf32, #tpu.memory_space<vmem>>, vector<16xf32>,
    tpu.vector_store %arg18[%swap3A_115], %broadcast_in_dim3A_1 {strides = array<i32>} : memref<512xf32, #tpu.memory_space<vmem>>, vector<16xf32>,
    %swap3A_117 = arith.constant 384 : index
    %swap3A_118 = tpu.vector_load %arg18[%swap3A_117] {strides = array<i32>} : memref<512xf32, #tpu.memory_space<vmem>>, vector<16xf32>,
    tpu.vector_store %arg18[%swap3A_117], %broadcast_in_dim3A_1 {strides = array<i32>} : memref<512xf32, #tpu.memory_space<vmem>>, vector<16xf32>,
    %swap3A_119 = arith.constant 400 : index
    %swap3A_120 = tpu.vector_load %arg18[%swap3A_119] {strides = array<i32>} : memref<512xf32, #tpu.memory_space<vmem>>, vector<16xf32>,
    tpu.vector_store %arg18[%swap3A_119], %broadcast_in_dim3A_1 {strides = array<i32>} : memref<512xf32, #tpu.memory_space<vmem>>, vector<16xf32>,
    %swap3A_121 = arith.constant 416 : index
    %swap3A_122 = tpu.vector_load %arg18[%swap3A_121] {strides = array<i32>} : memref<512xf32, #tpu.memory_space<vmem>>, vector<16xf32>,
    tpu.vector_store %arg18[%swap3A_121], %broadcast_in_dim3A_1 {strides = array<i32>} : memref<512xf32, #tpu.memory_space<vmem>>, vector<16xf32>,
    %swap3A_123 = arith.constant 432 : index
    %swap3A_124 = tpu.vector_load %arg18[%swap3A_123] {strides = array<i32>} : memref<512xf32, #tpu.memory_space<vmem>>, vector<16xf32>,
    tpu.vector_store %arg18[%swap3A_123], %broadcast_in_dim3A_1 {strides = array<i32>} : memref<512xf32, #tpu.memory_space<vmem>>, vector<16xf32>,
    %swap3A_125 = arith.constant 448 : index
    %swap3A_126 = tpu.vector_load %arg18[%swap3A_125] {strides = array<i32>} : memref<512xf32, #tpu.memory_space<vmem>>, vector<16xf32>,
    tpu.vector_store %arg18[%swap3A_125], %broadcast_in_dim3A_1 {strides = array<i32>} : memref<512xf32, #tpu.memory_space<vmem>>, vector<16xf32>,
    %swap3A_127 = arith.constant 464 : index
    %swap3A_128 = tpu.vector_load %arg18[%swap3A_127] {strides = array<i32>} : memref<512xf32, #tpu.memory_space<vmem>>, vector<16xf32>,
    tpu.vector_store %arg18[%swap3A_127], %broadcast_in_dim3A_1 {strides = array<i32>} : memref<512xf32, #tpu.memory_space<vmem>>, vector<16xf32>,
    %swap3A_129 = arith.constant 480 : index
    %swap3A_130 = tpu.vector_load %arg18[%swap3A_129] {strides = array<i32>} : memref<512xf32, #tpu.memory_space<vmem>>, vector<16xf32>,
    tpu.vector_store %arg18[%swap3A_129], %broadcast_in_dim3A_1 {strides = array<i32>} : memref<512xf32, #tpu.memory_space<vmem>>, vector<16xf32>,
    %swap3A_131 = arith.constant 496 : index
    %swap3A_132 = tpu.vector_load %arg18[%swap3A_131] {strides = array<i32>} : memref<512xf32, #tpu.memory_space<vmem>>, vector<16xf32>,
    tpu.vector_store %arg18[%swap3A_131], %broadcast_in_dim3A_1 {strides = array<i32>} : memref<512xf32, #tpu.memory_space<vmem>>, vector<16xf32>,
    %swap3A_133 = arith.constant 0 : index
    %swap3A_134 = tpu.vector_load %arg19[%swap3A_133] {strides = array<i32>} : memref<512xf32, #tpu.memory_space<vmem>>, vector<16xf32>,
    tpu.vector_store %arg19[%swap3A_133], %broadcast_in_dim3A_1 {strides = array<i32>} : memref<512xf32, #tpu.memory_space<vmem>>, vector<16xf32>,
    %swap3A_135 = arith.constant 16 : index
    %swap3A_136 = tpu.vector_load %arg19[%swap3A_135] {strides = array<i32>} : memref<512xf32, #tpu.memory_space<vmem>>, vector<16xf32>,
    tpu.vector_store %arg19[%swap3A_135], %broadcast_in_dim3A_1 {strides = array<i32>} : memref<512xf32, #tpu.memory_space<vmem>>, vector<16xf32>,
    %swap3A_137 = arith.constant 32 : index
    %swap3A_138 = tpu.vector_load %arg19[%swap3A_137] {strides = array<i32>} : memref<512xf32, #tpu.memory_space<vmem>>, vector<16xf32>,
    tpu.vector_store %arg19[%swap3A_137], %broadcast_in_dim3A_1 {strides = array<i32>} : memref<512xf32, #tpu.memory_space<vmem>>, vector<16xf32>,
    %swap3A_139 = arith.constant 48 : index
    %swap3A_140 = tpu.vector_load %arg19[%swap3A_139] {strides = array<i32>} : memref<512xf32, #tpu.memory_space<vmem>>, vector<16xf32>,
    tpu.vector_store %arg19[%swap3A_139], %broadcast_in_dim3A_1 {strides = array<i32>} : memref<512xf32, #tpu.memory_space<vmem>>, vector<16xf32>,
    %swap3A_141 = arith.constant 64 : index
    %swap3A_142 = tpu.vector_load %arg19[%swap3A_141] {strides = array<i32>} : memref<512xf32, #tpu.memory_space<vmem>>, vector<16xf32>,
    tpu.vector_store %arg19[%swap3A_141], %broadcast_in_dim3A_1 {strides = array<i32>} : memref<512xf32, #tpu.memory_space<vmem>>, vector<16xf32>,
    %swap3A_143 = arith.constant 80 : index
    %swap3A_144 = tpu.vector_load %arg19[%swap3A_143] {strides = array<i32>} : memref<512xf32, #tpu.memory_space<vmem>>, vector<16xf32>,
    tpu.vector_store %arg19[%swap3A_143], %broadcast_in_dim3A_1 {strides = array<i32>} : memref<512xf32, #tpu.memory_space<vmem>>, vector<16xf32>,
    %swap3A_145 = arith.constant 96 : index
    %swap3A_146 = tpu.vector_load %arg19[%swap3A_145] {strides = array<i32>} : memref<512xf32, #tpu.memory_space<vmem>>, vector<16xf32>,
    tpu.vector_store %arg19[%swap3A_145], %broadcast_in_dim3A_1 {strides = array<i32>} : memref<512xf32, #tpu.memory_space<vmem>>, vector<16xf32>,
    %swap3A_147 = arith.constant 112 : index
    %swap3A_148 = tpu.vector_load %arg19[%swap3A_147] {strides = array<i32>} : memref<512xf32, #tpu.memory_space<vmem>>, vector<16xf32>,
    tpu.vector_store %arg19[%swap3A_147], %broadcast_in_dim3A_1 {strides = array<i32>} : memref<512xf32, #tpu.memory_space<vmem>>, vector<16xf32>,
    %swap3A_149 = arith.constant 128 : index
    %swap3A_150 = tpu.vector_load %arg19[%swap3A_149] {strides = array<i32>} : memref<512xf32, #tpu.memory_space<vmem>>, vector<16xf32>,
    tpu.vector_store %arg19[%swap3A_149], %broadcast_in_dim3A_1 {strides = array<i32>} : memref<512xf32, #tpu.memory_space<vmem>>, vector<16xf32>,
    %swap3A_151 = arith.constant 144 : index
    %swap3A_152 = tpu.vector_load %arg19[%swap3A_151] {strides = array<i32>} : memref<512xf32, #tpu.memory_space<vmem>>, vector<16xf32>,
    tpu.vector_store %arg19[%swap3A_151], %broadcast_in_dim3A_1 {strides = array<i32>} : memref<512xf32, #tpu.memory_space<vmem>>, vector<16xf32>,
    %swap3A_153 = arith.constant 160 : index
    %swap3A_154 = tpu.vector_load %arg19[%swap3A_153] {strides = array<i32>} : memref<512xf32, #tpu.memory_space<vmem>>, vector<16xf32>,
    tpu.vector_store %arg19[%swap3A_153], %broadcast_in_dim3A_1 {strides = array<i32>} : memref<512xf32, #tpu.memory_space<vmem>>, vector<16xf32>,
    %swap3A_155 = arith.constant 176 : index
    %swap3A_156 = tpu.vector_load %arg19[%swap3A_155] {strides = array<i32>} : memref<512xf32, #tpu.memory_space<vmem>>, vector<16xf32>,
    tpu.vector_store %arg19[%swap3A_155], %broadcast_in_dim3A_1 {strides = array<i32>} : memref<512xf32, #tpu.memory_space<vmem>>, vector<16xf32>,
    %swap3A_157 = arith.constant 192 : index
    %swap3A_158 = tpu.vector_load %arg19[%swap3A_157] {strides = array<i32>} : memref<512xf32, #tpu.memory_space<vmem>>, vector<16xf32>,
    tpu.vector_store %arg19[%swap3A_157], %broadcast_in_dim3A_1 {strides = array<i32>} : memref<512xf32, #tpu.memory_space<vmem>>, vector<16xf32>,
    %swap3A_159 = arith.constant 208 : index
    %swap3A_160 = tpu.vector_load %arg19[%swap3A_159] {strides = array<i32>} : memref<512xf32, #tpu.memory_space<vmem>>, vector<16xf32>,
    tpu.vector_store %arg19[%swap3A_159], %broadcast_in_dim3A_1 {strides = array<i32>} : memref<512xf32, #tpu.memory_space<vmem>>, vector<16xf32>,
    %swap3A_161 = arith.constant 224 : index
    %swap3A_162 = tpu.vector_load %arg19[%swap3A_161] {strides = array<i32>} : memref<512xf32, #tpu.memory_space<vmem>>, vector<16xf32>,
    tpu.vector_store %arg19[%swap3A_161], %broadcast_in_dim3A_1 {strides = array<i32>} : memref<512xf32, #tpu.memory_space<vmem>>, vector<16xf32>,
    %swap3A_163 = arith.constant 240 : index
    %swap3A_164 = tpu.vector_load %arg19[%swap3A_163] {strides = array<i32>} : memref<512xf32, #tpu.memory_space<vmem>>, vector<16xf32>,
    tpu.vector_store %arg19[%swap3A_163], %broadcast_in_dim3A_1 {strides = array<i32>} : memref<512xf32, #tpu.memory_space<vmem>>, vector<16xf32>,
    %swap3A_165 = arith.constant 256 : index
    %swap3A_166 = tpu.vector_load %arg19[%swap3A_165] {strides = array<i32>} : memref<512xf32, #tpu.memory_space<vmem>>, vector<16xf32>,
    tpu.vector_store %arg19[%swap3A_165], %broadcast_in_dim3A_1 {strides = array<i32>} : memref<512xf32, #tpu.memory_space<vmem>>, vector<16xf32>,
    %swap3A_167 = arith.constant 272 : index
    %swap3A_168 = tpu.vector_load %arg19[%swap3A_167] {strides = array<i32>} : memref<512xf32, #tpu.memory_space<vmem>>, vector<16xf32>,
    tpu.vector_store %arg19[%swap3A_167], %broadcast_in_dim3A_1 {strides = array<i32>} : memref<512xf32, #tpu.memory_space<vmem>>, vector<16xf32>,
    %swap3A_169 = arith.constant 288 : index
    %swap3A_170 = tpu.vector_load %arg19[%swap3A_169] {strides = array<i32>} : memref<512xf32, #tpu.memory_space<vmem>>, vector<16xf32>,
    tpu.vector_store %arg19[%swap3A_169], %broadcast_in_dim3A_1 {strides = array<i32>} : memref<512xf32, #tpu.memory_space<vmem>>, vector<16xf32>,
    %swap3A_171 = arith.constant 304 : index
    %swap3A_172 = tpu.vector_load %arg19[%swap3A_171] {strides = array<i32>} : memref<512xf32, #tpu.memory_space<vmem>>, vector<16xf32>,
    tpu.vector_store %arg19[%swap3A_171], %broadcast_in_dim3A_1 {strides = array<i32>} : memref<512xf32, #tpu.memory_space<vmem>>, vector<16xf32>,
    %swap3A_173 = arith.constant 320 : index
    %swap3A_174 = tpu.vector_load %arg19[%swap3A_173] {strides = array<i32>} : memref<512xf32, #tpu.memory_space<vmem>>, vector<16xf32>,
    tpu.vector_store %arg19[%swap3A_173], %broadcast_in_dim3A_1 {strides = array<i32>} : memref<512xf32, #tpu.memory_space<vmem>>, vector<16xf32>,
    %swap3A_175 = arith.constant 336 : index
    %swap3A_176 = tpu.vector_load %arg19[%swap3A_175] {strides = array<i32>} : memref<512xf32, #tpu.memory_space<vmem>>, vector<16xf32>,
    tpu.vector_store %arg19[%swap3A_175], %broadcast_in_dim3A_1 {strides = array<i32>} : memref<512xf32, #tpu.memory_space<vmem>>, vector<16xf32>,
    %swap3A_177 = arith.constant 352 : index
    %swap3A_178 = tpu.vector_load %arg19[%swap3A_177] {strides = array<i32>} : memref<512xf32, #tpu.memory_space<vmem>>, vector<16xf32>,
    tpu.vector_store %arg19[%swap3A_177], %broadcast_in_dim3A_1 {strides = array<i32>} : memref<512xf32, #tpu.memory_space<vmem>>, vector<16xf32>,
    %swap3A_179 = arith.constant 368 : index
    %swap3A_180 = tpu.vector_load %arg19[%swap3A_179] {strides = array<i32>} : memref<512xf32, #tpu.memory_space<vmem>>, vector<16xf32>,
    tpu.vector_store %arg19[%swap3A_179], %broadcast_in_dim3A_1 {strides = array<i32>} : memref<512xf32, #tpu.memory_space<vmem>>, vector<16xf32>,
    %swap3A_181 = arith.constant 384 : index
    %swap3A_182 = tpu.vector_load %arg19[%swap3A_181] {strides = array<i32>} : memref<512xf32, #tpu.memory_space<vmem>>, vector<16xf32>,
    tpu.vector_store %arg19[%swap3A_181], %broadcast_in_dim3A_1 {strides = array<i32>} : memref<512xf32, #tpu.memory_space<vmem>>, vector<16xf32>,
    %swap3A_183 = arith.constant 400 : index
    %swap3A_184 = tpu.vector_load %arg19[%swap3A_183] {strides = array<i32>} : memref<512xf32, #tpu.memory_space<vmem>>, vector<16xf32>,
    tpu.vector_store %arg19[%swap3A_183], %broadcast_in_dim3A_1 {strides = array<i32>} : memref<512xf32, #tpu.memory_space<vmem>>, vector<16xf32>,
    %swap3A_185 = arith.constant 416 : index
    %swap3A_186 = tpu.vector_load %arg19[%swap3A_185] {strides = array<i32>} : memref<512xf32, #tpu.memory_space<vmem>>, vector<16xf32>,
    tpu.vector_store %arg19[%swap3A_185], %broadcast_in_dim3A_1 {strides = array<i32>} : memref<512xf32, #tpu.memory_space<vmem>>, vector<16xf32>,
    %swap3A_187 = arith.constant 432 : index
    %swap3A_188 = tpu.vector_load %arg19[%swap3A_187] {strides = array<i32>} : memref<512xf32, #tpu.memory_space<vmem>>, vector<16xf32>,
    tpu.vector_store %arg19[%swap3A_187], %broadcast_in_dim3A_1 {strides = array<i32>} : memref<512xf32, #tpu.memory_space<vmem>>, vector<16xf32>,
    %swap3A_189 = arith.constant 448 : index
    %swap3A_190 = tpu.vector_load %arg19[%swap3A_189] {strides = array<i32>} : memref<512xf32, #tpu.memory_space<vmem>>, vector<16xf32>,
    tpu.vector_store %arg19[%swap3A_189], %broadcast_in_dim3A_1 {strides = array<i32>} : memref<512xf32, #tpu.memory_space<vmem>>, vector<16xf32>,
    %swap3A_191 = arith.constant 464 : index
    %swap3A_192 = tpu.vector_load %arg19[%swap3A_191] {strides = array<i32>} : memref<512xf32, #tpu.memory_space<vmem>>, vector<16xf32>,
    tpu.vector_store %arg19[%swap3A_191], %broadcast_in_dim3A_1 {strides = array<i32>} : memref<512xf32, #tpu.memory_space<vmem>>, vector<16xf32>,
    %swap3A_193 = arith.constant 480 : index
    %swap3A_194 = tpu.vector_load %arg19[%swap3A_193] {strides = array<i32>} : memref<512xf32, #tpu.memory_space<vmem>>, vector<16xf32>,
    tpu.vector_store %arg19[%swap3A_193], %broadcast_in_dim3A_1 {strides = array<i32>} : memref<512xf32, #tpu.memory_space<vmem>>, vector<16xf32>,
    %swap3A_195 = arith.constant 496 : index
    %swap3A_196 = tpu.vector_load %arg19[%swap3A_195] {strides = array<i32>} : memref<512xf32, #tpu.memory_space<vmem>>, vector<16xf32>,
    tpu.vector_store %arg19[%swap3A_195], %broadcast_in_dim3A_1 {strides = array<i32>} : memref<512xf32, #tpu.memory_space<vmem>>, vector<16xf32>,
    %swap3A_197 = arith.constant 0 : index
    %swap3A_198 = tpu.vector_load %arg20[%swap3A_197] {strides = array<i32>} : memref<512xf32, #tpu.memory_space<vmem>>, vector<16xf32>,
    tpu.vector_store %arg20[%swap3A_197], %broadcast_in_dim3A_1 {strides = array<i32>} : memref<512xf32, #tpu.memory_space<vmem>>, vector<16xf32>,
    %swap3A_199 = arith.constant 16 : index
    %swap3A_200 = tpu.vector_load %arg20[%swap3A_199] {strides = array<i32>} : memref<512xf32, #tpu.memory_space<vmem>>, vector<16xf32>,
    tpu.vector_store %arg20[%swap3A_199], %broadcast_in_dim3A_1 {strides = array<i32>} : memref<512xf32, #tpu.memory_space<vmem>>, vector<16xf32>,
    %swap3A_201 = arith.constant 32 : index
    %swap3A_202 = tpu.vector_load %arg20[%swap3A_201] {strides = array<i32>} : memref<512xf32, #tpu.memory_space<vmem>>, vector<16xf32>,
    tpu.vector_store %arg20[%swap3A_201], %broadcast_in_dim3A_1 {strides = array<i32>} : memref<512xf32, #tpu.memory_space<vmem>>, vector<16xf32>,
    %swap3A_203 = arith.constant 48 : index
    %swap3A_204 = tpu.vector_load %arg20[%swap3A_203] {strides = array<i32>} : memref<512xf32, #tpu.memory_space<vmem>>, vector<16xf32>,
    tpu.vector_store %arg20[%swap3A_203], %broadcast_in_dim3A_1 {strides = array<i32>} : memref<512xf32, #tpu.memory_space<vmem>>, vector<16xf32>,
    %swap3A_205 = arith.constant 64 : index
    %swap3A_206 = tpu.vector_load %arg20[%swap3A_205] {strides = array<i32>} : memref<512xf32, #tpu.memory_space<vmem>>, vector<16xf32>,
    tpu.vector_store %arg20[%swap3A_205], %broadcast_in_dim3A_1 {strides = array<i32>} : memref<512xf32, #tpu.memory_space<vmem>>, vector<16xf32>,
    %swap3A_207 = arith.constant 80 : index
    %swap3A_208 = tpu.vector_load %arg20[%swap3A_207] {strides = array<i32>} : memref<512xf32, #tpu.memory_space<vmem>>, vector<16xf32>,
    tpu.vector_store %arg20[%swap3A_207], %broadcast_in_dim3A_1 {strides = array<i32>} : memref<512xf32, #tpu.memory_space<vmem>>, vector<16xf32>,
    %swap3A_209 = arith.constant 96 : index
    %swap3A_210 = tpu.vector_load %arg20[%swap3A_209] {strides = array<i32>} : memref<512xf32, #tpu.memory_space<vmem>>, vector<16xf32>,
    tpu.vector_store %arg20[%swap3A_209], %broadcast_in_dim3A_1 {strides = array<i32>} : memref<512xf32, #tpu.memory_space<vmem>>, vector<16xf32>,
    %swap3A_211 = arith.constant 112 : index
    %swap3A_212 = tpu.vector_load %arg20[%swap3A_211] {strides = array<i32>} : memref<512xf32, #tpu.memory_space<vmem>>, vector<16xf32>,
    tpu.vector_store %arg20[%swap3A_211], %broadcast_in_dim3A_1 {strides = array<i32>} : memref<512xf32, #tpu.memory_space<vmem>>, vector<16xf32>,
    %swap3A_213 = arith.constant 128 : index
    %swap3A_214 = tpu.vector_load %arg20[%swap3A_213] {strides = array<i32>} : memref<512xf32, #tpu.memory_space<vmem>>, vector<16xf32>,
    tpu.vector_store %arg20[%swap3A_213], %broadcast_in_dim3A_1 {strides = array<i32>} : memref<512xf32, #tpu.memory_space<vmem>>, vector<16xf32>,
    %swap3A_215 = arith.constant 144 : index
    %swap3A_216 = tpu.vector_load %arg20[%swap3A_215] {strides = array<i32>} : memref<512xf32, #tpu.memory_space<vmem>>, vector<16xf32>,
    tpu.vector_store %arg20[%swap3A_215], %broadcast_in_dim3A_1 {strides = array<i32>} : memref<512xf32, #tpu.memory_space<vmem>>, vector<16xf32>,
    %swap3A_217 = arith.constant 160 : index
    %swap3A_218 = tpu.vector_load %arg20[%swap3A_217] {strides = array<i32>} : memref<512xf32, #tpu.memory_space<vmem>>, vector<16xf32>,
    tpu.vector_store %arg20[%swap3A_217], %broadcast_in_dim3A_1 {strides = array<i32>} : memref<512xf32, #tpu.memory_space<vmem>>, vector<16xf32>,
    %swap3A_219 = arith.constant 176 : index
    %swap3A_220 = tpu.vector_load %arg20[%swap3A_219] {strides = array<i32>} : memref<512xf32, #tpu.memory_space<vmem>>, vector<16xf32>,
    tpu.vector_store %arg20[%swap3A_219], %broadcast_in_dim3A_1 {strides = array<i32>} : memref<512xf32, #tpu.memory_space<vmem>>, vector<16xf32>,
    %swap3A_221 = arith.constant 192 : index
    %swap3A_222 = tpu.vector_load %arg20[%swap3A_221] {strides = array<i32>} : memref<512xf32, #tpu.memory_space<vmem>>, vector<16xf32>,
    tpu.vector_store %arg20[%swap3A_221], %broadcast_in_dim3A_1 {strides = array<i32>} : memref<512xf32, #tpu.memory_space<vmem>>, vector<16xf32>,
    %swap3A_223 = arith.constant 208 : index
    %swap3A_224 = tpu.vector_load %arg20[%swap3A_223] {strides = array<i32>} : memref<512xf32, #tpu.memory_space<vmem>>, vector<16xf32>,
    tpu.vector_store %arg20[%swap3A_223], %broadcast_in_dim3A_1 {strides = array<i32>} : memref<512xf32, #tpu.memory_space<vmem>>, vector<16xf32>,
    %swap3A_225 = arith.constant 224 : index
    %swap3A_226 = tpu.vector_load %arg20[%swap3A_225] {strides = array<i32>} : memref<512xf32, #tpu.memory_space<vmem>>, vector<16xf32>,
    tpu.vector_store %arg20[%swap3A_225], %broadcast_in_dim3A_1 {strides = array<i32>} : memref<512xf32, #tpu.memory_space<vmem>>, vector<16xf32>,
    %swap3A_227 = arith.constant 240 : index
    %swap3A_228 = tpu.vector_load %arg20[%swap3A_227] {strides = array<i32>} : memref<512xf32, #tpu.memory_space<vmem>>, vector<16xf32>,
    tpu.vector_store %arg20[%swap3A_227], %broadcast_in_dim3A_1 {strides = array<i32>} : memref<512xf32, #tpu.memory_space<vmem>>, vector<16xf32>,
    %swap3A_229 = arith.constant 256 : index
    %swap3A_230 = tpu.vector_load %arg20[%swap3A_229] {strides = array<i32>} : memref<512xf32, #tpu.memory_space<vmem>>, vector<16xf32>,
    tpu.vector_store %arg20[%swap3A_229], %broadcast_in_dim3A_1 {strides = array<i32>} : memref<512xf32, #tpu.memory_space<vmem>>, vector<16xf32>,
    %swap3A_231 = arith.constant 272 : index
    %swap3A_232 = tpu.vector_load %arg20[%swap3A_231] {strides = array<i32>} : memref<512xf32, #tpu.memory_space<vmem>>, vector<16xf32>,
    tpu.vector_store %arg20[%swap3A_231], %broadcast_in_dim3A_1 {strides = array<i32>} : memref<512xf32, #tpu.memory_space<vmem>>, vector<16xf32>,
    %swap3A_233 = arith.constant 288 : index
    %swap3A_234 = tpu.vector_load %arg20[%swap3A_233] {strides = array<i32>} : memref<512xf32, #tpu.memory_space<vmem>>, vector<16xf32>,
    tpu.vector_store %arg20[%swap3A_233], %broadcast_in_dim3A_1 {strides = array<i32>} : memref<512xf32, #tpu.memory_space<vmem>>, vector<16xf32>,
    %swap3A_235 = arith.constant 304 : index
    %swap3A_236 = tpu.vector_load %arg20[%swap3A_235] {strides = array<i32>} : memref<512xf32, #tpu.memory_space<vmem>>, vector<16xf32>,
    tpu.vector_store %arg20[%swap3A_235], %broadcast_in_dim3A_1 {strides = array<i32>} : memref<512xf32, #tpu.memory_space<vmem>>, vector<16xf32>,
    %swap3A_237 = arith.constant 320 : index
    %swap3A_238 = tpu.vector_load %arg20[%swap3A_237] {strides = array<i32>} : memref<512xf32, #tpu.memory_space<vmem>>, vector<16xf32>,
    tpu.vector_store %arg20[%swap3A_237], %broadcast_in_dim3A_1 {strides = array<i32>} : memref<512xf32, #tpu.memory_space<vmem>>, vector<16xf32>,
    %swap3A_239 = arith.constant 336 : index
    %swap3A_240 = tpu.vector_load %arg20[%swap3A_239] {strides = array<i32>} : memref<512xf32, #tpu.memory_space<vmem>>, vector<16xf32>,
    tpu.vector_store %arg20[%swap3A_239], %broadcast_in_dim3A_1 {strides = array<i32>} : memref<512xf32, #tpu.memory_space<vmem>>, vector<16xf32>,
    %swap3A_241 = arith.constant 352 : index
    %swap3A_242 = tpu.vector_load %arg20[%swap3A_241] {strides = array<i32>} : memref<512xf32, #tpu.memory_space<vmem>>, vector<16xf32>,
    tpu.vector_store %arg20[%swap3A_241], %broadcast_in_dim3A_1 {strides = array<i32>} : memref<512xf32, #tpu.memory_space<vmem>>, vector<16xf32>,
    %swap3A_243 = arith.constant 368 : index
    %swap3A_244 = tpu.vector_load %arg20[%swap3A_243] {strides = array<i32>} : memref<512xf32, #tpu.memory_space<vmem>>, vector<16xf32>,
    tpu.vector_store %arg20[%swap3A_243], %broadcast_in_dim3A_1 {strides = array<i32>} : memref<512xf32, #tpu.memory_space<vmem>>, vector<16xf32>,
    %swap3A_245 = arith.constant 384 : index
    %swap3A_246 = tpu.vector_load %arg20[%swap3A_245] {strides = array<i32>} : memref<512xf32, #tpu.memory_space<vmem>>, vector<16xf32>,
    tpu.vector_store %arg20[%swap3A_245], %broadcast_in_dim3A_1 {strides = array<i32>} : memref<512xf32, #tpu.memory_space<vmem>>, vector<16xf32>,
    %swap3A_247 = arith.constant 400 : index
    %swap3A_248 = tpu.vector_load %arg20[%swap3A_247] {strides = array<i32>} : memref<512xf32, #tpu.memory_space<vmem>>, vector<16xf32>,
    tpu.vector_store %arg20[%swap3A_247], %broadcast_in_dim3A_1 {strides = array<i32>} : memref<512xf32, #tpu.memory_space<vmem>>, vector<16xf32>,
    %swap3A_249 = arith.constant 416 : index
    %swap3A_250 = tpu.vector_load %arg20[%swap3A_249] {strides = array<i32>} : memref<512xf32, #tpu.memory_space<vmem>>, vector<16xf32>,
    tpu.vector_store %arg20[%swap3A_249], %broadcast_in_dim3A_1 {strides = array<i32>} : memref<512xf32, #tpu.memory_space<vmem>>, vector<16xf32>,
    %swap3A_251 = arith.constant 432 : index
    %swap3A_252 = tpu.vector_load %arg20[%swap3A_251] {strides = array<i32>} : memref<512xf32, #tpu.memory_space<vmem>>, vector<16xf32>,
    tpu.vector_store %arg20[%swap3A_251], %broadcast_in_dim3A_1 {strides = array<i32>} : memref<512xf32, #tpu.memory_space<vmem>>, vector<16xf32>,
    %swap3A_253 = arith.constant 448 : index
    %swap3A_254 = tpu.vector_load %arg20[%swap3A_253] {strides = array<i32>} : memref<512xf32, #tpu.memory_space<vmem>>, vector<16xf32>,
    tpu.vector_store %arg20[%swap3A_253], %broadcast_in_dim3A_1 {strides = array<i32>} : memref<512xf32, #tpu.memory_space<vmem>>, vector<16xf32>,
    %swap3A_255 = arith.constant 464 : index
    %swap3A_256 = tpu.vector_load %arg20[%swap3A_255] {strides = array<i32>} : memref<512xf32, #tpu.memory_space<vmem>>, vector<16xf32>,
    tpu.vector_store %arg20[%swap3A_255], %broadcast_in_dim3A_1 {strides = array<i32>} : memref<512xf32, #tpu.memory_space<vmem>>, vector<16xf32>,
    %swap3A_257 = arith.constant 480 : index
    %swap3A_258 = tpu.vector_load %arg20[%swap3A_257] {strides = array<i32>} : memref<512xf32, #tpu.memory_space<vmem>>, vector<16xf32>,
    tpu.vector_store %arg20[%swap3A_257], %broadcast_in_dim3A_1 {strides = array<i32>} : memref<512xf32, #tpu.memory_space<vmem>>, vector<16xf32>,
    %swap3A_259 = arith.constant 496 : index
    %swap3A_260 = tpu.vector_load %arg20[%swap3A_259] {strides = array<i32>} : memref<512xf32, #tpu.memory_space<vmem>>, vector<16xf32>,
    tpu.vector_store %arg20[%swap3A_259], %broadcast_in_dim3A_1 {strides = array<i32>} : memref<512xf32, #tpu.memory_space<vmem>>, vector<16xf32>,
    %swap3A_261 = arith.constant 0 : index
    %swap3A_262 = tpu.vector_load %arg21[%swap3A_261] {strides = array<i32>} : memref<512xf32, #tpu.memory_space<vmem>>, vector<16xf32>,
    tpu.vector_store %arg21[%swap3A_261], %broadcast_in_dim3A_1 {strides = array<i32>} : memref<512xf32, #tpu.memory_space<vmem>>, vector<16xf32>,
    %swap3A_263 = arith.constant 16 : index
    %swap3A_264 = tpu.vector_load %arg21[%swap3A_263] {strides = array<i32>} : memref<512xf32, #tpu.memory_space<vmem>>, vector<16xf32>,
    tpu.vector_store %arg21[%swap3A_263], %broadcast_in_dim3A_1 {strides = array<i32>} : memref<512xf32, #tpu.memory_space<vmem>>, vector<16xf32>,
    %swap3A_265 = arith.constant 32 : index
    %swap3A_266 = tpu.vector_load %arg21[%swap3A_265] {strides = array<i32>} : memref<512xf32, #tpu.memory_space<vmem>>, vector<16xf32>,
    tpu.vector_store %arg21[%swap3A_265], %broadcast_in_dim3A_1 {strides = array<i32>} : memref<512xf32, #tpu.memory_space<vmem>>, vector<16xf32>,
    %swap3A_267 = arith.constant 48 : index
    %swap3A_268 = tpu.vector_load %arg21[%swap3A_267] {strides = array<i32>} : memref<512xf32, #tpu.memory_space<vmem>>, vector<16xf32>,
    tpu.vector_store %arg21[%swap3A_267], %broadcast_in_dim3A_1 {strides = array<i32>} : memref<512xf32, #tpu.memory_space<vmem>>, vector<16xf32>,
    %swap3A_269 = arith.constant 64 : index
    %swap3A_270 = tpu.vector_load %arg21[%swap3A_269] {strides = array<i32>} : memref<512xf32, #tpu.memory_space<vmem>>, vector<16xf32>,
    tpu.vector_store %arg21[%swap3A_269], %broadcast_in_dim3A_1 {strides = array<i32>} : memref<512xf32, #tpu.memory_space<vmem>>, vector<16xf32>,
    %swap3A_271 = arith.constant 80 : index
    %swap3A_272 = tpu.vector_load %arg21[%swap3A_271] {strides = array<i32>} : memref<512xf32, #tpu.memory_space<vmem>>, vector<16xf32>,
    tpu.vector_store %arg21[%swap3A_271], %broadcast_in_dim3A_1 {strides = array<i32>} : memref<512xf32, #tpu.memory_space<vmem>>, vector<16xf32>,
    %swap3A_273 = arith.constant 96 : index
    %swap3A_274 = tpu.vector_load %arg21[%swap3A_273] {strides = array<i32>} : memref<512xf32, #tpu.memory_space<vmem>>, vector<16xf32>,
    tpu.vector_store %arg21[%swap3A_273], %broadcast_in_dim3A_1 {strides = array<i32>} : memref<512xf32, #tpu.memory_space<vmem>>, vector<16xf32>,
    %swap3A_275 = arith.constant 112 : index
    %swap3A_276 = tpu.vector_load %arg21[%swap3A_275] {strides = array<i32>} : memref<512xf32, #tpu.memory_space<vmem>>, vector<16xf32>,
    tpu.vector_store %arg21[%swap3A_275], %broadcast_in_dim3A_1 {strides = array<i32>} : memref<512xf32, #tpu.memory_space<vmem>>, vector<16xf32>,
    %swap3A_277 = arith.constant 128 : index
    %swap3A_278 = tpu.vector_load %arg21[%swap3A_277] {strides = array<i32>} : memref<512xf32, #tpu.memory_space<vmem>>, vector<16xf32>,
    tpu.vector_store %arg21[%swap3A_277], %broadcast_in_dim3A_1 {strides = array<i32>} : memref<512xf32, #tpu.memory_space<vmem>>, vector<16xf32>,
    %swap3A_279 = arith.constant 144 : index
    %swap3A_280 = tpu.vector_load %arg21[%swap3A_279] {strides = array<i32>} : memref<512xf32, #tpu.memory_space<vmem>>, vector<16xf32>,
    tpu.vector_store %arg21[%swap3A_279], %broadcast_in_dim3A_1 {strides = array<i32>} : memref<512xf32, #tpu.memory_space<vmem>>, vector<16xf32>,
    %swap3A_281 = arith.constant 160 : index
    %swap3A_282 = tpu.vector_load %arg21[%swap3A_281] {strides = array<i32>} : memref<512xf32, #tpu.memory_space<vmem>>, vector<16xf32>,
    tpu.vector_store %arg21[%swap3A_281], %broadcast_in_dim3A_1 {strides = array<i32>} : memref<512xf32, #tpu.memory_space<vmem>>, vector<16xf32>,
    %swap3A_283 = arith.constant 176 : index
    %swap3A_284 = tpu.vector_load %arg21[%swap3A_283] {strides = array<i32>} : memref<512xf32, #tpu.memory_space<vmem>>, vector<16xf32>,
    tpu.vector_store %arg21[%swap3A_283], %broadcast_in_dim3A_1 {strides = array<i32>} : memref<512xf32, #tpu.memory_space<vmem>>, vector<16xf32>,
    %swap3A_285 = arith.constant 192 : index
    %swap3A_286 = tpu.vector_load %arg21[%swap3A_285] {strides = array<i32>} : memref<512xf32, #tpu.memory_space<vmem>>, vector<16xf32>,
    tpu.vector_store %arg21[%swap3A_285], %broadcast_in_dim3A_1 {strides = array<i32>} : memref<512xf32, #tpu.memory_space<vmem>>, vector<16xf32>,
    %swap3A_287 = arith.constant 208 : index
    %swap3A_288 = tpu.vector_load %arg21[%swap3A_287] {strides = array<i32>} : memref<512xf32, #tpu.memory_space<vmem>>, vector<16xf32>,
    tpu.vector_store %arg21[%swap3A_287], %broadcast_in_dim3A_1 {strides = array<i32>} : memref<512xf32, #tpu.memory_space<vmem>>, vector<16xf32>,
    %swap3A_289 = arith.constant 224 : index
    %swap3A_290 = tpu.vector_load %arg21[%swap3A_289] {strides = array<i32>} : memref<512xf32, #tpu.memory_space<vmem>>, vector<16xf32>,
    tpu.vector_store %arg21[%swap3A_289], %broadcast_in_dim3A_1 {strides = array<i32>} : memref<512xf32, #tpu.memory_space<vmem>>, vector<16xf32>,
    %swap3A_291 = arith.constant 240 : index
    %swap3A_292 = tpu.vector_load %arg21[%swap3A_291] {strides = array<i32>} : memref<512xf32, #tpu.memory_space<vmem>>, vector<16xf32>,
    tpu.vector_store %arg21[%swap3A_291], %broadcast_in_dim3A_1 {strides = array<i32>} : memref<512xf32, #tpu.memory_space<vmem>>, vector<16xf32>,
    %swap3A_293 = arith.constant 256 : index
    %swap3A_294 = tpu.vector_load %arg21[%swap3A_293] {strides = array<i32>} : memref<512xf32, #tpu.memory_space<vmem>>, vector<16xf32>,
    tpu.vector_store %arg21[%swap3A_293], %broadcast_in_dim3A_1 {strides = array<i32>} : memref<512xf32, #tpu.memory_space<vmem>>, vector<16xf32>,
    %swap3A_295 = arith.constant 272 : index
    %swap3A_296 = tpu.vector_load %arg21[%swap3A_295] {strides = array<i32>} : memref<512xf32, #tpu.memory_space<vmem>>, vector<16xf32>,
    tpu.vector_store %arg21[%swap3A_295], %broadcast_in_dim3A_1 {strides = array<i32>} : memref<512xf32, #tpu.memory_space<vmem>>, vector<16xf32>,
    %swap3A_297 = arith.constant 288 : index
    %swap3A_298 = tpu.vector_load %arg21[%swap3A_297] {strides = array<i32>} : memref<512xf32, #tpu.memory_space<vmem>>, vector<16xf32>,
    tpu.vector_store %arg21[%swap3A_297], %broadcast_in_dim3A_1 {strides = array<i32>} : memref<512xf32, #tpu.memory_space<vmem>>, vector<16xf32>,
    %swap3A_299 = arith.constant 304 : index
    %swap3A_300 = tpu.vector_load %arg21[%swap3A_299] {strides = array<i32>} : memref<512xf32, #tpu.memory_space<vmem>>, vector<16xf32>,
    tpu.vector_store %arg21[%swap3A_299], %broadcast_in_dim3A_1 {strides = array<i32>} : memref<512xf32, #tpu.memory_space<vmem>>, vector<16xf32>,
    %swap3A_301 = arith.constant 320 : index
    %swap3A_302 = tpu.vector_load %arg21[%swap3A_301] {strides = array<i32>} : memref<512xf32, #tpu.memory_space<vmem>>, vector<16xf32>,
    tpu.vector_store %arg21[%swap3A_301], %broadcast_in_dim3A_1 {strides = array<i32>} : memref<512xf32, #tpu.memory_space<vmem>>, vector<16xf32>,
    %swap3A_303 = arith.constant 336 : index
    %swap3A_304 = tpu.vector_load %arg21[%swap3A_303] {strides = array<i32>} : memref<512xf32, #tpu.memory_space<vmem>>, vector<16xf32>,
    tpu.vector_store %arg21[%swap3A_303], %broadcast_in_dim3A_1 {strides = array<i32>} : memref<512xf32, #tpu.memory_space<vmem>>, vector<16xf32>,
    %swap3A_305 = arith.constant 352 : index
    %swap3A_306 = tpu.vector_load %arg21[%swap3A_305] {strides = array<i32>} : memref<512xf32, #tpu.memory_space<vmem>>, vector<16xf32>,
    tpu.vector_store %arg21[%swap3A_305], %broadcast_in_dim3A_1 {strides = array<i32>} : memref<512xf32, #tpu.memory_space<vmem>>, vector<16xf32>,
    %swap3A_307 = arith.constant 368 : index
    %swap3A_308 = tpu.vector_load %arg21[%swap3A_307] {strides = array<i32>} : memref<512xf32, #tpu.memory_space<vmem>>, vector<16xf32>,
    tpu.vector_store %arg21[%swap3A_307], %broadcast_in_dim3A_1 {strides = array<i32>} : memref<512xf32, #tpu.memory_space<vmem>>, vector<16xf32>,
    %swap3A_309 = arith.constant 384 : index
    %swap3A_310 = tpu.vector_load %arg21[%swap3A_309] {strides = array<i32>} : memref<512xf32, #tpu.memory_space<vmem>>, vector<16xf32>,
    tpu.vector_store %arg21[%swap3A_309], %broadcast_in_dim3A_1 {strides = array<i32>} : memref<512xf32, #tpu.memory_space<vmem>>, vector<16xf32>,
    %swap3A_311 = arith.constant 400 : index
    %swap3A_312 = tpu.vector_load %arg21[%swap3A_311] {strides = array<i32>} : memref<512xf32, #tpu.memory_space<vmem>>, vector<16xf32>,
    tpu.vector_store %arg21[%swap3A_311], %broadcast_in_dim3A_1 {strides = array<i32>} : memref<512xf32, #tpu.memory_space<vmem>>, vector<16xf32>,
    %swap3A_313 = arith.constant 416 : index
    %swap3A_314 = tpu.vector_load %arg21[%swap3A_313] {strides = array<i32>} : memref<512xf32, #tpu.memory_space<vmem>>, vector<16xf32>,
    tpu.vector_store %arg21[%swap3A_313], %broadcast_in_dim3A_1 {strides = array<i32>} : memref<512xf32, #tpu.memory_space<vmem>>, vector<16xf32>,
    %swap3A_315 = arith.constant 432 : index
    %swap3A_316 = tpu.vector_load %arg21[%swap3A_315] {strides = array<i32>} : memref<512xf32, #tpu.memory_space<vmem>>, vector<16xf32>,
    tpu.vector_store %arg21[%swap3A_315], %broadcast_in_dim3A_1 {strides = array<i32>} : memref<512xf32, #tpu.memory_space<vmem>>, vector<16xf32>,
    %swap3A_317 = arith.constant 448 : index
    %swap3A_318 = tpu.vector_load %arg21[%swap3A_317] {strides = array<i32>} : memref<512xf32, #tpu.memory_space<vmem>>, vector<16xf32>,
    tpu.vector_store %arg21[%swap3A_317], %broadcast_in_dim3A_1 {strides = array<i32>} : memref<512xf32, #tpu.memory_space<vmem>>, vector<16xf32>,
    %swap3A_319 = arith.constant 464 : index
    %swap3A_320 = tpu.vector_load %arg21[%swap3A_319] {strides = array<i32>} : memref<512xf32, #tpu.memory_space<vmem>>, vector<16xf32>,
    tpu.vector_store %arg21[%swap3A_319], %broadcast_in_dim3A_1 {strides = array<i32>} : memref<512xf32, #tpu.memory_space<vmem>>, vector<16xf32>,
    %swap3A_321 = arith.constant 480 : index
    %swap3A_322 = tpu.vector_load %arg21[%swap3A_321] {strides = array<i32>} : memref<512xf32, #tpu.memory_space<vmem>>, vector<16xf32>,
    tpu.vector_store %arg21[%swap3A_321], %broadcast_in_dim3A_1 {strides = array<i32>} : memref<512xf32, #tpu.memory_space<vmem>>, vector<16xf32>,
    %swap3A_323 = arith.constant 496 : index
    %swap3A_324 = tpu.vector_load %arg21[%swap3A_323] {strides = array<i32>} : memref<512xf32, #tpu.memory_space<vmem>>, vector<16xf32>,
    tpu.vector_store %arg21[%swap3A_323], %broadcast_in_dim3A_1 {strides = array<i32>} : memref<512xf32, #tpu.memory_space<vmem>>, vector<16xf32>,
    %swap3A_325 = arith.constant 0 : index
    %swap3A_326 = tpu.vector_load %arg22[%swap3A_325] {strides = array<i32>} : memref<512xf32, #tpu.memory_space<vmem>>, vector<16xf32>,
    tpu.vector_store %arg22[%swap3A_325], %broadcast_in_dim3A_1 {strides = array<i32>} : memref<512xf32, #tpu.memory_space<vmem>>, vector<16xf32>,
    %swap3A_327 = arith.constant 16 : index
    %swap3A_328 = tpu.vector_load %arg22[%swap3A_327] {strides = array<i32>} : memref<512xf32, #tpu.memory_space<vmem>>, vector<16xf32>,
    tpu.vector_store %arg22[%swap3A_327], %broadcast_in_dim3A_1 {strides = array<i32>} : memref<512xf32, #tpu.memory_space<vmem>>, vector<16xf32>,
    %swap3A_329 = arith.constant 32 : index
    %swap3A_330 = tpu.vector_load %arg22[%swap3A_329] {strides = array<i32>} : memref<512xf32, #tpu.memory_space<vmem>>, vector<16xf32>,
    tpu.vector_store %arg22[%swap3A_329], %broadcast_in_dim3A_1 {strides = array<i32>} : memref<512xf32, #tpu.memory_space<vmem>>, vector<16xf32>,
    %swap3A_331 = arith.constant 48 : index
    %swap3A_332 = tpu.vector_load %arg22[%swap3A_331] {strides = array<i32>} : memref<512xf32, #tpu.memory_space<vmem>>, vector<16xf32>,
    tpu.vector_store %arg22[%swap3A_331], %broadcast_in_dim3A_1 {strides = array<i32>} : memref<512xf32, #tpu.memory_space<vmem>>, vector<16xf32>,
    %swap3A_333 = arith.constant 64 : index
    %swap3A_334 = tpu.vector_load %arg22[%swap3A_333] {strides = array<i32>} : memref<512xf32, #tpu.memory_space<vmem>>, vector<16xf32>,
    tpu.vector_store %arg22[%swap3A_333], %broadcast_in_dim3A_1 {strides = array<i32>} : memref<512xf32, #tpu.memory_space<vmem>>, vector<16xf32>,
    %swap3A_335 = arith.constant 80 : index
    %swap3A_336 = tpu.vector_load %arg22[%swap3A_335] {strides = array<i32>} : memref<512xf32, #tpu.memory_space<vmem>>, vector<16xf32>,
    tpu.vector_store %arg22[%swap3A_335], %broadcast_in_dim3A_1 {strides = array<i32>} : memref<512xf32, #tpu.memory_space<vmem>>, vector<16xf32>,
    %swap3A_337 = arith.constant 96 : index
    %swap3A_338 = tpu.vector_load %arg22[%swap3A_337] {strides = array<i32>} : memref<512xf32, #tpu.memory_space<vmem>>, vector<16xf32>,
    tpu.vector_store %arg22[%swap3A_337], %broadcast_in_dim3A_1 {strides = array<i32>} : memref<512xf32, #tpu.memory_space<vmem>>, vector<16xf32>,
    %swap3A_339 = arith.constant 112 : index
    %swap3A_340 = tpu.vector_load %arg22[%swap3A_339] {strides = array<i32>} : memref<512xf32, #tpu.memory_space<vmem>>, vector<16xf32>,
    tpu.vector_store %arg22[%swap3A_339], %broadcast_in_dim3A_1 {strides = array<i32>} : memref<512xf32, #tpu.memory_space<vmem>>, vector<16xf32>,
    %swap3A_341 = arith.constant 128 : index
    %swap3A_342 = tpu.vector_load %arg22[%swap3A_341] {strides = array<i32>} : memref<512xf32, #tpu.memory_space<vmem>>, vector<16xf32>,
    tpu.vector_store %arg22[%swap3A_341], %broadcast_in_dim3A_1 {strides = array<i32>} : memref<512xf32, #tpu.memory_space<vmem>>, vector<16xf32>,
    %swap3A_343 = arith.constant 144 : index
    %swap3A_344 = tpu.vector_load %arg22[%swap3A_343] {strides = array<i32>} : memref<512xf32, #tpu.memory_space<vmem>>, vector<16xf32>,
    tpu.vector_store %arg22[%swap3A_343], %broadcast_in_dim3A_1 {strides = array<i32>} : memref<512xf32, #tpu.memory_space<vmem>>, vector<16xf32>,
    %swap3A_345 = arith.constant 160 : index
    %swap3A_346 = tpu.vector_load %arg22[%swap3A_345] {strides = array<i32>} : memref<512xf32, #tpu.memory_space<vmem>>, vector<16xf32>,
    tpu.vector_store %arg22[%swap3A_345], %broadcast_in_dim3A_1 {strides = array<i32>} : memref<512xf32, #tpu.memory_space<vmem>>, vector<16xf32>,
    %swap3A_347 = arith.constant 176 : index
    %swap3A_348 = tpu.vector_load %arg22[%swap3A_347] {strides = array<i32>} : memref<512xf32, #tpu.memory_space<vmem>>, vector<16xf32>,
    tpu.vector_store %arg22[%swap3A_347], %broadcast_in_dim3A_1 {strides = array<i32>} : memref<512xf32, #tpu.memory_space<vmem>>, vector<16xf32>,
    %swap3A_349 = arith.constant 192 : index
    %swap3A_350 = tpu.vector_load %arg22[%swap3A_349] {strides = array<i32>} : memref<512xf32, #tpu.memory_space<vmem>>, vector<16xf32>,
    tpu.vector_store %arg22[%swap3A_349], %broadcast_in_dim3A_1 {strides = array<i32>} : memref<512xf32, #tpu.memory_space<vmem>>, vector<16xf32>,
    %swap3A_351 = arith.constant 208 : index
    %swap3A_352 = tpu.vector_load %arg22[%swap3A_351] {strides = array<i32>} : memref<512xf32, #tpu.memory_space<vmem>>, vector<16xf32>,
    tpu.vector_store %arg22[%swap3A_351], %broadcast_in_dim3A_1 {strides = array<i32>} : memref<512xf32, #tpu.memory_space<vmem>>, vector<16xf32>,
    %swap3A_353 = arith.constant 224 : index
    %swap3A_354 = tpu.vector_load %arg22[%swap3A_353] {strides = array<i32>} : memref<512xf32, #tpu.memory_space<vmem>>, vector<16xf32>,
    tpu.vector_store %arg22[%swap3A_353], %broadcast_in_dim3A_1 {strides = array<i32>} : memref<512xf32, #tpu.memory_space<vmem>>, vector<16xf32>,
    %swap3A_355 = arith.constant 240 : index
    %swap3A_356 = tpu.vector_load %arg22[%swap3A_355] {strides = array<i32>} : memref<512xf32, #tpu.memory_space<vmem>>, vector<16xf32>,
    tpu.vector_store %arg22[%swap3A_355], %broadcast_in_dim3A_1 {strides = array<i32>} : memref<512xf32, #tpu.memory_space<vmem>>, vector<16xf32>,
    %swap3A_357 = arith.constant 256 : index
    %swap3A_358 = tpu.vector_load %arg22[%swap3A_357] {strides = array<i32>} : memref<512xf32, #tpu.memory_space<vmem>>, vector<16xf32>,
    tpu.vector_store %arg22[%swap3A_357], %broadcast_in_dim3A_1 {strides = array<i32>} : memref<512xf32, #tpu.memory_space<vmem>>, vector<16xf32>,
    %swap3A_359 = arith.constant 272 : index
    %swap3A_360 = tpu.vector_load %arg22[%swap3A_359] {strides = array<i32>} : memref<512xf32, #tpu.memory_space<vmem>>, vector<16xf32>,
    tpu.vector_store %arg22[%swap3A_359], %broadcast_in_dim3A_1 {strides = array<i32>} : memref<512xf32, #tpu.memory_space<vmem>>, vector<16xf32>,
    %swap3A_361 = arith.constant 288 : index
    %swap3A_362 = tpu.vector_load %arg22[%swap3A_361] {strides = array<i32>} : memref<512xf32, #tpu.memory_space<vmem>>, vector<16xf32>,
    tpu.vector_store %arg22[%swap3A_361], %broadcast_in_dim3A_1 {strides = array<i32>} : memref<512xf32, #tpu.memory_space<vmem>>, vector<16xf32>,
    %swap3A_363 = arith.constant 304 : index
    %swap3A_364 = tpu.vector_load %arg22[%swap3A_363] {strides = array<i32>} : memref<512xf32, #tpu.memory_space<vmem>>, vector<16xf32>,
    tpu.vector_store %arg22[%swap3A_363], %broadcast_in_dim3A_1 {strides = array<i32>} : memref<512xf32, #tpu.memory_space<vmem>>, vector<16xf32>,
    %swap3A_365 = arith.constant 320 : index
    %swap3A_366 = tpu.vector_load %arg22[%swap3A_365] {strides = array<i32>} : memref<512xf32, #tpu.memory_space<vmem>>, vector<16xf32>,
    tpu.vector_store %arg22[%swap3A_365], %broadcast_in_dim3A_1 {strides = array<i32>} : memref<512xf32, #tpu.memory_space<vmem>>, vector<16xf32>,
    %swap3A_367 = arith.constant 336 : index
    %swap3A_368 = tpu.vector_load %arg22[%swap3A_367] {strides = array<i32>} : memref<512xf32, #tpu.memory_space<vmem>>, vector<16xf32>,
    tpu.vector_store %arg22[%swap3A_367], %broadcast_in_dim3A_1 {strides = array<i32>} : memref<512xf32, #tpu.memory_space<vmem>>, vector<16xf32>,
    %swap3A_369 = arith.constant 352 : index
    %swap3A_370 = tpu.vector_load %arg22[%swap3A_369] {strides = array<i32>} : memref<512xf32, #tpu.memory_space<vmem>>, vector<16xf32>,
    tpu.vector_store %arg22[%swap3A_369], %broadcast_in_dim3A_1 {strides = array<i32>} : memref<512xf32, #tpu.memory_space<vmem>>, vector<16xf32>,
    %swap3A_371 = arith.constant 368 : index
    %swap3A_372 = tpu.vector_load %arg22[%swap3A_371] {strides = array<i32>} : memref<512xf32, #tpu.memory_space<vmem>>, vector<16xf32>,
    tpu.vector_store %arg22[%swap3A_371], %broadcast_in_dim3A_1 {strides = array<i32>} : memref<512xf32, #tpu.memory_space<vmem>>, vector<16xf32>,
    %swap3A_373 = arith.constant 384 : index
    %swap3A_374 = tpu.vector_load %arg22[%swap3A_373] {strides = array<i32>} : memref<512xf32, #tpu.memory_space<vmem>>, vector<16xf32>,
    tpu.vector_store %arg22[%swap3A_373], %broadcast_in_dim3A_1 {strides = array<i32>} : memref<512xf32, #tpu.memory_space<vmem>>, vector<16xf32>,
    %swap3A_375 = arith.constant 400 : index
    %swap3A_376 = tpu.vector_load %arg22[%swap3A_375] {strides = array<i32>} : memref<512xf32, #tpu.memory_space<vmem>>, vector<16xf32>,
    tpu.vector_store %arg22[%swap3A_375], %broadcast_in_dim3A_1 {strides = array<i32>} : memref<512xf32, #tpu.memory_space<vmem>>, vector<16xf32>,
    %swap3A_377 = arith.constant 416 : index
    %swap3A_378 = tpu.vector_load %arg22[%swap3A_377] {strides = array<i32>} : memref<512xf32, #tpu.memory_space<vmem>>, vector<16xf32>,
    tpu.vector_store %arg22[%swap3A_377], %broadcast_in_dim3A_1 {strides = array<i32>} : memref<512xf32, #tpu.memory_space<vmem>>, vector<16xf32>,
    %swap3A_379 = arith.constant 432 : index
    %swap3A_380 = tpu.vector_load %arg22[%swap3A_379] {strides = array<i32>} : memref<512xf32, #tpu.memory_space<vmem>>, vector<16xf32>,
    tpu.vector_store %arg22[%swap3A_379], %broadcast_in_dim3A_1 {strides = array<i32>} : memref<512xf32, #tpu.memory_space<vmem>>, vector<16xf32>,
    %swap3A_381 = arith.constant 448 : index
    %swap3A_382 = tpu.vector_load %arg22[%swap3A_381] {strides = array<i32>} : memref<512xf32, #tpu.memory_space<vmem>>, vector<16xf32>,
    tpu.vector_store %arg22[%swap3A_381], %broadcast_in_dim3A_1 {strides = array<i32>} : memref<512xf32, #tpu.memory_space<vmem>>, vector<16xf32>,
    %swap3A_383 = arith.constant 464 : index
    %swap3A_384 = tpu.vector_load %arg22[%swap3A_383] {strides = array<i32>} : memref<512xf32, #tpu.memory_space<vmem>>, vector<16xf32>,
    tpu.vector_store %arg22[%swap3A_383], %broadcast_in_dim3A_1 {strides = array<i32>} : memref<512xf32, #tpu.memory_space<vmem>>, vector<16xf32>,
    %swap3A_385 = arith.constant 480 : index
    %swap3A_386 = tpu.vector_load %arg22[%swap3A_385] {strides = array<i32>} : memref<512xf32, #tpu.memory_space<vmem>>, vector<16xf32>,
    tpu.vector_store %arg22[%swap3A_385], %broadcast_in_dim3A_1 {strides = array<i32>} : memref<512xf32, #tpu.memory_space<vmem>>, vector<16xf32>,
    %swap3A_387 = arith.constant 496 : index
    %swap3A_388 = tpu.vector_load %arg22[%swap3A_387] {strides = array<i32>} : memref<512xf32, #tpu.memory_space<vmem>>, vector<16xf32>,
    tpu.vector_store %arg22[%swap3A_387], %broadcast_in_dim3A_1 {strides = array<i32>} : memref<512xf32, #tpu.memory_space<vmem>>, vector<16xf32>,
    %swap3A_389 = arith.constant 0 : index
    %swap3A_390 = tpu.vector_load %arg23[%swap3A_389] {strides = array<i32>} : memref<512xf32, #tpu.memory_space<vmem>>, vector<16xf32>,
    tpu.vector_store %arg23[%swap3A_389], %broadcast_in_dim3A_1 {strides = array<i32>} : memref<512xf32, #tpu.memory_space<vmem>>, vector<16xf32>,
    %swap3A_391 = arith.constant 16 : index
    %swap3A_392 = tpu.vector_load %arg23[%swap3A_391] {strides = array<i32>} : memref<512xf32, #tpu.memory_space<vmem>>, vector<16xf32>,
    tpu.vector_store %arg23[%swap3A_391], %broadcast_in_dim3A_1 {strides = array<i32>} : memref<512xf32, #tpu.memory_space<vmem>>, vector<16xf32>,
    %swap3A_393 = arith.constant 32 : index
    %swap3A_394 = tpu.vector_load %arg23[%swap3A_393] {strides = array<i32>} : memref<512xf32, #tpu.memory_space<vmem>>, vector<16xf32>,
    tpu.vector_store %arg23[%swap3A_393], %broadcast_in_dim3A_1 {strides = array<i32>} : memref<512xf32, #tpu.memory_space<vmem>>, vector<16xf32>,
    %swap3A_395 = arith.constant 48 : index
    %swap3A_396 = tpu.vector_load %arg23[%swap3A_395] {strides = array<i32>} : memref<512xf32, #tpu.memory_space<vmem>>, vector<16xf32>,
    tpu.vector_store %arg23[%swap3A_395], %broadcast_in_dim3A_1 {strides = array<i32>} : memref<512xf32, #tpu.memory_space<vmem>>, vector<16xf32>,
    %swap3A_397 = arith.constant 64 : index
    %swap3A_398 = tpu.vector_load %arg23[%swap3A_397] {strides = array<i32>} : memref<512xf32, #tpu.memory_space<vmem>>, vector<16xf32>,
    tpu.vector_store %arg23[%swap3A_397], %broadcast_in_dim3A_1 {strides = array<i32>} : memref<512xf32, #tpu.memory_space<vmem>>, vector<16xf32>,
    %swap3A_399 = arith.constant 80 : index
    %swap3A_400 = tpu.vector_load %arg23[%swap3A_399] {strides = array<i32>} : memref<512xf32, #tpu.memory_space<vmem>>, vector<16xf32>,
    tpu.vector_store %arg23[%swap3A_399], %broadcast_in_dim3A_1 {strides = array<i32>} : memref<512xf32, #tpu.memory_space<vmem>>, vector<16xf32>,
    %swap3A_401 = arith.constant 96 : index
    %swap3A_402 = tpu.vector_load %arg23[%swap3A_401] {strides = array<i32>} : memref<512xf32, #tpu.memory_space<vmem>>, vector<16xf32>,
    tpu.vector_store %arg23[%swap3A_401], %broadcast_in_dim3A_1 {strides = array<i32>} : memref<512xf32, #tpu.memory_space<vmem>>, vector<16xf32>,
    %swap3A_403 = arith.constant 112 : index
    %swap3A_404 = tpu.vector_load %arg23[%swap3A_403] {strides = array<i32>} : memref<512xf32, #tpu.memory_space<vmem>>, vector<16xf32>,
    tpu.vector_store %arg23[%swap3A_403], %broadcast_in_dim3A_1 {strides = array<i32>} : memref<512xf32, #tpu.memory_space<vmem>>, vector<16xf32>,
    %swap3A_405 = arith.constant 128 : index
    %swap3A_406 = tpu.vector_load %arg23[%swap3A_405] {strides = array<i32>} : memref<512xf32, #tpu.memory_space<vmem>>, vector<16xf32>,
    tpu.vector_store %arg23[%swap3A_405], %broadcast_in_dim3A_1 {strides = array<i32>} : memref<512xf32, #tpu.memory_space<vmem>>, vector<16xf32>,
    %swap3A_407 = arith.constant 144 : index
    %swap3A_408 = tpu.vector_load %arg23[%swap3A_407] {strides = array<i32>} : memref<512xf32, #tpu.memory_space<vmem>>, vector<16xf32>,
    tpu.vector_store %arg23[%swap3A_407], %broadcast_in_dim3A_1 {strides = array<i32>} : memref<512xf32, #tpu.memory_space<vmem>>, vector<16xf32>,
    %swap3A_409 = arith.constant 160 : index
    %swap3A_410 = tpu.vector_load %arg23[%swap3A_409] {strides = array<i32>} : memref<512xf32, #tpu.memory_space<vmem>>, vector<16xf32>,
    tpu.vector_store %arg23[%swap3A_409], %broadcast_in_dim3A_1 {strides = array<i32>} : memref<512xf32, #tpu.memory_space<vmem>>, vector<16xf32>,
    %swap3A_411 = arith.constant 176 : index
    %swap3A_412 = tpu.vector_load %arg23[%swap3A_411] {strides = array<i32>} : memref<512xf32, #tpu.memory_space<vmem>>, vector<16xf32>,
    tpu.vector_store %arg23[%swap3A_411], %broadcast_in_dim3A_1 {strides = array<i32>} : memref<512xf32, #tpu.memory_space<vmem>>, vector<16xf32>,
    %swap3A_413 = arith.constant 192 : index
    %swap3A_414 = tpu.vector_load %arg23[%swap3A_413] {strides = array<i32>} : memref<512xf32, #tpu.memory_space<vmem>>, vector<16xf32>,
    tpu.vector_store %arg23[%swap3A_413], %broadcast_in_dim3A_1 {strides = array<i32>} : memref<512xf32, #tpu.memory_space<vmem>>, vector<16xf32>,
    %swap3A_415 = arith.constant 208 : index
    %swap3A_416 = tpu.vector_load %arg23[%swap3A_415] {strides = array<i32>} : memref<512xf32, #tpu.memory_space<vmem>>, vector<16xf32>,
    tpu.vector_store %arg23[%swap3A_415], %broadcast_in_dim3A_1 {strides = array<i32>} : memref<512xf32, #tpu.memory_space<vmem>>, vector<16xf32>,
    %swap3A_417 = arith.constant 224 : index
    %swap3A_418 = tpu.vector_load %arg23[%swap3A_417] {strides = array<i32>} : memref<512xf32, #tpu.memory_space<vmem>>, vector<16xf32>,
    tpu.vector_store %arg23[%swap3A_417], %broadcast_in_dim3A_1 {strides = array<i32>} : memref<512xf32, #tpu.memory_space<vmem>>, vector<16xf32>,
    %swap3A_419 = arith.constant 240 : index
    %swap3A_420 = tpu.vector_load %arg23[%swap3A_419] {strides = array<i32>} : memref<512xf32, #tpu.memory_space<vmem>>, vector<16xf32>,
    tpu.vector_store %arg23[%swap3A_419], %broadcast_in_dim3A_1 {strides = array<i32>} : memref<512xf32, #tpu.memory_space<vmem>>, vector<16xf32>,
    %swap3A_421 = arith.constant 256 : index
    %swap3A_422 = tpu.vector_load %arg23[%swap3A_421] {strides = array<i32>} : memref<512xf32, #tpu.memory_space<vmem>>, vector<16xf32>,
    tpu.vector_store %arg23[%swap3A_421], %broadcast_in_dim3A_1 {strides = array<i32>} : memref<512xf32, #tpu.memory_space<vmem>>, vector<16xf32>,
    %swap3A_423 = arith.constant 272 : index
    %swap3A_424 = tpu.vector_load %arg23[%swap3A_423] {strides = array<i32>} : memref<512xf32, #tpu.memory_space<vmem>>, vector<16xf32>,
    tpu.vector_store %arg23[%swap3A_423], %broadcast_in_dim3A_1 {strides = array<i32>} : memref<512xf32, #tpu.memory_space<vmem>>, vector<16xf32>,
    %swap3A_425 = arith.constant 288 : index
    %swap3A_426 = tpu.vector_load %arg23[%swap3A_425] {strides = array<i32>} : memref<512xf32, #tpu.memory_space<vmem>>, vector<16xf32>,
    tpu.vector_store %arg23[%swap3A_425], %broadcast_in_dim3A_1 {strides = array<i32>} : memref<512xf32, #tpu.memory_space<vmem>>, vector<16xf32>,
    %swap3A_427 = arith.constant 304 : index
    %swap3A_428 = tpu.vector_load %arg23[%swap3A_427] {strides = array<i32>} : memref<512xf32, #tpu.memory_space<vmem>>, vector<16xf32>,
    tpu.vector_store %arg23[%swap3A_427], %broadcast_in_dim3A_1 {strides = array<i32>} : memref<512xf32, #tpu.memory_space<vmem>>, vector<16xf32>,
    %swap3A_429 = arith.constant 320 : index
    %swap3A_430 = tpu.vector_load %arg23[%swap3A_429] {strides = array<i32>} : memref<512xf32, #tpu.memory_space<vmem>>, vector<16xf32>,
    tpu.vector_store %arg23[%swap3A_429], %broadcast_in_dim3A_1 {strides = array<i32>} : memref<512xf32, #tpu.memory_space<vmem>>, vector<16xf32>,
    %swap3A_431 = arith.constant 336 : index
    %swap3A_432 = tpu.vector_load %arg23[%swap3A_431] {strides = array<i32>} : memref<512xf32, #tpu.memory_space<vmem>>, vector<16xf32>,
    tpu.vector_store %arg23[%swap3A_431], %broadcast_in_dim3A_1 {strides = array<i32>} : memref<512xf32, #tpu.memory_space<vmem>>, vector<16xf32>,
    %swap3A_433 = arith.constant 352 : index
    %swap3A_434 = tpu.vector_load %arg23[%swap3A_433] {strides = array<i32>} : memref<512xf32, #tpu.memory_space<vmem>>, vector<16xf32>,
    tpu.vector_store %arg23[%swap3A_433], %broadcast_in_dim3A_1 {strides = array<i32>} : memref<512xf32, #tpu.memory_space<vmem>>, vector<16xf32>,
    %swap3A_435 = arith.constant 368 : index
    %swap3A_436 = tpu.vector_load %arg23[%swap3A_435] {strides = array<i32>} : memref<512xf32, #tpu.memory_space<vmem>>, vector<16xf32>,
    tpu.vector_store %arg23[%swap3A_435], %broadcast_in_dim3A_1 {strides = array<i32>} : memref<512xf32, #tpu.memory_space<vmem>>, vector<16xf32>,
    %swap3A_437 = arith.constant 384 : index
    %swap3A_438 = tpu.vector_load %arg23[%swap3A_437] {strides = array<i32>} : memref<512xf32, #tpu.memory_space<vmem>>, vector<16xf32>,
    tpu.vector_store %arg23[%swap3A_437], %broadcast_in_dim3A_1 {strides = array<i32>} : memref<512xf32, #tpu.memory_space<vmem>>, vector<16xf32>,
    %swap3A_439 = arith.constant 400 : index
    %swap3A_440 = tpu.vector_load %arg23[%swap3A_439] {strides = array<i32>} : memref<512xf32, #tpu.memory_space<vmem>>, vector<16xf32>,
    tpu.vector_store %arg23[%swap3A_439], %broadcast_in_dim3A_1 {strides = array<i32>} : memref<512xf32, #tpu.memory_space<vmem>>, vector<16xf32>,
    %swap3A_441 = arith.constant 416 : index
    %swap3A_442 = tpu.vector_load %arg23[%swap3A_441] {strides = array<i32>} : memref<512xf32, #tpu.memory_space<vmem>>, vector<16xf32>,
    tpu.vector_store %arg23[%swap3A_441], %broadcast_in_dim3A_1 {strides = array<i32>} : memref<512xf32, #tpu.memory_space<vmem>>, vector<16xf32>,
    %swap3A_443 = arith.constant 432 : index
    %swap3A_444 = tpu.vector_load %arg23[%swap3A_443] {strides = array<i32>} : memref<512xf32, #tpu.memory_space<vmem>>, vector<16xf32>,
    tpu.vector_store %arg23[%swap3A_443], %broadcast_in_dim3A_1 {strides = array<i32>} : memref<512xf32, #tpu.memory_space<vmem>>, vector<16xf32>,
    %swap3A_445 = arith.constant 448 : index
    %swap3A_446 = tpu.vector_load %arg23[%swap3A_445] {strides = array<i32>} : memref<512xf32, #tpu.memory_space<vmem>>, vector<16xf32>,
    tpu.vector_store %arg23[%swap3A_445], %broadcast_in_dim3A_1 {strides = array<i32>} : memref<512xf32, #tpu.memory_space<vmem>>, vector<16xf32>,
    %swap3A_447 = arith.constant 464 : index
    %swap3A_448 = tpu.vector_load %arg23[%swap3A_447] {strides = array<i32>} : memref<512xf32, #tpu.memory_space<vmem>>, vector<16xf32>,
    tpu.vector_store %arg23[%swap3A_447], %broadcast_in_dim3A_1 {strides = array<i32>} : memref<512xf32, #tpu.memory_space<vmem>>, vector<16xf32>,
    %swap3A_449 = arith.constant 480 : index
    %swap3A_450 = tpu.vector_load %arg23[%swap3A_449] {strides = array<i32>} : memref<512xf32, #tpu.memory_space<vmem>>, vector<16xf32>,
    tpu.vector_store %arg23[%swap3A_449], %broadcast_in_dim3A_1 {strides = array<i32>} : memref<512xf32, #tpu.memory_space<vmem>>, vector<16xf32>,
    %swap3A_451 = arith.constant 496 : index
    %swap3A_452 = tpu.vector_load %arg23[%swap3A_451] {strides = array<i32>} : memref<512xf32, #tpu.memory_space<vmem>>, vector<16xf32>,
    tpu.vector_store %arg23[%swap3A_451], %broadcast_in_dim3A_1 {strides = array<i32>} : memref<512xf32, #tpu.memory_space<vmem>>, vector<16xf32>,
    %swap3A_453 = arith.constant 0 : index
    %swap3A_454 = tpu.vector_load %arg24[%swap3A_453] {strides = array<i32>} : memref<512xf32, #tpu.memory_space<vmem>>, vector<16xf32>,
    tpu.vector_store %arg24[%swap3A_453], %broadcast_in_dim3A_1 {strides = array<i32>} : memref<512xf32, #tpu.memory_space<vmem>>, vector<16xf32>,
    %swap3A_455 = arith.constant 16 : index
    %swap3A_456 = tpu.vector_load %arg24[%swap3A_455] {strides = array<i32>} : memref<512xf32, #tpu.memory_space<vmem>>, vector<16xf32>,
    tpu.vector_store %arg24[%swap3A_455], %broadcast_in_dim3A_1 {strides = array<i32>} : memref<512xf32, #tpu.memory_space<vmem>>, vector<16xf32>,
    %swap3A_457 = arith.constant 32 : index
    %swap3A_458 = tpu.vector_load %arg24[%swap3A_457] {strides = array<i32>} : memref<512xf32, #tpu.memory_space<vmem>>, vector<16xf32>,
    tpu.vector_store %arg24[%swap3A_457], %broadcast_in_dim3A_1 {strides = array<i32>} : memref<512xf32, #tpu.memory_space<vmem>>, vector<16xf32>,
    %swap3A_459 = arith.constant 48 : index
    %swap3A_460 = tpu.vector_load %arg24[%swap3A_459] {strides = array<i32>} : memref<512xf32, #tpu.memory_space<vmem>>, vector<16xf32>,
    tpu.vector_store %arg24[%swap3A_459], %broadcast_in_dim3A_1 {strides = array<i32>} : memref<512xf32, #tpu.memory_space<vmem>>, vector<16xf32>,
    %swap3A_461 = arith.constant 64 : index
    %swap3A_462 = tpu.vector_load %arg24[%swap3A_461] {strides = array<i32>} : memref<512xf32, #tpu.memory_space<vmem>>, vector<16xf32>,
    tpu.vector_store %arg24[%swap3A_461], %broadcast_in_dim3A_1 {strides = array<i32>} : memref<512xf32, #tpu.memory_space<vmem>>, vector<16xf32>,
    %swap3A_463 = arith.constant 80 : index
    %swap3A_464 = tpu.vector_load %arg24[%swap3A_463] {strides = array<i32>} : memref<512xf32, #tpu.memory_space<vmem>>, vector<16xf32>,
    tpu.vector_store %arg24[%swap3A_463], %broadcast_in_dim3A_1 {strides = array<i32>} : memref<512xf32, #tpu.memory_space<vmem>>, vector<16xf32>,
    %swap3A_465 = arith.constant 96 : index
    %swap3A_466 = tpu.vector_load %arg24[%swap3A_465] {strides = array<i32>} : memref<512xf32, #tpu.memory_space<vmem>>, vector<16xf32>,
    tpu.vector_store %arg24[%swap3A_465], %broadcast_in_dim3A_1 {strides = array<i32>} : memref<512xf32, #tpu.memory_space<vmem>>, vector<16xf32>,
    %swap3A_467 = arith.constant 112 : index
    %swap3A_468 = tpu.vector_load %arg24[%swap3A_467] {strides = array<i32>} : memref<512xf32, #tpu.memory_space<vmem>>, vector<16xf32>,
    tpu.vector_store %arg24[%swap3A_467], %broadcast_in_dim3A_1 {strides = array<i32>} : memref<512xf32, #tpu.memory_space<vmem>>, vector<16xf32>,
    %swap3A_469 = arith.constant 128 : index
    %swap3A_470 = tpu.vector_load %arg24[%swap3A_469] {strides = array<i32>} : memref<512xf32, #tpu.memory_space<vmem>>, vector<16xf32>,
    tpu.vector_store %arg24[%swap3A_469], %broadcast_in_dim3A_1 {strides = array<i32>} : memref<512xf32, #tpu.memory_space<vmem>>, vector<16xf32>,
    %swap3A_471 = arith.constant 144 : index
    %swap3A_472 = tpu.vector_load %arg24[%swap3A_471] {strides = array<i32>} : memref<512xf32, #tpu.memory_space<vmem>>, vector<16xf32>,
    tpu.vector_store %arg24[%swap3A_471], %broadcast_in_dim3A_1 {strides = array<i32>} : memref<512xf32, #tpu.memory_space<vmem>>, vector<16xf32>,
    %swap3A_473 = arith.constant 160 : index
    %swap3A_474 = tpu.vector_load %arg24[%swap3A_473] {strides = array<i32>} : memref<512xf32, #tpu.memory_space<vmem>>, vector<16xf32>,
    tpu.vector_store %arg24[%swap3A_473], %broadcast_in_dim3A_1 {strides = array<i32>} : memref<512xf32, #tpu.memory_space<vmem>>, vector<16xf32>,
    %swap3A_475 = arith.constant 176 : index
    %swap3A_476 = tpu.vector_load %arg24[%swap3A_475] {strides = array<i32>} : memref<512xf32, #tpu.memory_space<vmem>>, vector<16xf32>,
    tpu.vector_store %arg24[%swap3A_475], %broadcast_in_dim3A_1 {strides = array<i32>} : memref<512xf32, #tpu.memory_space<vmem>>, vector<16xf32>,
    %swap3A_477 = arith.constant 192 : index
    %swap3A_478 = tpu.vector_load %arg24[%swap3A_477] {strides = array<i32>} : memref<512xf32, #tpu.memory_space<vmem>>, vector<16xf32>,
    tpu.vector_store %arg24[%swap3A_477], %broadcast_in_dim3A_1 {strides = array<i32>} : memref<512xf32, #tpu.memory_space<vmem>>, vector<16xf32>,
    %swap3A_479 = arith.constant 208 : index
    %swap3A_480 = tpu.vector_load %arg24[%swap3A_479] {strides = array<i32>} : memref<512xf32, #tpu.memory_space<vmem>>, vector<16xf32>,
    tpu.vector_store %arg24[%swap3A_479], %broadcast_in_dim3A_1 {strides = array<i32>} : memref<512xf32, #tpu.memory_space<vmem>>, vector<16xf32>,
    %swap3A_481 = arith.constant 224 : index
    %swap3A_482 = tpu.vector_load %arg24[%swap3A_481] {strides = array<i32>} : memref<512xf32, #tpu.memory_space<vmem>>, vector<16xf32>,
    tpu.vector_store %arg24[%swap3A_481], %broadcast_in_dim3A_1 {strides = array<i32>} : memref<512xf32, #tpu.memory_space<vmem>>, vector<16xf32>,
    %swap3A_483 = arith.constant 240 : index
    %swap3A_484 = tpu.vector_load %arg24[%swap3A_483] {strides = array<i32>} : memref<512xf32, #tpu.memory_space<vmem>>, vector<16xf32>,
    tpu.vector_store %arg24[%swap3A_483], %broadcast_in_dim3A_1 {strides = array<i32>} : memref<512xf32, #tpu.memory_space<vmem>>, vector<16xf32>,
    %swap3A_485 = arith.constant 256 : index
    %swap3A_486 = tpu.vector_load %arg24[%swap3A_485] {strides = array<i32>} : memref<512xf32, #tpu.memory_space<vmem>>, vector<16xf32>,
    tpu.vector_store %arg24[%swap3A_485], %broadcast_in_dim3A_1 {strides = array<i32>} : memref<512xf32, #tpu.memory_space<vmem>>, vector<16xf32>,
    %swap3A_487 = arith.constant 272 : index
    %swap3A_488 = tpu.vector_load %arg24[%swap3A_487] {strides = array<i32>} : memref<512xf32, #tpu.memory_space<vmem>>, vector<16xf32>,
    tpu.vector_store %arg24[%swap3A_487], %broadcast_in_dim3A_1 {strides = array<i32>} : memref<512xf32, #tpu.memory_space<vmem>>, vector<16xf32>,
    %swap3A_489 = arith.constant 288 : index
    %swap3A_490 = tpu.vector_load %arg24[%swap3A_489] {strides = array<i32>} : memref<512xf32, #tpu.memory_space<vmem>>, vector<16xf32>,
    tpu.vector_store %arg24[%swap3A_489], %broadcast_in_dim3A_1 {strides = array<i32>} : memref<512xf32, #tpu.memory_space<vmem>>, vector<16xf32>,
    %swap3A_491 = arith.constant 304 : index
    %swap3A_492 = tpu.vector_load %arg24[%swap3A_491] {strides = array<i32>} : memref<512xf32, #tpu.memory_space<vmem>>, vector<16xf32>,
    tpu.vector_store %arg24[%swap3A_491], %broadcast_in_dim3A_1 {strides = array<i32>} : memref<512xf32, #tpu.memory_space<vmem>>, vector<16xf32>,
    %swap3A_493 = arith.constant 320 : index
    %swap3A_494 = tpu.vector_load %arg24[%swap3A_493] {strides = array<i32>} : memref<512xf32, #tpu.memory_space<vmem>>, vector<16xf32>,
    tpu.vector_store %arg24[%swap3A_493], %broadcast_in_dim3A_1 {strides = array<i32>} : memref<512xf32, #tpu.memory_space<vmem>>, vector<16xf32>,
    %swap3A_495 = arith.constant 336 : index
    %swap3A_496 = tpu.vector_load %arg24[%swap3A_495] {strides = array<i32>} : memref<512xf32, #tpu.memory_space<vmem>>, vector<16xf32>,
    tpu.vector_store %arg24[%swap3A_495], %broadcast_in_dim3A_1 {strides = array<i32>} : memref<512xf32, #tpu.memory_space<vmem>>, vector<16xf32>,
    %swap3A_497 = arith.constant 352 : index
    %swap3A_498 = tpu.vector_load %arg24[%swap3A_497] {strides = array<i32>} : memref<512xf32, #tpu.memory_space<vmem>>, vector<16xf32>,
    tpu.vector_store %arg24[%swap3A_497], %broadcast_in_dim3A_1 {strides = array<i32>} : memref<512xf32, #tpu.memory_space<vmem>>, vector<16xf32>,
    %swap3A_499 = arith.constant 368 : index
    %swap3A_500 = tpu.vector_load %arg24[%swap3A_499] {strides = array<i32>} : memref<512xf32, #tpu.memory_space<vmem>>, vector<16xf32>,
    tpu.vector_store %arg24[%swap3A_499], %broadcast_in_dim3A_1 {strides = array<i32>} : memref<512xf32, #tpu.memory_space<vmem>>, vector<16xf32>,
    %swap3A_501 = arith.constant 384 : index
    %swap3A_502 = tpu.vector_load %arg24[%swap3A_501] {strides = array<i32>} : memref<512xf32, #tpu.memory_space<vmem>>, vector<16xf32>,
    tpu.vector_store %arg24[%swap3A_501], %broadcast_in_dim3A_1 {strides = array<i32>} : memref<512xf32, #tpu.memory_space<vmem>>, vector<16xf32>,
    %swap3A_503 = arith.constant 400 : index
    %swap3A_504 = tpu.vector_load %arg24[%swap3A_503] {strides = array<i32>} : memref<512xf32, #tpu.memory_space<vmem>>, vector<16xf32>,
    tpu.vector_store %arg24[%swap3A_503], %broadcast_in_dim3A_1 {strides = array<i32>} : memref<512xf32, #tpu.memory_space<vmem>>, vector<16xf32>,
    %swap3A_505 = arith.constant 416 : index
    %swap3A_506 = tpu.vector_load %arg24[%swap3A_505] {strides = array<i32>} : memref<512xf32, #tpu.memory_space<vmem>>, vector<16xf32>,
    tpu.vector_store %arg24[%swap3A_505], %broadcast_in_dim3A_1 {strides = array<i32>} : memref<512xf32, #tpu.memory_space<vmem>>, vector<16xf32>,
    %swap3A_507 = arith.constant 432 : index
    %swap3A_508 = tpu.vector_load %arg24[%swap3A_507] {strides = array<i32>} : memref<512xf32, #tpu.memory_space<vmem>>, vector<16xf32>,
    tpu.vector_store %arg24[%swap3A_507], %broadcast_in_dim3A_1 {strides = array<i32>} : memref<512xf32, #tpu.memory_space<vmem>>, vector<16xf32>,
    %swap3A_509 = arith.constant 448 : index
    %swap3A_510 = tpu.vector_load %arg24[%swap3A_509] {strides = array<i32>} : memref<512xf32, #tpu.memory_space<vmem>>, vector<16xf32>,
    tpu.vector_store %arg24[%swap3A_509], %broadcast_in_dim3A_1 {strides = array<i32>} : memref<512xf32, #tpu.memory_space<vmem>>, vector<16xf32>,
    %swap3A_511 = arith.constant 464 : index
    %swap3A_512 = tpu.vector_load %arg24[%swap3A_511] {strides = array<i32>} : memref<512xf32, #tpu.memory_space<vmem>>, vector<16xf32>,
    tpu.vector_store %arg24[%swap3A_511], %broadcast_in_dim3A_1 {strides = array<i32>} : memref<512xf32, #tpu.memory_space<vmem>>, vector<16xf32>,
    %swap3A_513 = arith.constant 480 : index
    %swap3A_514 = tpu.vector_load %arg24[%swap3A_513] {strides = array<i32>} : memref<512xf32, #tpu.memory_space<vmem>>, vector<16xf32>,
    tpu.vector_store %arg24[%swap3A_513], %broadcast_in_dim3A_1 {strides = array<i32>} : memref<512xf32, #tpu.memory_space<vmem>>, vector<16xf32>,
    %swap3A_515 = arith.constant 496 : index
    %swap3A_516 = tpu.vector_load %arg24[%swap3A_515] {strides = array<i32>} : memref<512xf32, #tpu.memory_space<vmem>>, vector<16xf32>,
    tpu.vector_store %arg24[%swap3A_515], %broadcast_in_dim3A_1 {strides = array<i32>} : memref<512xf32, #tpu.memory_space<vmem>>, vector<16xf32>,
    %swap3A_517 = arith.constant 0 : index
    %swap3A_518 = tpu.vector_load %arg25[%swap3A_517] {strides = array<i32>} : memref<512xf32, #tpu.memory_space<vmem>>, vector<16xf32>,
    tpu.vector_store %arg25[%swap3A_517], %broadcast_in_dim3A_1 {strides = array<i32>} : memref<512xf32, #tpu.memory_space<vmem>>, vector<16xf32>,
    %swap3A_519 = arith.constant 16 : index
    %swap3A_520 = tpu.vector_load %arg25[%swap3A_519] {strides = array<i32>} : memref<512xf32, #tpu.memory_space<vmem>>, vector<16xf32>,
    tpu.vector_store %arg25[%swap3A_519], %broadcast_in_dim3A_1 {strides = array<i32>} : memref<512xf32, #tpu.memory_space<vmem>>, vector<16xf32>,
    %swap3A_521 = arith.constant 32 : index
    %swap3A_522 = tpu.vector_load %arg25[%swap3A_521] {strides = array<i32>} : memref<512xf32, #tpu.memory_space<vmem>>, vector<16xf32>,
    tpu.vector_store %arg25[%swap3A_521], %broadcast_in_dim3A_1 {strides = array<i32>} : memref<512xf32, #tpu.memory_space<vmem>>, vector<16xf32>,
    %swap3A_523 = arith.constant 48 : index
    %swap3A_524 = tpu.vector_load %arg25[%swap3A_523] {strides = array<i32>} : memref<512xf32, #tpu.memory_space<vmem>>, vector<16xf32>,
    tpu.vector_store %arg25[%swap3A_523], %broadcast_in_dim3A_1 {strides = array<i32>} : memref<512xf32, #tpu.memory_space<vmem>>, vector<16xf32>,
    %swap3A_525 = arith.constant 64 : index
    %swap3A_526 = tpu.vector_load %arg25[%swap3A_525] {strides = array<i32>} : memref<512xf32, #tpu.memory_space<vmem>>, vector<16xf32>,
    tpu.vector_store %arg25[%swap3A_525], %broadcast_in_dim3A_1 {strides = array<i32>} : memref<512xf32, #tpu.memory_space<vmem>>, vector<16xf32>,
    %swap3A_527 = arith.constant 80 : index
    %swap3A_528 = tpu.vector_load %arg25[%swap3A_527] {strides = array<i32>} : memref<512xf32, #tpu.memory_space<vmem>>, vector<16xf32>,
    tpu.vector_store %arg25[%swap3A_527], %broadcast_in_dim3A_1 {strides = array<i32>} : memref<512xf32, #tpu.memory_space<vmem>>, vector<16xf32>,
    %swap3A_529 = arith.constant 96 : index
    %swap3A_530 = tpu.vector_load %arg25[%swap3A_529] {strides = array<i32>} : memref<512xf32, #tpu.memory_space<vmem>>, vector<16xf32>,
    tpu.vector_store %arg25[%swap3A_529], %broadcast_in_dim3A_1 {strides = array<i32>} : memref<512xf32, #tpu.memory_space<vmem>>, vector<16xf32>,
    %swap3A_531 = arith.constant 112 : index
    %swap3A_532 = tpu.vector_load %arg25[%swap3A_531] {strides = array<i32>} : memref<512xf32, #tpu.memory_space<vmem>>, vector<16xf32>,
    tpu.vector_store %arg25[%swap3A_531], %broadcast_in_dim3A_1 {strides = array<i32>} : memref<512xf32, #tpu.memory_space<vmem>>, vector<16xf32>,
    %swap3A_533 = arith.constant 128 : index
    %swap3A_534 = tpu.vector_load %arg25[%swap3A_533] {strides = array<i32>} : memref<512xf32, #tpu.memory_space<vmem>>, vector<16xf32>,
    tpu.vector_store %arg25[%swap3A_533], %broadcast_in_dim3A_1 {strides = array<i32>} : memref<512xf32, #tpu.memory_space<vmem>>, vector<16xf32>,
    %swap3A_535 = arith.constant 144 : index
    %swap3A_536 = tpu.vector_load %arg25[%swap3A_535] {strides = array<i32>} : memref<512xf32, #tpu.memory_space<vmem>>, vector<16xf32>,
    tpu.vector_store %arg25[%swap3A_535], %broadcast_in_dim3A_1 {strides = array<i32>} : memref<512xf32, #tpu.memory_space<vmem>>, vector<16xf32>,
    %swap3A_537 = arith.constant 160 : index
    %swap3A_538 = tpu.vector_load %arg25[%swap3A_537] {strides = array<i32>} : memref<512xf32, #tpu.memory_space<vmem>>, vector<16xf32>,
    tpu.vector_store %arg25[%swap3A_537], %broadcast_in_dim3A_1 {strides = array<i32>} : memref<512xf32, #tpu.memory_space<vmem>>, vector<16xf32>,
    %swap3A_539 = arith.constant 176 : index
    %swap3A_540 = tpu.vector_load %arg25[%swap3A_539] {strides = array<i32>} : memref<512xf32, #tpu.memory_space<vmem>>, vector<16xf32>,
    tpu.vector_store %arg25[%swap3A_539], %broadcast_in_dim3A_1 {strides = array<i32>} : memref<512xf32, #tpu.memory_space<vmem>>, vector<16xf32>,
    %swap3A_541 = arith.constant 192 : index
    %swap3A_542 = tpu.vector_load %arg25[%swap3A_541] {strides = array<i32>} : memref<512xf32, #tpu.memory_space<vmem>>, vector<16xf32>,
    tpu.vector_store %arg25[%swap3A_541], %broadcast_in_dim3A_1 {strides = array<i32>} : memref<512xf32, #tpu.memory_space<vmem>>, vector<16xf32>,
    %swap3A_543 = arith.constant 208 : index
    %swap3A_544 = tpu.vector_load %arg25[%swap3A_543] {strides = array<i32>} : memref<512xf32, #tpu.memory_space<vmem>>, vector<16xf32>,
    tpu.vector_store %arg25[%swap3A_543], %broadcast_in_dim3A_1 {strides = array<i32>} : memref<512xf32, #tpu.memory_space<vmem>>, vector<16xf32>,
    %swap3A_545 = arith.constant 224 : index
    %swap3A_546 = tpu.vector_load %arg25[%swap3A_545] {strides = array<i32>} : memref<512xf32, #tpu.memory_space<vmem>>, vector<16xf32>,
    tpu.vector_store %arg25[%swap3A_545], %broadcast_in_dim3A_1 {strides = array<i32>} : memref<512xf32, #tpu.memory_space<vmem>>, vector<16xf32>,
    %swap3A_547 = arith.constant 240 : index
    %swap3A_548 = tpu.vector_load %arg25[%swap3A_547] {strides = array<i32>} : memref<512xf32, #tpu.memory_space<vmem>>, vector<16xf32>,
    tpu.vector_store %arg25[%swap3A_547], %broadcast_in_dim3A_1 {strides = array<i32>} : memref<512xf32, #tpu.memory_space<vmem>>, vector<16xf32>,
    %swap3A_549 = arith.constant 256 : index
    %swap3A_550 = tpu.vector_load %arg25[%swap3A_549] {strides = array<i32>} : memref<512xf32, #tpu.memory_space<vmem>>, vector<16xf32>,
    tpu.vector_store %arg25[%swap3A_549], %broadcast_in_dim3A_1 {strides = array<i32>} : memref<512xf32, #tpu.memory_space<vmem>>, vector<16xf32>,
    %swap3A_551 = arith.constant 272 : index
    %swap3A_552 = tpu.vector_load %arg25[%swap3A_551] {strides = array<i32>} : memref<512xf32, #tpu.memory_space<vmem>>, vector<16xf32>,
    tpu.vector_store %arg25[%swap3A_551], %broadcast_in_dim3A_1 {strides = array<i32>} : memref<512xf32, #tpu.memory_space<vmem>>, vector<16xf32>,
    %swap3A_553 = arith.constant 288 : index
    %swap3A_554 = tpu.vector_load %arg25[%swap3A_553] {strides = array<i32>} : memref<512xf32, #tpu.memory_space<vmem>>, vector<16xf32>,
    tpu.vector_store %arg25[%swap3A_553], %broadcast_in_dim3A_1 {strides = array<i32>} : memref<512xf32, #tpu.memory_space<vmem>>, vector<16xf32>,
    %swap3A_555 = arith.constant 304 : index
    %swap3A_556 = tpu.vector_load %arg25[%swap3A_555] {strides = array<i32>} : memref<512xf32, #tpu.memory_space<vmem>>, vector<16xf32>,
    tpu.vector_store %arg25[%swap3A_555], %broadcast_in_dim3A_1 {strides = array<i32>} : memref<512xf32, #tpu.memory_space<vmem>>, vector<16xf32>,
    %swap3A_557 = arith.constant 320 : index
    %swap3A_558 = tpu.vector_load %arg25[%swap3A_557] {strides = array<i32>} : memref<512xf32, #tpu.memory_space<vmem>>, vector<16xf32>,
    tpu.vector_store %arg25[%swap3A_557], %broadcast_in_dim3A_1 {strides = array<i32>} : memref<512xf32, #tpu.memory_space<vmem>>, vector<16xf32>,
    %swap3A_559 = arith.constant 336 : index
    %swap3A_560 = tpu.vector_load %arg25[%swap3A_559] {strides = array<i32>} : memref<512xf32, #tpu.memory_space<vmem>>, vector<16xf32>,
    tpu.vector_store %arg25[%swap3A_559], %broadcast_in_dim3A_1 {strides = array<i32>} : memref<512xf32, #tpu.memory_space<vmem>>, vector<16xf32>,
    %swap3A_561 = arith.constant 352 : index
    %swap3A_562 = tpu.vector_load %arg25[%swap3A_561] {strides = array<i32>} : memref<512xf32, #tpu.memory_space<vmem>>, vector<16xf32>,
    tpu.vector_store %arg25[%swap3A_561], %broadcast_in_dim3A_1 {strides = array<i32>} : memref<512xf32, #tpu.memory_space<vmem>>, vector<16xf32>,
    %swap3A_563 = arith.constant 368 : index
    %swap3A_564 = tpu.vector_load %arg25[%swap3A_563] {strides = array<i32>} : memref<512xf32, #tpu.memory_space<vmem>>, vector<16xf32>,
    tpu.vector_store %arg25[%swap3A_563], %broadcast_in_dim3A_1 {strides = array<i32>} : memref<512xf32, #tpu.memory_space<vmem>>, vector<16xf32>,
    %swap3A_565 = arith.constant 384 : index
    %swap3A_566 = tpu.vector_load %arg25[%swap3A_565] {strides = array<i32>} : memref<512xf32, #tpu.memory_space<vmem>>, vector<16xf32>,
    tpu.vector_store %arg25[%swap3A_565], %broadcast_in_dim3A_1 {strides = array<i32>} : memref<512xf32, #tpu.memory_space<vmem>>, vector<16xf32>,
    %swap3A_567 = arith.constant 400 : index
    %swap3A_568 = tpu.vector_load %arg25[%swap3A_567] {strides = array<i32>} : memref<512xf32, #tpu.memory_space<vmem>>, vector<16xf32>,
    tpu.vector_store %arg25[%swap3A_567], %broadcast_in_dim3A_1 {strides = array<i32>} : memref<512xf32, #tpu.memory_space<vmem>>, vector<16xf32>,
    %swap3A_569 = arith.constant 416 : index
    %swap3A_570 = tpu.vector_load %arg25[%swap3A_569] {strides = array<i32>} : memref<512xf32, #tpu.memory_space<vmem>>, vector<16xf32>,
    tpu.vector_store %arg25[%swap3A_569], %broadcast_in_dim3A_1 {strides = array<i32>} : memref<512xf32, #tpu.memory_space<vmem>>, vector<16xf32>,
    %swap3A_571 = arith.constant 432 : index
    %swap3A_572 = tpu.vector_load %arg25[%swap3A_571] {strides = array<i32>} : memref<512xf32, #tpu.memory_space<vmem>>, vector<16xf32>,
    tpu.vector_store %arg25[%swap3A_571], %broadcast_in_dim3A_1 {strides = array<i32>} : memref<512xf32, #tpu.memory_space<vmem>>, vector<16xf32>,
    %swap3A_573 = arith.constant 448 : index
    %swap3A_574 = tpu.vector_load %arg25[%swap3A_573] {strides = array<i32>} : memref<512xf32, #tpu.memory_space<vmem>>, vector<16xf32>,
    tpu.vector_store %arg25[%swap3A_573], %broadcast_in_dim3A_1 {strides = array<i32>} : memref<512xf32, #tpu.memory_space<vmem>>, vector<16xf32>,
    %swap3A_575 = arith.constant 464 : index
    %swap3A_576 = tpu.vector_load %arg25[%swap3A_575] {strides = array<i32>} : memref<512xf32, #tpu.memory_space<vmem>>, vector<16xf32>,
    tpu.vector_store %arg25[%swap3A_575], %broadcast_in_dim3A_1 {strides = array<i32>} : memref<512xf32, #tpu.memory_space<vmem>>, vector<16xf32>,
    %swap3A_577 = arith.constant 480 : index
    %swap3A_578 = tpu.vector_load %arg25[%swap3A_577] {strides = array<i32>} : memref<512xf32, #tpu.memory_space<vmem>>, vector<16xf32>,
    tpu.vector_store %arg25[%swap3A_577], %broadcast_in_dim3A_1 {strides = array<i32>} : memref<512xf32, #tpu.memory_space<vmem>>, vector<16xf32>,
    %swap3A_579 = arith.constant 496 : index
    %swap3A_580 = tpu.vector_load %arg25[%swap3A_579] {strides = array<i32>} : memref<512xf32, #tpu.memory_space<vmem>>, vector<16xf32>,
    tpu.vector_store %arg25[%swap3A_579], %broadcast_in_dim3A_1 {strides = array<i32>} : memref<512xf32, #tpu.memory_space<vmem>>, vector<16xf32>,
    %swap3A_581 = arith.constant 0 : index
    %swap3A_582 = tpu.vector_load %arg26[%swap3A_581] {strides = array<i32>} : memref<512xf32, #tpu.memory_space<vmem>>, vector<16xf32>,
    tpu.vector_store %arg26[%swap3A_581], %broadcast_in_dim3A_1 {strides = array<i32>} : memref<512xf32, #tpu.memory_space<vmem>>, vector<16xf32>,
    %swap3A_583 = arith.constant 16 : index
    %swap3A_584 = tpu.vector_load %arg26[%swap3A_583] {strides = array<i32>} : memref<512xf32, #tpu.memory_space<vmem>>, vector<16xf32>,
    tpu.vector_store %arg26[%swap3A_583], %broadcast_in_dim3A_1 {strides = array<i32>} : memref<512xf32, #tpu.memory_space<vmem>>, vector<16xf32>,
    %swap3A_585 = arith.constant 32 : index
    %swap3A_586 = tpu.vector_load %arg26[%swap3A_585] {strides = array<i32>} : memref<512xf32, #tpu.memory_space<vmem>>, vector<16xf32>,
    tpu.vector_store %arg26[%swap3A_585], %broadcast_in_dim3A_1 {strides = array<i32>} : memref<512xf32, #tpu.memory_space<vmem>>, vector<16xf32>,
    %swap3A_587 = arith.constant 48 : index
    %swap3A_588 = tpu.vector_load %arg26[%swap3A_587] {strides = array<i32>} : memref<512xf32, #tpu.memory_space<vmem>>, vector<16xf32>,
    tpu.vector_store %arg26[%swap3A_587], %broadcast_in_dim3A_1 {strides = array<i32>} : memref<512xf32, #tpu.memory_space<vmem>>, vector<16xf32>,
    %swap3A_589 = arith.constant 64 : index
    %swap3A_590 = tpu.vector_load %arg26[%swap3A_589] {strides = array<i32>} : memref<512xf32, #tpu.memory_space<vmem>>, vector<16xf32>,
    tpu.vector_store %arg26[%swap3A_589], %broadcast_in_dim3A_1 {strides = array<i32>} : memref<512xf32, #tpu.memory_space<vmem>>, vector<16xf32>,
    %swap3A_591 = arith.constant 80 : index
    %swap3A_592 = tpu.vector_load %arg26[%swap3A_591] {strides = array<i32>} : memref<512xf32, #tpu.memory_space<vmem>>, vector<16xf32>,
    tpu.vector_store %arg26[%swap3A_591], %broadcast_in_dim3A_1 {strides = array<i32>} : memref<512xf32, #tpu.memory_space<vmem>>, vector<16xf32>,
    %swap3A_593 = arith.constant 96 : index
    %swap3A_594 = tpu.vector_load %arg26[%swap3A_593] {strides = array<i32>} : memref<512xf32, #tpu.memory_space<vmem>>, vector<16xf32>,
    tpu.vector_store %arg26[%swap3A_593], %broadcast_in_dim3A_1 {strides = array<i32>} : memref<512xf32, #tpu.memory_space<vmem>>, vector<16xf32>,
    %swap3A_595 = arith.constant 112 : index
    %swap3A_596 = tpu.vector_load %arg26[%swap3A_595] {strides = array<i32>} : memref<512xf32, #tpu.memory_space<vmem>>, vector<16xf32>,
    tpu.vector_store %arg26[%swap3A_595], %broadcast_in_dim3A_1 {strides = array<i32>} : memref<512xf32, #tpu.memory_space<vmem>>, vector<16xf32>,
    %swap3A_597 = arith.constant 128 : index
    %swap3A_598 = tpu.vector_load %arg26[%swap3A_597] {strides = array<i32>} : memref<512xf32, #tpu.memory_space<vmem>>, vector<16xf32>,
    tpu.vector_store %arg26[%swap3A_597], %broadcast_in_dim3A_1 {strides = array<i32>} : memref<512xf32, #tpu.memory_space<vmem>>, vector<16xf32>,
    %swap3A_599 = arith.constant 144 : index
    %swap3A_600 = tpu.vector_load %arg26[%swap3A_599] {strides = array<i32>} : memref<512xf32, #tpu.memory_space<vmem>>, vector<16xf32>,
    tpu.vector_store %arg26[%swap3A_599], %broadcast_in_dim3A_1 {strides = array<i32>} : memref<512xf32, #tpu.memory_space<vmem>>, vector<16xf32>,
    %swap3A_601 = arith.constant 160 : index
    %swap3A_602 = tpu.vector_load %arg26[%swap3A_601] {strides = array<i32>} : memref<512xf32, #tpu.memory_space<vmem>>, vector<16xf32>,
    tpu.vector_store %arg26[%swap3A_601], %broadcast_in_dim3A_1 {strides = array<i32>} : memref<512xf32, #tpu.memory_space<vmem>>, vector<16xf32>,
    %swap3A_603 = arith.constant 176 : index
    %swap3A_604 = tpu.vector_load %arg26[%swap3A_603] {strides = array<i32>} : memref<512xf32, #tpu.memory_space<vmem>>, vector<16xf32>,
    tpu.vector_store %arg26[%swap3A_603], %broadcast_in_dim3A_1 {strides = array<i32>} : memref<512xf32, #tpu.memory_space<vmem>>, vector<16xf32>,
    %swap3A_605 = arith.constant 192 : index
    %swap3A_606 = tpu.vector_load %arg26[%swap3A_605] {strides = array<i32>} : memref<512xf32, #tpu.memory_space<vmem>>, vector<16xf32>,
    tpu.vector_store %arg26[%swap3A_605], %broadcast_in_dim3A_1 {strides = array<i32>} : memref<512xf32, #tpu.memory_space<vmem>>, vector<16xf32>,
    %swap3A_607 = arith.constant 208 : index
    %swap3A_608 = tpu.vector_load %arg26[%swap3A_607] {strides = array<i32>} : memref<512xf32, #tpu.memory_space<vmem>>, vector<16xf32>,
    tpu.vector_store %arg26[%swap3A_607], %broadcast_in_dim3A_1 {strides = array<i32>} : memref<512xf32, #tpu.memory_space<vmem>>, vector<16xf32>,
    %swap3A_609 = arith.constant 224 : index
    %swap3A_610 = tpu.vector_load %arg26[%swap3A_609] {strides = array<i32>} : memref<512xf32, #tpu.memory_space<vmem>>, vector<16xf32>,
    tpu.vector_store %arg26[%swap3A_609], %broadcast_in_dim3A_1 {strides = array<i32>} : memref<512xf32, #tpu.memory_space<vmem>>, vector<16xf32>,
    %swap3A_611 = arith.constant 240 : index
    %swap3A_612 = tpu.vector_load %arg26[%swap3A_611] {strides = array<i32>} : memref<512xf32, #tpu.memory_space<vmem>>, vector<16xf32>,
    tpu.vector_store %arg26[%swap3A_611], %broadcast_in_dim3A_1 {strides = array<i32>} : memref<512xf32, #tpu.memory_space<vmem>>, vector<16xf32>,
    %swap3A_613 = arith.constant 256 : index
    %swap3A_614 = tpu.vector_load %arg26[%swap3A_613] {strides = array<i32>} : memref<512xf32, #tpu.memory_space<vmem>>, vector<16xf32>,
    tpu.vector_store %arg26[%swap3A_613], %broadcast_in_dim3A_1 {strides = array<i32>} : memref<512xf32, #tpu.memory_space<vmem>>, vector<16xf32>,
    %swap3A_615 = arith.constant 272 : index
    %swap3A_616 = tpu.vector_load %arg26[%swap3A_615] {strides = array<i32>} : memref<512xf32, #tpu.memory_space<vmem>>, vector<16xf32>,
    tpu.vector_store %arg26[%swap3A_615], %broadcast_in_dim3A_1 {strides = array<i32>} : memref<512xf32, #tpu.memory_space<vmem>>, vector<16xf32>,
    %swap3A_617 = arith.constant 288 : index
    %swap3A_618 = tpu.vector_load %arg26[%swap3A_617] {strides = array<i32>} : memref<512xf32, #tpu.memory_space<vmem>>, vector<16xf32>,
    tpu.vector_store %arg26[%swap3A_617], %broadcast_in_dim3A_1 {strides = array<i32>} : memref<512xf32, #tpu.memory_space<vmem>>, vector<16xf32>,
    %swap3A_619 = arith.constant 304 : index
    %swap3A_620 = tpu.vector_load %arg26[%swap3A_619] {strides = array<i32>} : memref<512xf32, #tpu.memory_space<vmem>>, vector<16xf32>,
    tpu.vector_store %arg26[%swap3A_619], %broadcast_in_dim3A_1 {strides = array<i32>} : memref<512xf32, #tpu.memory_space<vmem>>, vector<16xf32>,
    %swap3A_621 = arith.constant 320 : index
    %swap3A_622 = tpu.vector_load %arg26[%swap3A_621] {strides = array<i32>} : memref<512xf32, #tpu.memory_space<vmem>>, vector<16xf32>,
    tpu.vector_store %arg26[%swap3A_621], %broadcast_in_dim3A_1 {strides = array<i32>} : memref<512xf32, #tpu.memory_space<vmem>>, vector<16xf32>,
    %swap3A_623 = arith.constant 336 : index
    %swap3A_624 = tpu.vector_load %arg26[%swap3A_623] {strides = array<i32>} : memref<512xf32, #tpu.memory_space<vmem>>, vector<16xf32>,
    tpu.vector_store %arg26[%swap3A_623], %broadcast_in_dim3A_1 {strides = array<i32>} : memref<512xf32, #tpu.memory_space<vmem>>, vector<16xf32>,
    %swap3A_625 = arith.constant 352 : index
    %swap3A_626 = tpu.vector_load %arg26[%swap3A_625] {strides = array<i32>} : memref<512xf32, #tpu.memory_space<vmem>>, vector<16xf32>,
    tpu.vector_store %arg26[%swap3A_625], %broadcast_in_dim3A_1 {strides = array<i32>} : memref<512xf32, #tpu.memory_space<vmem>>, vector<16xf32>,
    %swap3A_627 = arith.constant 368 : index
    %swap3A_628 = tpu.vector_load %arg26[%swap3A_627] {strides = array<i32>} : memref<512xf32, #tpu.memory_space<vmem>>, vector<16xf32>,
    tpu.vector_store %arg26[%swap3A_627], %broadcast_in_dim3A_1 {strides = array<i32>} : memref<512xf32, #tpu.memory_space<vmem>>, vector<16xf32>,
    %swap3A_629 = arith.constant 384 : index
    %swap3A_630 = tpu.vector_load %arg26[%swap3A_629] {strides = array<i32>} : memref<512xf32, #tpu.memory_space<vmem>>, vector<16xf32>,
    tpu.vector_store %arg26[%swap3A_629], %broadcast_in_dim3A_1 {strides = array<i32>} : memref<512xf32, #tpu.memory_space<vmem>>, vector<16xf32>,
    %swap3A_631 = arith.constant 400 : index
    %swap3A_632 = tpu.vector_load %arg26[%swap3A_631] {strides = array<i32>} : memref<512xf32, #tpu.memory_space<vmem>>, vector<16xf32>,
    tpu.vector_store %arg26[%swap3A_631], %broadcast_in_dim3A_1 {strides = array<i32>} : memref<512xf32, #tpu.memory_space<vmem>>, vector<16xf32>,
    %swap3A_633 = arith.constant 416 : index
    %swap3A_634 = tpu.vector_load %arg26[%swap3A_633] {strides = array<i32>} : memref<512xf32, #tpu.memory_space<vmem>>, vector<16xf32>,
    tpu.vector_store %arg26[%swap3A_633], %broadcast_in_dim3A_1 {strides = array<i32>} : memref<512xf32, #tpu.memory_space<vmem>>, vector<16xf32>,
    %swap3A_635 = arith.constant 432 : index
    %swap3A_636 = tpu.vector_load %arg26[%swap3A_635] {strides = array<i32>} : memref<512xf32, #tpu.memory_space<vmem>>, vector<16xf32>,
    tpu.vector_store %arg26[%swap3A_635], %broadcast_in_dim3A_1 {strides = array<i32>} : memref<512xf32, #tpu.memory_space<vmem>>, vector<16xf32>,
    %swap3A_637 = arith.constant 448 : index
    %swap3A_638 = tpu.vector_load %arg26[%swap3A_637] {strides = array<i32>} : memref<512xf32, #tpu.memory_space<vmem>>, vector<16xf32>,
    tpu.vector_store %arg26[%swap3A_637], %broadcast_in_dim3A_1 {strides = array<i32>} : memref<512xf32, #tpu.memory_space<vmem>>, vector<16xf32>,
    %swap3A_639 = arith.constant 464 : index
    %swap3A_640 = tpu.vector_load %arg26[%swap3A_639] {strides = array<i32>} : memref<512xf32, #tpu.memory_space<vmem>>, vector<16xf32>,
    tpu.vector_store %arg26[%swap3A_639], %broadcast_in_dim3A_1 {strides = array<i32>} : memref<512xf32, #tpu.memory_space<vmem>>, vector<16xf32>,
    %swap3A_641 = arith.constant 480 : index
    %swap3A_642 = tpu.vector_load %arg26[%swap3A_641] {strides = array<i32>} : memref<512xf32, #tpu.memory_space<vmem>>, vector<16xf32>,
    tpu.vector_store %arg26[%swap3A_641], %broadcast_in_dim3A_1 {strides = array<i32>} : memref<512xf32, #tpu.memory_space<vmem>>, vector<16xf32>,
    %swap3A_643 = arith.constant 496 : index
    %swap3A_644 = tpu.vector_load %arg26[%swap3A_643] {strides = array<i32>} : memref<512xf32, #tpu.memory_space<vmem>>, vector<16xf32>,
    tpu.vector_store %arg26[%swap3A_643], %broadcast_in_dim3A_1 {strides = array<i32>} : memref<512xf32, #tpu.memory_space<vmem>>, vector<16xf32>,
    %swap3A_645 = arith.constant 0 : index
    %swap3A_646 = tpu.vector_load %arg27[%swap3A_645] {strides = array<i32>} : memref<512xf32, #tpu.memory_space<vmem>>, vector<16xf32>,
    tpu.vector_store %arg27[%swap3A_645], %broadcast_in_dim3A_1 {strides = array<i32>} : memref<512xf32, #tpu.memory_space<vmem>>, vector<16xf32>,
    %swap3A_647 = arith.constant 16 : index
    %swap3A_648 = tpu.vector_load %arg27[%swap3A_647] {strides = array<i32>} : memref<512xf32, #tpu.memory_space<vmem>>, vector<16xf32>,
    tpu.vector_store %arg27[%swap3A_647], %broadcast_in_dim3A_1 {strides = array<i32>} : memref<512xf32, #tpu.memory_space<vmem>>, vector<16xf32>,
    %swap3A_649 = arith.constant 32 : index
    %swap3A_650 = tpu.vector_load %arg27[%swap3A_649] {strides = array<i32>} : memref<512xf32, #tpu.memory_space<vmem>>, vector<16xf32>,
    tpu.vector_store %arg27[%swap3A_649], %broadcast_in_dim3A_1 {strides = array<i32>} : memref<512xf32, #tpu.memory_space<vmem>>, vector<16xf32>,
    %swap3A_651 = arith.constant 48 : index
    %swap3A_652 = tpu.vector_load %arg27[%swap3A_651] {strides = array<i32>} : memref<512xf32, #tpu.memory_space<vmem>>, vector<16xf32>,
    tpu.vector_store %arg27[%swap3A_651], %broadcast_in_dim3A_1 {strides = array<i32>} : memref<512xf32, #tpu.memory_space<vmem>>, vector<16xf32>,
    %swap3A_653 = arith.constant 64 : index
    %swap3A_654 = tpu.vector_load %arg27[%swap3A_653] {strides = array<i32>} : memref<512xf32, #tpu.memory_space<vmem>>, vector<16xf32>,
    tpu.vector_store %arg27[%swap3A_653], %broadcast_in_dim3A_1 {strides = array<i32>} : memref<512xf32, #tpu.memory_space<vmem>>, vector<16xf32>,
    %swap3A_655 = arith.constant 80 : index
    %swap3A_656 = tpu.vector_load %arg27[%swap3A_655] {strides = array<i32>} : memref<512xf32, #tpu.memory_space<vmem>>, vector<16xf32>,
    tpu.vector_store %arg27[%swap3A_655], %broadcast_in_dim3A_1 {strides = array<i32>} : memref<512xf32, #tpu.memory_space<vmem>>, vector<16xf32>,
    %swap3A_657 = arith.constant 96 : index
    %swap3A_658 = tpu.vector_load %arg27[%swap3A_657] {strides = array<i32>} : memref<512xf32, #tpu.memory_space<vmem>>, vector<16xf32>,
    tpu.vector_store %arg27[%swap3A_657], %broadcast_in_dim3A_1 {strides = array<i32>} : memref<512xf32, #tpu.memory_space<vmem>>, vector<16xf32>,
    %swap3A_659 = arith.constant 112 : index
    %swap3A_660 = tpu.vector_load %arg27[%swap3A_659] {strides = array<i32>} : memref<512xf32, #tpu.memory_space<vmem>>, vector<16xf32>,
    tpu.vector_store %arg27[%swap3A_659], %broadcast_in_dim3A_1 {strides = array<i32>} : memref<512xf32, #tpu.memory_space<vmem>>, vector<16xf32>,
    %swap3A_661 = arith.constant 128 : index
    %swap3A_662 = tpu.vector_load %arg27[%swap3A_661] {strides = array<i32>} : memref<512xf32, #tpu.memory_space<vmem>>, vector<16xf32>,
    tpu.vector_store %arg27[%swap3A_661], %broadcast_in_dim3A_1 {strides = array<i32>} : memref<512xf32, #tpu.memory_space<vmem>>, vector<16xf32>,
    %swap3A_663 = arith.constant 144 : index
    %swap3A_664 = tpu.vector_load %arg27[%swap3A_663] {strides = array<i32>} : memref<512xf32, #tpu.memory_space<vmem>>, vector<16xf32>,
    tpu.vector_store %arg27[%swap3A_663], %broadcast_in_dim3A_1 {strides = array<i32>} : memref<512xf32, #tpu.memory_space<vmem>>, vector<16xf32>,
    %swap3A_665 = arith.constant 160 : index
    %swap3A_666 = tpu.vector_load %arg27[%swap3A_665] {strides = array<i32>} : memref<512xf32, #tpu.memory_space<vmem>>, vector<16xf32>,
    tpu.vector_store %arg27[%swap3A_665], %broadcast_in_dim3A_1 {strides = array<i32>} : memref<512xf32, #tpu.memory_space<vmem>>, vector<16xf32>,
    %swap3A_667 = arith.constant 176 : index
    %swap3A_668 = tpu.vector_load %arg27[%swap3A_667] {strides = array<i32>} : memref<512xf32, #tpu.memory_space<vmem>>, vector<16xf32>,
    tpu.vector_store %arg27[%swap3A_667], %broadcast_in_dim3A_1 {strides = array<i32>} : memref<512xf32, #tpu.memory_space<vmem>>, vector<16xf32>,
    %swap3A_669 = arith.constant 192 : index
    %swap3A_670 = tpu.vector_load %arg27[%swap3A_669] {strides = array<i32>} : memref<512xf32, #tpu.memory_space<vmem>>, vector<16xf32>,
    tpu.vector_store %arg27[%swap3A_669], %broadcast_in_dim3A_1 {strides = array<i32>} : memref<512xf32, #tpu.memory_space<vmem>>, vector<16xf32>,
    %swap3A_671 = arith.constant 208 : index
    %swap3A_672 = tpu.vector_load %arg27[%swap3A_671] {strides = array<i32>} : memref<512xf32, #tpu.memory_space<vmem>>, vector<16xf32>,
    tpu.vector_store %arg27[%swap3A_671], %broadcast_in_dim3A_1 {strides = array<i32>} : memref<512xf32, #tpu.memory_space<vmem>>, vector<16xf32>,
    %swap3A_673 = arith.constant 224 : index
    %swap3A_674 = tpu.vector_load %arg27[%swap3A_673] {strides = array<i32>} : memref<512xf32, #tpu.memory_space<vmem>>, vector<16xf32>,
    tpu.vector_store %arg27[%swap3A_673], %broadcast_in_dim3A_1 {strides = array<i32>} : memref<512xf32, #tpu.memory_space<vmem>>, vector<16xf32>,
    %swap3A_675 = arith.constant 240 : index
    %swap3A_676 = tpu.vector_load %arg27[%swap3A_675] {strides = array<i32>} : memref<512xf32, #tpu.memory_space<vmem>>, vector<16xf32>,
    tpu.vector_store %arg27[%swap3A_675], %broadcast_in_dim3A_1 {strides = array<i32>} : memref<512xf32, #tpu.memory_space<vmem>>, vector<16xf32>,
    %swap3A_677 = arith.constant 256 : index
    %swap3A_678 = tpu.vector_load %arg27[%swap3A_677] {strides = array<i32>} : memref<512xf32, #tpu.memory_space<vmem>>, vector<16xf32>,
    tpu.vector_store %arg27[%swap3A_677], %broadcast_in_dim3A_1 {strides = array<i32>} : memref<512xf32, #tpu.memory_space<vmem>>, vector<16xf32>,
    %swap3A_679 = arith.constant 272 : index
    %swap3A_680 = tpu.vector_load %arg27[%swap3A_679] {strides = array<i32>} : memref<512xf32, #tpu.memory_space<vmem>>, vector<16xf32>,
    tpu.vector_store %arg27[%swap3A_679], %broadcast_in_dim3A_1 {strides = array<i32>} : memref<512xf32, #tpu.memory_space<vmem>>, vector<16xf32>,
    %swap3A_681 = arith.constant 288 : index
    %swap3A_682 = tpu.vector_load %arg27[%swap3A_681] {strides = array<i32>} : memref<512xf32, #tpu.memory_space<vmem>>, vector<16xf32>,
    tpu.vector_store %arg27[%swap3A_681], %broadcast_in_dim3A_1 {strides = array<i32>} : memref<512xf32, #tpu.memory_space<vmem>>, vector<16xf32>,
    %swap3A_683 = arith.constant 304 : index
    %swap3A_684 = tpu.vector_load %arg27[%swap3A_683] {strides = array<i32>} : memref<512xf32, #tpu.memory_space<vmem>>, vector<16xf32>,
    tpu.vector_store %arg27[%swap3A_683], %broadcast_in_dim3A_1 {strides = array<i32>} : memref<512xf32, #tpu.memory_space<vmem>>, vector<16xf32>,
    %swap3A_685 = arith.constant 320 : index
    %swap3A_686 = tpu.vector_load %arg27[%swap3A_685] {strides = array<i32>} : memref<512xf32, #tpu.memory_space<vmem>>, vector<16xf32>,
    tpu.vector_store %arg27[%swap3A_685], %broadcast_in_dim3A_1 {strides = array<i32>} : memref<512xf32, #tpu.memory_space<vmem>>, vector<16xf32>,
    %swap3A_687 = arith.constant 336 : index
    %swap3A_688 = tpu.vector_load %arg27[%swap3A_687] {strides = array<i32>} : memref<512xf32, #tpu.memory_space<vmem>>, vector<16xf32>,
    tpu.vector_store %arg27[%swap3A_687], %broadcast_in_dim3A_1 {strides = array<i32>} : memref<512xf32, #tpu.memory_space<vmem>>, vector<16xf32>,
    %swap3A_689 = arith.constant 352 : index
    %swap3A_690 = tpu.vector_load %arg27[%swap3A_689] {strides = array<i32>} : memref<512xf32, #tpu.memory_space<vmem>>, vector<16xf32>,
    tpu.vector_store %arg27[%swap3A_689], %broadcast_in_dim3A_1 {strides = array<i32>} : memref<512xf32, #tpu.memory_space<vmem>>, vector<16xf32>,
    %swap3A_691 = arith.constant 368 : index
    %swap3A_692 = tpu.vector_load %arg27[%swap3A_691] {strides = array<i32>} : memref<512xf32, #tpu.memory_space<vmem>>, vector<16xf32>,
    tpu.vector_store %arg27[%swap3A_691], %broadcast_in_dim3A_1 {strides = array<i32>} : memref<512xf32, #tpu.memory_space<vmem>>, vector<16xf32>,
    %swap3A_693 = arith.constant 384 : index
    %swap3A_694 = tpu.vector_load %arg27[%swap3A_693] {strides = array<i32>} : memref<512xf32, #tpu.memory_space<vmem>>, vector<16xf32>,
    tpu.vector_store %arg27[%swap3A_693], %broadcast_in_dim3A_1 {strides = array<i32>} : memref<512xf32, #tpu.memory_space<vmem>>, vector<16xf32>,
    %swap3A_695 = arith.constant 400 : index
    %swap3A_696 = tpu.vector_load %arg27[%swap3A_695] {strides = array<i32>} : memref<512xf32, #tpu.memory_space<vmem>>, vector<16xf32>,
    tpu.vector_store %arg27[%swap3A_695], %broadcast_in_dim3A_1 {strides = array<i32>} : memref<512xf32, #tpu.memory_space<vmem>>, vector<16xf32>,
    %swap3A_697 = arith.constant 416 : index
    %swap3A_698 = tpu.vector_load %arg27[%swap3A_697] {strides = array<i32>} : memref<512xf32, #tpu.memory_space<vmem>>, vector<16xf32>,
    tpu.vector_store %arg27[%swap3A_697], %broadcast_in_dim3A_1 {strides = array<i32>} : memref<512xf32, #tpu.memory_space<vmem>>, vector<16xf32>,
    %swap3A_699 = arith.constant 432 : index
    %swap3A_700 = tpu.vector_load %arg27[%swap3A_699] {strides = array<i32>} : memref<512xf32, #tpu.memory_space<vmem>>, vector<16xf32>,
    tpu.vector_store %arg27[%swap3A_699], %broadcast_in_dim3A_1 {strides = array<i32>} : memref<512xf32, #tpu.memory_space<vmem>>, vector<16xf32>,
    %swap3A_701 = arith.constant 448 : index
    %swap3A_702 = tpu.vector_load %arg27[%swap3A_701] {strides = array<i32>} : memref<512xf32, #tpu.memory_space<vmem>>, vector<16xf32>,
    tpu.vector_store %arg27[%swap3A_701], %broadcast_in_dim3A_1 {strides = array<i32>} : memref<512xf32, #tpu.memory_space<vmem>>, vector<16xf32>,
    %swap3A_703 = arith.constant 464 : index
    %swap3A_704 = tpu.vector_load %arg27[%swap3A_703] {strides = array<i32>} : memref<512xf32, #tpu.memory_space<vmem>>, vector<16xf32>,
    tpu.vector_store %arg27[%swap3A_703], %broadcast_in_dim3A_1 {strides = array<i32>} : memref<512xf32, #tpu.memory_space<vmem>>, vector<16xf32>,
    %swap3A_705 = arith.constant 480 : index
    %swap3A_706 = tpu.vector_load %arg27[%swap3A_705] {strides = array<i32>} : memref<512xf32, #tpu.memory_space<vmem>>, vector<16xf32>,
    tpu.vector_store %arg27[%swap3A_705], %broadcast_in_dim3A_1 {strides = array<i32>} : memref<512xf32, #tpu.memory_space<vmem>>, vector<16xf32>,
    %swap3A_707 = arith.constant 496 : index
    %swap3A_708 = tpu.vector_load %arg27[%swap3A_707] {strides = array<i32>} : memref<512xf32, #tpu.memory_space<vmem>>, vector<16xf32>,
    tpu.vector_store %arg27[%swap3A_707], %broadcast_in_dim3A_1 {strides = array<i32>} : memref<512xf32, #tpu.memory_space<vmem>>, vector<16xf32>,
    %swap3A_709 = arith.constant 0 : index
    %swap3A_710 = tpu.vector_load %arg28[%swap3A_709] {strides = array<i32>} : memref<512xf32, #tpu.memory_space<vmem>>, vector<16xf32>,
    tpu.vector_store %arg28[%swap3A_709], %broadcast_in_dim3A_1 {strides = array<i32>} : memref<512xf32, #tpu.memory_space<vmem>>, vector<16xf32>,
    %swap3A_711 = arith.constant 16 : index
    %swap3A_712 = tpu.vector_load %arg28[%swap3A_711] {strides = array<i32>} : memref<512xf32, #tpu.memory_space<vmem>>, vector<16xf32>,
    tpu.vector_store %arg28[%swap3A_711], %broadcast_in_dim3A_1 {strides = array<i32>} : memref<512xf32, #tpu.memory_space<vmem>>, vector<16xf32>,
    %swap3A_713 = arith.constant 32 : index
    %swap3A_714 = tpu.vector_load %arg28[%swap3A_713] {strides = array<i32>} : memref<512xf32, #tpu.memory_space<vmem>>, vector<16xf32>,
    tpu.vector_store %arg28[%swap3A_713], %broadcast_in_dim3A_1 {strides = array<i32>} : memref<512xf32, #tpu.memory_space<vmem>>, vector<16xf32>,
    %swap3A_715 = arith.constant 48 : index
    %swap3A_716 = tpu.vector_load %arg28[%swap3A_715] {strides = array<i32>} : memref<512xf32, #tpu.memory_space<vmem>>, vector<16xf32>,
    tpu.vector_store %arg28[%swap3A_715], %broadcast_in_dim3A_1 {strides = array<i32>} : memref<512xf32, #tpu.memory_space<vmem>>, vector<16xf32>,
    %swap3A_717 = arith.constant 64 : index
    %swap3A_718 = tpu.vector_load %arg28[%swap3A_717] {strides = array<i32>} : memref<512xf32, #tpu.memory_space<vmem>>, vector<16xf32>,
    tpu.vector_store %arg28[%swap3A_717], %broadcast_in_dim3A_1 {strides = array<i32>} : memref<512xf32, #tpu.memory_space<vmem>>, vector<16xf32>,
    %swap3A_719 = arith.constant 80 : index
    %swap3A_720 = tpu.vector_load %arg28[%swap3A_719] {strides = array<i32>} : memref<512xf32, #tpu.memory_space<vmem>>, vector<16xf32>,
    tpu.vector_store %arg28[%swap3A_719], %broadcast_in_dim3A_1 {strides = array<i32>} : memref<512xf32, #tpu.memory_space<vmem>>, vector<16xf32>,
    %swap3A_721 = arith.constant 96 : index
    %swap3A_722 = tpu.vector_load %arg28[%swap3A_721] {strides = array<i32>} : memref<512xf32, #tpu.memory_space<vmem>>, vector<16xf32>,
    tpu.vector_store %arg28[%swap3A_721], %broadcast_in_dim3A_1 {strides = array<i32>} : memref<512xf32, #tpu.memory_space<vmem>>, vector<16xf32>,
    %swap3A_723 = arith.constant 112 : index
    %swap3A_724 = tpu.vector_load %arg28[%swap3A_723] {strides = array<i32>} : memref<512xf32, #tpu.memory_space<vmem>>, vector<16xf32>,
    tpu.vector_store %arg28[%swap3A_723], %broadcast_in_dim3A_1 {strides = array<i32>} : memref<512xf32, #tpu.memory_space<vmem>>, vector<16xf32>,
    %swap3A_725 = arith.constant 128 : index
    %swap3A_726 = tpu.vector_load %arg28[%swap3A_725] {strides = array<i32>} : memref<512xf32, #tpu.memory_space<vmem>>, vector<16xf32>,
    tpu.vector_store %arg28[%swap3A_725], %broadcast_in_dim3A_1 {strides = array<i32>} : memref<512xf32, #tpu.memory_space<vmem>>, vector<16xf32>,
    %swap3A_727 = arith.constant 144 : index
    %swap3A_728 = tpu.vector_load %arg28[%swap3A_727] {strides = array<i32>} : memref<512xf32, #tpu.memory_space<vmem>>, vector<16xf32>,
    tpu.vector_store %arg28[%swap3A_727], %broadcast_in_dim3A_1 {strides = array<i32>} : memref<512xf32, #tpu.memory_space<vmem>>, vector<16xf32>,
    %swap3A_729 = arith.constant 160 : index
    %swap3A_730 = tpu.vector_load %arg28[%swap3A_729] {strides = array<i32>} : memref<512xf32, #tpu.memory_space<vmem>>, vector<16xf32>,
    tpu.vector_store %arg28[%swap3A_729], %broadcast_in_dim3A_1 {strides = array<i32>} : memref<512xf32, #tpu.memory_space<vmem>>, vector<16xf32>,
    %swap3A_731 = arith.constant 176 : index
    %swap3A_732 = tpu.vector_load %arg28[%swap3A_731] {strides = array<i32>} : memref<512xf32, #tpu.memory_space<vmem>>, vector<16xf32>,
    tpu.vector_store %arg28[%swap3A_731], %broadcast_in_dim3A_1 {strides = array<i32>} : memref<512xf32, #tpu.memory_space<vmem>>, vector<16xf32>,
    %swap3A_733 = arith.constant 192 : index
    %swap3A_734 = tpu.vector_load %arg28[%swap3A_733] {strides = array<i32>} : memref<512xf32, #tpu.memory_space<vmem>>, vector<16xf32>,
    tpu.vector_store %arg28[%swap3A_733], %broadcast_in_dim3A_1 {strides = array<i32>} : memref<512xf32, #tpu.memory_space<vmem>>, vector<16xf32>,
    %swap3A_735 = arith.constant 208 : index
    %swap3A_736 = tpu.vector_load %arg28[%swap3A_735] {strides = array<i32>} : memref<512xf32, #tpu.memory_space<vmem>>, vector<16xf32>,
    tpu.vector_store %arg28[%swap3A_735], %broadcast_in_dim3A_1 {strides = array<i32>} : memref<512xf32, #tpu.memory_space<vmem>>, vector<16xf32>,
    %swap3A_737 = arith.constant 224 : index
    %swap3A_738 = tpu.vector_load %arg28[%swap3A_737] {strides = array<i32>} : memref<512xf32, #tpu.memory_space<vmem>>, vector<16xf32>,
    tpu.vector_store %arg28[%swap3A_737], %broadcast_in_dim3A_1 {strides = array<i32>} : memref<512xf32, #tpu.memory_space<vmem>>, vector<16xf32>,
    %swap3A_739 = arith.constant 240 : index
    %swap3A_740 = tpu.vector_load %arg28[%swap3A_739] {strides = array<i32>} : memref<512xf32, #tpu.memory_space<vmem>>, vector<16xf32>,
    tpu.vector_store %arg28[%swap3A_739], %broadcast_in_dim3A_1 {strides = array<i32>} : memref<512xf32, #tpu.memory_space<vmem>>, vector<16xf32>,
    %swap3A_741 = arith.constant 256 : index
    %swap3A_742 = tpu.vector_load %arg28[%swap3A_741] {strides = array<i32>} : memref<512xf32, #tpu.memory_space<vmem>>, vector<16xf32>,
    tpu.vector_store %arg28[%swap3A_741], %broadcast_in_dim3A_1 {strides = array<i32>} : memref<512xf32, #tpu.memory_space<vmem>>, vector<16xf32>,
    %swap3A_743 = arith.constant 272 : index
    %swap3A_744 = tpu.vector_load %arg28[%swap3A_743] {strides = array<i32>} : memref<512xf32, #tpu.memory_space<vmem>>, vector<16xf32>,
    tpu.vector_store %arg28[%swap3A_743], %broadcast_in_dim3A_1 {strides = array<i32>} : memref<512xf32, #tpu.memory_space<vmem>>, vector<16xf32>,
    %swap3A_745 = arith.constant 288 : index
    %swap3A_746 = tpu.vector_load %arg28[%swap3A_745] {strides = array<i32>} : memref<512xf32, #tpu.memory_space<vmem>>, vector<16xf32>,
    tpu.vector_store %arg28[%swap3A_745], %broadcast_in_dim3A_1 {strides = array<i32>} : memref<512xf32, #tpu.memory_space<vmem>>, vector<16xf32>,
    %swap3A_747 = arith.constant 304 : index
    %swap3A_748 = tpu.vector_load %arg28[%swap3A_747] {strides = array<i32>} : memref<512xf32, #tpu.memory_space<vmem>>, vector<16xf32>,
    tpu.vector_store %arg28[%swap3A_747], %broadcast_in_dim3A_1 {strides = array<i32>} : memref<512xf32, #tpu.memory_space<vmem>>, vector<16xf32>,
    %swap3A_749 = arith.constant 320 : index
    %swap3A_750 = tpu.vector_load %arg28[%swap3A_749] {strides = array<i32>} : memref<512xf32, #tpu.memory_space<vmem>>, vector<16xf32>,
    tpu.vector_store %arg28[%swap3A_749], %broadcast_in_dim3A_1 {strides = array<i32>} : memref<512xf32, #tpu.memory_space<vmem>>, vector<16xf32>,
    %swap3A_751 = arith.constant 336 : index
    %swap3A_752 = tpu.vector_load %arg28[%swap3A_751] {strides = array<i32>} : memref<512xf32, #tpu.memory_space<vmem>>, vector<16xf32>,
    tpu.vector_store %arg28[%swap3A_751], %broadcast_in_dim3A_1 {strides = array<i32>} : memref<512xf32, #tpu.memory_space<vmem>>, vector<16xf32>,
    %swap3A_753 = arith.constant 352 : index
    %swap3A_754 = tpu.vector_load %arg28[%swap3A_753] {strides = array<i32>} : memref<512xf32, #tpu.memory_space<vmem>>, vector<16xf32>,
    tpu.vector_store %arg28[%swap3A_753], %broadcast_in_dim3A_1 {strides = array<i32>} : memref<512xf32, #tpu.memory_space<vmem>>, vector<16xf32>,
    %swap3A_755 = arith.constant 368 : index
    %swap3A_756 = tpu.vector_load %arg28[%swap3A_755] {strides = array<i32>} : memref<512xf32, #tpu.memory_space<vmem>>, vector<16xf32>,
    tpu.vector_store %arg28[%swap3A_755], %broadcast_in_dim3A_1 {strides = array<i32>} : memref<512xf32, #tpu.memory_space<vmem>>, vector<16xf32>,
    %swap3A_757 = arith.constant 384 : index
    %swap3A_758 = tpu.vector_load %arg28[%swap3A_757] {strides = array<i32>} : memref<512xf32, #tpu.memory_space<vmem>>, vector<16xf32>,
    tpu.vector_store %arg28[%swap3A_757], %broadcast_in_dim3A_1 {strides = array<i32>} : memref<512xf32, #tpu.memory_space<vmem>>, vector<16xf32>,
    %swap3A_759 = arith.constant 400 : index
    %swap3A_760 = tpu.vector_load %arg28[%swap3A_759] {strides = array<i32>} : memref<512xf32, #tpu.memory_space<vmem>>, vector<16xf32>,
    tpu.vector_store %arg28[%swap3A_759], %broadcast_in_dim3A_1 {strides = array<i32>} : memref<512xf32, #tpu.memory_space<vmem>>, vector<16xf32>,
    %swap3A_761 = arith.constant 416 : index
    %swap3A_762 = tpu.vector_load %arg28[%swap3A_761] {strides = array<i32>} : memref<512xf32, #tpu.memory_space<vmem>>, vector<16xf32>,
    tpu.vector_store %arg28[%swap3A_761], %broadcast_in_dim3A_1 {strides = array<i32>} : memref<512xf32, #tpu.memory_space<vmem>>, vector<16xf32>,
    %swap3A_763 = arith.constant 432 : index
    %swap3A_764 = tpu.vector_load %arg28[%swap3A_763] {strides = array<i32>} : memref<512xf32, #tpu.memory_space<vmem>>, vector<16xf32>,
    tpu.vector_store %arg28[%swap3A_763], %broadcast_in_dim3A_1 {strides = array<i32>} : memref<512xf32, #tpu.memory_space<vmem>>, vector<16xf32>,
    %swap3A_765 = arith.constant 448 : index
    %swap3A_766 = tpu.vector_load %arg28[%swap3A_765] {strides = array<i32>} : memref<512xf32, #tpu.memory_space<vmem>>, vector<16xf32>,
    tpu.vector_store %arg28[%swap3A_765], %broadcast_in_dim3A_1 {strides = array<i32>} : memref<512xf32, #tpu.memory_space<vmem>>, vector<16xf32>,
    %swap3A_767 = arith.constant 464 : index
    %swap3A_768 = tpu.vector_load %arg28[%swap3A_767] {strides = array<i32>} : memref<512xf32, #tpu.memory_space<vmem>>, vector<16xf32>,
    tpu.vector_store %arg28[%swap3A_767], %broadcast_in_dim3A_1 {strides = array<i32>} : memref<512xf32, #tpu.memory_space<vmem>>, vector<16xf32>,
    %swap3A_769 = arith.constant 480 : index
    %swap3A_770 = tpu.vector_load %arg28[%swap3A_769] {strides = array<i32>} : memref<512xf32, #tpu.memory_space<vmem>>, vector<16xf32>,
    tpu.vector_store %arg28[%swap3A_769], %broadcast_in_dim3A_1 {strides = array<i32>} : memref<512xf32, #tpu.memory_space<vmem>>, vector<16xf32>,
    %swap3A_771 = arith.constant 496 : index
    %swap3A_772 = tpu.vector_load %arg28[%swap3A_771] {strides = array<i32>} : memref<512xf32, #tpu.memory_space<vmem>>, vector<16xf32>,
    tpu.vector_store %arg28[%swap3A_771], %broadcast_in_dim3A_1 {strides = array<i32>} : memref<512xf32, #tpu.memory_space<vmem>>, vector<16xf32>,
    %swap3A_773 = arith.constant 0 : index
    %swap3A_774 = tpu.vector_load %arg29[%swap3A_773] {strides = array<i32>} : memref<512xf32, #tpu.memory_space<vmem>>, vector<16xf32>,
    tpu.vector_store %arg29[%swap3A_773], %broadcast_in_dim3A_1 {strides = array<i32>} : memref<512xf32, #tpu.memory_space<vmem>>, vector<16xf32>,
    %swap3A_775 = arith.constant 16 : index
    %swap3A_776 = tpu.vector_load %arg29[%swap3A_775] {strides = array<i32>} : memref<512xf32, #tpu.memory_space<vmem>>, vector<16xf32>,
    tpu.vector_store %arg29[%swap3A_775], %broadcast_in_dim3A_1 {strides = array<i32>} : memref<512xf32, #tpu.memory_space<vmem>>, vector<16xf32>,
    %swap3A_777 = arith.constant 32 : index
    %swap3A_778 = tpu.vector_load %arg29[%swap3A_777] {strides = array<i32>} : memref<512xf32, #tpu.memory_space<vmem>>, vector<16xf32>,
    tpu.vector_store %arg29[%swap3A_777], %broadcast_in_dim3A_1 {strides = array<i32>} : memref<512xf32, #tpu.memory_space<vmem>>, vector<16xf32>,
    %swap3A_779 = arith.constant 48 : index
    %swap3A_780 = tpu.vector_load %arg29[%swap3A_779] {strides = array<i32>} : memref<512xf32, #tpu.memory_space<vmem>>, vector<16xf32>,
    tpu.vector_store %arg29[%swap3A_779], %broadcast_in_dim3A_1 {strides = array<i32>} : memref<512xf32, #tpu.memory_space<vmem>>, vector<16xf32>,
    %swap3A_781 = arith.constant 64 : index
    %swap3A_782 = tpu.vector_load %arg29[%swap3A_781] {strides = array<i32>} : memref<512xf32, #tpu.memory_space<vmem>>, vector<16xf32>,
    tpu.vector_store %arg29[%swap3A_781], %broadcast_in_dim3A_1 {strides = array<i32>} : memref<512xf32, #tpu.memory_space<vmem>>, vector<16xf32>,
    %swap3A_783 = arith.constant 80 : index
    %swap3A_784 = tpu.vector_load %arg29[%swap3A_783] {strides = array<i32>} : memref<512xf32, #tpu.memory_space<vmem>>, vector<16xf32>,
    tpu.vector_store %arg29[%swap3A_783], %broadcast_in_dim3A_1 {strides = array<i32>} : memref<512xf32, #tpu.memory_space<vmem>>, vector<16xf32>,
    %swap3A_785 = arith.constant 96 : index
    %swap3A_786 = tpu.vector_load %arg29[%swap3A_785] {strides = array<i32>} : memref<512xf32, #tpu.memory_space<vmem>>, vector<16xf32>,
    tpu.vector_store %arg29[%swap3A_785], %broadcast_in_dim3A_1 {strides = array<i32>} : memref<512xf32, #tpu.memory_space<vmem>>, vector<16xf32>,
    %swap3A_787 = arith.constant 112 : index
    %swap3A_788 = tpu.vector_load %arg29[%swap3A_787] {strides = array<i32>} : memref<512xf32, #tpu.memory_space<vmem>>, vector<16xf32>,
    tpu.vector_store %arg29[%swap3A_787], %broadcast_in_dim3A_1 {strides = array<i32>} : memref<512xf32, #tpu.memory_space<vmem>>, vector<16xf32>,
    %swap3A_789 = arith.constant 128 : index
    %swap3A_790 = tpu.vector_load %arg29[%swap3A_789] {strides = array<i32>} : memref<512xf32, #tpu.memory_space<vmem>>, vector<16xf32>,
    tpu.vector_store %arg29[%swap3A_789], %broadcast_in_dim3A_1 {strides = array<i32>} : memref<512xf32, #tpu.memory_space<vmem>>, vector<16xf32>,
    %swap3A_791 = arith.constant 144 : index
    %swap3A_792 = tpu.vector_load %arg29[%swap3A_791] {strides = array<i32>} : memref<512xf32, #tpu.memory_space<vmem>>, vector<16xf32>,
    tpu.vector_store %arg29[%swap3A_791], %broadcast_in_dim3A_1 {strides = array<i32>} : memref<512xf32, #tpu.memory_space<vmem>>, vector<16xf32>,
    %swap3A_793 = arith.constant 160 : index
    %swap3A_794 = tpu.vector_load %arg29[%swap3A_793] {strides = array<i32>} : memref<512xf32, #tpu.memory_space<vmem>>, vector<16xf32>,
    tpu.vector_store %arg29[%swap3A_793], %broadcast_in_dim3A_1 {strides = array<i32>} : memref<512xf32, #tpu.memory_space<vmem>>, vector<16xf32>,
    %swap3A_795 = arith.constant 176 : index
    %swap3A_796 = tpu.vector_load %arg29[%swap3A_795] {strides = array<i32>} : memref<512xf32, #tpu.memory_space<vmem>>, vector<16xf32>,
    tpu.vector_store %arg29[%swap3A_795], %broadcast_in_dim3A_1 {strides = array<i32>} : memref<512xf32, #tpu.memory_space<vmem>>, vector<16xf32>,
    %swap3A_797 = arith.constant 192 : index
    %swap3A_798 = tpu.vector_load %arg29[%swap3A_797] {strides = array<i32>} : memref<512xf32, #tpu.memory_space<vmem>>, vector<16xf32>,
    tpu.vector_store %arg29[%swap3A_797], %broadcast_in_dim3A_1 {strides = array<i32>} : memref<512xf32, #tpu.memory_space<vmem>>, vector<16xf32>,
    %swap3A_799 = arith.constant 208 : index
    %swap3A_800 = tpu.vector_load %arg29[%swap3A_799] {strides = array<i32>} : memref<512xf32, #tpu.memory_space<vmem>>, vector<16xf32>,
    tpu.vector_store %arg29[%swap3A_799], %broadcast_in_dim3A_1 {strides = array<i32>} : memref<512xf32, #tpu.memory_space<vmem>>, vector<16xf32>,
    %swap3A_801 = arith.constant 224 : index
    %swap3A_802 = tpu.vector_load %arg29[%swap3A_801] {strides = array<i32>} : memref<512xf32, #tpu.memory_space<vmem>>, vector<16xf32>,
    tpu.vector_store %arg29[%swap3A_801], %broadcast_in_dim3A_1 {strides = array<i32>} : memref<512xf32, #tpu.memory_space<vmem>>, vector<16xf32>,
    %swap3A_803 = arith.constant 240 : index
    %swap3A_804 = tpu.vector_load %arg29[%swap3A_803] {strides = array<i32>} : memref<512xf32, #tpu.memory_space<vmem>>, vector<16xf32>,
    tpu.vector_store %arg29[%swap3A_803], %broadcast_in_dim3A_1 {strides = array<i32>} : memref<512xf32, #tpu.memory_space<vmem>>, vector<16xf32>,
    %swap3A_805 = arith.constant 256 : index
    %swap3A_806 = tpu.vector_load %arg29[%swap3A_805] {strides = array<i32>} : memref<512xf32, #tpu.memory_space<vmem>>, vector<16xf32>,
    tpu.vector_store %arg29[%swap3A_805], %broadcast_in_dim3A_1 {strides = array<i32>} : memref<512xf32, #tpu.memory_space<vmem>>, vector<16xf32>,
    %swap3A_807 = arith.constant 272 : index
    %swap3A_808 = tpu.vector_load %arg29[%swap3A_807] {strides = array<i32>} : memref<512xf32, #tpu.memory_space<vmem>>, vector<16xf32>,
    tpu.vector_store %arg29[%swap3A_807], %broadcast_in_dim3A_1 {strides = array<i32>} : memref<512xf32, #tpu.memory_space<vmem>>, vector<16xf32>,
    %swap3A_809 = arith.constant 288 : index
    %swap3A_810 = tpu.vector_load %arg29[%swap3A_809] {strides = array<i32>} : memref<512xf32, #tpu.memory_space<vmem>>, vector<16xf32>,
    tpu.vector_store %arg29[%swap3A_809], %broadcast_in_dim3A_1 {strides = array<i32>} : memref<512xf32, #tpu.memory_space<vmem>>, vector<16xf32>,
    %swap3A_811 = arith.constant 304 : index
    %swap3A_812 = tpu.vector_load %arg29[%swap3A_811] {strides = array<i32>} : memref<512xf32, #tpu.memory_space<vmem>>, vector<16xf32>,
    tpu.vector_store %arg29[%swap3A_811], %broadcast_in_dim3A_1 {strides = array<i32>} : memref<512xf32, #tpu.memory_space<vmem>>, vector<16xf32>,
    %swap3A_813 = arith.constant 320 : index
    %swap3A_814 = tpu.vector_load %arg29[%swap3A_813] {strides = array<i32>} : memref<512xf32, #tpu.memory_space<vmem>>, vector<16xf32>,
    tpu.vector_store %arg29[%swap3A_813], %broadcast_in_dim3A_1 {strides = array<i32>} : memref<512xf32, #tpu.memory_space<vmem>>, vector<16xf32>,
    %swap3A_815 = arith.constant 336 : index
    %swap3A_816 = tpu.vector_load %arg29[%swap3A_815] {strides = array<i32>} : memref<512xf32, #tpu.memory_space<vmem>>, vector<16xf32>,
    tpu.vector_store %arg29[%swap3A_815], %broadcast_in_dim3A_1 {strides = array<i32>} : memref<512xf32, #tpu.memory_space<vmem>>, vector<16xf32>,
    %swap3A_817 = arith.constant 352 : index
    %swap3A_818 = tpu.vector_load %arg29[%swap3A_817] {strides = array<i32>} : memref<512xf32, #tpu.memory_space<vmem>>, vector<16xf32>,
    tpu.vector_store %arg29[%swap3A_817], %broadcast_in_dim3A_1 {strides = array<i32>} : memref<512xf32, #tpu.memory_space<vmem>>, vector<16xf32>,
    %swap3A_819 = arith.constant 368 : index
    %swap3A_820 = tpu.vector_load %arg29[%swap3A_819] {strides = array<i32>} : memref<512xf32, #tpu.memory_space<vmem>>, vector<16xf32>,
    tpu.vector_store %arg29[%swap3A_819], %broadcast_in_dim3A_1 {strides = array<i32>} : memref<512xf32, #tpu.memory_space<vmem>>, vector<16xf32>,
    %swap3A_821 = arith.constant 384 : index
    %swap3A_822 = tpu.vector_load %arg29[%swap3A_821] {strides = array<i32>} : memref<512xf32, #tpu.memory_space<vmem>>, vector<16xf32>,
    tpu.vector_store %arg29[%swap3A_821], %broadcast_in_dim3A_1 {strides = array<i32>} : memref<512xf32, #tpu.memory_space<vmem>>, vector<16xf32>,
    %swap3A_823 = arith.constant 400 : index
    %swap3A_824 = tpu.vector_load %arg29[%swap3A_823] {strides = array<i32>} : memref<512xf32, #tpu.memory_space<vmem>>, vector<16xf32>,
    tpu.vector_store %arg29[%swap3A_823], %broadcast_in_dim3A_1 {strides = array<i32>} : memref<512xf32, #tpu.memory_space<vmem>>, vector<16xf32>,
    %swap3A_825 = arith.constant 416 : index
    %swap3A_826 = tpu.vector_load %arg29[%swap3A_825] {strides = array<i32>} : memref<512xf32, #tpu.memory_space<vmem>>, vector<16xf32>,
    tpu.vector_store %arg29[%swap3A_825], %broadcast_in_dim3A_1 {strides = array<i32>} : memref<512xf32, #tpu.memory_space<vmem>>, vector<16xf32>,
    %swap3A_827 = arith.constant 432 : index
    %swap3A_828 = tpu.vector_load %arg29[%swap3A_827] {strides = array<i32>} : memref<512xf32, #tpu.memory_space<vmem>>, vector<16xf32>,
    tpu.vector_store %arg29[%swap3A_827], %broadcast_in_dim3A_1 {strides = array<i32>} : memref<512xf32, #tpu.memory_space<vmem>>, vector<16xf32>,
    %swap3A_829 = arith.constant 448 : index
    %swap3A_830 = tpu.vector_load %arg29[%swap3A_829] {strides = array<i32>} : memref<512xf32, #tpu.memory_space<vmem>>, vector<16xf32>,
    tpu.vector_store %arg29[%swap3A_829], %broadcast_in_dim3A_1 {strides = array<i32>} : memref<512xf32, #tpu.memory_space<vmem>>, vector<16xf32>,
    %swap3A_831 = arith.constant 464 : index
    %swap3A_832 = tpu.vector_load %arg29[%swap3A_831] {strides = array<i32>} : memref<512xf32, #tpu.memory_space<vmem>>, vector<16xf32>,
    tpu.vector_store %arg29[%swap3A_831], %broadcast_in_dim3A_1 {strides = array<i32>} : memref<512xf32, #tpu.memory_space<vmem>>, vector<16xf32>,
    %swap3A_833 = arith.constant 480 : index
    %swap3A_834 = tpu.vector_load %arg29[%swap3A_833] {strides = array<i32>} : memref<512xf32, #tpu.memory_space<vmem>>, vector<16xf32>,
    tpu.vector_store %arg29[%swap3A_833], %broadcast_in_dim3A_1 {strides = array<i32>} : memref<512xf32, #tpu.memory_space<vmem>>, vector<16xf32>,
    %swap3A_835 = arith.constant 496 : index
    %swap3A_836 = tpu.vector_load %arg29[%swap3A_835] {strides = array<i32>} : memref<512xf32, #tpu.memory_space<vmem>>, vector<16xf32>,
    tpu.vector_store %arg29[%swap3A_835], %broadcast_in_dim3A_1 {strides = array<i32>} : memref<512xf32, #tpu.memory_space<vmem>>, vector<16xf32>,
    %swap3A_837 = arith.constant 0 : index
    %swap3A_838 = tpu.vector_load %arg30[%swap3A_837] {strides = array<i32>} : memref<512xf32, #tpu.memory_space<vmem>>, vector<16xf32>,
    tpu.vector_store %arg30[%swap3A_837], %broadcast_in_dim3A_1 {strides = array<i32>} : memref<512xf32, #tpu.memory_space<vmem>>, vector<16xf32>,
    %swap3A_839 = arith.constant 16 : index
    %swap3A_840 = tpu.vector_load %arg30[%swap3A_839] {strides = array<i32>} : memref<512xf32, #tpu.memory_space<vmem>>, vector<16xf32>,
    tpu.vector_store %arg30[%swap3A_839], %broadcast_in_dim3A_1 {strides = array<i32>} : memref<512xf32, #tpu.memory_space<vmem>>, vector<16xf32>,
    %swap3A_841 = arith.constant 32 : index
    %swap3A_842 = tpu.vector_load %arg30[%swap3A_841] {strides = array<i32>} : memref<512xf32, #tpu.memory_space<vmem>>, vector<16xf32>,
    tpu.vector_store %arg30[%swap3A_841], %broadcast_in_dim3A_1 {strides = array<i32>} : memref<512xf32, #tpu.memory_space<vmem>>, vector<16xf32>,
    %swap3A_843 = arith.constant 48 : index
    %swap3A_844 = tpu.vector_load %arg30[%swap3A_843] {strides = array<i32>} : memref<512xf32, #tpu.memory_space<vmem>>, vector<16xf32>,
    tpu.vector_store %arg30[%swap3A_843], %broadcast_in_dim3A_1 {strides = array<i32>} : memref<512xf32, #tpu.memory_space<vmem>>, vector<16xf32>,
    %swap3A_845 = arith.constant 64 : index
    %swap3A_846 = tpu.vector_load %arg30[%swap3A_845] {strides = array<i32>} : memref<512xf32, #tpu.memory_space<vmem>>, vector<16xf32>,
    tpu.vector_store %arg30[%swap3A_845], %broadcast_in_dim3A_1 {strides = array<i32>} : memref<512xf32, #tpu.memory_space<vmem>>, vector<16xf32>,
    %swap3A_847 = arith.constant 80 : index
    %swap3A_848 = tpu.vector_load %arg30[%swap3A_847] {strides = array<i32>} : memref<512xf32, #tpu.memory_space<vmem>>, vector<16xf32>,
    tpu.vector_store %arg30[%swap3A_847], %broadcast_in_dim3A_1 {strides = array<i32>} : memref<512xf32, #tpu.memory_space<vmem>>, vector<16xf32>,
    %swap3A_849 = arith.constant 96 : index
    %swap3A_850 = tpu.vector_load %arg30[%swap3A_849] {strides = array<i32>} : memref<512xf32, #tpu.memory_space<vmem>>, vector<16xf32>,
    tpu.vector_store %arg30[%swap3A_849], %broadcast_in_dim3A_1 {strides = array<i32>} : memref<512xf32, #tpu.memory_space<vmem>>, vector<16xf32>,
    %swap3A_851 = arith.constant 112 : index
    %swap3A_852 = tpu.vector_load %arg30[%swap3A_851] {strides = array<i32>} : memref<512xf32, #tpu.memory_space<vmem>>, vector<16xf32>,
    tpu.vector_store %arg30[%swap3A_851], %broadcast_in_dim3A_1 {strides = array<i32>} : memref<512xf32, #tpu.memory_space<vmem>>, vector<16xf32>,
    %swap3A_853 = arith.constant 128 : index
    %swap3A_854 = tpu.vector_load %arg30[%swap3A_853] {strides = array<i32>} : memref<512xf32, #tpu.memory_space<vmem>>, vector<16xf32>,
    tpu.vector_store %arg30[%swap3A_853], %broadcast_in_dim3A_1 {strides = array<i32>} : memref<512xf32, #tpu.memory_space<vmem>>, vector<16xf32>,
    %swap3A_855 = arith.constant 144 : index
    %swap3A_856 = tpu.vector_load %arg30[%swap3A_855] {strides = array<i32>} : memref<512xf32, #tpu.memory_space<vmem>>, vector<16xf32>,
    tpu.vector_store %arg30[%swap3A_855], %broadcast_in_dim3A_1 {strides = array<i32>} : memref<512xf32, #tpu.memory_space<vmem>>, vector<16xf32>,
    %swap3A_857 = arith.constant 160 : index
    %swap3A_858 = tpu.vector_load %arg30[%swap3A_857] {strides = array<i32>} : memref<512xf32, #tpu.memory_space<vmem>>, vector<16xf32>,
    tpu.vector_store %arg30[%swap3A_857], %broadcast_in_dim3A_1 {strides = array<i32>} : memref<512xf32, #tpu.memory_space<vmem>>, vector<16xf32>,
    %swap3A_859 = arith.constant 176 : index
    %swap3A_860 = tpu.vector_load %arg30[%swap3A_859] {strides = array<i32>} : memref<512xf32, #tpu.memory_space<vmem>>, vector<16xf32>,
    tpu.vector_store %arg30[%swap3A_859], %broadcast_in_dim3A_1 {strides = array<i32>} : memref<512xf32, #tpu.memory_space<vmem>>, vector<16xf32>,
    %swap3A_861 = arith.constant 192 : index
    %swap3A_862 = tpu.vector_load %arg30[%swap3A_861] {strides = array<i32>} : memref<512xf32, #tpu.memory_space<vmem>>, vector<16xf32>,
    tpu.vector_store %arg30[%swap3A_861], %broadcast_in_dim3A_1 {strides = array<i32>} : memref<512xf32, #tpu.memory_space<vmem>>, vector<16xf32>,
    %swap3A_863 = arith.constant 208 : index
    %swap3A_864 = tpu.vector_load %arg30[%swap3A_863] {strides = array<i32>} : memref<512xf32, #tpu.memory_space<vmem>>, vector<16xf32>,
    tpu.vector_store %arg30[%swap3A_863], %broadcast_in_dim3A_1 {strides = array<i32>} : memref<512xf32, #tpu.memory_space<vmem>>, vector<16xf32>,
    %swap3A_865 = arith.constant 224 : index
    %swap3A_866 = tpu.vector_load %arg30[%swap3A_865] {strides = array<i32>} : memref<512xf32, #tpu.memory_space<vmem>>, vector<16xf32>,
    tpu.vector_store %arg30[%swap3A_865], %broadcast_in_dim3A_1 {strides = array<i32>} : memref<512xf32, #tpu.memory_space<vmem>>, vector<16xf32>,
    %swap3A_867 = arith.constant 240 : index
    %swap3A_868 = tpu.vector_load %arg30[%swap3A_867] {strides = array<i32>} : memref<512xf32, #tpu.memory_space<vmem>>, vector<16xf32>,
    tpu.vector_store %arg30[%swap3A_867], %broadcast_in_dim3A_1 {strides = array<i32>} : memref<512xf32, #tpu.memory_space<vmem>>, vector<16xf32>,
    %swap3A_869 = arith.constant 256 : index
    %swap3A_870 = tpu.vector_load %arg30[%swap3A_869] {strides = array<i32>} : memref<512xf32, #tpu.memory_space<vmem>>, vector<16xf32>,
    tpu.vector_store %arg30[%swap3A_869], %broadcast_in_dim3A_1 {strides = array<i32>} : memref<512xf32, #tpu.memory_space<vmem>>, vector<16xf32>,
    %swap3A_871 = arith.constant 272 : index
    %swap3A_872 = tpu.vector_load %arg30[%swap3A_871] {strides = array<i32>} : memref<512xf32, #tpu.memory_space<vmem>>, vector<16xf32>,
    tpu.vector_store %arg30[%swap3A_871], %broadcast_in_dim3A_1 {strides = array<i32>} : memref<512xf32, #tpu.memory_space<vmem>>, vector<16xf32>,
    %swap3A_873 = arith.constant 288 : index
    %swap3A_874 = tpu.vector_load %arg30[%swap3A_873] {strides = array<i32>} : memref<512xf32, #tpu.memory_space<vmem>>, vector<16xf32>,
    tpu.vector_store %arg30[%swap3A_873], %broadcast_in_dim3A_1 {strides = array<i32>} : memref<512xf32, #tpu.memory_space<vmem>>, vector<16xf32>,
    %swap3A_875 = arith.constant 304 : index
    %swap3A_876 = tpu.vector_load %arg30[%swap3A_875] {strides = array<i32>} : memref<512xf32, #tpu.memory_space<vmem>>, vector<16xf32>,
    tpu.vector_store %arg30[%swap3A_875], %broadcast_in_dim3A_1 {strides = array<i32>} : memref<512xf32, #tpu.memory_space<vmem>>, vector<16xf32>,
    %swap3A_877 = arith.constant 320 : index
    %swap3A_878 = tpu.vector_load %arg30[%swap3A_877] {strides = array<i32>} : memref<512xf32, #tpu.memory_space<vmem>>, vector<16xf32>,
    tpu.vector_store %arg30[%swap3A_877], %broadcast_in_dim3A_1 {strides = array<i32>} : memref<512xf32, #tpu.memory_space<vmem>>, vector<16xf32>,
    %swap3A_879 = arith.constant 336 : index
    %swap3A_880 = tpu.vector_load %arg30[%swap3A_879] {strides = array<i32>} : memref<512xf32, #tpu.memory_space<vmem>>, vector<16xf32>,
    tpu.vector_store %arg30[%swap3A_879], %broadcast_in_dim3A_1 {strides = array<i32>} : memref<512xf32, #tpu.memory_space<vmem>>, vector<16xf32>,
    %swap3A_881 = arith.constant 352 : index
    %swap3A_882 = tpu.vector_load %arg30[%swap3A_881] {strides = array<i32>} : memref<512xf32, #tpu.memory_space<vmem>>, vector<16xf32>,
    tpu.vector_store %arg30[%swap3A_881], %broadcast_in_dim3A_1 {strides = array<i32>} : memref<512xf32, #tpu.memory_space<vmem>>, vector<16xf32>,
    %swap3A_883 = arith.constant 368 : index
    %swap3A_884 = tpu.vector_load %arg30[%swap3A_883] {strides = array<i32>} : memref<512xf32, #tpu.memory_space<vmem>>, vector<16xf32>,
    tpu.vector_store %arg30[%swap3A_883], %broadcast_in_dim3A_1 {strides = array<i32>} : memref<512xf32, #tpu.memory_space<vmem>>, vector<16xf32>,
    %swap3A_885 = arith.constant 384 : index
    %swap3A_886 = tpu.vector_load %arg30[%swap3A_885] {strides = array<i32>} : memref<512xf32, #tpu.memory_space<vmem>>, vector<16xf32>,
    tpu.vector_store %arg30[%swap3A_885], %broadcast_in_dim3A_1 {strides = array<i32>} : memref<512xf32, #tpu.memory_space<vmem>>, vector<16xf32>,
    %swap3A_887 = arith.constant 400 : index
    %swap3A_888 = tpu.vector_load %arg30[%swap3A_887] {strides = array<i32>} : memref<512xf32, #tpu.memory_space<vmem>>, vector<16xf32>,
    tpu.vector_store %arg30[%swap3A_887], %broadcast_in_dim3A_1 {strides = array<i32>} : memref<512xf32, #tpu.memory_space<vmem>>, vector<16xf32>,
    %swap3A_889 = arith.constant 416 : index
    %swap3A_890 = tpu.vector_load %arg30[%swap3A_889] {strides = array<i32>} : memref<512xf32, #tpu.memory_space<vmem>>, vector<16xf32>,
    tpu.vector_store %arg30[%swap3A_889], %broadcast_in_dim3A_1 {strides = array<i32>} : memref<512xf32, #tpu.memory_space<vmem>>, vector<16xf32>,
    %swap3A_891 = arith.constant 432 : index
    %swap3A_892 = tpu.vector_load %arg30[%swap3A_891] {strides = array<i32>} : memref<512xf32, #tpu.memory_space<vmem>>, vector<16xf32>,
    tpu.vector_store %arg30[%swap3A_891], %broadcast_in_dim3A_1 {strides = array<i32>} : memref<512xf32, #tpu.memory_space<vmem>>, vector<16xf32>,
    %swap3A_893 = arith.constant 448 : index
    %swap3A_894 = tpu.vector_load %arg30[%swap3A_893] {strides = array<i32>} : memref<512xf32, #tpu.memory_space<vmem>>, vector<16xf32>,
    tpu.vector_store %arg30[%swap3A_893], %broadcast_in_dim3A_1 {strides = array<i32>} : memref<512xf32, #tpu.memory_space<vmem>>, vector<16xf32>,
    %swap3A_895 = arith.constant 464 : index
    %swap3A_896 = tpu.vector_load %arg30[%swap3A_895] {strides = array<i32>} : memref<512xf32, #tpu.memory_space<vmem>>, vector<16xf32>,
    tpu.vector_store %arg30[%swap3A_895], %broadcast_in_dim3A_1 {strides = array<i32>} : memref<512xf32, #tpu.memory_space<vmem>>, vector<16xf32>,
    %swap3A_897 = arith.constant 480 : index
    %swap3A_898 = tpu.vector_load %arg30[%swap3A_897] {strides = array<i32>} : memref<512xf32, #tpu.memory_space<vmem>>, vector<16xf32>,
    tpu.vector_store %arg30[%swap3A_897], %broadcast_in_dim3A_1 {strides = array<i32>} : memref<512xf32, #tpu.memory_space<vmem>>, vector<16xf32>,
    %swap3A_899 = arith.constant 496 : index
    %swap3A_900 = tpu.vector_load %arg30[%swap3A_899] {strides = array<i32>} : memref<512xf32, #tpu.memory_space<vmem>>, vector<16xf32>,
    tpu.vector_store %arg30[%swap3A_899], %broadcast_in_dim3A_1 {strides = array<i32>} : memref<512xf32, #tpu.memory_space<vmem>>, vector<16xf32>,
    %swap3A_901 = arith.constant 0 : index
    %swap3A_902 = tpu.vector_load %arg31[%swap3A_901] {strides = array<i32>} : memref<512xf32, #tpu.memory_space<vmem>>, vector<16xf32>,
    tpu.vector_store %arg31[%swap3A_901], %broadcast_in_dim3A_1 {strides = array<i32>} : memref<512xf32, #tpu.memory_space<vmem>>, vector<16xf32>,
    %swap3A_903 = arith.constant 16 : index
    %swap3A_904 = tpu.vector_load %arg31[%swap3A_903] {strides = array<i32>} : memref<512xf32, #tpu.memory_space<vmem>>, vector<16xf32>,
    tpu.vector_store %arg31[%swap3A_903], %broadcast_in_dim3A_1 {strides = array<i32>} : memref<512xf32, #tpu.memory_space<vmem>>, vector<16xf32>,
    %swap3A_905 = arith.constant 32 : index
    %swap3A_906 = tpu.vector_load %arg31[%swap3A_905] {strides = array<i32>} : memref<512xf32, #tpu.memory_space<vmem>>, vector<16xf32>,
    tpu.vector_store %arg31[%swap3A_905], %broadcast_in_dim3A_1 {strides = array<i32>} : memref<512xf32, #tpu.memory_space<vmem>>, vector<16xf32>,
    %swap3A_907 = arith.constant 48 : index
    %swap3A_908 = tpu.vector_load %arg31[%swap3A_907] {strides = array<i32>} : memref<512xf32, #tpu.memory_space<vmem>>, vector<16xf32>,
    tpu.vector_store %arg31[%swap3A_907], %broadcast_in_dim3A_1 {strides = array<i32>} : memref<512xf32, #tpu.memory_space<vmem>>, vector<16xf32>,
    %swap3A_909 = arith.constant 64 : index
    %swap3A_910 = tpu.vector_load %arg31[%swap3A_909] {strides = array<i32>} : memref<512xf32, #tpu.memory_space<vmem>>, vector<16xf32>,
    tpu.vector_store %arg31[%swap3A_909], %broadcast_in_dim3A_1 {strides = array<i32>} : memref<512xf32, #tpu.memory_space<vmem>>, vector<16xf32>,
    %swap3A_911 = arith.constant 80 : index
    %swap3A_912 = tpu.vector_load %arg31[%swap3A_911] {strides = array<i32>} : memref<512xf32, #tpu.memory_space<vmem>>, vector<16xf32>,
    tpu.vector_store %arg31[%swap3A_911], %broadcast_in_dim3A_1 {strides = array<i32>} : memref<512xf32, #tpu.memory_space<vmem>>, vector<16xf32>,
    %swap3A_913 = arith.constant 96 : index
    %swap3A_914 = tpu.vector_load %arg31[%swap3A_913] {strides = array<i32>} : memref<512xf32, #tpu.memory_space<vmem>>, vector<16xf32>,
    tpu.vector_store %arg31[%swap3A_913], %broadcast_in_dim3A_1 {strides = array<i32>} : memref<512xf32, #tpu.memory_space<vmem>>, vector<16xf32>,
    %swap3A_915 = arith.constant 112 : index
    %swap3A_916 = tpu.vector_load %arg31[%swap3A_915] {strides = array<i32>} : memref<512xf32, #tpu.memory_space<vmem>>, vector<16xf32>,
    tpu.vector_store %arg31[%swap3A_915], %broadcast_in_dim3A_1 {strides = array<i32>} : memref<512xf32, #tpu.memory_space<vmem>>, vector<16xf32>,
    %swap3A_917 = arith.constant 128 : index
    %swap3A_918 = tpu.vector_load %arg31[%swap3A_917] {strides = array<i32>} : memref<512xf32, #tpu.memory_space<vmem>>, vector<16xf32>,
    tpu.vector_store %arg31[%swap3A_917], %broadcast_in_dim3A_1 {strides = array<i32>} : memref<512xf32, #tpu.memory_space<vmem>>, vector<16xf32>,
    %swap3A_919 = arith.constant 144 : index
    %swap3A_920 = tpu.vector_load %arg31[%swap3A_919] {strides = array<i32>} : memref<512xf32, #tpu.memory_space<vmem>>, vector<16xf32>,
    tpu.vector_store %arg31[%swap3A_919], %broadcast_in_dim3A_1 {strides = array<i32>} : memref<512xf32, #tpu.memory_space<vmem>>, vector<16xf32>,
    %swap3A_921 = arith.constant 160 : index
    %swap3A_922 = tpu.vector_load %arg31[%swap3A_921] {strides = array<i32>} : memref<512xf32, #tpu.memory_space<vmem>>, vector<16xf32>,
    tpu.vector_store %arg31[%swap3A_921], %broadcast_in_dim3A_1 {strides = array<i32>} : memref<512xf32, #tpu.memory_space<vmem>>, vector<16xf32>,
    %swap3A_923 = arith.constant 176 : index
    %swap3A_924 = tpu.vector_load %arg31[%swap3A_923] {strides = array<i32>} : memref<512xf32, #tpu.memory_space<vmem>>, vector<16xf32>,
    tpu.vector_store %arg31[%swap3A_923], %broadcast_in_dim3A_1 {strides = array<i32>} : memref<512xf32, #tpu.memory_space<vmem>>, vector<16xf32>,
    %swap3A_925 = arith.constant 192 : index
    %swap3A_926 = tpu.vector_load %arg31[%swap3A_925] {strides = array<i32>} : memref<512xf32, #tpu.memory_space<vmem>>, vector<16xf32>,
    tpu.vector_store %arg31[%swap3A_925], %broadcast_in_dim3A_1 {strides = array<i32>} : memref<512xf32, #tpu.memory_space<vmem>>, vector<16xf32>,
    %swap3A_927 = arith.constant 208 : index
    %swap3A_928 = tpu.vector_load %arg31[%swap3A_927] {strides = array<i32>} : memref<512xf32, #tpu.memory_space<vmem>>, vector<16xf32>,
    tpu.vector_store %arg31[%swap3A_927], %broadcast_in_dim3A_1 {strides = array<i32>} : memref<512xf32, #tpu.memory_space<vmem>>, vector<16xf32>,
    %swap3A_929 = arith.constant 224 : index
    %swap3A_930 = tpu.vector_load %arg31[%swap3A_929] {strides = array<i32>} : memref<512xf32, #tpu.memory_space<vmem>>, vector<16xf32>,
    tpu.vector_store %arg31[%swap3A_929], %broadcast_in_dim3A_1 {strides = array<i32>} : memref<512xf32, #tpu.memory_space<vmem>>, vector<16xf32>,
    %swap3A_931 = arith.constant 240 : index
    %swap3A_932 = tpu.vector_load %arg31[%swap3A_931] {strides = array<i32>} : memref<512xf32, #tpu.memory_space<vmem>>, vector<16xf32>,
    tpu.vector_store %arg31[%swap3A_931], %broadcast_in_dim3A_1 {strides = array<i32>} : memref<512xf32, #tpu.memory_space<vmem>>, vector<16xf32>,
    %swap3A_933 = arith.constant 256 : index
    %swap3A_934 = tpu.vector_load %arg31[%swap3A_933] {strides = array<i32>} : memref<512xf32, #tpu.memory_space<vmem>>, vector<16xf32>,
    tpu.vector_store %arg31[%swap3A_933], %broadcast_in_dim3A_1 {strides = array<i32>} : memref<512xf32, #tpu.memory_space<vmem>>, vector<16xf32>,
    %swap3A_935 = arith.constant 272 : index
    %swap3A_936 = tpu.vector_load %arg31[%swap3A_935] {strides = array<i32>} : memref<512xf32, #tpu.memory_space<vmem>>, vector<16xf32>,
    tpu.vector_store %arg31[%swap3A_935], %broadcast_in_dim3A_1 {strides = array<i32>} : memref<512xf32, #tpu.memory_space<vmem>>, vector<16xf32>,
    %swap3A_937 = arith.constant 288 : index
    %swap3A_938 = tpu.vector_load %arg31[%swap3A_937] {strides = array<i32>} : memref<512xf32, #tpu.memory_space<vmem>>, vector<16xf32>,
    tpu.vector_store %arg31[%swap3A_937], %broadcast_in_dim3A_1 {strides = array<i32>} : memref<512xf32, #tpu.memory_space<vmem>>, vector<16xf32>,
    %swap3A_939 = arith.constant 304 : index
    %swap3A_940 = tpu.vector_load %arg31[%swap3A_939] {strides = array<i32>} : memref<512xf32, #tpu.memory_space<vmem>>, vector<16xf32>,
    tpu.vector_store %arg31[%swap3A_939], %broadcast_in_dim3A_1 {strides = array<i32>} : memref<512xf32, #tpu.memory_space<vmem>>, vector<16xf32>,
    %swap3A_941 = arith.constant 320 : index
    %swap3A_942 = tpu.vector_load %arg31[%swap3A_941] {strides = array<i32>} : memref<512xf32, #tpu.memory_space<vmem>>, vector<16xf32>,
    tpu.vector_store %arg31[%swap3A_941], %broadcast_in_dim3A_1 {strides = array<i32>} : memref<512xf32, #tpu.memory_space<vmem>>, vector<16xf32>,
    %swap3A_943 = arith.constant 336 : index
    %swap3A_944 = tpu.vector_load %arg31[%swap3A_943] {strides = array<i32>} : memref<512xf32, #tpu.memory_space<vmem>>, vector<16xf32>,
    tpu.vector_store %arg31[%swap3A_943], %broadcast_in_dim3A_1 {strides = array<i32>} : memref<512xf32, #tpu.memory_space<vmem>>, vector<16xf32>,
    %swap3A_945 = arith.constant 352 : index
    %swap3A_946 = tpu.vector_load %arg31[%swap3A_945] {strides = array<i32>} : memref<512xf32, #tpu.memory_space<vmem>>, vector<16xf32>,
    tpu.vector_store %arg31[%swap3A_945], %broadcast_in_dim3A_1 {strides = array<i32>} : memref<512xf32, #tpu.memory_space<vmem>>, vector<16xf32>,
    %swap3A_947 = arith.constant 368 : index
    %swap3A_948 = tpu.vector_load %arg31[%swap3A_947] {strides = array<i32>} : memref<512xf32, #tpu.memory_space<vmem>>, vector<16xf32>,
    tpu.vector_store %arg31[%swap3A_947], %broadcast_in_dim3A_1 {strides = array<i32>} : memref<512xf32, #tpu.memory_space<vmem>>, vector<16xf32>,
    %swap3A_949 = arith.constant 384 : index
    %swap3A_950 = tpu.vector_load %arg31[%swap3A_949] {strides = array<i32>} : memref<512xf32, #tpu.memory_space<vmem>>, vector<16xf32>,
    tpu.vector_store %arg31[%swap3A_949], %broadcast_in_dim3A_1 {strides = array<i32>} : memref<512xf32, #tpu.memory_space<vmem>>, vector<16xf32>,
    %swap3A_951 = arith.constant 400 : index
    %swap3A_952 = tpu.vector_load %arg31[%swap3A_951] {strides = array<i32>} : memref<512xf32, #tpu.memory_space<vmem>>, vector<16xf32>,
    tpu.vector_store %arg31[%swap3A_951], %broadcast_in_dim3A_1 {strides = array<i32>} : memref<512xf32, #tpu.memory_space<vmem>>, vector<16xf32>,
    %swap3A_953 = arith.constant 416 : index
    %swap3A_954 = tpu.vector_load %arg31[%swap3A_953] {strides = array<i32>} : memref<512xf32, #tpu.memory_space<vmem>>, vector<16xf32>,
    tpu.vector_store %arg31[%swap3A_953], %broadcast_in_dim3A_1 {strides = array<i32>} : memref<512xf32, #tpu.memory_space<vmem>>, vector<16xf32>,
    %swap3A_955 = arith.constant 432 : index
    %swap3A_956 = tpu.vector_load %arg31[%swap3A_955] {strides = array<i32>} : memref<512xf32, #tpu.memory_space<vmem>>, vector<16xf32>,
    tpu.vector_store %arg31[%swap3A_955], %broadcast_in_dim3A_1 {strides = array<i32>} : memref<512xf32, #tpu.memory_space<vmem>>, vector<16xf32>,
    %swap3A_957 = arith.constant 448 : index
    %swap3A_958 = tpu.vector_load %arg31[%swap3A_957] {strides = array<i32>} : memref<512xf32, #tpu.memory_space<vmem>>, vector<16xf32>,
    tpu.vector_store %arg31[%swap3A_957], %broadcast_in_dim3A_1 {strides = array<i32>} : memref<512xf32, #tpu.memory_space<vmem>>, vector<16xf32>,
    %swap3A_959 = arith.constant 464 : index
    %swap3A_960 = tpu.vector_load %arg31[%swap3A_959] {strides = array<i32>} : memref<512xf32, #tpu.memory_space<vmem>>, vector<16xf32>,
    tpu.vector_store %arg31[%swap3A_959], %broadcast_in_dim3A_1 {strides = array<i32>} : memref<512xf32, #tpu.memory_space<vmem>>, vector<16xf32>,
    %swap3A_961 = arith.constant 480 : index
    %swap3A_962 = tpu.vector_load %arg31[%swap3A_961] {strides = array<i32>} : memref<512xf32, #tpu.memory_space<vmem>>, vector<16xf32>,
    tpu.vector_store %arg31[%swap3A_961], %broadcast_in_dim3A_1 {strides = array<i32>} : memref<512xf32, #tpu.memory_space<vmem>>, vector<16xf32>,
    %swap3A_963 = arith.constant 496 : index
    %swap3A_964 = tpu.vector_load %arg31[%swap3A_963] {strides = array<i32>} : memref<512xf32, #tpu.memory_space<vmem>>, vector<16xf32>,
    tpu.vector_store %arg31[%swap3A_963], %broadcast_in_dim3A_1 {strides = array<i32>} : memref<512xf32, #tpu.memory_space<vmem>>, vector<16xf32>,
    %swap3A_965 = arith.constant 0 : index
    %swap3A_966 = tpu.vector_load %arg32[%swap3A_965] {strides = array<i32>} : memref<512xf32, #tpu.memory_space<vmem>>, vector<16xf32>,
    tpu.vector_store %arg32[%swap3A_965], %broadcast_in_dim3A_1 {strides = array<i32>} : memref<512xf32, #tpu.memory_space<vmem>>, vector<16xf32>,
    %swap3A_967 = arith.constant 16 : index
    %swap3A_968 = tpu.vector_load %arg32[%swap3A_967] {strides = array<i32>} : memref<512xf32, #tpu.memory_space<vmem>>, vector<16xf32>,
    tpu.vector_store %arg32[%swap3A_967], %broadcast_in_dim3A_1 {strides = array<i32>} : memref<512xf32, #tpu.memory_space<vmem>>, vector<16xf32>,
    %swap3A_969 = arith.constant 32 : index
    %swap3A_970 = tpu.vector_load %arg32[%swap3A_969] {strides = array<i32>} : memref<512xf32, #tpu.memory_space<vmem>>, vector<16xf32>,
    tpu.vector_store %arg32[%swap3A_969], %broadcast_in_dim3A_1 {strides = array<i32>} : memref<512xf32, #tpu.memory_space<vmem>>, vector<16xf32>,
    %swap3A_971 = arith.constant 48 : index
    %swap3A_972 = tpu.vector_load %arg32[%swap3A_971] {strides = array<i32>} : memref<512xf32, #tpu.memory_space<vmem>>, vector<16xf32>,
    tpu.vector_store %arg32[%swap3A_971], %broadcast_in_dim3A_1 {strides = array<i32>} : memref<512xf32, #tpu.memory_space<vmem>>, vector<16xf32>,
    %swap3A_973 = arith.constant 64 : index
    %swap3A_974 = tpu.vector_load %arg32[%swap3A_973] {strides = array<i32>} : memref<512xf32, #tpu.memory_space<vmem>>, vector<16xf32>,
    tpu.vector_store %arg32[%swap3A_973], %broadcast_in_dim3A_1 {strides = array<i32>} : memref<512xf32, #tpu.memory_space<vmem>>, vector<16xf32>,
    %swap3A_975 = arith.constant 80 : index
    %swap3A_976 = tpu.vector_load %arg32[%swap3A_975] {strides = array<i32>} : memref<512xf32, #tpu.memory_space<vmem>>, vector<16xf32>,
    tpu.vector_store %arg32[%swap3A_975], %broadcast_in_dim3A_1 {strides = array<i32>} : memref<512xf32, #tpu.memory_space<vmem>>, vector<16xf32>,
    %swap3A_977 = arith.constant 96 : index
    %swap3A_978 = tpu.vector_load %arg32[%swap3A_977] {strides = array<i32>} : memref<512xf32, #tpu.memory_space<vmem>>, vector<16xf32>,
    tpu.vector_store %arg32[%swap3A_977], %broadcast_in_dim3A_1 {strides = array<i32>} : memref<512xf32, #tpu.memory_space<vmem>>, vector<16xf32>,
    %swap3A_979 = arith.constant 112 : index
    %swap3A_980 = tpu.vector_load %arg32[%swap3A_979] {strides = array<i32>} : memref<512xf32, #tpu.memory_space<vmem>>, vector<16xf32>,
    tpu.vector_store %arg32[%swap3A_979], %broadcast_in_dim3A_1 {strides = array<i32>} : memref<512xf32, #tpu.memory_space<vmem>>, vector<16xf32>,
    %swap3A_981 = arith.constant 128 : index
    %swap3A_982 = tpu.vector_load %arg32[%swap3A_981] {strides = array<i32>} : memref<512xf32, #tpu.memory_space<vmem>>, vector<16xf32>,
    tpu.vector_store %arg32[%swap3A_981], %broadcast_in_dim3A_1 {strides = array<i32>} : memref<512xf32, #tpu.memory_space<vmem>>, vector<16xf32>,
    %swap3A_983 = arith.constant 144 : index
    %swap3A_984 = tpu.vector_load %arg32[%swap3A_983] {strides = array<i32>} : memref<512xf32, #tpu.memory_space<vmem>>, vector<16xf32>,
    tpu.vector_store %arg32[%swap3A_983], %broadcast_in_dim3A_1 {strides = array<i32>} : memref<512xf32, #tpu.memory_space<vmem>>, vector<16xf32>,
    %swap3A_985 = arith.constant 160 : index
    %swap3A_986 = tpu.vector_load %arg32[%swap3A_985] {strides = array<i32>} : memref<512xf32, #tpu.memory_space<vmem>>, vector<16xf32>,
    tpu.vector_store %arg32[%swap3A_985], %broadcast_in_dim3A_1 {strides = array<i32>} : memref<512xf32, #tpu.memory_space<vmem>>, vector<16xf32>,
    %swap3A_987 = arith.constant 176 : index
    %swap3A_988 = tpu.vector_load %arg32[%swap3A_987] {strides = array<i32>} : memref<512xf32, #tpu.memory_space<vmem>>, vector<16xf32>,
    tpu.vector_store %arg32[%swap3A_987], %broadcast_in_dim3A_1 {strides = array<i32>} : memref<512xf32, #tpu.memory_space<vmem>>, vector<16xf32>,
    %swap3A_989 = arith.constant 192 : index
    %swap3A_990 = tpu.vector_load %arg32[%swap3A_989] {strides = array<i32>} : memref<512xf32, #tpu.memory_space<vmem>>, vector<16xf32>,
    tpu.vector_store %arg32[%swap3A_989], %broadcast_in_dim3A_1 {strides = array<i32>} : memref<512xf32, #tpu.memory_space<vmem>>, vector<16xf32>,
    %swap3A_991 = arith.constant 208 : index
    %swap3A_992 = tpu.vector_load %arg32[%swap3A_991] {strides = array<i32>} : memref<512xf32, #tpu.memory_space<vmem>>, vector<16xf32>,
    tpu.vector_store %arg32[%swap3A_991], %broadcast_in_dim3A_1 {strides = array<i32>} : memref<512xf32, #tpu.memory_space<vmem>>, vector<16xf32>,
    %swap3A_993 = arith.constant 224 : index
    %swap3A_994 = tpu.vector_load %arg32[%swap3A_993] {strides = array<i32>} : memref<512xf32, #tpu.memory_space<vmem>>, vector<16xf32>,
    tpu.vector_store %arg32[%swap3A_993], %broadcast_in_dim3A_1 {strides = array<i32>} : memref<512xf32, #tpu.memory_space<vmem>>, vector<16xf32>,
    %swap3A_995 = arith.constant 240 : index
    %swap3A_996 = tpu.vector_load %arg32[%swap3A_995] {strides = array<i32>} : memref<512xf32, #tpu.memory_space<vmem>>, vector<16xf32>,
    tpu.vector_store %arg32[%swap3A_995], %broadcast_in_dim3A_1 {strides = array<i32>} : memref<512xf32, #tpu.memory_space<vmem>>, vector<16xf32>,
    %swap3A_997 = arith.constant 256 : index
    %swap3A_998 = tpu.vector_load %arg32[%swap3A_997] {strides = array<i32>} : memref<512xf32, #tpu.memory_space<vmem>>, vector<16xf32>,
    tpu.vector_store %arg32[%swap3A_997], %broadcast_in_dim3A_1 {strides = array<i32>} : memref<512xf32, #tpu.memory_space<vmem>>, vector<16xf32>,
    %swap3A_999 = arith.constant 272 : index
    %swap3A_1000 = tpu.vector_load %arg32[%swap3A_999] {strides = array<i32>} : memref<512xf32, #tpu.memory_space<vmem>>, vector<16xf32>,
    tpu.vector_store %arg32[%swap3A_999], %broadcast_in_dim3A_1 {strides = array<i32>} : memref<512xf32, #tpu.memory_space<vmem>>, vector<16xf32>,
    %swap3A_1001 = arith.constant 288 : index
    %swap3A_1002 = tpu.vector_load %arg32[%swap3A_1001] {strides = array<i32>} : memref<512xf32, #tpu.memory_space<vmem>>, vector<16xf32>,
    tpu.vector_store %arg32[%swap3A_1001], %broadcast_in_dim3A_1 {strides = array<i32>} : memref<512xf32, #tpu.memory_space<vmem>>, vector<16xf32>,
    %swap3A_1003 = arith.constant 304 : index
    %swap3A_1004 = tpu.vector_load %arg32[%swap3A_1003] {strides = array<i32>} : memref<512xf32, #tpu.memory_space<vmem>>, vector<16xf32>,
    tpu.vector_store %arg32[%swap3A_1003], %broadcast_in_dim3A_1 {strides = array<i32>} : memref<512xf32, #tpu.memory_space<vmem>>, vector<16xf32>,
    %swap3A_1005 = arith.constant 320 : index
    %swap3A_1006 = tpu.vector_load %arg32[%swap3A_1005] {strides = array<i32>} : memref<512xf32, #tpu.memory_space<vmem>>, vector<16xf32>,
    tpu.vector_store %arg32[%swap3A_1005], %broadcast_in_dim3A_1 {strides = array<i32>} : memref<512xf32, #tpu.memory_space<vmem>>, vector<16xf32>,
    %swap3A_1007 = arith.constant 336 : index
    %swap3A_1008 = tpu.vector_load %arg32[%swap3A_1007] {strides = array<i32>} : memref<512xf32, #tpu.memory_space<vmem>>, vector<16xf32>,
    tpu.vector_store %arg32[%swap3A_1007], %broadcast_in_dim3A_1 {strides = array<i32>} : memref<512xf32, #tpu.memory_space<vmem>>, vector<16xf32>,
    %swap3A_1009 = arith.constant 352 : index
    %swap3A_1010 = tpu.vector_load %arg32[%swap3A_1009] {strides = array<i32>} : memref<512xf32, #tpu.memory_space<vmem>>, vector<16xf32>,
    tpu.vector_store %arg32[%swap3A_1009], %broadcast_in_dim3A_1 {strides = array<i32>} : memref<512xf32, #tpu.memory_space<vmem>>, vector<16xf32>,
    %swap3A_1011 = arith.constant 368 : index
    %swap3A_1012 = tpu.vector_load %arg32[%swap3A_1011] {strides = array<i32>} : memref<512xf32, #tpu.memory_space<vmem>>, vector<16xf32>,
    tpu.vector_store %arg32[%swap3A_1011], %broadcast_in_dim3A_1 {strides = array<i32>} : memref<512xf32, #tpu.memory_space<vmem>>, vector<16xf32>,
    %swap3A_1013 = arith.constant 384 : index
    %swap3A_1014 = tpu.vector_load %arg32[%swap3A_1013] {strides = array<i32>} : memref<512xf32, #tpu.memory_space<vmem>>, vector<16xf32>,
    tpu.vector_store %arg32[%swap3A_1013], %broadcast_in_dim3A_1 {strides = array<i32>} : memref<512xf32, #tpu.memory_space<vmem>>, vector<16xf32>,
    %swap3A_1015 = arith.constant 400 : index
    %swap3A_1016 = tpu.vector_load %arg32[%swap3A_1015] {strides = array<i32>} : memref<512xf32, #tpu.memory_space<vmem>>, vector<16xf32>,
    tpu.vector_store %arg32[%swap3A_1015], %broadcast_in_dim3A_1 {strides = array<i32>} : memref<512xf32, #tpu.memory_space<vmem>>, vector<16xf32>,
    %swap3A_1017 = arith.constant 416 : index
    %swap3A_1018 = tpu.vector_load %arg32[%swap3A_1017] {strides = array<i32>} : memref<512xf32, #tpu.memory_space<vmem>>, vector<16xf32>,
    tpu.vector_store %arg32[%swap3A_1017], %broadcast_in_dim3A_1 {strides = array<i32>} : memref<512xf32, #tpu.memory_space<vmem>>, vector<16xf32>,
    %swap3A_1019 = arith.constant 432 : index
    %swap3A_1020 = tpu.vector_load %arg32[%swap3A_1019] {strides = array<i32>} : memref<512xf32, #tpu.memory_space<vmem>>, vector<16xf32>,
    tpu.vector_store %arg32[%swap3A_1019], %broadcast_in_dim3A_1 {strides = array<i32>} : memref<512xf32, #tpu.memory_space<vmem>>, vector<16xf32>,
    %swap3A_1021 = arith.constant 448 : index
    %swap3A_1022 = tpu.vector_load %arg32[%swap3A_1021] {strides = array<i32>} : memref<512xf32, #tpu.memory_space<vmem>>, vector<16xf32>,
    tpu.vector_store %arg32[%swap3A_1021], %broadcast_in_dim3A_1 {strides = array<i32>} : memref<512xf32, #tpu.memory_space<vmem>>, vector<16xf32>,
    %swap3A_1023 = arith.constant 464 : index
    %swap3A_1024 = tpu.vector_load %arg32[%swap3A_1023] {strides = array<i32>} : memref<512xf32, #tpu.memory_space<vmem>>, vector<16xf32>,
    tpu.vector_store %arg32[%swap3A_1023], %broadcast_in_dim3A_1 {strides = array<i32>} : memref<512xf32, #tpu.memory_space<vmem>>, vector<16xf32>,
    %swap3A_1025 = arith.constant 480 : index
    %swap3A_1026 = tpu.vector_load %arg32[%swap3A_1025] {strides = array<i32>} : memref<512xf32, #tpu.memory_space<vmem>>, vector<16xf32>,
    tpu.vector_store %arg32[%swap3A_1025], %broadcast_in_dim3A_1 {strides = array<i32>} : memref<512xf32, #tpu.memory_space<vmem>>, vector<16xf32>,
    %swap3A_1027 = arith.constant 496 : index
    %swap3A_1028 = tpu.vector_load %arg32[%swap3A_1027] {strides = array<i32>} : memref<512xf32, #tpu.memory_space<vmem>>, vector<16xf32>,
    tpu.vector_store %arg32[%swap3A_1027], %broadcast_in_dim3A_1 {strides = array<i32>} : memref<512xf32, #tpu.memory_space<vmem>>, vector<16xf32>,
    %swap3A_1029 = arith.constant 0 : index
    %swap3A_1030 = tpu.vector_load %arg33[%swap3A_1029] {strides = array<i32>} : memref<512xf32, #tpu.memory_space<vmem>>, vector<16xf32>,
    tpu.vector_store %arg33[%swap3A_1029], %broadcast_in_dim3A_1 {strides = array<i32>} : memref<512xf32, #tpu.memory_space<vmem>>, vector<16xf32>,
    %swap3A_1031 = arith.constant 16 : index
    %swap3A_1032 = tpu.vector_load %arg33[%swap3A_1031] {strides = array<i32>} : memref<512xf32, #tpu.memory_space<vmem>>, vector<16xf32>,
    tpu.vector_store %arg33[%swap3A_1031], %broadcast_in_dim3A_1 {strides = array<i32>} : memref<512xf32, #tpu.memory_space<vmem>>, vector<16xf32>,
    %swap3A_1033 = arith.constant 32 : index
    %swap3A_1034 = tpu.vector_load %arg33[%swap3A_1033] {strides = array<i32>} : memref<512xf32, #tpu.memory_space<vmem>>, vector<16xf32>,
    tpu.vector_store %arg33[%swap3A_1033], %broadcast_in_dim3A_1 {strides = array<i32>} : memref<512xf32, #tpu.memory_space<vmem>>, vector<16xf32>,
    %swap3A_1035 = arith.constant 48 : index
    %swap3A_1036 = tpu.vector_load %arg33[%swap3A_1035] {strides = array<i32>} : memref<512xf32, #tpu.memory_space<vmem>>, vector<16xf32>,
    tpu.vector_store %arg33[%swap3A_1035], %broadcast_in_dim3A_1 {strides = array<i32>} : memref<512xf32, #tpu.memory_space<vmem>>, vector<16xf32>,
    %swap3A_1037 = arith.constant 64 : index
    %swap3A_1038 = tpu.vector_load %arg33[%swap3A_1037] {strides = array<i32>} : memref<512xf32, #tpu.memory_space<vmem>>, vector<16xf32>,
    tpu.vector_store %arg33[%swap3A_1037], %broadcast_in_dim3A_1 {strides = array<i32>} : memref<512xf32, #tpu.memory_space<vmem>>, vector<16xf32>,
    %swap3A_1039 = arith.constant 80 : index
    %swap3A_1040 = tpu.vector_load %arg33[%swap3A_1039] {strides = array<i32>} : memref<512xf32, #tpu.memory_space<vmem>>, vector<16xf32>,
    tpu.vector_store %arg33[%swap3A_1039], %broadcast_in_dim3A_1 {strides = array<i32>} : memref<512xf32, #tpu.memory_space<vmem>>, vector<16xf32>,
    %swap3A_1041 = arith.constant 96 : index
    %swap3A_1042 = tpu.vector_load %arg33[%swap3A_1041] {strides = array<i32>} : memref<512xf32, #tpu.memory_space<vmem>>, vector<16xf32>,
    tpu.vector_store %arg33[%swap3A_1041], %broadcast_in_dim3A_1 {strides = array<i32>} : memref<512xf32, #tpu.memory_space<vmem>>, vector<16xf32>,
    %swap3A_1043 = arith.constant 112 : index
    %swap3A_1044 = tpu.vector_load %arg33[%swap3A_1043] {strides = array<i32>} : memref<512xf32, #tpu.memory_space<vmem>>, vector<16xf32>,
    tpu.vector_store %arg33[%swap3A_1043], %broadcast_in_dim3A_1 {strides = array<i32>} : memref<512xf32, #tpu.memory_space<vmem>>, vector<16xf32>,
    %swap3A_1045 = arith.constant 128 : index
    %swap3A_1046 = tpu.vector_load %arg33[%swap3A_1045] {strides = array<i32>} : memref<512xf32, #tpu.memory_space<vmem>>, vector<16xf32>,
    tpu.vector_store %arg33[%swap3A_1045], %broadcast_in_dim3A_1 {strides = array<i32>} : memref<512xf32, #tpu.memory_space<vmem>>, vector<16xf32>,
    %swap3A_1047 = arith.constant 144 : index
    %swap3A_1048 = tpu.vector_load %arg33[%swap3A_1047] {strides = array<i32>} : memref<512xf32, #tpu.memory_space<vmem>>, vector<16xf32>,
    tpu.vector_store %arg33[%swap3A_1047], %broadcast_in_dim3A_1 {strides = array<i32>} : memref<512xf32, #tpu.memory_space<vmem>>, vector<16xf32>,
    %swap3A_1049 = arith.constant 160 : index
    %swap3A_1050 = tpu.vector_load %arg33[%swap3A_1049] {strides = array<i32>} : memref<512xf32, #tpu.memory_space<vmem>>, vector<16xf32>,
    tpu.vector_store %arg33[%swap3A_1049], %broadcast_in_dim3A_1 {strides = array<i32>} : memref<512xf32, #tpu.memory_space<vmem>>, vector<16xf32>,
    %swap3A_1051 = arith.constant 176 : index
    %swap3A_1052 = tpu.vector_load %arg33[%swap3A_1051] {strides = array<i32>} : memref<512xf32, #tpu.memory_space<vmem>>, vector<16xf32>,
    tpu.vector_store %arg33[%swap3A_1051], %broadcast_in_dim3A_1 {strides = array<i32>} : memref<512xf32, #tpu.memory_space<vmem>>, vector<16xf32>,
    %swap3A_1053 = arith.constant 192 : index
    %swap3A_1054 = tpu.vector_load %arg33[%swap3A_1053] {strides = array<i32>} : memref<512xf32, #tpu.memory_space<vmem>>, vector<16xf32>,
    tpu.vector_store %arg33[%swap3A_1053], %broadcast_in_dim3A_1 {strides = array<i32>} : memref<512xf32, #tpu.memory_space<vmem>>, vector<16xf32>,
    %swap3A_1055 = arith.constant 208 : index
    %swap3A_1056 = tpu.vector_load %arg33[%swap3A_1055] {strides = array<i32>} : memref<512xf32, #tpu.memory_space<vmem>>, vector<16xf32>,
    tpu.vector_store %arg33[%swap3A_1055], %broadcast_in_dim3A_1 {strides = array<i32>} : memref<512xf32, #tpu.memory_space<vmem>>, vector<16xf32>,
    %swap3A_1057 = arith.constant 224 : index
    %swap3A_1058 = tpu.vector_load %arg33[%swap3A_1057] {strides = array<i32>} : memref<512xf32, #tpu.memory_space<vmem>>, vector<16xf32>,
    tpu.vector_store %arg33[%swap3A_1057], %broadcast_in_dim3A_1 {strides = array<i32>} : memref<512xf32, #tpu.memory_space<vmem>>, vector<16xf32>,
    %swap3A_1059 = arith.constant 240 : index
    %swap3A_1060 = tpu.vector_load %arg33[%swap3A_1059] {strides = array<i32>} : memref<512xf32, #tpu.memory_space<vmem>>, vector<16xf32>,
    tpu.vector_store %arg33[%swap3A_1059], %broadcast_in_dim3A_1 {strides = array<i32>} : memref<512xf32, #tpu.memory_space<vmem>>, vector<16xf32>,
    %swap3A_1061 = arith.constant 256 : index
    %swap3A_1062 = tpu.vector_load %arg33[%swap3A_1061] {strides = array<i32>} : memref<512xf32, #tpu.memory_space<vmem>>, vector<16xf32>,
    tpu.vector_store %arg33[%swap3A_1061], %broadcast_in_dim3A_1 {strides = array<i32>} : memref<512xf32, #tpu.memory_space<vmem>>, vector<16xf32>,
    %swap3A_1063 = arith.constant 272 : index
    %swap3A_1064 = tpu.vector_load %arg33[%swap3A_1063] {strides = array<i32>} : memref<512xf32, #tpu.memory_space<vmem>>, vector<16xf32>,
    tpu.vector_store %arg33[%swap3A_1063], %broadcast_in_dim3A_1 {strides = array<i32>} : memref<512xf32, #tpu.memory_space<vmem>>, vector<16xf32>,
    %swap3A_1065 = arith.constant 288 : index
    %swap3A_1066 = tpu.vector_load %arg33[%swap3A_1065] {strides = array<i32>} : memref<512xf32, #tpu.memory_space<vmem>>, vector<16xf32>,
    tpu.vector_store %arg33[%swap3A_1065], %broadcast_in_dim3A_1 {strides = array<i32>} : memref<512xf32, #tpu.memory_space<vmem>>, vector<16xf32>,
    %swap3A_1067 = arith.constant 304 : index
    %swap3A_1068 = tpu.vector_load %arg33[%swap3A_1067] {strides = array<i32>} : memref<512xf32, #tpu.memory_space<vmem>>, vector<16xf32>,
    tpu.vector_store %arg33[%swap3A_1067], %broadcast_in_dim3A_1 {strides = array<i32>} : memref<512xf32, #tpu.memory_space<vmem>>, vector<16xf32>,
    %swap3A_1069 = arith.constant 320 : index
    %swap3A_1070 = tpu.vector_load %arg33[%swap3A_1069] {strides = array<i32>} : memref<512xf32, #tpu.memory_space<vmem>>, vector<16xf32>,
    tpu.vector_store %arg33[%swap3A_1069], %broadcast_in_dim3A_1 {strides = array<i32>} : memref<512xf32, #tpu.memory_space<vmem>>, vector<16xf32>,
    %swap3A_1071 = arith.constant 336 : index
    %swap3A_1072 = tpu.vector_load %arg33[%swap3A_1071] {strides = array<i32>} : memref<512xf32, #tpu.memory_space<vmem>>, vector<16xf32>,
    tpu.vector_store %arg33[%swap3A_1071], %broadcast_in_dim3A_1 {strides = array<i32>} : memref<512xf32, #tpu.memory_space<vmem>>, vector<16xf32>,
    %swap3A_1073 = arith.constant 352 : index
    %swap3A_1074 = tpu.vector_load %arg33[%swap3A_1073] {strides = array<i32>} : memref<512xf32, #tpu.memory_space<vmem>>, vector<16xf32>,
    tpu.vector_store %arg33[%swap3A_1073], %broadcast_in_dim3A_1 {strides = array<i32>} : memref<512xf32, #tpu.memory_space<vmem>>, vector<16xf32>,
    %swap3A_1075 = arith.constant 368 : index
    %swap3A_1076 = tpu.vector_load %arg33[%swap3A_1075] {strides = array<i32>} : memref<512xf32, #tpu.memory_space<vmem>>, vector<16xf32>,
    tpu.vector_store %arg33[%swap3A_1075], %broadcast_in_dim3A_1 {strides = array<i32>} : memref<512xf32, #tpu.memory_space<vmem>>, vector<16xf32>,
    %swap3A_1077 = arith.constant 384 : index
    %swap3A_1078 = tpu.vector_load %arg33[%swap3A_1077] {strides = array<i32>} : memref<512xf32, #tpu.memory_space<vmem>>, vector<16xf32>,
    tpu.vector_store %arg33[%swap3A_1077], %broadcast_in_dim3A_1 {strides = array<i32>} : memref<512xf32, #tpu.memory_space<vmem>>, vector<16xf32>,
    %swap3A_1079 = arith.constant 400 : index
    %swap3A_1080 = tpu.vector_load %arg33[%swap3A_1079] {strides = array<i32>} : memref<512xf32, #tpu.memory_space<vmem>>, vector<16xf32>,
    tpu.vector_store %arg33[%swap3A_1079], %broadcast_in_dim3A_1 {strides = array<i32>} : memref<512xf32, #tpu.memory_space<vmem>>, vector<16xf32>,
    %swap3A_1081 = arith.constant 416 : index
    %swap3A_1082 = tpu.vector_load %arg33[%swap3A_1081] {strides = array<i32>} : memref<512xf32, #tpu.memory_space<vmem>>, vector<16xf32>,
    tpu.vector_store %arg33[%swap3A_1081], %broadcast_in_dim3A_1 {strides = array<i32>} : memref<512xf32, #tpu.memory_space<vmem>>, vector<16xf32>,
    %swap3A_1083 = arith.constant 432 : index
    %swap3A_1084 = tpu.vector_load %arg33[%swap3A_1083] {strides = array<i32>} : memref<512xf32, #tpu.memory_space<vmem>>, vector<16xf32>,
    tpu.vector_store %arg33[%swap3A_1083], %broadcast_in_dim3A_1 {strides = array<i32>} : memref<512xf32, #tpu.memory_space<vmem>>, vector<16xf32>,
    %swap3A_1085 = arith.constant 448 : index
    %swap3A_1086 = tpu.vector_load %arg33[%swap3A_1085] {strides = array<i32>} : memref<512xf32, #tpu.memory_space<vmem>>, vector<16xf32>,
    tpu.vector_store %arg33[%swap3A_1085], %broadcast_in_dim3A_1 {strides = array<i32>} : memref<512xf32, #tpu.memory_space<vmem>>, vector<16xf32>,
    %swap3A_1087 = arith.constant 464 : index
    %swap3A_1088 = tpu.vector_load %arg33[%swap3A_1087] {strides = array<i32>} : memref<512xf32, #tpu.memory_space<vmem>>, vector<16xf32>,
    tpu.vector_store %arg33[%swap3A_1087], %broadcast_in_dim3A_1 {strides = array<i32>} : memref<512xf32, #tpu.memory_space<vmem>>, vector<16xf32>,
    %swap3A_1089 = arith.constant 480 : index
    %swap3A_1090 = tpu.vector_load %arg33[%swap3A_1089] {strides = array<i32>} : memref<512xf32, #tpu.memory_space<vmem>>, vector<16xf32>,
    tpu.vector_store %arg33[%swap3A_1089], %broadcast_in_dim3A_1 {strides = array<i32>} : memref<512xf32, #tpu.memory_space<vmem>>, vector<16xf32>,
    %swap3A_1091 = arith.constant 496 : index
    %swap3A_1092 = tpu.vector_load %arg33[%swap3A_1091] {strides = array<i32>} : memref<512xf32, #tpu.memory_space<vmem>>, vector<16xf32>,
    tpu.vector_store %arg33[%swap3A_1091], %broadcast_in_dim3A_1 {strides = array<i32>} : memref<512xf32, #tpu.memory_space<vmem>>, vector<16xf32>,
    tpu.wait_dma2 semaphore(%arg11 : memref<!tpu.dma_semaphore, #tpu.memory_space<semaphore_mem>>) src(%arg4 : memref<10000xi32, #tpu.memory_space<hbm>>) dst(%arg6 : memref<10000xi32, #tpu.memory_space<vmem>>)
    %add3A_1093 = arith.constant 0 : i32
    %add3A_1094 = arith.addi %add3A, %add3A_1093 : i32
    %lt3A = arith.constant 500 : i32
    %lt3A_1095 = arith.cmpi slt, %add3A_1094, %lt3A : i32
    %jit3A = arith.constant 0 : i32
    %select_n3A = arith.select %lt3A_1095, %add3A_1094, %jit3A : i32
    %mul3A_1096 = arith.constant 1280 : i32
    %mul3A_1097 = arith.muli %select_n3A, %mul3A_1096 : i32
    %dma_start3A = tpu.memref_slice %arg2[%mul3A_1097] : memref<640000xi32, #tpu.memory_space<hbm>> -> memref<1280xi32, #tpu.memory_space<hbm>>
    %dma_start3A_1098 = tpu.memref_slice %arg2[%mul3A_1097] : memref<640000xi32, #tpu.memory_space<hbm>> -> memref<1280xi32, #tpu.memory_space<hbm>>
    tpu.enqueue_dma source(%dma_start3A_1098 : memref<1280xi32, #tpu.memory_space<hbm>>) target(%arg7 : memref<1280xi32, #tpu.memory_space<vmem>>) target_semaphore(%arg12 : memref<!tpu.dma_semaphore, #tpu.memory_space<semaphore_mem>>)
    %dma_start3A_1099 = arith.constant 0 : i32
    %dma_start3A_1100 = tpu.memref_slice %arg3[%dma_start3A_1099, %mul3A_1097] : memref<16x640000xf32, #tpu.memory_space<hbm>> -> memref<16x1280xf32, #tpu.memory_space<hbm>>
    %dma_start3A_1101 = arith.constant 0 : i32
    %dma_start3A_1102 = tpu.memref_slice %arg3[%dma_start3A_1101, %mul3A_1097] : memref<16x640000xf32, #tpu.memory_space<hbm>> -> memref<16x1280xf32, #tpu.memory_space<hbm>>
    tpu.enqueue_dma source(%dma_start3A_1102 : memref<16x1280xf32, #tpu.memory_space<hbm>>) target(%arg9 : memref<16x1280xf32, #tpu.memory_space<vmem>>) target_semaphore(%arg14 : memref<!tpu.dma_semaphore, #tpu.memory_space<semaphore_mem>>)
    %scan3A = arith.constant 0 : i32
    %scan3A_1103 = arith.constant 0 : i32
    %scan3A_1104 = arith.constant 8 : i32
    %scan3A_1105 = arith.addi %scan3A_1103, %scan3A_1104 : i32
    %scan3A_1106 = arith.constant 1 : i32
    scf.for %scan3A_1457 = %scan3A_1103 to %scan3A_1105 step %scan3A_1106  : i32 {
      %mul3A_1458 = arith.constant 2 : i32
      %mul3A_1459 = arith.muli %scan3A_1457, %mul3A_1458 : i32
      %add3A_1460 = arith.constant 1 : i32
      %add3A_1461 = arith.addi %mul3A_1459, %add3A_1460 : i32
      %mul3A_1462 = arith.constant 32 : i32
      %mul3A_1463 = arith.muli %add3A_1461, %mul3A_1462 : i32
      %add3A_1464 = arith.addi %add3A, %mul3A_1463 : i32
      %lt3A_1465 = arith.constant 500 : i32
      %lt3A_1466 = arith.cmpi slt, %add3A_1464, %lt3A_1465 : i32
      %jit3A_1467 = arith.constant 0 : i32
      %select_n3A_1468 = arith.select %lt3A_1466, %add3A_1464, %jit3A_1467 : i32
      %mul3A_1469 = arith.constant 1280 : i32
      %mul3A_1470 = arith.muli %select_n3A_1468, %mul3A_1469 : i32
      %dma_start3A_1471 = tpu.memref_slice %arg2[%mul3A_1470] : memref<640000xi32, #tpu.memory_space<hbm>> -> memref<1280xi32, #tpu.memory_space<hbm>>
      %dma_start3A_1472 = tpu.memref_slice %arg2[%mul3A_1470] : memref<640000xi32, #tpu.memory_space<hbm>> -> memref<1280xi32, #tpu.memory_space<hbm>>
      tpu.enqueue_dma source(%dma_start3A_1472 : memref<1280xi32, #tpu.memory_space<hbm>>) target(%arg8 : memref<1280xi32, #tpu.memory_space<vmem>>) target_semaphore(%arg13 : memref<!tpu.dma_semaphore, #tpu.memory_space<semaphore_mem>>)
      %dma_start3A_1473 = arith.constant 0 : i32
      %dma_start3A_1474 = tpu.memref_slice %arg3[%dma_start3A_1473, %mul3A_1470] : memref<16x640000xf32, #tpu.memory_space<hbm>> -> memref<16x1280xf32, #tpu.memory_space<hbm>>
      %dma_start3A_1475 = arith.constant 0 : i32
      %dma_start3A_1476 = tpu.memref_slice %arg3[%dma_start3A_1475, %mul3A_1470] : memref<16x640000xf32, #tpu.memory_space<hbm>> -> memref<16x1280xf32, #tpu.memory_space<hbm>>
      tpu.enqueue_dma source(%dma_start3A_1476 : memref<16x1280xf32, #tpu.memory_space<hbm>>) target(%arg10 : memref<16x1280xf32, #tpu.memory_space<vmem>>) target_semaphore(%arg15 : memref<!tpu.dma_semaphore, #tpu.memory_space<semaphore_mem>>)
      %dma_wait3A_1477 = arith.constant 0 : i32
      %dma_wait3A_1478 = tpu.memref_slice %arg2[%dma_wait3A_1477] : memref<640000xi32, #tpu.memory_space<hbm>> -> memref<1280xi32, #tpu.memory_space<hbm>>
      %dma_wait3A_1479 = arith.constant 0 : i32
      %dma_wait3A_1480 = tpu.memref_slice %arg2[%dma_wait3A_1479] : memref<640000xi32, #tpu.memory_space<hbm>> -> memref<1280xi32, #tpu.memory_space<hbm>>
      tpu.wait_dma2 semaphore(%arg12 : memref<!tpu.dma_semaphore, #tpu.memory_space<semaphore_mem>>) src(%dma_wait3A_1480 : memref<1280xi32, #tpu.memory_space<hbm>>) dst(%arg7 : memref<1280xi32, #tpu.memory_space<vmem>>)
      %dma_wait3A_1481 = arith.constant 0 : i32
      %dma_wait3A_1482 = arith.constant 0 : i32
      %dma_wait3A_1483 = tpu.memref_slice %arg3[%dma_wait3A_1481, %dma_wait3A_1482] : memref<16x640000xf32, #tpu.memory_space<hbm>> -> memref<16x1280xf32, #tpu.memory_space<hbm>>
      %dma_wait3A_1484 = arith.constant 0 : i32
      %dma_wait3A_1485 = arith.constant 0 : i32
      %dma_wait3A_1486 = tpu.memref_slice %arg3[%dma_wait3A_1484, %dma_wait3A_1485] : memref<16x640000xf32, #tpu.memory_space<hbm>> -> memref<16x1280xf32, #tpu.memory_space<hbm>>
      tpu.wait_dma2 semaphore(%arg14 : memref<!tpu.dma_semaphore, #tpu.memory_space<semaphore_mem>>) src(%dma_wait3A_1486 : memref<16x1280xf32, #tpu.memory_space<hbm>>) dst(%arg9 : memref<16x1280xf32, #tpu.memory_space<vmem>>)
      %mul3A_1487 = arith.constant 32 : i32
      %mul3A_1488 = arith.muli %mul3A_1459, %mul3A_1487 : i32
      %add3A_1489 = arith.addi %add3A, %mul3A_1488 : i32
      %lt3A_1490 = arith.constant 500 : i32
      %lt3A_1491 = arith.cmpi slt, %add3A_1489, %lt3A_1490 : i32
      %convert_element_type3A = arith.extui %lt3A_1491 : i1 to i32
      %cond3A = arith.constant 0 : i32
      %cond3A_1492 = arith.cmpi ne, %convert_element_type3A, %cond3A : i32
      scf.if %cond3A_1492 {
        %scan3A_1530 = arith.constant 0 : i32
        %scan3A_1531 = arith.constant 0 : i32
        %scan3A_1532 = arith.constant 80 : i32
        %scan3A_1533 = arith.addi %scan3A_1531, %scan3A_1532 : i32
        %scan3A_1534 = arith.constant 4 : i32
        scf.for %scan3A_1536 = %scan3A_1531 to %scan3A_1533 step %scan3A_1534  : i32 {
          %mul3A_1537 = arith.constant 16 : i32
          %mul3A_1538 = arith.muli %scan3A_1536, %mul3A_1537 : i32
          %get3A = arith.index_cast %mul3A_1538 : i32 to index
          %get3A_1539 = tpu.vector_load %arg7[%get3A] {strides = array<i32>} : memref<1280xi32, #tpu.memory_space<vmem>>, vector<16xi32>,
          %gather3A = tpu.vector_load_idx %arg6[%get3A_1539] : memref<10000xi32, #tpu.memory_space<vmem>>[vector<16xi32>], vector<16xi32>,
          %mul3A_1540 = arith.constant 8 : i32
          %mul3A_1541 = vector.broadcast %mul3A_1540 : i32 to vector<16xi32>
          %mul3A_1542 = arith.muli %gather3A, %mul3A_1541 : vector<16xi32>
          %add3A_1543 = arith.addi %mul3A_1542, %and3A_5 : vector<16xi32>
          tpu.vector_store_idx %arg33[%add3A_1543], %broadcast_in_dim3A_3 {add = true} : memref<512xf32, #tpu.memory_space<vmem>>[vector<16xi32>], vector<16xf32>,
          %mul3A_1544 = arith.constant 16 : i32
          %mul3A_1545 = arith.muli %scan3A_1536, %mul3A_1544 : i32
          %get3A_1546 = arith.constant 0 : i32
          %get3A_1547 = arith.index_cast %get3A_1546 : i32 to index
          %get3A_1548 = arith.index_cast %mul3A_1545 : i32 to index
          %get3A_1549 = tpu.vector_load %arg9[%get3A_1547, %get3A_1548] {strides = array<i32>} : memref<16x1280xf32, #tpu.memory_space<vmem>>, vector<16xf32>,
          tpu.vector_store_idx %arg17[%add3A_1543], %get3A_1549 {add = true} : memref<512xf32, #tpu.memory_space<vmem>>[vector<16xi32>], vector<16xf32>,
          %mul3A_1550 = arith.constant 16 : i32
          %mul3A_1551 = arith.muli %scan3A_1536, %mul3A_1550 : i32
          %get3A_1552 = arith.constant 1 : i32
          %get3A_1553 = arith.index_cast %get3A_1552 : i32 to index
          %get3A_1554 = arith.index_cast %mul3A_1551 : i32 to index
          %get3A_1555 = tpu.vector_load %arg9[%get3A_1553, %get3A_1554] {strides = array<i32>} : memref<16x1280xf32, #tpu.memory_space<vmem>>, vector<16xf32>,
          tpu.vector_store_idx %arg18[%add3A_1543], %get3A_1555 {add = true} : memref<512xf32, #tpu.memory_space<vmem>>[vector<16xi32>], vector<16xf32>,
          %mul3A_1556 = arith.constant 16 : i32
          %mul3A_1557 = arith.muli %scan3A_1536, %mul3A_1556 : i32
          %get3A_1558 = arith.constant 2 : i32
          %get3A_1559 = arith.index_cast %get3A_1558 : i32 to index
          %get3A_1560 = arith.index_cast %mul3A_1557 : i32 to index
          %get3A_1561 = tpu.vector_load %arg9[%get3A_1559, %get3A_1560] {strides = array<i32>} : memref<16x1280xf32, #tpu.memory_space<vmem>>, vector<16xf32>,
          tpu.vector_store_idx %arg19[%add3A_1543], %get3A_1561 {add = true} : memref<512xf32, #tpu.memory_space<vmem>>[vector<16xi32>], vector<16xf32>,
          %mul3A_1562 = arith.constant 16 : i32
          %mul3A_1563 = arith.muli %scan3A_1536, %mul3A_1562 : i32
          %get3A_1564 = arith.constant 3 : i32
          %get3A_1565 = arith.index_cast %get3A_1564 : i32 to index
          %get3A_1566 = arith.index_cast %mul3A_1563 : i32 to index
          %get3A_1567 = tpu.vector_load %arg9[%get3A_1565, %get3A_1566] {strides = array<i32>} : memref<16x1280xf32, #tpu.memory_space<vmem>>, vector<16xf32>,
          tpu.vector_store_idx %arg20[%add3A_1543], %get3A_1567 {add = true} : memref<512xf32, #tpu.memory_space<vmem>>[vector<16xi32>], vector<16xf32>,
          %mul3A_1568 = arith.constant 16 : i32
          %mul3A_1569 = arith.muli %scan3A_1536, %mul3A_1568 : i32
          %get3A_1570 = arith.constant 4 : i32
          %get3A_1571 = arith.index_cast %get3A_1570 : i32 to index
          %get3A_1572 = arith.index_cast %mul3A_1569 : i32 to index
          %get3A_1573 = tpu.vector_load %arg9[%get3A_1571, %get3A_1572] {strides = array<i32>} : memref<16x1280xf32, #tpu.memory_space<vmem>>, vector<16xf32>,
          tpu.vector_store_idx %arg21[%add3A_1543], %get3A_1573 {add = true} : memref<512xf32, #tpu.memory_space<vmem>>[vector<16xi32>], vector<16xf32>,
          %mul3A_1574 = arith.constant 16 : i32
          %mul3A_1575 = arith.muli %scan3A_1536, %mul3A_1574 : i32
          %get3A_1576 = arith.constant 5 : i32
          %get3A_1577 = arith.index_cast %get3A_1576 : i32 to index
          %get3A_1578 = arith.index_cast %mul3A_1575 : i32 to index
          %get3A_1579 = tpu.vector_load %arg9[%get3A_1577, %get3A_1578] {strides = array<i32>} : memref<16x1280xf32, #tpu.memory_space<vmem>>, vector<16xf32>,
          tpu.vector_store_idx %arg22[%add3A_1543], %get3A_1579 {add = true} : memref<512xf32, #tpu.memory_space<vmem>>[vector<16xi32>], vector<16xf32>,
          %mul3A_1580 = arith.constant 16 : i32
          %mul3A_1581 = arith.muli %scan3A_1536, %mul3A_1580 : i32
          %get3A_1582 = arith.constant 6 : i32
          %get3A_1583 = arith.index_cast %get3A_1582 : i32 to index
          %get3A_1584 = arith.index_cast %mul3A_1581 : i32 to index
          %get3A_1585 = tpu.vector_load %arg9[%get3A_1583, %get3A_1584] {strides = array<i32>} : memref<16x1280xf32, #tpu.memory_space<vmem>>, vector<16xf32>,
          tpu.vector_store_idx %arg23[%add3A_1543], %get3A_1585 {add = true} : memref<512xf32, #tpu.memory_space<vmem>>[vector<16xi32>], vector<16xf32>,
          %mul3A_1586 = arith.constant 16 : i32
          %mul3A_1587 = arith.muli %scan3A_1536, %mul3A_1586 : i32
          %get3A_1588 = arith.constant 7 : i32
          %get3A_1589 = arith.index_cast %get3A_1588 : i32 to index
          %get3A_1590 = arith.index_cast %mul3A_1587 : i32 to index
          %get3A_1591 = tpu.vector_load %arg9[%get3A_1589, %get3A_1590] {strides = array<i32>} : memref<16x1280xf32, #tpu.memory_space<vmem>>, vector<16xf32>,
          tpu.vector_store_idx %arg24[%add3A_1543], %get3A_1591 {add = true} : memref<512xf32, #tpu.memory_space<vmem>>[vector<16xi32>], vector<16xf32>,
          %mul3A_1592 = arith.constant 16 : i32
          %mul3A_1593 = arith.muli %scan3A_1536, %mul3A_1592 : i32
          %get3A_1594 = arith.constant 8 : i32
          %get3A_1595 = arith.index_cast %get3A_1594 : i32 to index
          %get3A_1596 = arith.index_cast %mul3A_1593 : i32 to index
          %get3A_1597 = tpu.vector_load %arg9[%get3A_1595, %get3A_1596] {strides = array<i32>} : memref<16x1280xf32, #tpu.memory_space<vmem>>, vector<16xf32>,
          tpu.vector_store_idx %arg25[%add3A_1543], %get3A_1597 {add = true} : memref<512xf32, #tpu.memory_space<vmem>>[vector<16xi32>], vector<16xf32>,
          %mul3A_1598 = arith.constant 16 : i32
          %mul3A_1599 = arith.muli %scan3A_1536, %mul3A_1598 : i32
          %get3A_1600 = arith.constant 9 : i32
          %get3A_1601 = arith.index_cast %get3A_1600 : i32 to index
          %get3A_1602 = arith.index_cast %mul3A_1599 : i32 to index
          %get3A_1603 = tpu.vector_load %arg9[%get3A_1601, %get3A_1602] {strides = array<i32>} : memref<16x1280xf32, #tpu.memory_space<vmem>>, vector<16xf32>,
          tpu.vector_store_idx %arg26[%add3A_1543], %get3A_1603 {add = true} : memref<512xf32, #tpu.memory_space<vmem>>[vector<16xi32>], vector<16xf32>,
          %mul3A_1604 = arith.constant 16 : i32
          %mul3A_1605 = arith.muli %scan3A_1536, %mul3A_1604 : i32
          %get3A_1606 = arith.constant 10 : i32
          %get3A_1607 = arith.index_cast %get3A_1606 : i32 to index
          %get3A_1608 = arith.index_cast %mul3A_1605 : i32 to index
          %get3A_1609 = tpu.vector_load %arg9[%get3A_1607, %get3A_1608] {strides = array<i32>} : memref<16x1280xf32, #tpu.memory_space<vmem>>, vector<16xf32>,
          tpu.vector_store_idx %arg27[%add3A_1543], %get3A_1609 {add = true} : memref<512xf32, #tpu.memory_space<vmem>>[vector<16xi32>], vector<16xf32>,
          %mul3A_1610 = arith.constant 16 : i32
          %mul3A_1611 = arith.muli %scan3A_1536, %mul3A_1610 : i32
          %get3A_1612 = arith.constant 11 : i32
          %get3A_1613 = arith.index_cast %get3A_1612 : i32 to index
          %get3A_1614 = arith.index_cast %mul3A_1611 : i32 to index
          %get3A_1615 = tpu.vector_load %arg9[%get3A_1613, %get3A_1614] {strides = array<i32>} : memref<16x1280xf32, #tpu.memory_space<vmem>>, vector<16xf32>,
          tpu.vector_store_idx %arg28[%add3A_1543], %get3A_1615 {add = true} : memref<512xf32, #tpu.memory_space<vmem>>[vector<16xi32>], vector<16xf32>,
          %mul3A_1616 = arith.constant 16 : i32
          %mul3A_1617 = arith.muli %scan3A_1536, %mul3A_1616 : i32
          %get3A_1618 = arith.constant 12 : i32
          %get3A_1619 = arith.index_cast %get3A_1618 : i32 to index
          %get3A_1620 = arith.index_cast %mul3A_1617 : i32 to index
          %get3A_1621 = tpu.vector_load %arg9[%get3A_1619, %get3A_1620] {strides = array<i32>} : memref<16x1280xf32, #tpu.memory_space<vmem>>, vector<16xf32>,
          tpu.vector_store_idx %arg29[%add3A_1543], %get3A_1621 {add = true} : memref<512xf32, #tpu.memory_space<vmem>>[vector<16xi32>], vector<16xf32>,
          %mul3A_1622 = arith.constant 16 : i32
          %mul3A_1623 = arith.muli %scan3A_1536, %mul3A_1622 : i32
          %get3A_1624 = arith.constant 13 : i32
          %get3A_1625 = arith.index_cast %get3A_1624 : i32 to index
          %get3A_1626 = arith.index_cast %mul3A_1623 : i32 to index
          %get3A_1627 = tpu.vector_load %arg9[%get3A_1625, %get3A_1626] {strides = array<i32>} : memref<16x1280xf32, #tpu.memory_space<vmem>>, vector<16xf32>,
          tpu.vector_store_idx %arg30[%add3A_1543], %get3A_1627 {add = true} : memref<512xf32, #tpu.memory_space<vmem>>[vector<16xi32>], vector<16xf32>,
          %mul3A_1628 = arith.constant 16 : i32
          %mul3A_1629 = arith.muli %scan3A_1536, %mul3A_1628 : i32
          %get3A_1630 = arith.constant 14 : i32
          %get3A_1631 = arith.index_cast %get3A_1630 : i32 to index
          %get3A_1632 = arith.index_cast %mul3A_1629 : i32 to index
          %get3A_1633 = tpu.vector_load %arg9[%get3A_1631, %get3A_1632] {strides = array<i32>} : memref<16x1280xf32, #tpu.memory_space<vmem>>, vector<16xf32>,
          tpu.vector_store_idx %arg31[%add3A_1543], %get3A_1633 {add = true} : memref<512xf32, #tpu.memory_space<vmem>>[vector<16xi32>], vector<16xf32>,
          %mul3A_1634 = arith.constant 16 : i32
          %mul3A_1635 = arith.muli %scan3A_1536, %mul3A_1634 : i32
          %get3A_1636 = arith.constant 15 : i32
          %get3A_1637 = arith.index_cast %get3A_1636 : i32 to index
          %get3A_1638 = arith.index_cast %mul3A_1635 : i32 to index
          %get3A_1639 = tpu.vector_load %arg9[%get3A_1637, %get3A_1638] {strides = array<i32>} : memref<16x1280xf32, #tpu.memory_space<vmem>>, vector<16xf32>,
          tpu.vector_store_idx %arg32[%add3A_1543], %get3A_1639 {add = true} : memref<512xf32, #tpu.memory_space<vmem>>[vector<16xi32>], vector<16xf32>,
          %scan3A_1640 = arith.constant 1 : i32
          %scan3A_1641 = arith.addi %scan3A_1536, %scan3A_1640 : i32
          %mul3A_1642 = arith.constant 16 : i32
          %mul3A_1643 = arith.muli %scan3A_1641, %mul3A_1642 : i32
          %get3A_1644 = arith.index_cast %mul3A_1643 : i32 to index
          %get3A_1645 = tpu.vector_load %arg7[%get3A_1644] {strides = array<i32>} : memref<1280xi32, #tpu.memory_space<vmem>>, vector<16xi32>,
          %gather3A_1646 = tpu.vector_load_idx %arg6[%get3A_1645] : memref<10000xi32, #tpu.memory_space<vmem>>[vector<16xi32>], vector<16xi32>,
          %mul3A_1647 = arith.constant 8 : i32
          %mul3A_1648 = vector.broadcast %mul3A_1647 : i32 to vector<16xi32>
          %mul3A_1649 = arith.muli %gather3A_1646, %mul3A_1648 : vector<16xi32>
          %add3A_1650 = arith.addi %mul3A_1649, %and3A_5 : vector<16xi32>
          tpu.vector_store_idx %arg33[%add3A_1650], %broadcast_in_dim3A_3 {add = true} : memref<512xf32, #tpu.memory_space<vmem>>[vector<16xi32>], vector<16xf32>,
          %mul3A_1651 = arith.constant 16 : i32
          %mul3A_1652 = arith.muli %scan3A_1641, %mul3A_1651 : i32
          %get3A_1653 = arith.constant 0 : i32
          %get3A_1654 = arith.index_cast %get3A_1653 : i32 to index
          %get3A_1655 = arith.index_cast %mul3A_1652 : i32 to index
          %get3A_1656 = tpu.vector_load %arg9[%get3A_1654, %get3A_1655] {strides = array<i32>} : memref<16x1280xf32, #tpu.memory_space<vmem>>, vector<16xf32>,
          tpu.vector_store_idx %arg17[%add3A_1650], %get3A_1656 {add = true} : memref<512xf32, #tpu.memory_space<vmem>>[vector<16xi32>], vector<16xf32>,
          %mul3A_1657 = arith.constant 16 : i32
          %mul3A_1658 = arith.muli %scan3A_1641, %mul3A_1657 : i32
          %get3A_1659 = arith.constant 1 : i32
          %get3A_1660 = arith.index_cast %get3A_1659 : i32 to index
          %get3A_1661 = arith.index_cast %mul3A_1658 : i32 to index
          %get3A_1662 = tpu.vector_load %arg9[%get3A_1660, %get3A_1661] {strides = array<i32>} : memref<16x1280xf32, #tpu.memory_space<vmem>>, vector<16xf32>,
          tpu.vector_store_idx %arg18[%add3A_1650], %get3A_1662 {add = true} : memref<512xf32, #tpu.memory_space<vmem>>[vector<16xi32>], vector<16xf32>,
          %mul3A_1663 = arith.constant 16 : i32
          %mul3A_1664 = arith.muli %scan3A_1641, %mul3A_1663 : i32
          %get3A_1665 = arith.constant 2 : i32
          %get3A_1666 = arith.index_cast %get3A_1665 : i32 to index
          %get3A_1667 = arith.index_cast %mul3A_1664 : i32 to index
          %get3A_1668 = tpu.vector_load %arg9[%get3A_1666, %get3A_1667] {strides = array<i32>} : memref<16x1280xf32, #tpu.memory_space<vmem>>, vector<16xf32>,
          tpu.vector_store_idx %arg19[%add3A_1650], %get3A_1668 {add = true} : memref<512xf32, #tpu.memory_space<vmem>>[vector<16xi32>], vector<16xf32>,
          %mul3A_1669 = arith.constant 16 : i32
          %mul3A_1670 = arith.muli %scan3A_1641, %mul3A_1669 : i32
          %get3A_1671 = arith.constant 3 : i32
          %get3A_1672 = arith.index_cast %get3A_1671 : i32 to index
          %get3A_1673 = arith.index_cast %mul3A_1670 : i32 to index
          %get3A_1674 = tpu.vector_load %arg9[%get3A_1672, %get3A_1673] {strides = array<i32>} : memref<16x1280xf32, #tpu.memory_space<vmem>>, vector<16xf32>,
          tpu.vector_store_idx %arg20[%add3A_1650], %get3A_1674 {add = true} : memref<512xf32, #tpu.memory_space<vmem>>[vector<16xi32>], vector<16xf32>,
          %mul3A_1675 = arith.constant 16 : i32
          %mul3A_1676 = arith.muli %scan3A_1641, %mul3A_1675 : i32
          %get3A_1677 = arith.constant 4 : i32
          %get3A_1678 = arith.index_cast %get3A_1677 : i32 to index
          %get3A_1679 = arith.index_cast %mul3A_1676 : i32 to index
          %get3A_1680 = tpu.vector_load %arg9[%get3A_1678, %get3A_1679] {strides = array<i32>} : memref<16x1280xf32, #tpu.memory_space<vmem>>, vector<16xf32>,
          tpu.vector_store_idx %arg21[%add3A_1650], %get3A_1680 {add = true} : memref<512xf32, #tpu.memory_space<vmem>>[vector<16xi32>], vector<16xf32>,
          %mul3A_1681 = arith.constant 16 : i32
          %mul3A_1682 = arith.muli %scan3A_1641, %mul3A_1681 : i32
          %get3A_1683 = arith.constant 5 : i32
          %get3A_1684 = arith.index_cast %get3A_1683 : i32 to index
          %get3A_1685 = arith.index_cast %mul3A_1682 : i32 to index
          %get3A_1686 = tpu.vector_load %arg9[%get3A_1684, %get3A_1685] {strides = array<i32>} : memref<16x1280xf32, #tpu.memory_space<vmem>>, vector<16xf32>,
          tpu.vector_store_idx %arg22[%add3A_1650], %get3A_1686 {add = true} : memref<512xf32, #tpu.memory_space<vmem>>[vector<16xi32>], vector<16xf32>,
          %mul3A_1687 = arith.constant 16 : i32
          %mul3A_1688 = arith.muli %scan3A_1641, %mul3A_1687 : i32
          %get3A_1689 = arith.constant 6 : i32
          %get3A_1690 = arith.index_cast %get3A_1689 : i32 to index
          %get3A_1691 = arith.index_cast %mul3A_1688 : i32 to index
          %get3A_1692 = tpu.vector_load %arg9[%get3A_1690, %get3A_1691] {strides = array<i32>} : memref<16x1280xf32, #tpu.memory_space<vmem>>, vector<16xf32>,
          tpu.vector_store_idx %arg23[%add3A_1650], %get3A_1692 {add = true} : memref<512xf32, #tpu.memory_space<vmem>>[vector<16xi32>], vector<16xf32>,
          %mul3A_1693 = arith.constant 16 : i32
          %mul3A_1694 = arith.muli %scan3A_1641, %mul3A_1693 : i32
          %get3A_1695 = arith.constant 7 : i32
          %get3A_1696 = arith.index_cast %get3A_1695 : i32 to index
          %get3A_1697 = arith.index_cast %mul3A_1694 : i32 to index
          %get3A_1698 = tpu.vector_load %arg9[%get3A_1696, %get3A_1697] {strides = array<i32>} : memref<16x1280xf32, #tpu.memory_space<vmem>>, vector<16xf32>,
          tpu.vector_store_idx %arg24[%add3A_1650], %get3A_1698 {add = true} : memref<512xf32, #tpu.memory_space<vmem>>[vector<16xi32>], vector<16xf32>,
          %mul3A_1699 = arith.constant 16 : i32
          %mul3A_1700 = arith.muli %scan3A_1641, %mul3A_1699 : i32
          %get3A_1701 = arith.constant 8 : i32
          %get3A_1702 = arith.index_cast %get3A_1701 : i32 to index
          %get3A_1703 = arith.index_cast %mul3A_1700 : i32 to index
          %get3A_1704 = tpu.vector_load %arg9[%get3A_1702, %get3A_1703] {strides = array<i32>} : memref<16x1280xf32, #tpu.memory_space<vmem>>, vector<16xf32>,
          tpu.vector_store_idx %arg25[%add3A_1650], %get3A_1704 {add = true} : memref<512xf32, #tpu.memory_space<vmem>>[vector<16xi32>], vector<16xf32>,
          %mul3A_1705 = arith.constant 16 : i32
          %mul3A_1706 = arith.muli %scan3A_1641, %mul3A_1705 : i32
          %get3A_1707 = arith.constant 9 : i32
          %get3A_1708 = arith.index_cast %get3A_1707 : i32 to index
          %get3A_1709 = arith.index_cast %mul3A_1706 : i32 to index
          %get3A_1710 = tpu.vector_load %arg9[%get3A_1708, %get3A_1709] {strides = array<i32>} : memref<16x1280xf32, #tpu.memory_space<vmem>>, vector<16xf32>,
          tpu.vector_store_idx %arg26[%add3A_1650], %get3A_1710 {add = true} : memref<512xf32, #tpu.memory_space<vmem>>[vector<16xi32>], vector<16xf32>,
          %mul3A_1711 = arith.constant 16 : i32
          %mul3A_1712 = arith.muli %scan3A_1641, %mul3A_1711 : i32
          %get3A_1713 = arith.constant 10 : i32
          %get3A_1714 = arith.index_cast %get3A_1713 : i32 to index
          %get3A_1715 = arith.index_cast %mul3A_1712 : i32 to index
          %get3A_1716 = tpu.vector_load %arg9[%get3A_1714, %get3A_1715] {strides = array<i32>} : memref<16x1280xf32, #tpu.memory_space<vmem>>, vector<16xf32>,
          tpu.vector_store_idx %arg27[%add3A_1650], %get3A_1716 {add = true} : memref<512xf32, #tpu.memory_space<vmem>>[vector<16xi32>], vector<16xf32>,
          %mul3A_1717 = arith.constant 16 : i32
          %mul3A_1718 = arith.muli %scan3A_1641, %mul3A_1717 : i32
          %get3A_1719 = arith.constant 11 : i32
          %get3A_1720 = arith.index_cast %get3A_1719 : i32 to index
          %get3A_1721 = arith.index_cast %mul3A_1718 : i32 to index
          %get3A_1722 = tpu.vector_load %arg9[%get3A_1720, %get3A_1721] {strides = array<i32>} : memref<16x1280xf32, #tpu.memory_space<vmem>>, vector<16xf32>,
          tpu.vector_store_idx %arg28[%add3A_1650], %get3A_1722 {add = true} : memref<512xf32, #tpu.memory_space<vmem>>[vector<16xi32>], vector<16xf32>,
          %mul3A_1723 = arith.constant 16 : i32
          %mul3A_1724 = arith.muli %scan3A_1641, %mul3A_1723 : i32
          %get3A_1725 = arith.constant 12 : i32
          %get3A_1726 = arith.index_cast %get3A_1725 : i32 to index
          %get3A_1727 = arith.index_cast %mul3A_1724 : i32 to index
          %get3A_1728 = tpu.vector_load %arg9[%get3A_1726, %get3A_1727] {strides = array<i32>} : memref<16x1280xf32, #tpu.memory_space<vmem>>, vector<16xf32>,
          tpu.vector_store_idx %arg29[%add3A_1650], %get3A_1728 {add = true} : memref<512xf32, #tpu.memory_space<vmem>>[vector<16xi32>], vector<16xf32>,
          %mul3A_1729 = arith.constant 16 : i32
          %mul3A_1730 = arith.muli %scan3A_1641, %mul3A_1729 : i32
          %get3A_1731 = arith.constant 13 : i32
          %get3A_1732 = arith.index_cast %get3A_1731 : i32 to index
          %get3A_1733 = arith.index_cast %mul3A_1730 : i32 to index
          %get3A_1734 = tpu.vector_load %arg9[%get3A_1732, %get3A_1733] {strides = array<i32>} : memref<16x1280xf32, #tpu.memory_space<vmem>>, vector<16xf32>,
          tpu.vector_store_idx %arg30[%add3A_1650], %get3A_1734 {add = true} : memref<512xf32, #tpu.memory_space<vmem>>[vector<16xi32>], vector<16xf32>,
          %mul3A_1735 = arith.constant 16 : i32
          %mul3A_1736 = arith.muli %scan3A_1641, %mul3A_1735 : i32
          %get3A_1737 = arith.constant 14 : i32
          %get3A_1738 = arith.index_cast %get3A_1737 : i32 to index
          %get3A_1739 = arith.index_cast %mul3A_1736 : i32 to index
          %get3A_1740 = tpu.vector_load %arg9[%get3A_1738, %get3A_1739] {strides = array<i32>} : memref<16x1280xf32, #tpu.memory_space<vmem>>, vector<16xf32>,
          tpu.vector_store_idx %arg31[%add3A_1650], %get3A_1740 {add = true} : memref<512xf32, #tpu.memory_space<vmem>>[vector<16xi32>], vector<16xf32>,
          %mul3A_1741 = arith.constant 16 : i32
          %mul3A_1742 = arith.muli %scan3A_1641, %mul3A_1741 : i32
          %get3A_1743 = arith.constant 15 : i32
          %get3A_1744 = arith.index_cast %get3A_1743 : i32 to index
          %get3A_1745 = arith.index_cast %mul3A_1742 : i32 to index
          %get3A_1746 = tpu.vector_load %arg9[%get3A_1744, %get3A_1745] {strides = array<i32>} : memref<16x1280xf32, #tpu.memory_space<vmem>>, vector<16xf32>,
          tpu.vector_store_idx %arg32[%add3A_1650], %get3A_1746 {add = true} : memref<512xf32, #tpu.memory_space<vmem>>[vector<16xi32>], vector<16xf32>,
          %scan3A_1747 = arith.constant 2 : i32
          %scan3A_1748 = arith.addi %scan3A_1536, %scan3A_1747 : i32
          %mul3A_1749 = arith.constant 16 : i32
          %mul3A_1750 = arith.muli %scan3A_1748, %mul3A_1749 : i32
          %get3A_1751 = arith.index_cast %mul3A_1750 : i32 to index
          %get3A_1752 = tpu.vector_load %arg7[%get3A_1751] {strides = array<i32>} : memref<1280xi32, #tpu.memory_space<vmem>>, vector<16xi32>,
          %gather3A_1753 = tpu.vector_load_idx %arg6[%get3A_1752] : memref<10000xi32, #tpu.memory_space<vmem>>[vector<16xi32>], vector<16xi32>,
          %mul3A_1754 = arith.constant 8 : i32
          %mul3A_1755 = vector.broadcast %mul3A_1754 : i32 to vector<16xi32>
          %mul3A_1756 = arith.muli %gather3A_1753, %mul3A_1755 : vector<16xi32>
          %add3A_1757 = arith.addi %mul3A_1756, %and3A_5 : vector<16xi32>
          tpu.vector_store_idx %arg33[%add3A_1757], %broadcast_in_dim3A_3 {add = true} : memref<512xf32, #tpu.memory_space<vmem>>[vector<16xi32>], vector<16xf32>,
          %mul3A_1758 = arith.constant 16 : i32
          %mul3A_1759 = arith.muli %scan3A_1748, %mul3A_1758 : i32
          %get3A_1760 = arith.constant 0 : i32
          %get3A_1761 = arith.index_cast %get3A_1760 : i32 to index
          %get3A_1762 = arith.index_cast %mul3A_1759 : i32 to index
          %get3A_1763 = tpu.vector_load %arg9[%get3A_1761, %get3A_1762] {strides = array<i32>} : memref<16x1280xf32, #tpu.memory_space<vmem>>, vector<16xf32>,
          tpu.vector_store_idx %arg17[%add3A_1757], %get3A_1763 {add = true} : memref<512xf32, #tpu.memory_space<vmem>>[vector<16xi32>], vector<16xf32>,
          %mul3A_1764 = arith.constant 16 : i32
          %mul3A_1765 = arith.muli %scan3A_1748, %mul3A_1764 : i32
          %get3A_1766 = arith.constant 1 : i32
          %get3A_1767 = arith.index_cast %get3A_1766 : i32 to index
          %get3A_1768 = arith.index_cast %mul3A_1765 : i32 to index
          %get3A_1769 = tpu.vector_load %arg9[%get3A_1767, %get3A_1768] {strides = array<i32>} : memref<16x1280xf32, #tpu.memory_space<vmem>>, vector<16xf32>,
          tpu.vector_store_idx %arg18[%add3A_1757], %get3A_1769 {add = true} : memref<512xf32, #tpu.memory_space<vmem>>[vector<16xi32>], vector<16xf32>,
          %mul3A_1770 = arith.constant 16 : i32
          %mul3A_1771 = arith.muli %scan3A_1748, %mul3A_1770 : i32
          %get3A_1772 = arith.constant 2 : i32
          %get3A_1773 = arith.index_cast %get3A_1772 : i32 to index
          %get3A_1774 = arith.index_cast %mul3A_1771 : i32 to index
          %get3A_1775 = tpu.vector_load %arg9[%get3A_1773, %get3A_1774] {strides = array<i32>} : memref<16x1280xf32, #tpu.memory_space<vmem>>, vector<16xf32>,
          tpu.vector_store_idx %arg19[%add3A_1757], %get3A_1775 {add = true} : memref<512xf32, #tpu.memory_space<vmem>>[vector<16xi32>], vector<16xf32>,
          %mul3A_1776 = arith.constant 16 : i32
          %mul3A_1777 = arith.muli %scan3A_1748, %mul3A_1776 : i32
          %get3A_1778 = arith.constant 3 : i32
          %get3A_1779 = arith.index_cast %get3A_1778 : i32 to index
          %get3A_1780 = arith.index_cast %mul3A_1777 : i32 to index
          %get3A_1781 = tpu.vector_load %arg9[%get3A_1779, %get3A_1780] {strides = array<i32>} : memref<16x1280xf32, #tpu.memory_space<vmem>>, vector<16xf32>,
          tpu.vector_store_idx %arg20[%add3A_1757], %get3A_1781 {add = true} : memref<512xf32, #tpu.memory_space<vmem>>[vector<16xi32>], vector<16xf32>,
          %mul3A_1782 = arith.constant 16 : i32
          %mul3A_1783 = arith.muli %scan3A_1748, %mul3A_1782 : i32
          %get3A_1784 = arith.constant 4 : i32
          %get3A_1785 = arith.index_cast %get3A_1784 : i32 to index
          %get3A_1786 = arith.index_cast %mul3A_1783 : i32 to index
          %get3A_1787 = tpu.vector_load %arg9[%get3A_1785, %get3A_1786] {strides = array<i32>} : memref<16x1280xf32, #tpu.memory_space<vmem>>, vector<16xf32>,
          tpu.vector_store_idx %arg21[%add3A_1757], %get3A_1787 {add = true} : memref<512xf32, #tpu.memory_space<vmem>>[vector<16xi32>], vector<16xf32>,
          %mul3A_1788 = arith.constant 16 : i32
          %mul3A_1789 = arith.muli %scan3A_1748, %mul3A_1788 : i32
          %get3A_1790 = arith.constant 5 : i32
          %get3A_1791 = arith.index_cast %get3A_1790 : i32 to index
          %get3A_1792 = arith.index_cast %mul3A_1789 : i32 to index
          %get3A_1793 = tpu.vector_load %arg9[%get3A_1791, %get3A_1792] {strides = array<i32>} : memref<16x1280xf32, #tpu.memory_space<vmem>>, vector<16xf32>,
          tpu.vector_store_idx %arg22[%add3A_1757], %get3A_1793 {add = true} : memref<512xf32, #tpu.memory_space<vmem>>[vector<16xi32>], vector<16xf32>,
          %mul3A_1794 = arith.constant 16 : i32
          %mul3A_1795 = arith.muli %scan3A_1748, %mul3A_1794 : i32
          %get3A_1796 = arith.constant 6 : i32
          %get3A_1797 = arith.index_cast %get3A_1796 : i32 to index
          %get3A_1798 = arith.index_cast %mul3A_1795 : i32 to index
          %get3A_1799 = tpu.vector_load %arg9[%get3A_1797, %get3A_1798] {strides = array<i32>} : memref<16x1280xf32, #tpu.memory_space<vmem>>, vector<16xf32>,
          tpu.vector_store_idx %arg23[%add3A_1757], %get3A_1799 {add = true} : memref<512xf32, #tpu.memory_space<vmem>>[vector<16xi32>], vector<16xf32>,
          %mul3A_1800 = arith.constant 16 : i32
          %mul3A_1801 = arith.muli %scan3A_1748, %mul3A_1800 : i32
          %get3A_1802 = arith.constant 7 : i32
          %get3A_1803 = arith.index_cast %get3A_1802 : i32 to index
          %get3A_1804 = arith.index_cast %mul3A_1801 : i32 to index
          %get3A_1805 = tpu.vector_load %arg9[%get3A_1803, %get3A_1804] {strides = array<i32>} : memref<16x1280xf32, #tpu.memory_space<vmem>>, vector<16xf32>,
          tpu.vector_store_idx %arg24[%add3A_1757], %get3A_1805 {add = true} : memref<512xf32, #tpu.memory_space<vmem>>[vector<16xi32>], vector<16xf32>,
          %mul3A_1806 = arith.constant 16 : i32
          %mul3A_1807 = arith.muli %scan3A_1748, %mul3A_1806 : i32
          %get3A_1808 = arith.constant 8 : i32
          %get3A_1809 = arith.index_cast %get3A_1808 : i32 to index
          %get3A_1810 = arith.index_cast %mul3A_1807 : i32 to index
          %get3A_1811 = tpu.vector_load %arg9[%get3A_1809, %get3A_1810] {strides = array<i32>} : memref<16x1280xf32, #tpu.memory_space<vmem>>, vector<16xf32>,
          tpu.vector_store_idx %arg25[%add3A_1757], %get3A_1811 {add = true} : memref<512xf32, #tpu.memory_space<vmem>>[vector<16xi32>], vector<16xf32>,
          %mul3A_1812 = arith.constant 16 : i32
          %mul3A_1813 = arith.muli %scan3A_1748, %mul3A_1812 : i32
          %get3A_1814 = arith.constant 9 : i32
          %get3A_1815 = arith.index_cast %get3A_1814 : i32 to index
          %get3A_1816 = arith.index_cast %mul3A_1813 : i32 to index
          %get3A_1817 = tpu.vector_load %arg9[%get3A_1815, %get3A_1816] {strides = array<i32>} : memref<16x1280xf32, #tpu.memory_space<vmem>>, vector<16xf32>,
          tpu.vector_store_idx %arg26[%add3A_1757], %get3A_1817 {add = true} : memref<512xf32, #tpu.memory_space<vmem>>[vector<16xi32>], vector<16xf32>,
          %mul3A_1818 = arith.constant 16 : i32
          %mul3A_1819 = arith.muli %scan3A_1748, %mul3A_1818 : i32
          %get3A_1820 = arith.constant 10 : i32
          %get3A_1821 = arith.index_cast %get3A_1820 : i32 to index
          %get3A_1822 = arith.index_cast %mul3A_1819 : i32 to index
          %get3A_1823 = tpu.vector_load %arg9[%get3A_1821, %get3A_1822] {strides = array<i32>} : memref<16x1280xf32, #tpu.memory_space<vmem>>, vector<16xf32>,
          tpu.vector_store_idx %arg27[%add3A_1757], %get3A_1823 {add = true} : memref<512xf32, #tpu.memory_space<vmem>>[vector<16xi32>], vector<16xf32>,
          %mul3A_1824 = arith.constant 16 : i32
          %mul3A_1825 = arith.muli %scan3A_1748, %mul3A_1824 : i32
          %get3A_1826 = arith.constant 11 : i32
          %get3A_1827 = arith.index_cast %get3A_1826 : i32 to index
          %get3A_1828 = arith.index_cast %mul3A_1825 : i32 to index
          %get3A_1829 = tpu.vector_load %arg9[%get3A_1827, %get3A_1828] {strides = array<i32>} : memref<16x1280xf32, #tpu.memory_space<vmem>>, vector<16xf32>,
          tpu.vector_store_idx %arg28[%add3A_1757], %get3A_1829 {add = true} : memref<512xf32, #tpu.memory_space<vmem>>[vector<16xi32>], vector<16xf32>,
          %mul3A_1830 = arith.constant 16 : i32
          %mul3A_1831 = arith.muli %scan3A_1748, %mul3A_1830 : i32
          %get3A_1832 = arith.constant 12 : i32
          %get3A_1833 = arith.index_cast %get3A_1832 : i32 to index
          %get3A_1834 = arith.index_cast %mul3A_1831 : i32 to index
          %get3A_1835 = tpu.vector_load %arg9[%get3A_1833, %get3A_1834] {strides = array<i32>} : memref<16x1280xf32, #tpu.memory_space<vmem>>, vector<16xf32>,
          tpu.vector_store_idx %arg29[%add3A_1757], %get3A_1835 {add = true} : memref<512xf32, #tpu.memory_space<vmem>>[vector<16xi32>], vector<16xf32>,
          %mul3A_1836 = arith.constant 16 : i32
          %mul3A_1837 = arith.muli %scan3A_1748, %mul3A_1836 : i32
          %get3A_1838 = arith.constant 13 : i32
          %get3A_1839 = arith.index_cast %get3A_1838 : i32 to index
          %get3A_1840 = arith.index_cast %mul3A_1837 : i32 to index
          %get3A_1841 = tpu.vector_load %arg9[%get3A_1839, %get3A_1840] {strides = array<i32>} : memref<16x1280xf32, #tpu.memory_space<vmem>>, vector<16xf32>,
          tpu.vector_store_idx %arg30[%add3A_1757], %get3A_1841 {add = true} : memref<512xf32, #tpu.memory_space<vmem>>[vector<16xi32>], vector<16xf32>,
          %mul3A_1842 = arith.constant 16 : i32
          %mul3A_1843 = arith.muli %scan3A_1748, %mul3A_1842 : i32
          %get3A_1844 = arith.constant 14 : i32
          %get3A_1845 = arith.index_cast %get3A_1844 : i32 to index
          %get3A_1846 = arith.index_cast %mul3A_1843 : i32 to index
          %get3A_1847 = tpu.vector_load %arg9[%get3A_1845, %get3A_1846] {strides = array<i32>} : memref<16x1280xf32, #tpu.memory_space<vmem>>, vector<16xf32>,
          tpu.vector_store_idx %arg31[%add3A_1757], %get3A_1847 {add = true} : memref<512xf32, #tpu.memory_space<vmem>>[vector<16xi32>], vector<16xf32>,
          %mul3A_1848 = arith.constant 16 : i32
          %mul3A_1849 = arith.muli %scan3A_1748, %mul3A_1848 : i32
          %get3A_1850 = arith.constant 15 : i32
          %get3A_1851 = arith.index_cast %get3A_1850 : i32 to index
          %get3A_1852 = arith.index_cast %mul3A_1849 : i32 to index
          %get3A_1853 = tpu.vector_load %arg9[%get3A_1851, %get3A_1852] {strides = array<i32>} : memref<16x1280xf32, #tpu.memory_space<vmem>>, vector<16xf32>,
          tpu.vector_store_idx %arg32[%add3A_1757], %get3A_1853 {add = true} : memref<512xf32, #tpu.memory_space<vmem>>[vector<16xi32>], vector<16xf32>,
          %scan3A_1854 = arith.constant 3 : i32
          %scan3A_1855 = arith.addi %scan3A_1536, %scan3A_1854 : i32
          %mul3A_1856 = arith.constant 16 : i32
          %mul3A_1857 = arith.muli %scan3A_1855, %mul3A_1856 : i32
          %get3A_1858 = arith.index_cast %mul3A_1857 : i32 to index
          %get3A_1859 = tpu.vector_load %arg7[%get3A_1858] {strides = array<i32>} : memref<1280xi32, #tpu.memory_space<vmem>>, vector<16xi32>,
          %gather3A_1860 = tpu.vector_load_idx %arg6[%get3A_1859] : memref<10000xi32, #tpu.memory_space<vmem>>[vector<16xi32>], vector<16xi32>,
          %mul3A_1861 = arith.constant 8 : i32
          %mul3A_1862 = vector.broadcast %mul3A_1861 : i32 to vector<16xi32>
          %mul3A_1863 = arith.muli %gather3A_1860, %mul3A_1862 : vector<16xi32>
          %add3A_1864 = arith.addi %mul3A_1863, %and3A_5 : vector<16xi32>
          tpu.vector_store_idx %arg33[%add3A_1864], %broadcast_in_dim3A_3 {add = true} : memref<512xf32, #tpu.memory_space<vmem>>[vector<16xi32>], vector<16xf32>,
          %mul3A_1865 = arith.constant 16 : i32
          %mul3A_1866 = arith.muli %scan3A_1855, %mul3A_1865 : i32
          %get3A_1867 = arith.constant 0 : i32
          %get3A_1868 = arith.index_cast %get3A_1867 : i32 to index
          %get3A_1869 = arith.index_cast %mul3A_1866 : i32 to index
          %get3A_1870 = tpu.vector_load %arg9[%get3A_1868, %get3A_1869] {strides = array<i32>} : memref<16x1280xf32, #tpu.memory_space<vmem>>, vector<16xf32>,
          tpu.vector_store_idx %arg17[%add3A_1864], %get3A_1870 {add = true} : memref<512xf32, #tpu.memory_space<vmem>>[vector<16xi32>], vector<16xf32>,
          %mul3A_1871 = arith.constant 16 : i32
          %mul3A_1872 = arith.muli %scan3A_1855, %mul3A_1871 : i32
          %get3A_1873 = arith.constant 1 : i32
          %get3A_1874 = arith.index_cast %get3A_1873 : i32 to index
          %get3A_1875 = arith.index_cast %mul3A_1872 : i32 to index
          %get3A_1876 = tpu.vector_load %arg9[%get3A_1874, %get3A_1875] {strides = array<i32>} : memref<16x1280xf32, #tpu.memory_space<vmem>>, vector<16xf32>,
          tpu.vector_store_idx %arg18[%add3A_1864], %get3A_1876 {add = true} : memref<512xf32, #tpu.memory_space<vmem>>[vector<16xi32>], vector<16xf32>,
          %mul3A_1877 = arith.constant 16 : i32
          %mul3A_1878 = arith.muli %scan3A_1855, %mul3A_1877 : i32
          %get3A_1879 = arith.constant 2 : i32
          %get3A_1880 = arith.index_cast %get3A_1879 : i32 to index
          %get3A_1881 = arith.index_cast %mul3A_1878 : i32 to index
          %get3A_1882 = tpu.vector_load %arg9[%get3A_1880, %get3A_1881] {strides = array<i32>} : memref<16x1280xf32, #tpu.memory_space<vmem>>, vector<16xf32>,
          tpu.vector_store_idx %arg19[%add3A_1864], %get3A_1882 {add = true} : memref<512xf32, #tpu.memory_space<vmem>>[vector<16xi32>], vector<16xf32>,
          %mul3A_1883 = arith.constant 16 : i32
          %mul3A_1884 = arith.muli %scan3A_1855, %mul3A_1883 : i32
          %get3A_1885 = arith.constant 3 : i32
          %get3A_1886 = arith.index_cast %get3A_1885 : i32 to index
          %get3A_1887 = arith.index_cast %mul3A_1884 : i32 to index
          %get3A_1888 = tpu.vector_load %arg9[%get3A_1886, %get3A_1887] {strides = array<i32>} : memref<16x1280xf32, #tpu.memory_space<vmem>>, vector<16xf32>,
          tpu.vector_store_idx %arg20[%add3A_1864], %get3A_1888 {add = true} : memref<512xf32, #tpu.memory_space<vmem>>[vector<16xi32>], vector<16xf32>,
          %mul3A_1889 = arith.constant 16 : i32
          %mul3A_1890 = arith.muli %scan3A_1855, %mul3A_1889 : i32
          %get3A_1891 = arith.constant 4 : i32
          %get3A_1892 = arith.index_cast %get3A_1891 : i32 to index
          %get3A_1893 = arith.index_cast %mul3A_1890 : i32 to index
          %get3A_1894 = tpu.vector_load %arg9[%get3A_1892, %get3A_1893] {strides = array<i32>} : memref<16x1280xf32, #tpu.memory_space<vmem>>, vector<16xf32>,
          tpu.vector_store_idx %arg21[%add3A_1864], %get3A_1894 {add = true} : memref<512xf32, #tpu.memory_space<vmem>>[vector<16xi32>], vector<16xf32>,
          %mul3A_1895 = arith.constant 16 : i32
          %mul3A_1896 = arith.muli %scan3A_1855, %mul3A_1895 : i32
          %get3A_1897 = arith.constant 5 : i32
          %get3A_1898 = arith.index_cast %get3A_1897 : i32 to index
          %get3A_1899 = arith.index_cast %mul3A_1896 : i32 to index
          %get3A_1900 = tpu.vector_load %arg9[%get3A_1898, %get3A_1899] {strides = array<i32>} : memref<16x1280xf32, #tpu.memory_space<vmem>>, vector<16xf32>,
          tpu.vector_store_idx %arg22[%add3A_1864], %get3A_1900 {add = true} : memref<512xf32, #tpu.memory_space<vmem>>[vector<16xi32>], vector<16xf32>,
          %mul3A_1901 = arith.constant 16 : i32
          %mul3A_1902 = arith.muli %scan3A_1855, %mul3A_1901 : i32
          %get3A_1903 = arith.constant 6 : i32
          %get3A_1904 = arith.index_cast %get3A_1903 : i32 to index
          %get3A_1905 = arith.index_cast %mul3A_1902 : i32 to index
          %get3A_1906 = tpu.vector_load %arg9[%get3A_1904, %get3A_1905] {strides = array<i32>} : memref<16x1280xf32, #tpu.memory_space<vmem>>, vector<16xf32>,
          tpu.vector_store_idx %arg23[%add3A_1864], %get3A_1906 {add = true} : memref<512xf32, #tpu.memory_space<vmem>>[vector<16xi32>], vector<16xf32>,
          %mul3A_1907 = arith.constant 16 : i32
          %mul3A_1908 = arith.muli %scan3A_1855, %mul3A_1907 : i32
          %get3A_1909 = arith.constant 7 : i32
          %get3A_1910 = arith.index_cast %get3A_1909 : i32 to index
          %get3A_1911 = arith.index_cast %mul3A_1908 : i32 to index
          %get3A_1912 = tpu.vector_load %arg9[%get3A_1910, %get3A_1911] {strides = array<i32>} : memref<16x1280xf32, #tpu.memory_space<vmem>>, vector<16xf32>,
          tpu.vector_store_idx %arg24[%add3A_1864], %get3A_1912 {add = true} : memref<512xf32, #tpu.memory_space<vmem>>[vector<16xi32>], vector<16xf32>,
          %mul3A_1913 = arith.constant 16 : i32
          %mul3A_1914 = arith.muli %scan3A_1855, %mul3A_1913 : i32
          %get3A_1915 = arith.constant 8 : i32
          %get3A_1916 = arith.index_cast %get3A_1915 : i32 to index
          %get3A_1917 = arith.index_cast %mul3A_1914 : i32 to index
          %get3A_1918 = tpu.vector_load %arg9[%get3A_1916, %get3A_1917] {strides = array<i32>} : memref<16x1280xf32, #tpu.memory_space<vmem>>, vector<16xf32>,
          tpu.vector_store_idx %arg25[%add3A_1864], %get3A_1918 {add = true} : memref<512xf32, #tpu.memory_space<vmem>>[vector<16xi32>], vector<16xf32>,
          %mul3A_1919 = arith.constant 16 : i32
          %mul3A_1920 = arith.muli %scan3A_1855, %mul3A_1919 : i32
          %get3A_1921 = arith.constant 9 : i32
          %get3A_1922 = arith.index_cast %get3A_1921 : i32 to index
          %get3A_1923 = arith.index_cast %mul3A_1920 : i32 to index
          %get3A_1924 = tpu.vector_load %arg9[%get3A_1922, %get3A_1923] {strides = array<i32>} : memref<16x1280xf32, #tpu.memory_space<vmem>>, vector<16xf32>,
          tpu.vector_store_idx %arg26[%add3A_1864], %get3A_1924 {add = true} : memref<512xf32, #tpu.memory_space<vmem>>[vector<16xi32>], vector<16xf32>,
          %mul3A_1925 = arith.constant 16 : i32
          %mul3A_1926 = arith.muli %scan3A_1855, %mul3A_1925 : i32
          %get3A_1927 = arith.constant 10 : i32
          %get3A_1928 = arith.index_cast %get3A_1927 : i32 to index
          %get3A_1929 = arith.index_cast %mul3A_1926 : i32 to index
          %get3A_1930 = tpu.vector_load %arg9[%get3A_1928, %get3A_1929] {strides = array<i32>} : memref<16x1280xf32, #tpu.memory_space<vmem>>, vector<16xf32>,
          tpu.vector_store_idx %arg27[%add3A_1864], %get3A_1930 {add = true} : memref<512xf32, #tpu.memory_space<vmem>>[vector<16xi32>], vector<16xf32>,
          %mul3A_1931 = arith.constant 16 : i32
          %mul3A_1932 = arith.muli %scan3A_1855, %mul3A_1931 : i32
          %get3A_1933 = arith.constant 11 : i32
          %get3A_1934 = arith.index_cast %get3A_1933 : i32 to index
          %get3A_1935 = arith.index_cast %mul3A_1932 : i32 to index
          %get3A_1936 = tpu.vector_load %arg9[%get3A_1934, %get3A_1935] {strides = array<i32>} : memref<16x1280xf32, #tpu.memory_space<vmem>>, vector<16xf32>,
          tpu.vector_store_idx %arg28[%add3A_1864], %get3A_1936 {add = true} : memref<512xf32, #tpu.memory_space<vmem>>[vector<16xi32>], vector<16xf32>,
          %mul3A_1937 = arith.constant 16 : i32
          %mul3A_1938 = arith.muli %scan3A_1855, %mul3A_1937 : i32
          %get3A_1939 = arith.constant 12 : i32
          %get3A_1940 = arith.index_cast %get3A_1939 : i32 to index
          %get3A_1941 = arith.index_cast %mul3A_1938 : i32 to index
          %get3A_1942 = tpu.vector_load %arg9[%get3A_1940, %get3A_1941] {strides = array<i32>} : memref<16x1280xf32, #tpu.memory_space<vmem>>, vector<16xf32>,
          tpu.vector_store_idx %arg29[%add3A_1864], %get3A_1942 {add = true} : memref<512xf32, #tpu.memory_space<vmem>>[vector<16xi32>], vector<16xf32>,
          %mul3A_1943 = arith.constant 16 : i32
          %mul3A_1944 = arith.muli %scan3A_1855, %mul3A_1943 : i32
          %get3A_1945 = arith.constant 13 : i32
          %get3A_1946 = arith.index_cast %get3A_1945 : i32 to index
          %get3A_1947 = arith.index_cast %mul3A_1944 : i32 to index
          %get3A_1948 = tpu.vector_load %arg9[%get3A_1946, %get3A_1947] {strides = array<i32>} : memref<16x1280xf32, #tpu.memory_space<vmem>>, vector<16xf32>,
          tpu.vector_store_idx %arg30[%add3A_1864], %get3A_1948 {add = true} : memref<512xf32, #tpu.memory_space<vmem>>[vector<16xi32>], vector<16xf32>,
          %mul3A_1949 = arith.constant 16 : i32
          %mul3A_1950 = arith.muli %scan3A_1855, %mul3A_1949 : i32
          %get3A_1951 = arith.constant 14 : i32
          %get3A_1952 = arith.index_cast %get3A_1951 : i32 to index
          %get3A_1953 = arith.index_cast %mul3A_1950 : i32 to index
          %get3A_1954 = tpu.vector_load %arg9[%get3A_1952, %get3A_1953] {strides = array<i32>} : memref<16x1280xf32, #tpu.memory_space<vmem>>, vector<16xf32>,
          tpu.vector_store_idx %arg31[%add3A_1864], %get3A_1954 {add = true} : memref<512xf32, #tpu.memory_space<vmem>>[vector<16xi32>], vector<16xf32>,
          %mul3A_1955 = arith.constant 16 : i32
          %mul3A_1956 = arith.muli %scan3A_1855, %mul3A_1955 : i32
          %get3A_1957 = arith.constant 15 : i32
          %get3A_1958 = arith.index_cast %get3A_1957 : i32 to index
          %get3A_1959 = arith.index_cast %mul3A_1956 : i32 to index
          %get3A_1960 = tpu.vector_load %arg9[%get3A_1958, %get3A_1959] {strides = array<i32>} : memref<16x1280xf32, #tpu.memory_space<vmem>>, vector<16xf32>,
          tpu.vector_store_idx %arg32[%add3A_1864], %get3A_1960 {add = true} : memref<512xf32, #tpu.memory_space<vmem>>[vector<16xi32>], vector<16xf32>,
        }
        %scan3A_1535 = arith.constant 80 : i32
      } else {
      }
      %add3A_1493 = arith.constant 2 : i32
      %add3A_1494 = arith.addi %mul3A_1459, %add3A_1493 : i32
      %mul3A_1495 = arith.constant 32 : i32
      %mul3A_1496 = arith.muli %add3A_1494, %mul3A_1495 : i32
      %add3A_1497 = arith.addi %add3A, %mul3A_1496 : i32
      %lt3A_1498 = arith.constant 500 : i32
      %lt3A_1499 = arith.cmpi slt, %add3A_1497, %lt3A_1498 : i32
      %jit3A_1500 = arith.constant 0 : i32
      %select_n3A_1501 = arith.select %lt3A_1499, %add3A_1497, %jit3A_1500 : i32
      %mul3A_1502 = arith.constant 1280 : i32
      %mul3A_1503 = arith.muli %select_n3A_1501, %mul3A_1502 : i32
      %dma_start3A_1504 = tpu.memref_slice %arg2[%mul3A_1503] : memref<640000xi32, #tpu.memory_space<hbm>> -> memref<1280xi32, #tpu.memory_space<hbm>>
      %dma_start3A_1505 = tpu.memref_slice %arg2[%mul3A_1503] : memref<640000xi32, #tpu.memory_space<hbm>> -> memref<1280xi32, #tpu.memory_space<hbm>>
      tpu.enqueue_dma source(%dma_start3A_1505 : memref<1280xi32, #tpu.memory_space<hbm>>) target(%arg7 : memref<1280xi32, #tpu.memory_space<vmem>>) target_semaphore(%arg12 : memref<!tpu.dma_semaphore, #tpu.memory_space<semaphore_mem>>)
      %dma_start3A_1506 = arith.constant 0 : i32
      %dma_start3A_1507 = tpu.memref_slice %arg3[%dma_start3A_1506, %mul3A_1503] : memref<16x640000xf32, #tpu.memory_space<hbm>> -> memref<16x1280xf32, #tpu.memory_space<hbm>>
      %dma_start3A_1508 = arith.constant 0 : i32
      %dma_start3A_1509 = tpu.memref_slice %arg3[%dma_start3A_1508, %mul3A_1503] : memref<16x640000xf32, #tpu.memory_space<hbm>> -> memref<16x1280xf32, #tpu.memory_space<hbm>>
      tpu.enqueue_dma source(%dma_start3A_1509 : memref<16x1280xf32, #tpu.memory_space<hbm>>) target(%arg9 : memref<16x1280xf32, #tpu.memory_space<vmem>>) target_semaphore(%arg14 : memref<!tpu.dma_semaphore, #tpu.memory_space<semaphore_mem>>)
      %dma_wait3A_1510 = arith.constant 0 : i32
      %dma_wait3A_1511 = tpu.memref_slice %arg2[%dma_wait3A_1510] : memref<640000xi32, #tpu.memory_space<hbm>> -> memref<1280xi32, #tpu.memory_space<hbm>>
      %dma_wait3A_1512 = arith.constant 0 : i32
      %dma_wait3A_1513 = tpu.memref_slice %arg2[%dma_wait3A_1512] : memref<640000xi32, #tpu.memory_space<hbm>> -> memref<1280xi32, #tpu.memory_space<hbm>>
      tpu.wait_dma2 semaphore(%arg13 : memref<!tpu.dma_semaphore, #tpu.memory_space<semaphore_mem>>) src(%dma_wait3A_1513 : memref<1280xi32, #tpu.memory_space<hbm>>) dst(%arg8 : memref<1280xi32, #tpu.memory_space<vmem>>)
      %dma_wait3A_1514 = arith.constant 0 : i32
      %dma_wait3A_1515 = arith.constant 0 : i32
      %dma_wait3A_1516 = tpu.memref_slice %arg3[%dma_wait3A_1514, %dma_wait3A_1515] : memref<16x640000xf32, #tpu.memory_space<hbm>> -> memref<16x1280xf32, #tpu.memory_space<hbm>>
      %dma_wait3A_1517 = arith.constant 0 : i32
      %dma_wait3A_1518 = arith.constant 0 : i32
      %dma_wait3A_1519 = tpu.memref_slice %arg3[%dma_wait3A_1517, %dma_wait3A_1518] : memref<16x640000xf32, #tpu.memory_space<hbm>> -> memref<16x1280xf32, #tpu.memory_space<hbm>>
      tpu.wait_dma2 semaphore(%arg15 : memref<!tpu.dma_semaphore, #tpu.memory_space<semaphore_mem>>) src(%dma_wait3A_1519 : memref<16x1280xf32, #tpu.memory_space<hbm>>) dst(%arg10 : memref<16x1280xf32, #tpu.memory_space<vmem>>)
      %add3A_1520 = arith.constant 1 : i32
      %add3A_1521 = arith.addi %mul3A_1459, %add3A_1520 : i32
      %mul3A_1522 = arith.constant 32 : i32
      %mul3A_1523 = arith.muli %add3A_1521, %mul3A_1522 : i32
      %add3A_1524 = arith.addi %add3A, %mul3A_1523 : i32
      %lt3A_1525 = arith.constant 500 : i32
      %lt3A_1526 = arith.cmpi slt, %add3A_1524, %lt3A_1525 : i32
      %convert_element_type3A_1527 = arith.extui %lt3A_1526 : i1 to i32
      %cond3A_1528 = arith.constant 0 : i32
      %cond3A_1529 = arith.cmpi ne, %convert_element_type3A_1527, %cond3A_1528 : i32
      scf.if %cond3A_1529 {
        %scan3A_1530 = arith.constant 0 : i32
        %scan3A_1531 = arith.constant 0 : i32
        %scan3A_1532 = arith.constant 80 : i32
        %scan3A_1533 = arith.addi %scan3A_1531, %scan3A_1532 : i32
        %scan3A_1534 = arith.constant 4 : i32
        scf.for %scan3A_1536 = %scan3A_1531 to %scan3A_1533 step %scan3A_1534  : i32 {
          %mul3A_1537 = arith.constant 16 : i32
          %mul3A_1538 = arith.muli %scan3A_1536, %mul3A_1537 : i32
          %get3A = arith.index_cast %mul3A_1538 : i32 to index
          %get3A_1539 = tpu.vector_load %arg8[%get3A] {strides = array<i32>} : memref<1280xi32, #tpu.memory_space<vmem>>, vector<16xi32>,
          %gather3A = tpu.vector_load_idx %arg6[%get3A_1539] : memref<10000xi32, #tpu.memory_space<vmem>>[vector<16xi32>], vector<16xi32>,
          %mul3A_1540 = arith.constant 8 : i32
          %mul3A_1541 = vector.broadcast %mul3A_1540 : i32 to vector<16xi32>
          %mul3A_1542 = arith.muli %gather3A, %mul3A_1541 : vector<16xi32>
          %add3A_1543 = arith.addi %mul3A_1542, %and3A_5 : vector<16xi32>
          tpu.vector_store_idx %arg33[%add3A_1543], %broadcast_in_dim3A_3 {add = true} : memref<512xf32, #tpu.memory_space<vmem>>[vector<16xi32>], vector<16xf32>,
          %mul3A_1544 = arith.constant 16 : i32
          %mul3A_1545 = arith.muli %scan3A_1536, %mul3A_1544 : i32
          %get3A_1546 = arith.constant 0 : i32
          %get3A_1547 = arith.index_cast %get3A_1546 : i32 to index
          %get3A_1548 = arith.index_cast %mul3A_1545 : i32 to index
          %get3A_1549 = tpu.vector_load %arg10[%get3A_1547, %get3A_1548] {strides = array<i32>} : memref<16x1280xf32, #tpu.memory_space<vmem>>, vector<16xf32>,
          tpu.vector_store_idx %arg17[%add3A_1543], %get3A_1549 {add = true} : memref<512xf32, #tpu.memory_space<vmem>>[vector<16xi32>], vector<16xf32>,
          %mul3A_1550 = arith.constant 16 : i32
          %mul3A_1551 = arith.muli %scan3A_1536, %mul3A_1550 : i32
          %get3A_1552 = arith.constant 1 : i32
          %get3A_1553 = arith.index_cast %get3A_1552 : i32 to index
          %get3A_1554 = arith.index_cast %mul3A_1551 : i32 to index
          %get3A_1555 = tpu.vector_load %arg10[%get3A_1553, %get3A_1554] {strides = array<i32>} : memref<16x1280xf32, #tpu.memory_space<vmem>>, vector<16xf32>,
          tpu.vector_store_idx %arg18[%add3A_1543], %get3A_1555 {add = true} : memref<512xf32, #tpu.memory_space<vmem>>[vector<16xi32>], vector<16xf32>,
          %mul3A_1556 = arith.constant 16 : i32
          %mul3A_1557 = arith.muli %scan3A_1536, %mul3A_1556 : i32
          %get3A_1558 = arith.constant 2 : i32
          %get3A_1559 = arith.index_cast %get3A_1558 : i32 to index
          %get3A_1560 = arith.index_cast %mul3A_1557 : i32 to index
          %get3A_1561 = tpu.vector_load %arg10[%get3A_1559, %get3A_1560] {strides = array<i32>} : memref<16x1280xf32, #tpu.memory_space<vmem>>, vector<16xf32>,
          tpu.vector_store_idx %arg19[%add3A_1543], %get3A_1561 {add = true} : memref<512xf32, #tpu.memory_space<vmem>>[vector<16xi32>], vector<16xf32>,
          %mul3A_1562 = arith.constant 16 : i32
          %mul3A_1563 = arith.muli %scan3A_1536, %mul3A_1562 : i32
          %get3A_1564 = arith.constant 3 : i32
          %get3A_1565 = arith.index_cast %get3A_1564 : i32 to index
          %get3A_1566 = arith.index_cast %mul3A_1563 : i32 to index
          %get3A_1567 = tpu.vector_load %arg10[%get3A_1565, %get3A_1566] {strides = array<i32>} : memref<16x1280xf32, #tpu.memory_space<vmem>>, vector<16xf32>,
          tpu.vector_store_idx %arg20[%add3A_1543], %get3A_1567 {add = true} : memref<512xf32, #tpu.memory_space<vmem>>[vector<16xi32>], vector<16xf32>,
          %mul3A_1568 = arith.constant 16 : i32
          %mul3A_1569 = arith.muli %scan3A_1536, %mul3A_1568 : i32
          %get3A_1570 = arith.constant 4 : i32
          %get3A_1571 = arith.index_cast %get3A_1570 : i32 to index
          %get3A_1572 = arith.index_cast %mul3A_1569 : i32 to index
          %get3A_1573 = tpu.vector_load %arg10[%get3A_1571, %get3A_1572] {strides = array<i32>} : memref<16x1280xf32, #tpu.memory_space<vmem>>, vector<16xf32>,
          tpu.vector_store_idx %arg21[%add3A_1543], %get3A_1573 {add = true} : memref<512xf32, #tpu.memory_space<vmem>>[vector<16xi32>], vector<16xf32>,
          %mul3A_1574 = arith.constant 16 : i32
          %mul3A_1575 = arith.muli %scan3A_1536, %mul3A_1574 : i32
          %get3A_1576 = arith.constant 5 : i32
          %get3A_1577 = arith.index_cast %get3A_1576 : i32 to index
          %get3A_1578 = arith.index_cast %mul3A_1575 : i32 to index
          %get3A_1579 = tpu.vector_load %arg10[%get3A_1577, %get3A_1578] {strides = array<i32>} : memref<16x1280xf32, #tpu.memory_space<vmem>>, vector<16xf32>,
          tpu.vector_store_idx %arg22[%add3A_1543], %get3A_1579 {add = true} : memref<512xf32, #tpu.memory_space<vmem>>[vector<16xi32>], vector<16xf32>,
          %mul3A_1580 = arith.constant 16 : i32
          %mul3A_1581 = arith.muli %scan3A_1536, %mul3A_1580 : i32
          %get3A_1582 = arith.constant 6 : i32
          %get3A_1583 = arith.index_cast %get3A_1582 : i32 to index
          %get3A_1584 = arith.index_cast %mul3A_1581 : i32 to index
          %get3A_1585 = tpu.vector_load %arg10[%get3A_1583, %get3A_1584] {strides = array<i32>} : memref<16x1280xf32, #tpu.memory_space<vmem>>, vector<16xf32>,
          tpu.vector_store_idx %arg23[%add3A_1543], %get3A_1585 {add = true} : memref<512xf32, #tpu.memory_space<vmem>>[vector<16xi32>], vector<16xf32>,
          %mul3A_1586 = arith.constant 16 : i32
          %mul3A_1587 = arith.muli %scan3A_1536, %mul3A_1586 : i32
          %get3A_1588 = arith.constant 7 : i32
          %get3A_1589 = arith.index_cast %get3A_1588 : i32 to index
          %get3A_1590 = arith.index_cast %mul3A_1587 : i32 to index
          %get3A_1591 = tpu.vector_load %arg10[%get3A_1589, %get3A_1590] {strides = array<i32>} : memref<16x1280xf32, #tpu.memory_space<vmem>>, vector<16xf32>,
          tpu.vector_store_idx %arg24[%add3A_1543], %get3A_1591 {add = true} : memref<512xf32, #tpu.memory_space<vmem>>[vector<16xi32>], vector<16xf32>,
          %mul3A_1592 = arith.constant 16 : i32
          %mul3A_1593 = arith.muli %scan3A_1536, %mul3A_1592 : i32
          %get3A_1594 = arith.constant 8 : i32
          %get3A_1595 = arith.index_cast %get3A_1594 : i32 to index
          %get3A_1596 = arith.index_cast %mul3A_1593 : i32 to index
          %get3A_1597 = tpu.vector_load %arg10[%get3A_1595, %get3A_1596] {strides = array<i32>} : memref<16x1280xf32, #tpu.memory_space<vmem>>, vector<16xf32>,
          tpu.vector_store_idx %arg25[%add3A_1543], %get3A_1597 {add = true} : memref<512xf32, #tpu.memory_space<vmem>>[vector<16xi32>], vector<16xf32>,
          %mul3A_1598 = arith.constant 16 : i32
          %mul3A_1599 = arith.muli %scan3A_1536, %mul3A_1598 : i32
          %get3A_1600 = arith.constant 9 : i32
          %get3A_1601 = arith.index_cast %get3A_1600 : i32 to index
          %get3A_1602 = arith.index_cast %mul3A_1599 : i32 to index
          %get3A_1603 = tpu.vector_load %arg10[%get3A_1601, %get3A_1602] {strides = array<i32>} : memref<16x1280xf32, #tpu.memory_space<vmem>>, vector<16xf32>,
          tpu.vector_store_idx %arg26[%add3A_1543], %get3A_1603 {add = true} : memref<512xf32, #tpu.memory_space<vmem>>[vector<16xi32>], vector<16xf32>,
          %mul3A_1604 = arith.constant 16 : i32
          %mul3A_1605 = arith.muli %scan3A_1536, %mul3A_1604 : i32
          %get3A_1606 = arith.constant 10 : i32
          %get3A_1607 = arith.index_cast %get3A_1606 : i32 to index
          %get3A_1608 = arith.index_cast %mul3A_1605 : i32 to index
          %get3A_1609 = tpu.vector_load %arg10[%get3A_1607, %get3A_1608] {strides = array<i32>} : memref<16x1280xf32, #tpu.memory_space<vmem>>, vector<16xf32>,
          tpu.vector_store_idx %arg27[%add3A_1543], %get3A_1609 {add = true} : memref<512xf32, #tpu.memory_space<vmem>>[vector<16xi32>], vector<16xf32>,
          %mul3A_1610 = arith.constant 16 : i32
          %mul3A_1611 = arith.muli %scan3A_1536, %mul3A_1610 : i32
          %get3A_1612 = arith.constant 11 : i32
          %get3A_1613 = arith.index_cast %get3A_1612 : i32 to index
          %get3A_1614 = arith.index_cast %mul3A_1611 : i32 to index
          %get3A_1615 = tpu.vector_load %arg10[%get3A_1613, %get3A_1614] {strides = array<i32>} : memref<16x1280xf32, #tpu.memory_space<vmem>>, vector<16xf32>,
          tpu.vector_store_idx %arg28[%add3A_1543], %get3A_1615 {add = true} : memref<512xf32, #tpu.memory_space<vmem>>[vector<16xi32>], vector<16xf32>,
          %mul3A_1616 = arith.constant 16 : i32
          %mul3A_1617 = arith.muli %scan3A_1536, %mul3A_1616 : i32
          %get3A_1618 = arith.constant 12 : i32
          %get3A_1619 = arith.index_cast %get3A_1618 : i32 to index
          %get3A_1620 = arith.index_cast %mul3A_1617 : i32 to index
          %get3A_1621 = tpu.vector_load %arg10[%get3A_1619, %get3A_1620] {strides = array<i32>} : memref<16x1280xf32, #tpu.memory_space<vmem>>, vector<16xf32>,
          tpu.vector_store_idx %arg29[%add3A_1543], %get3A_1621 {add = true} : memref<512xf32, #tpu.memory_space<vmem>>[vector<16xi32>], vector<16xf32>,
          %mul3A_1622 = arith.constant 16 : i32
          %mul3A_1623 = arith.muli %scan3A_1536, %mul3A_1622 : i32
          %get3A_1624 = arith.constant 13 : i32
          %get3A_1625 = arith.index_cast %get3A_1624 : i32 to index
          %get3A_1626 = arith.index_cast %mul3A_1623 : i32 to index
          %get3A_1627 = tpu.vector_load %arg10[%get3A_1625, %get3A_1626] {strides = array<i32>} : memref<16x1280xf32, #tpu.memory_space<vmem>>, vector<16xf32>,
          tpu.vector_store_idx %arg30[%add3A_1543], %get3A_1627 {add = true} : memref<512xf32, #tpu.memory_space<vmem>>[vector<16xi32>], vector<16xf32>,
          %mul3A_1628 = arith.constant 16 : i32
          %mul3A_1629 = arith.muli %scan3A_1536, %mul3A_1628 : i32
          %get3A_1630 = arith.constant 14 : i32
          %get3A_1631 = arith.index_cast %get3A_1630 : i32 to index
          %get3A_1632 = arith.index_cast %mul3A_1629 : i32 to index
          %get3A_1633 = tpu.vector_load %arg10[%get3A_1631, %get3A_1632] {strides = array<i32>} : memref<16x1280xf32, #tpu.memory_space<vmem>>, vector<16xf32>,
          tpu.vector_store_idx %arg31[%add3A_1543], %get3A_1633 {add = true} : memref<512xf32, #tpu.memory_space<vmem>>[vector<16xi32>], vector<16xf32>,
          %mul3A_1634 = arith.constant 16 : i32
          %mul3A_1635 = arith.muli %scan3A_1536, %mul3A_1634 : i32
          %get3A_1636 = arith.constant 15 : i32
          %get3A_1637 = arith.index_cast %get3A_1636 : i32 to index
          %get3A_1638 = arith.index_cast %mul3A_1635 : i32 to index
          %get3A_1639 = tpu.vector_load %arg10[%get3A_1637, %get3A_1638] {strides = array<i32>} : memref<16x1280xf32, #tpu.memory_space<vmem>>, vector<16xf32>,
          tpu.vector_store_idx %arg32[%add3A_1543], %get3A_1639 {add = true} : memref<512xf32, #tpu.memory_space<vmem>>[vector<16xi32>], vector<16xf32>,
          %scan3A_1640 = arith.constant 1 : i32
          %scan3A_1641 = arith.addi %scan3A_1536, %scan3A_1640 : i32
          %mul3A_1642 = arith.constant 16 : i32
          %mul3A_1643 = arith.muli %scan3A_1641, %mul3A_1642 : i32
          %get3A_1644 = arith.index_cast %mul3A_1643 : i32 to index
          %get3A_1645 = tpu.vector_load %arg8[%get3A_1644] {strides = array<i32>} : memref<1280xi32, #tpu.memory_space<vmem>>, vector<16xi32>,
          %gather3A_1646 = tpu.vector_load_idx %arg6[%get3A_1645] : memref<10000xi32, #tpu.memory_space<vmem>>[vector<16xi32>], vector<16xi32>,
          %mul3A_1647 = arith.constant 8 : i32
          %mul3A_1648 = vector.broadcast %mul3A_1647 : i32 to vector<16xi32>
          %mul3A_1649 = arith.muli %gather3A_1646, %mul3A_1648 : vector<16xi32>
          %add3A_1650 = arith.addi %mul3A_1649, %and3A_5 : vector<16xi32>
          tpu.vector_store_idx %arg33[%add3A_1650], %broadcast_in_dim3A_3 {add = true} : memref<512xf32, #tpu.memory_space<vmem>>[vector<16xi32>], vector<16xf32>,
          %mul3A_1651 = arith.constant 16 : i32
          %mul3A_1652 = arith.muli %scan3A_1641, %mul3A_1651 : i32
          %get3A_1653 = arith.constant 0 : i32
          %get3A_1654 = arith.index_cast %get3A_1653 : i32 to index
          %get3A_1655 = arith.index_cast %mul3A_1652 : i32 to index
          %get3A_1656 = tpu.vector_load %arg10[%get3A_1654, %get3A_1655] {strides = array<i32>} : memref<16x1280xf32, #tpu.memory_space<vmem>>, vector<16xf32>,
          tpu.vector_store_idx %arg17[%add3A_1650], %get3A_1656 {add = true} : memref<512xf32, #tpu.memory_space<vmem>>[vector<16xi32>], vector<16xf32>,
          %mul3A_1657 = arith.constant 16 : i32
          %mul3A_1658 = arith.muli %scan3A_1641, %mul3A_1657 : i32
          %get3A_1659 = arith.constant 1 : i32
          %get3A_1660 = arith.index_cast %get3A_1659 : i32 to index
          %get3A_1661 = arith.index_cast %mul3A_1658 : i32 to index
          %get3A_1662 = tpu.vector_load %arg10[%get3A_1660, %get3A_1661] {strides = array<i32>} : memref<16x1280xf32, #tpu.memory_space<vmem>>, vector<16xf32>,
          tpu.vector_store_idx %arg18[%add3A_1650], %get3A_1662 {add = true} : memref<512xf32, #tpu.memory_space<vmem>>[vector<16xi32>], vector<16xf32>,
          %mul3A_1663 = arith.constant 16 : i32
          %mul3A_1664 = arith.muli %scan3A_1641, %mul3A_1663 : i32
          %get3A_1665 = arith.constant 2 : i32
          %get3A_1666 = arith.index_cast %get3A_1665 : i32 to index
          %get3A_1667 = arith.index_cast %mul3A_1664 : i32 to index
          %get3A_1668 = tpu.vector_load %arg10[%get3A_1666, %get3A_1667] {strides = array<i32>} : memref<16x1280xf32, #tpu.memory_space<vmem>>, vector<16xf32>,
          tpu.vector_store_idx %arg19[%add3A_1650], %get3A_1668 {add = true} : memref<512xf32, #tpu.memory_space<vmem>>[vector<16xi32>], vector<16xf32>,
          %mul3A_1669 = arith.constant 16 : i32
          %mul3A_1670 = arith.muli %scan3A_1641, %mul3A_1669 : i32
          %get3A_1671 = arith.constant 3 : i32
          %get3A_1672 = arith.index_cast %get3A_1671 : i32 to index
          %get3A_1673 = arith.index_cast %mul3A_1670 : i32 to index
          %get3A_1674 = tpu.vector_load %arg10[%get3A_1672, %get3A_1673] {strides = array<i32>} : memref<16x1280xf32, #tpu.memory_space<vmem>>, vector<16xf32>,
          tpu.vector_store_idx %arg20[%add3A_1650], %get3A_1674 {add = true} : memref<512xf32, #tpu.memory_space<vmem>>[vector<16xi32>], vector<16xf32>,
          %mul3A_1675 = arith.constant 16 : i32
          %mul3A_1676 = arith.muli %scan3A_1641, %mul3A_1675 : i32
          %get3A_1677 = arith.constant 4 : i32
          %get3A_1678 = arith.index_cast %get3A_1677 : i32 to index
          %get3A_1679 = arith.index_cast %mul3A_1676 : i32 to index
          %get3A_1680 = tpu.vector_load %arg10[%get3A_1678, %get3A_1679] {strides = array<i32>} : memref<16x1280xf32, #tpu.memory_space<vmem>>, vector<16xf32>,
          tpu.vector_store_idx %arg21[%add3A_1650], %get3A_1680 {add = true} : memref<512xf32, #tpu.memory_space<vmem>>[vector<16xi32>], vector<16xf32>,
          %mul3A_1681 = arith.constant 16 : i32
          %mul3A_1682 = arith.muli %scan3A_1641, %mul3A_1681 : i32
          %get3A_1683 = arith.constant 5 : i32
          %get3A_1684 = arith.index_cast %get3A_1683 : i32 to index
          %get3A_1685 = arith.index_cast %mul3A_1682 : i32 to index
          %get3A_1686 = tpu.vector_load %arg10[%get3A_1684, %get3A_1685] {strides = array<i32>} : memref<16x1280xf32, #tpu.memory_space<vmem>>, vector<16xf32>,
          tpu.vector_store_idx %arg22[%add3A_1650], %get3A_1686 {add = true} : memref<512xf32, #tpu.memory_space<vmem>>[vector<16xi32>], vector<16xf32>,
          %mul3A_1687 = arith.constant 16 : i32
          %mul3A_1688 = arith.muli %scan3A_1641, %mul3A_1687 : i32
          %get3A_1689 = arith.constant 6 : i32
          %get3A_1690 = arith.index_cast %get3A_1689 : i32 to index
          %get3A_1691 = arith.index_cast %mul3A_1688 : i32 to index
          %get3A_1692 = tpu.vector_load %arg10[%get3A_1690, %get3A_1691] {strides = array<i32>} : memref<16x1280xf32, #tpu.memory_space<vmem>>, vector<16xf32>,
          tpu.vector_store_idx %arg23[%add3A_1650], %get3A_1692 {add = true} : memref<512xf32, #tpu.memory_space<vmem>>[vector<16xi32>], vector<16xf32>,
          %mul3A_1693 = arith.constant 16 : i32
          %mul3A_1694 = arith.muli %scan3A_1641, %mul3A_1693 : i32
          %get3A_1695 = arith.constant 7 : i32
          %get3A_1696 = arith.index_cast %get3A_1695 : i32 to index
          %get3A_1697 = arith.index_cast %mul3A_1694 : i32 to index
          %get3A_1698 = tpu.vector_load %arg10[%get3A_1696, %get3A_1697] {strides = array<i32>} : memref<16x1280xf32, #tpu.memory_space<vmem>>, vector<16xf32>,
          tpu.vector_store_idx %arg24[%add3A_1650], %get3A_1698 {add = true} : memref<512xf32, #tpu.memory_space<vmem>>[vector<16xi32>], vector<16xf32>,
          %mul3A_1699 = arith.constant 16 : i32
          %mul3A_1700 = arith.muli %scan3A_1641, %mul3A_1699 : i32
          %get3A_1701 = arith.constant 8 : i32
          %get3A_1702 = arith.index_cast %get3A_1701 : i32 to index
          %get3A_1703 = arith.index_cast %mul3A_1700 : i32 to index
          %get3A_1704 = tpu.vector_load %arg10[%get3A_1702, %get3A_1703] {strides = array<i32>} : memref<16x1280xf32, #tpu.memory_space<vmem>>, vector<16xf32>,
          tpu.vector_store_idx %arg25[%add3A_1650], %get3A_1704 {add = true} : memref<512xf32, #tpu.memory_space<vmem>>[vector<16xi32>], vector<16xf32>,
          %mul3A_1705 = arith.constant 16 : i32
          %mul3A_1706 = arith.muli %scan3A_1641, %mul3A_1705 : i32
          %get3A_1707 = arith.constant 9 : i32
          %get3A_1708 = arith.index_cast %get3A_1707 : i32 to index
          %get3A_1709 = arith.index_cast %mul3A_1706 : i32 to index
          %get3A_1710 = tpu.vector_load %arg10[%get3A_1708, %get3A_1709] {strides = array<i32>} : memref<16x1280xf32, #tpu.memory_space<vmem>>, vector<16xf32>,
          tpu.vector_store_idx %arg26[%add3A_1650], %get3A_1710 {add = true} : memref<512xf32, #tpu.memory_space<vmem>>[vector<16xi32>], vector<16xf32>,
          %mul3A_1711 = arith.constant 16 : i32
          %mul3A_1712 = arith.muli %scan3A_1641, %mul3A_1711 : i32
          %get3A_1713 = arith.constant 10 : i32
          %get3A_1714 = arith.index_cast %get3A_1713 : i32 to index
          %get3A_1715 = arith.index_cast %mul3A_1712 : i32 to index
          %get3A_1716 = tpu.vector_load %arg10[%get3A_1714, %get3A_1715] {strides = array<i32>} : memref<16x1280xf32, #tpu.memory_space<vmem>>, vector<16xf32>,
          tpu.vector_store_idx %arg27[%add3A_1650], %get3A_1716 {add = true} : memref<512xf32, #tpu.memory_space<vmem>>[vector<16xi32>], vector<16xf32>,
          %mul3A_1717 = arith.constant 16 : i32
          %mul3A_1718 = arith.muli %scan3A_1641, %mul3A_1717 : i32
          %get3A_1719 = arith.constant 11 : i32
          %get3A_1720 = arith.index_cast %get3A_1719 : i32 to index
          %get3A_1721 = arith.index_cast %mul3A_1718 : i32 to index
          %get3A_1722 = tpu.vector_load %arg10[%get3A_1720, %get3A_1721] {strides = array<i32>} : memref<16x1280xf32, #tpu.memory_space<vmem>>, vector<16xf32>,
          tpu.vector_store_idx %arg28[%add3A_1650], %get3A_1722 {add = true} : memref<512xf32, #tpu.memory_space<vmem>>[vector<16xi32>], vector<16xf32>,
          %mul3A_1723 = arith.constant 16 : i32
          %mul3A_1724 = arith.muli %scan3A_1641, %mul3A_1723 : i32
          %get3A_1725 = arith.constant 12 : i32
          %get3A_1726 = arith.index_cast %get3A_1725 : i32 to index
          %get3A_1727 = arith.index_cast %mul3A_1724 : i32 to index
          %get3A_1728 = tpu.vector_load %arg10[%get3A_1726, %get3A_1727] {strides = array<i32>} : memref<16x1280xf32, #tpu.memory_space<vmem>>, vector<16xf32>,
          tpu.vector_store_idx %arg29[%add3A_1650], %get3A_1728 {add = true} : memref<512xf32, #tpu.memory_space<vmem>>[vector<16xi32>], vector<16xf32>,
          %mul3A_1729 = arith.constant 16 : i32
          %mul3A_1730 = arith.muli %scan3A_1641, %mul3A_1729 : i32
          %get3A_1731 = arith.constant 13 : i32
          %get3A_1732 = arith.index_cast %get3A_1731 : i32 to index
          %get3A_1733 = arith.index_cast %mul3A_1730 : i32 to index
          %get3A_1734 = tpu.vector_load %arg10[%get3A_1732, %get3A_1733] {strides = array<i32>} : memref<16x1280xf32, #tpu.memory_space<vmem>>, vector<16xf32>,
          tpu.vector_store_idx %arg30[%add3A_1650], %get3A_1734 {add = true} : memref<512xf32, #tpu.memory_space<vmem>>[vector<16xi32>], vector<16xf32>,
          %mul3A_1735 = arith.constant 16 : i32
          %mul3A_1736 = arith.muli %scan3A_1641, %mul3A_1735 : i32
          %get3A_1737 = arith.constant 14 : i32
          %get3A_1738 = arith.index_cast %get3A_1737 : i32 to index
          %get3A_1739 = arith.index_cast %mul3A_1736 : i32 to index
          %get3A_1740 = tpu.vector_load %arg10[%get3A_1738, %get3A_1739] {strides = array<i32>} : memref<16x1280xf32, #tpu.memory_space<vmem>>, vector<16xf32>,
          tpu.vector_store_idx %arg31[%add3A_1650], %get3A_1740 {add = true} : memref<512xf32, #tpu.memory_space<vmem>>[vector<16xi32>], vector<16xf32>,
          %mul3A_1741 = arith.constant 16 : i32
          %mul3A_1742 = arith.muli %scan3A_1641, %mul3A_1741 : i32
          %get3A_1743 = arith.constant 15 : i32
          %get3A_1744 = arith.index_cast %get3A_1743 : i32 to index
          %get3A_1745 = arith.index_cast %mul3A_1742 : i32 to index
          %get3A_1746 = tpu.vector_load %arg10[%get3A_1744, %get3A_1745] {strides = array<i32>} : memref<16x1280xf32, #tpu.memory_space<vmem>>, vector<16xf32>,
          tpu.vector_store_idx %arg32[%add3A_1650], %get3A_1746 {add = true} : memref<512xf32, #tpu.memory_space<vmem>>[vector<16xi32>], vector<16xf32>,
          %scan3A_1747 = arith.constant 2 : i32
          %scan3A_1748 = arith.addi %scan3A_1536, %scan3A_1747 : i32
          %mul3A_1749 = arith.constant 16 : i32
          %mul3A_1750 = arith.muli %scan3A_1748, %mul3A_1749 : i32
          %get3A_1751 = arith.index_cast %mul3A_1750 : i32 to index
          %get3A_1752 = tpu.vector_load %arg8[%get3A_1751] {strides = array<i32>} : memref<1280xi32, #tpu.memory_space<vmem>>, vector<16xi32>,
          %gather3A_1753 = tpu.vector_load_idx %arg6[%get3A_1752] : memref<10000xi32, #tpu.memory_space<vmem>>[vector<16xi32>], vector<16xi32>,
          %mul3A_1754 = arith.constant 8 : i32
          %mul3A_1755 = vector.broadcast %mul3A_1754 : i32 to vector<16xi32>
          %mul3A_1756 = arith.muli %gather3A_1753, %mul3A_1755 : vector<16xi32>
          %add3A_1757 = arith.addi %mul3A_1756, %and3A_5 : vector<16xi32>
          tpu.vector_store_idx %arg33[%add3A_1757], %broadcast_in_dim3A_3 {add = true} : memref<512xf32, #tpu.memory_space<vmem>>[vector<16xi32>], vector<16xf32>,
          %mul3A_1758 = arith.constant 16 : i32
          %mul3A_1759 = arith.muli %scan3A_1748, %mul3A_1758 : i32
          %get3A_1760 = arith.constant 0 : i32
          %get3A_1761 = arith.index_cast %get3A_1760 : i32 to index
          %get3A_1762 = arith.index_cast %mul3A_1759 : i32 to index
          %get3A_1763 = tpu.vector_load %arg10[%get3A_1761, %get3A_1762] {strides = array<i32>} : memref<16x1280xf32, #tpu.memory_space<vmem>>, vector<16xf32>,
          tpu.vector_store_idx %arg17[%add3A_1757], %get3A_1763 {add = true} : memref<512xf32, #tpu.memory_space<vmem>>[vector<16xi32>], vector<16xf32>,
          %mul3A_1764 = arith.constant 16 : i32
          %mul3A_1765 = arith.muli %scan3A_1748, %mul3A_1764 : i32
          %get3A_1766 = arith.constant 1 : i32
          %get3A_1767 = arith.index_cast %get3A_1766 : i32 to index
          %get3A_1768 = arith.index_cast %mul3A_1765 : i32 to index
          %get3A_1769 = tpu.vector_load %arg10[%get3A_1767, %get3A_1768] {strides = array<i32>} : memref<16x1280xf32, #tpu.memory_space<vmem>>, vector<16xf32>,
          tpu.vector_store_idx %arg18[%add3A_1757], %get3A_1769 {add = true} : memref<512xf32, #tpu.memory_space<vmem>>[vector<16xi32>], vector<16xf32>,
          %mul3A_1770 = arith.constant 16 : i32
          %mul3A_1771 = arith.muli %scan3A_1748, %mul3A_1770 : i32
          %get3A_1772 = arith.constant 2 : i32
          %get3A_1773 = arith.index_cast %get3A_1772 : i32 to index
          %get3A_1774 = arith.index_cast %mul3A_1771 : i32 to index
          %get3A_1775 = tpu.vector_load %arg10[%get3A_1773, %get3A_1774] {strides = array<i32>} : memref<16x1280xf32, #tpu.memory_space<vmem>>, vector<16xf32>,
          tpu.vector_store_idx %arg19[%add3A_1757], %get3A_1775 {add = true} : memref<512xf32, #tpu.memory_space<vmem>>[vector<16xi32>], vector<16xf32>,
          %mul3A_1776 = arith.constant 16 : i32
          %mul3A_1777 = arith.muli %scan3A_1748, %mul3A_1776 : i32
          %get3A_1778 = arith.constant 3 : i32
          %get3A_1779 = arith.index_cast %get3A_1778 : i32 to index
          %get3A_1780 = arith.index_cast %mul3A_1777 : i32 to index
          %get3A_1781 = tpu.vector_load %arg10[%get3A_1779, %get3A_1780] {strides = array<i32>} : memref<16x1280xf32, #tpu.memory_space<vmem>>, vector<16xf32>,
          tpu.vector_store_idx %arg20[%add3A_1757], %get3A_1781 {add = true} : memref<512xf32, #tpu.memory_space<vmem>>[vector<16xi32>], vector<16xf32>,
          %mul3A_1782 = arith.constant 16 : i32
          %mul3A_1783 = arith.muli %scan3A_1748, %mul3A_1782 : i32
          %get3A_1784 = arith.constant 4 : i32
          %get3A_1785 = arith.index_cast %get3A_1784 : i32 to index
          %get3A_1786 = arith.index_cast %mul3A_1783 : i32 to index
          %get3A_1787 = tpu.vector_load %arg10[%get3A_1785, %get3A_1786] {strides = array<i32>} : memref<16x1280xf32, #tpu.memory_space<vmem>>, vector<16xf32>,
          tpu.vector_store_idx %arg21[%add3A_1757], %get3A_1787 {add = true} : memref<512xf32, #tpu.memory_space<vmem>>[vector<16xi32>], vector<16xf32>,
          %mul3A_1788 = arith.constant 16 : i32
          %mul3A_1789 = arith.muli %scan3A_1748, %mul3A_1788 : i32
          %get3A_1790 = arith.constant 5 : i32
          %get3A_1791 = arith.index_cast %get3A_1790 : i32 to index
          %get3A_1792 = arith.index_cast %mul3A_1789 : i32 to index
          %get3A_1793 = tpu.vector_load %arg10[%get3A_1791, %get3A_1792] {strides = array<i32>} : memref<16x1280xf32, #tpu.memory_space<vmem>>, vector<16xf32>,
          tpu.vector_store_idx %arg22[%add3A_1757], %get3A_1793 {add = true} : memref<512xf32, #tpu.memory_space<vmem>>[vector<16xi32>], vector<16xf32>,
          %mul3A_1794 = arith.constant 16 : i32
          %mul3A_1795 = arith.muli %scan3A_1748, %mul3A_1794 : i32
          %get3A_1796 = arith.constant 6 : i32
          %get3A_1797 = arith.index_cast %get3A_1796 : i32 to index
          %get3A_1798 = arith.index_cast %mul3A_1795 : i32 to index
          %get3A_1799 = tpu.vector_load %arg10[%get3A_1797, %get3A_1798] {strides = array<i32>} : memref<16x1280xf32, #tpu.memory_space<vmem>>, vector<16xf32>,
          tpu.vector_store_idx %arg23[%add3A_1757], %get3A_1799 {add = true} : memref<512xf32, #tpu.memory_space<vmem>>[vector<16xi32>], vector<16xf32>,
          %mul3A_1800 = arith.constant 16 : i32
          %mul3A_1801 = arith.muli %scan3A_1748, %mul3A_1800 : i32
          %get3A_1802 = arith.constant 7 : i32
          %get3A_1803 = arith.index_cast %get3A_1802 : i32 to index
          %get3A_1804 = arith.index_cast %mul3A_1801 : i32 to index
          %get3A_1805 = tpu.vector_load %arg10[%get3A_1803, %get3A_1804] {strides = array<i32>} : memref<16x1280xf32, #tpu.memory_space<vmem>>, vector<16xf32>,
          tpu.vector_store_idx %arg24[%add3A_1757], %get3A_1805 {add = true} : memref<512xf32, #tpu.memory_space<vmem>>[vector<16xi32>], vector<16xf32>,
          %mul3A_1806 = arith.constant 16 : i32
          %mul3A_1807 = arith.muli %scan3A_1748, %mul3A_1806 : i32
          %get3A_1808 = arith.constant 8 : i32
          %get3A_1809 = arith.index_cast %get3A_1808 : i32 to index
          %get3A_1810 = arith.index_cast %mul3A_1807 : i32 to index
          %get3A_1811 = tpu.vector_load %arg10[%get3A_1809, %get3A_1810] {strides = array<i32>} : memref<16x1280xf32, #tpu.memory_space<vmem>>, vector<16xf32>,
          tpu.vector_store_idx %arg25[%add3A_1757], %get3A_1811 {add = true} : memref<512xf32, #tpu.memory_space<vmem>>[vector<16xi32>], vector<16xf32>,
          %mul3A_1812 = arith.constant 16 : i32
          %mul3A_1813 = arith.muli %scan3A_1748, %mul3A_1812 : i32
          %get3A_1814 = arith.constant 9 : i32
          %get3A_1815 = arith.index_cast %get3A_1814 : i32 to index
          %get3A_1816 = arith.index_cast %mul3A_1813 : i32 to index
          %get3A_1817 = tpu.vector_load %arg10[%get3A_1815, %get3A_1816] {strides = array<i32>} : memref<16x1280xf32, #tpu.memory_space<vmem>>, vector<16xf32>,
          tpu.vector_store_idx %arg26[%add3A_1757], %get3A_1817 {add = true} : memref<512xf32, #tpu.memory_space<vmem>>[vector<16xi32>], vector<16xf32>,
          %mul3A_1818 = arith.constant 16 : i32
          %mul3A_1819 = arith.muli %scan3A_1748, %mul3A_1818 : i32
          %get3A_1820 = arith.constant 10 : i32
          %get3A_1821 = arith.index_cast %get3A_1820 : i32 to index
          %get3A_1822 = arith.index_cast %mul3A_1819 : i32 to index
          %get3A_1823 = tpu.vector_load %arg10[%get3A_1821, %get3A_1822] {strides = array<i32>} : memref<16x1280xf32, #tpu.memory_space<vmem>>, vector<16xf32>,
          tpu.vector_store_idx %arg27[%add3A_1757], %get3A_1823 {add = true} : memref<512xf32, #tpu.memory_space<vmem>>[vector<16xi32>], vector<16xf32>,
          %mul3A_1824 = arith.constant 16 : i32
          %mul3A_1825 = arith.muli %scan3A_1748, %mul3A_1824 : i32
          %get3A_1826 = arith.constant 11 : i32
          %get3A_1827 = arith.index_cast %get3A_1826 : i32 to index
          %get3A_1828 = arith.index_cast %mul3A_1825 : i32 to index
          %get3A_1829 = tpu.vector_load %arg10[%get3A_1827, %get3A_1828] {strides = array<i32>} : memref<16x1280xf32, #tpu.memory_space<vmem>>, vector<16xf32>,
          tpu.vector_store_idx %arg28[%add3A_1757], %get3A_1829 {add = true} : memref<512xf32, #tpu.memory_space<vmem>>[vector<16xi32>], vector<16xf32>,
          %mul3A_1830 = arith.constant 16 : i32
          %mul3A_1831 = arith.muli %scan3A_1748, %mul3A_1830 : i32
          %get3A_1832 = arith.constant 12 : i32
          %get3A_1833 = arith.index_cast %get3A_1832 : i32 to index
          %get3A_1834 = arith.index_cast %mul3A_1831 : i32 to index
          %get3A_1835 = tpu.vector_load %arg10[%get3A_1833, %get3A_1834] {strides = array<i32>} : memref<16x1280xf32, #tpu.memory_space<vmem>>, vector<16xf32>,
          tpu.vector_store_idx %arg29[%add3A_1757], %get3A_1835 {add = true} : memref<512xf32, #tpu.memory_space<vmem>>[vector<16xi32>], vector<16xf32>,
          %mul3A_1836 = arith.constant 16 : i32
          %mul3A_1837 = arith.muli %scan3A_1748, %mul3A_1836 : i32
          %get3A_1838 = arith.constant 13 : i32
          %get3A_1839 = arith.index_cast %get3A_1838 : i32 to index
          %get3A_1840 = arith.index_cast %mul3A_1837 : i32 to index
          %get3A_1841 = tpu.vector_load %arg10[%get3A_1839, %get3A_1840] {strides = array<i32>} : memref<16x1280xf32, #tpu.memory_space<vmem>>, vector<16xf32>,
          tpu.vector_store_idx %arg30[%add3A_1757], %get3A_1841 {add = true} : memref<512xf32, #tpu.memory_space<vmem>>[vector<16xi32>], vector<16xf32>,
          %mul3A_1842 = arith.constant 16 : i32
          %mul3A_1843 = arith.muli %scan3A_1748, %mul3A_1842 : i32
          %get3A_1844 = arith.constant 14 : i32
          %get3A_1845 = arith.index_cast %get3A_1844 : i32 to index
          %get3A_1846 = arith.index_cast %mul3A_1843 : i32 to index
          %get3A_1847 = tpu.vector_load %arg10[%get3A_1845, %get3A_1846] {strides = array<i32>} : memref<16x1280xf32, #tpu.memory_space<vmem>>, vector<16xf32>,
          tpu.vector_store_idx %arg31[%add3A_1757], %get3A_1847 {add = true} : memref<512xf32, #tpu.memory_space<vmem>>[vector<16xi32>], vector<16xf32>,
          %mul3A_1848 = arith.constant 16 : i32
          %mul3A_1849 = arith.muli %scan3A_1748, %mul3A_1848 : i32
          %get3A_1850 = arith.constant 15 : i32
          %get3A_1851 = arith.index_cast %get3A_1850 : i32 to index
          %get3A_1852 = arith.index_cast %mul3A_1849 : i32 to index
          %get3A_1853 = tpu.vector_load %arg10[%get3A_1851, %get3A_1852] {strides = array<i32>} : memref<16x1280xf32, #tpu.memory_space<vmem>>, vector<16xf32>,
          tpu.vector_store_idx %arg32[%add3A_1757], %get3A_1853 {add = true} : memref<512xf32, #tpu.memory_space<vmem>>[vector<16xi32>], vector<16xf32>,
          %scan3A_1854 = arith.constant 3 : i32
          %scan3A_1855 = arith.addi %scan3A_1536, %scan3A_1854 : i32
          %mul3A_1856 = arith.constant 16 : i32
          %mul3A_1857 = arith.muli %scan3A_1855, %mul3A_1856 : i32
          %get3A_1858 = arith.index_cast %mul3A_1857 : i32 to index
          %get3A_1859 = tpu.vector_load %arg8[%get3A_1858] {strides = array<i32>} : memref<1280xi32, #tpu.memory_space<vmem>>, vector<16xi32>,
          %gather3A_1860 = tpu.vector_load_idx %arg6[%get3A_1859] : memref<10000xi32, #tpu.memory_space<vmem>>[vector<16xi32>], vector<16xi32>,
          %mul3A_1861 = arith.constant 8 : i32
          %mul3A_1862 = vector.broadcast %mul3A_1861 : i32 to vector<16xi32>
          %mul3A_1863 = arith.muli %gather3A_1860, %mul3A_1862 : vector<16xi32>
          %add3A_1864 = arith.addi %mul3A_1863, %and3A_5 : vector<16xi32>
          tpu.vector_store_idx %arg33[%add3A_1864], %broadcast_in_dim3A_3 {add = true} : memref<512xf32, #tpu.memory_space<vmem>>[vector<16xi32>], vector<16xf32>,
          %mul3A_1865 = arith.constant 16 : i32
          %mul3A_1866 = arith.muli %scan3A_1855, %mul3A_1865 : i32
          %get3A_1867 = arith.constant 0 : i32
          %get3A_1868 = arith.index_cast %get3A_1867 : i32 to index
          %get3A_1869 = arith.index_cast %mul3A_1866 : i32 to index
          %get3A_1870 = tpu.vector_load %arg10[%get3A_1868, %get3A_1869] {strides = array<i32>} : memref<16x1280xf32, #tpu.memory_space<vmem>>, vector<16xf32>,
          tpu.vector_store_idx %arg17[%add3A_1864], %get3A_1870 {add = true} : memref<512xf32, #tpu.memory_space<vmem>>[vector<16xi32>], vector<16xf32>,
          %mul3A_1871 = arith.constant 16 : i32
          %mul3A_1872 = arith.muli %scan3A_1855, %mul3A_1871 : i32
          %get3A_1873 = arith.constant 1 : i32
          %get3A_1874 = arith.index_cast %get3A_1873 : i32 to index
          %get3A_1875 = arith.index_cast %mul3A_1872 : i32 to index
          %get3A_1876 = tpu.vector_load %arg10[%get3A_1874, %get3A_1875] {strides = array<i32>} : memref<16x1280xf32, #tpu.memory_space<vmem>>, vector<16xf32>,
          tpu.vector_store_idx %arg18[%add3A_1864], %get3A_1876 {add = true} : memref<512xf32, #tpu.memory_space<vmem>>[vector<16xi32>], vector<16xf32>,
          %mul3A_1877 = arith.constant 16 : i32
          %mul3A_1878 = arith.muli %scan3A_1855, %mul3A_1877 : i32
          %get3A_1879 = arith.constant 2 : i32
          %get3A_1880 = arith.index_cast %get3A_1879 : i32 to index
          %get3A_1881 = arith.index_cast %mul3A_1878 : i32 to index
          %get3A_1882 = tpu.vector_load %arg10[%get3A_1880, %get3A_1881] {strides = array<i32>} : memref<16x1280xf32, #tpu.memory_space<vmem>>, vector<16xf32>,
          tpu.vector_store_idx %arg19[%add3A_1864], %get3A_1882 {add = true} : memref<512xf32, #tpu.memory_space<vmem>>[vector<16xi32>], vector<16xf32>,
          %mul3A_1883 = arith.constant 16 : i32
          %mul3A_1884 = arith.muli %scan3A_1855, %mul3A_1883 : i32
          %get3A_1885 = arith.constant 3 : i32
          %get3A_1886 = arith.index_cast %get3A_1885 : i32 to index
          %get3A_1887 = arith.index_cast %mul3A_1884 : i32 to index
          %get3A_1888 = tpu.vector_load %arg10[%get3A_1886, %get3A_1887] {strides = array<i32>} : memref<16x1280xf32, #tpu.memory_space<vmem>>, vector<16xf32>,
          tpu.vector_store_idx %arg20[%add3A_1864], %get3A_1888 {add = true} : memref<512xf32, #tpu.memory_space<vmem>>[vector<16xi32>], vector<16xf32>,
          %mul3A_1889 = arith.constant 16 : i32
          %mul3A_1890 = arith.muli %scan3A_1855, %mul3A_1889 : i32
          %get3A_1891 = arith.constant 4 : i32
          %get3A_1892 = arith.index_cast %get3A_1891 : i32 to index
          %get3A_1893 = arith.index_cast %mul3A_1890 : i32 to index
          %get3A_1894 = tpu.vector_load %arg10[%get3A_1892, %get3A_1893] {strides = array<i32>} : memref<16x1280xf32, #tpu.memory_space<vmem>>, vector<16xf32>,
          tpu.vector_store_idx %arg21[%add3A_1864], %get3A_1894 {add = true} : memref<512xf32, #tpu.memory_space<vmem>>[vector<16xi32>], vector<16xf32>,
          %mul3A_1895 = arith.constant 16 : i32
          %mul3A_1896 = arith.muli %scan3A_1855, %mul3A_1895 : i32
          %get3A_1897 = arith.constant 5 : i32
          %get3A_1898 = arith.index_cast %get3A_1897 : i32 to index
          %get3A_1899 = arith.index_cast %mul3A_1896 : i32 to index
          %get3A_1900 = tpu.vector_load %arg10[%get3A_1898, %get3A_1899] {strides = array<i32>} : memref<16x1280xf32, #tpu.memory_space<vmem>>, vector<16xf32>,
          tpu.vector_store_idx %arg22[%add3A_1864], %get3A_1900 {add = true} : memref<512xf32, #tpu.memory_space<vmem>>[vector<16xi32>], vector<16xf32>,
          %mul3A_1901 = arith.constant 16 : i32
          %mul3A_1902 = arith.muli %scan3A_1855, %mul3A_1901 : i32
          %get3A_1903 = arith.constant 6 : i32
          %get3A_1904 = arith.index_cast %get3A_1903 : i32 to index
          %get3A_1905 = arith.index_cast %mul3A_1902 : i32 to index
          %get3A_1906 = tpu.vector_load %arg10[%get3A_1904, %get3A_1905] {strides = array<i32>} : memref<16x1280xf32, #tpu.memory_space<vmem>>, vector<16xf32>,
          tpu.vector_store_idx %arg23[%add3A_1864], %get3A_1906 {add = true} : memref<512xf32, #tpu.memory_space<vmem>>[vector<16xi32>], vector<16xf32>,
          %mul3A_1907 = arith.constant 16 : i32
          %mul3A_1908 = arith.muli %scan3A_1855, %mul3A_1907 : i32
          %get3A_1909 = arith.constant 7 : i32
          %get3A_1910 = arith.index_cast %get3A_1909 : i32 to index
          %get3A_1911 = arith.index_cast %mul3A_1908 : i32 to index
          %get3A_1912 = tpu.vector_load %arg10[%get3A_1910, %get3A_1911] {strides = array<i32>} : memref<16x1280xf32, #tpu.memory_space<vmem>>, vector<16xf32>,
          tpu.vector_store_idx %arg24[%add3A_1864], %get3A_1912 {add = true} : memref<512xf32, #tpu.memory_space<vmem>>[vector<16xi32>], vector<16xf32>,
          %mul3A_1913 = arith.constant 16 : i32
          %mul3A_1914 = arith.muli %scan3A_1855, %mul3A_1913 : i32
          %get3A_1915 = arith.constant 8 : i32
          %get3A_1916 = arith.index_cast %get3A_1915 : i32 to index
          %get3A_1917 = arith.index_cast %mul3A_1914 : i32 to index
          %get3A_1918 = tpu.vector_load %arg10[%get3A_1916, %get3A_1917] {strides = array<i32>} : memref<16x1280xf32, #tpu.memory_space<vmem>>, vector<16xf32>,
          tpu.vector_store_idx %arg25[%add3A_1864], %get3A_1918 {add = true} : memref<512xf32, #tpu.memory_space<vmem>>[vector<16xi32>], vector<16xf32>,
          %mul3A_1919 = arith.constant 16 : i32
          %mul3A_1920 = arith.muli %scan3A_1855, %mul3A_1919 : i32
          %get3A_1921 = arith.constant 9 : i32
          %get3A_1922 = arith.index_cast %get3A_1921 : i32 to index
          %get3A_1923 = arith.index_cast %mul3A_1920 : i32 to index
          %get3A_1924 = tpu.vector_load %arg10[%get3A_1922, %get3A_1923] {strides = array<i32>} : memref<16x1280xf32, #tpu.memory_space<vmem>>, vector<16xf32>,
          tpu.vector_store_idx %arg26[%add3A_1864], %get3A_1924 {add = true} : memref<512xf32, #tpu.memory_space<vmem>>[vector<16xi32>], vector<16xf32>,
          %mul3A_1925 = arith.constant 16 : i32
          %mul3A_1926 = arith.muli %scan3A_1855, %mul3A_1925 : i32
          %get3A_1927 = arith.constant 10 : i32
          %get3A_1928 = arith.index_cast %get3A_1927 : i32 to index
          %get3A_1929 = arith.index_cast %mul3A_1926 : i32 to index
          %get3A_1930 = tpu.vector_load %arg10[%get3A_1928, %get3A_1929] {strides = array<i32>} : memref<16x1280xf32, #tpu.memory_space<vmem>>, vector<16xf32>,
          tpu.vector_store_idx %arg27[%add3A_1864], %get3A_1930 {add = true} : memref<512xf32, #tpu.memory_space<vmem>>[vector<16xi32>], vector<16xf32>,
          %mul3A_1931 = arith.constant 16 : i32
          %mul3A_1932 = arith.muli %scan3A_1855, %mul3A_1931 : i32
          %get3A_1933 = arith.constant 11 : i32
          %get3A_1934 = arith.index_cast %get3A_1933 : i32 to index
          %get3A_1935 = arith.index_cast %mul3A_1932 : i32 to index
          %get3A_1936 = tpu.vector_load %arg10[%get3A_1934, %get3A_1935] {strides = array<i32>} : memref<16x1280xf32, #tpu.memory_space<vmem>>, vector<16xf32>,
          tpu.vector_store_idx %arg28[%add3A_1864], %get3A_1936 {add = true} : memref<512xf32, #tpu.memory_space<vmem>>[vector<16xi32>], vector<16xf32>,
          %mul3A_1937 = arith.constant 16 : i32
          %mul3A_1938 = arith.muli %scan3A_1855, %mul3A_1937 : i32
          %get3A_1939 = arith.constant 12 : i32
          %get3A_1940 = arith.index_cast %get3A_1939 : i32 to index
          %get3A_1941 = arith.index_cast %mul3A_1938 : i32 to index
          %get3A_1942 = tpu.vector_load %arg10[%get3A_1940, %get3A_1941] {strides = array<i32>} : memref<16x1280xf32, #tpu.memory_space<vmem>>, vector<16xf32>,
          tpu.vector_store_idx %arg29[%add3A_1864], %get3A_1942 {add = true} : memref<512xf32, #tpu.memory_space<vmem>>[vector<16xi32>], vector<16xf32>,
          %mul3A_1943 = arith.constant 16 : i32
          %mul3A_1944 = arith.muli %scan3A_1855, %mul3A_1943 : i32
          %get3A_1945 = arith.constant 13 : i32
          %get3A_1946 = arith.index_cast %get3A_1945 : i32 to index
          %get3A_1947 = arith.index_cast %mul3A_1944 : i32 to index
          %get3A_1948 = tpu.vector_load %arg10[%get3A_1946, %get3A_1947] {strides = array<i32>} : memref<16x1280xf32, #tpu.memory_space<vmem>>, vector<16xf32>,
          tpu.vector_store_idx %arg30[%add3A_1864], %get3A_1948 {add = true} : memref<512xf32, #tpu.memory_space<vmem>>[vector<16xi32>], vector<16xf32>,
          %mul3A_1949 = arith.constant 16 : i32
          %mul3A_1950 = arith.muli %scan3A_1855, %mul3A_1949 : i32
          %get3A_1951 = arith.constant 14 : i32
          %get3A_1952 = arith.index_cast %get3A_1951 : i32 to index
          %get3A_1953 = arith.index_cast %mul3A_1950 : i32 to index
          %get3A_1954 = tpu.vector_load %arg10[%get3A_1952, %get3A_1953] {strides = array<i32>} : memref<16x1280xf32, #tpu.memory_space<vmem>>, vector<16xf32>,
          tpu.vector_store_idx %arg31[%add3A_1864], %get3A_1954 {add = true} : memref<512xf32, #tpu.memory_space<vmem>>[vector<16xi32>], vector<16xf32>,
          %mul3A_1955 = arith.constant 16 : i32
          %mul3A_1956 = arith.muli %scan3A_1855, %mul3A_1955 : i32
          %get3A_1957 = arith.constant 15 : i32
          %get3A_1958 = arith.index_cast %get3A_1957 : i32 to index
          %get3A_1959 = arith.index_cast %mul3A_1956 : i32 to index
          %get3A_1960 = tpu.vector_load %arg10[%get3A_1958, %get3A_1959] {strides = array<i32>} : memref<16x1280xf32, #tpu.memory_space<vmem>>, vector<16xf32>,
          tpu.vector_store_idx %arg32[%add3A_1864], %get3A_1960 {add = true} : memref<512xf32, #tpu.memory_space<vmem>>[vector<16xi32>], vector<16xf32>,
        }
        %scan3A_1535 = arith.constant 80 : i32
      } else {
      }
    }
    %scan3A_1107 = arith.constant 8 : i32
    %dma_wait3A = arith.constant 0 : i32
    %dma_wait3A_1108 = tpu.memref_slice %arg2[%dma_wait3A] : memref<640000xi32, #tpu.memory_space<hbm>> -> memref<1280xi32, #tpu.memory_space<hbm>>
    %dma_wait3A_1109 = arith.constant 0 : i32
    %dma_wait3A_1110 = tpu.memref_slice %arg2[%dma_wait3A_1109] : memref<640000xi32, #tpu.memory_space<hbm>> -> memref<1280xi32, #tpu.memory_space<hbm>>
    tpu.wait_dma2 semaphore(%arg12 : memref<!tpu.dma_semaphore, #tpu.memory_space<semaphore_mem>>) src(%dma_wait3A_1110 : memref<1280xi32, #tpu.memory_space<hbm>>) dst(%arg7 : memref<1280xi32, #tpu.memory_space<vmem>>)
    %dma_wait3A_1111 = arith.constant 0 : i32
    %dma_wait3A_1112 = arith.constant 0 : i32
    %dma_wait3A_1113 = tpu.memref_slice %arg3[%dma_wait3A_1111, %dma_wait3A_1112] : memref<16x640000xf32, #tpu.memory_space<hbm>> -> memref<16x1280xf32, #tpu.memory_space<hbm>>
    %dma_wait3A_1114 = arith.constant 0 : i32
    %dma_wait3A_1115 = arith.constant 0 : i32
    %dma_wait3A_1116 = tpu.memref_slice %arg3[%dma_wait3A_1114, %dma_wait3A_1115] : memref<16x640000xf32, #tpu.memory_space<hbm>> -> memref<16x1280xf32, #tpu.memory_space<hbm>>
    tpu.wait_dma2 semaphore(%arg14 : memref<!tpu.dma_semaphore, #tpu.memory_space<semaphore_mem>>) src(%dma_wait3A_1116 : memref<16x1280xf32, #tpu.memory_space<hbm>>) dst(%arg9 : memref<16x1280xf32, #tpu.memory_space<vmem>>)
    %mul3A_1117 = arith.constant 17 : i32
    %mul3A_1118 = arith.muli %add3A, %mul3A_1117 : i32
    %add3A_1119 = arith.constant 0 : i32
    %add3A_1120 = arith.addi %mul3A_1118, %add3A_1119 : i32
    %dma_start3A_1121 = arith.constant 0 : i32
    %dma_start3A_1122 = tpu.memref_slice %arg5[%add3A_1120, %dma_start3A_1121] : memref<544x512xf32, #tpu.memory_space<hbm>> -> memref<1x512xf32, #tpu.memory_space<hbm>>
    %dma_start3A_1123 = tpu.memref_squeeze %dma_start3A_1122 : memref<1x512xf32, #tpu.memory_space<hbm>> -> memref<512xf32, #tpu.memory_space<hbm>>
    %dma_start3A_1124 = arith.constant 0 : i32
    %dma_start3A_1125 = tpu.memref_slice %arg5[%add3A_1120, %dma_start3A_1124] : memref<544x512xf32, #tpu.memory_space<hbm>> -> memref<1x512xf32, #tpu.memory_space<hbm>>
    %dma_start3A_1126 = tpu.memref_squeeze %dma_start3A_1125 : memref<1x512xf32, #tpu.memory_space<hbm>> -> memref<512xf32, #tpu.memory_space<hbm>>
    tpu.enqueue_dma source(%arg17 : memref<512xf32, #tpu.memory_space<vmem>>) target(%dma_start3A_1126 : memref<512xf32, #tpu.memory_space<hbm>>) target_semaphore(%arg16 : memref<!tpu.dma_semaphore, #tpu.memory_space<semaphore_mem>>)
    %mul3A_1127 = arith.constant 17 : i32
    %mul3A_1128 = arith.muli %add3A, %mul3A_1127 : i32
    %add3A_1129 = arith.constant 1 : i32
    %add3A_1130 = arith.addi %mul3A_1128, %add3A_1129 : i32
    %dma_start3A_1131 = arith.constant 0 : i32
    %dma_start3A_1132 = tpu.memref_slice %arg5[%add3A_1130, %dma_start3A_1131] : memref<544x512xf32, #tpu.memory_space<hbm>> -> memref<1x512xf32, #tpu.memory_space<hbm>>
    %dma_start3A_1133 = tpu.memref_squeeze %dma_start3A_1132 : memref<1x512xf32, #tpu.memory_space<hbm>> -> memref<512xf32, #tpu.memory_space<hbm>>
    %dma_start3A_1134 = arith.constant 0 : i32
    %dma_start3A_1135 = tpu.memref_slice %arg5[%add3A_1130, %dma_start3A_1134] : memref<544x512xf32, #tpu.memory_space<hbm>> -> memref<1x512xf32, #tpu.memory_space<hbm>>
    %dma_start3A_1136 = tpu.memref_squeeze %dma_start3A_1135 : memref<1x512xf32, #tpu.memory_space<hbm>> -> memref<512xf32, #tpu.memory_space<hbm>>
    tpu.enqueue_dma source(%arg18 : memref<512xf32, #tpu.memory_space<vmem>>) target(%dma_start3A_1136 : memref<512xf32, #tpu.memory_space<hbm>>) target_semaphore(%arg16 : memref<!tpu.dma_semaphore, #tpu.memory_space<semaphore_mem>>)
    %mul3A_1137 = arith.constant 17 : i32
    %mul3A_1138 = arith.muli %add3A, %mul3A_1137 : i32
    %add3A_1139 = arith.constant 2 : i32
    %add3A_1140 = arith.addi %mul3A_1138, %add3A_1139 : i32
    %dma_start3A_1141 = arith.constant 0 : i32
    %dma_start3A_1142 = tpu.memref_slice %arg5[%add3A_1140, %dma_start3A_1141] : memref<544x512xf32, #tpu.memory_space<hbm>> -> memref<1x512xf32, #tpu.memory_space<hbm>>
    %dma_start3A_1143 = tpu.memref_squeeze %dma_start3A_1142 : memref<1x512xf32, #tpu.memory_space<hbm>> -> memref<512xf32, #tpu.memory_space<hbm>>
    %dma_start3A_1144 = arith.constant 0 : i32
    %dma_start3A_1145 = tpu.memref_slice %arg5[%add3A_1140, %dma_start3A_1144] : memref<544x512xf32, #tpu.memory_space<hbm>> -> memref<1x512xf32, #tpu.memory_space<hbm>>
    %dma_start3A_1146 = tpu.memref_squeeze %dma_start3A_1145 : memref<1x512xf32, #tpu.memory_space<hbm>> -> memref<512xf32, #tpu.memory_space<hbm>>
    tpu.enqueue_dma source(%arg19 : memref<512xf32, #tpu.memory_space<vmem>>) target(%dma_start3A_1146 : memref<512xf32, #tpu.memory_space<hbm>>) target_semaphore(%arg16 : memref<!tpu.dma_semaphore, #tpu.memory_space<semaphore_mem>>)
    %mul3A_1147 = arith.constant 17 : i32
    %mul3A_1148 = arith.muli %add3A, %mul3A_1147 : i32
    %add3A_1149 = arith.constant 3 : i32
    %add3A_1150 = arith.addi %mul3A_1148, %add3A_1149 : i32
    %dma_start3A_1151 = arith.constant 0 : i32
    %dma_start3A_1152 = tpu.memref_slice %arg5[%add3A_1150, %dma_start3A_1151] : memref<544x512xf32, #tpu.memory_space<hbm>> -> memref<1x512xf32, #tpu.memory_space<hbm>>
    %dma_start3A_1153 = tpu.memref_squeeze %dma_start3A_1152 : memref<1x512xf32, #tpu.memory_space<hbm>> -> memref<512xf32, #tpu.memory_space<hbm>>
    %dma_start3A_1154 = arith.constant 0 : i32
    %dma_start3A_1155 = tpu.memref_slice %arg5[%add3A_1150, %dma_start3A_1154] : memref<544x512xf32, #tpu.memory_space<hbm>> -> memref<1x512xf32, #tpu.memory_space<hbm>>
    %dma_start3A_1156 = tpu.memref_squeeze %dma_start3A_1155 : memref<1x512xf32, #tpu.memory_space<hbm>> -> memref<512xf32, #tpu.memory_space<hbm>>
    tpu.enqueue_dma source(%arg20 : memref<512xf32, #tpu.memory_space<vmem>>) target(%dma_start3A_1156 : memref<512xf32, #tpu.memory_space<hbm>>) target_semaphore(%arg16 : memref<!tpu.dma_semaphore, #tpu.memory_space<semaphore_mem>>)
    %mul3A_1157 = arith.constant 17 : i32
    %mul3A_1158 = arith.muli %add3A, %mul3A_1157 : i32
    %add3A_1159 = arith.constant 4 : i32
    %add3A_1160 = arith.addi %mul3A_1158, %add3A_1159 : i32
    %dma_start3A_1161 = arith.constant 0 : i32
    %dma_start3A_1162 = tpu.memref_slice %arg5[%add3A_1160, %dma_start3A_1161] : memref<544x512xf32, #tpu.memory_space<hbm>> -> memref<1x512xf32, #tpu.memory_space<hbm>>
    %dma_start3A_1163 = tpu.memref_squeeze %dma_start3A_1162 : memref<1x512xf32, #tpu.memory_space<hbm>> -> memref<512xf32, #tpu.memory_space<hbm>>
    %dma_start3A_1164 = arith.constant 0 : i32
    %dma_start3A_1165 = tpu.memref_slice %arg5[%add3A_1160, %dma_start3A_1164] : memref<544x512xf32, #tpu.memory_space<hbm>> -> memref<1x512xf32, #tpu.memory_space<hbm>>
    %dma_start3A_1166 = tpu.memref_squeeze %dma_start3A_1165 : memref<1x512xf32, #tpu.memory_space<hbm>> -> memref<512xf32, #tpu.memory_space<hbm>>
    tpu.enqueue_dma source(%arg21 : memref<512xf32, #tpu.memory_space<vmem>>) target(%dma_start3A_1166 : memref<512xf32, #tpu.memory_space<hbm>>) target_semaphore(%arg16 : memref<!tpu.dma_semaphore, #tpu.memory_space<semaphore_mem>>)
    %mul3A_1167 = arith.constant 17 : i32
    %mul3A_1168 = arith.muli %add3A, %mul3A_1167 : i32
    %add3A_1169 = arith.constant 5 : i32
    %add3A_1170 = arith.addi %mul3A_1168, %add3A_1169 : i32
    %dma_start3A_1171 = arith.constant 0 : i32
    %dma_start3A_1172 = tpu.memref_slice %arg5[%add3A_1170, %dma_start3A_1171] : memref<544x512xf32, #tpu.memory_space<hbm>> -> memref<1x512xf32, #tpu.memory_space<hbm>>
    %dma_start3A_1173 = tpu.memref_squeeze %dma_start3A_1172 : memref<1x512xf32, #tpu.memory_space<hbm>> -> memref<512xf32, #tpu.memory_space<hbm>>
    %dma_start3A_1174 = arith.constant 0 : i32
    %dma_start3A_1175 = tpu.memref_slice %arg5[%add3A_1170, %dma_start3A_1174] : memref<544x512xf32, #tpu.memory_space<hbm>> -> memref<1x512xf32, #tpu.memory_space<hbm>>
    %dma_start3A_1176 = tpu.memref_squeeze %dma_start3A_1175 : memref<1x512xf32, #tpu.memory_space<hbm>> -> memref<512xf32, #tpu.memory_space<hbm>>
    tpu.enqueue_dma source(%arg22 : memref<512xf32, #tpu.memory_space<vmem>>) target(%dma_start3A_1176 : memref<512xf32, #tpu.memory_space<hbm>>) target_semaphore(%arg16 : memref<!tpu.dma_semaphore, #tpu.memory_space<semaphore_mem>>)
    %mul3A_1177 = arith.constant 17 : i32
    %mul3A_1178 = arith.muli %add3A, %mul3A_1177 : i32
    %add3A_1179 = arith.constant 6 : i32
    %add3A_1180 = arith.addi %mul3A_1178, %add3A_1179 : i32
    %dma_start3A_1181 = arith.constant 0 : i32
    %dma_start3A_1182 = tpu.memref_slice %arg5[%add3A_1180, %dma_start3A_1181] : memref<544x512xf32, #tpu.memory_space<hbm>> -> memref<1x512xf32, #tpu.memory_space<hbm>>
    %dma_start3A_1183 = tpu.memref_squeeze %dma_start3A_1182 : memref<1x512xf32, #tpu.memory_space<hbm>> -> memref<512xf32, #tpu.memory_space<hbm>>
    %dma_start3A_1184 = arith.constant 0 : i32
    %dma_start3A_1185 = tpu.memref_slice %arg5[%add3A_1180, %dma_start3A_1184] : memref<544x512xf32, #tpu.memory_space<hbm>> -> memref<1x512xf32, #tpu.memory_space<hbm>>
    %dma_start3A_1186 = tpu.memref_squeeze %dma_start3A_1185 : memref<1x512xf32, #tpu.memory_space<hbm>> -> memref<512xf32, #tpu.memory_space<hbm>>
    tpu.enqueue_dma source(%arg23 : memref<512xf32, #tpu.memory_space<vmem>>) target(%dma_start3A_1186 : memref<512xf32, #tpu.memory_space<hbm>>) target_semaphore(%arg16 : memref<!tpu.dma_semaphore, #tpu.memory_space<semaphore_mem>>)
    %mul3A_1187 = arith.constant 17 : i32
    %mul3A_1188 = arith.muli %add3A, %mul3A_1187 : i32
    %add3A_1189 = arith.constant 7 : i32
    %add3A_1190 = arith.addi %mul3A_1188, %add3A_1189 : i32
    %dma_start3A_1191 = arith.constant 0 : i32
    %dma_start3A_1192 = tpu.memref_slice %arg5[%add3A_1190, %dma_start3A_1191] : memref<544x512xf32, #tpu.memory_space<hbm>> -> memref<1x512xf32, #tpu.memory_space<hbm>>
    %dma_start3A_1193 = tpu.memref_squeeze %dma_start3A_1192 : memref<1x512xf32, #tpu.memory_space<hbm>> -> memref<512xf32, #tpu.memory_space<hbm>>
    %dma_start3A_1194 = arith.constant 0 : i32
    %dma_start3A_1195 = tpu.memref_slice %arg5[%add3A_1190, %dma_start3A_1194] : memref<544x512xf32, #tpu.memory_space<hbm>> -> memref<1x512xf32, #tpu.memory_space<hbm>>
    %dma_start3A_1196 = tpu.memref_squeeze %dma_start3A_1195 : memref<1x512xf32, #tpu.memory_space<hbm>> -> memref<512xf32, #tpu.memory_space<hbm>>
    tpu.enqueue_dma source(%arg24 : memref<512xf32, #tpu.memory_space<vmem>>) target(%dma_start3A_1196 : memref<512xf32, #tpu.memory_space<hbm>>) target_semaphore(%arg16 : memref<!tpu.dma_semaphore, #tpu.memory_space<semaphore_mem>>)
    %mul3A_1197 = arith.constant 17 : i32
    %mul3A_1198 = arith.muli %add3A, %mul3A_1197 : i32
    %add3A_1199 = arith.constant 8 : i32
    %add3A_1200 = arith.addi %mul3A_1198, %add3A_1199 : i32
    %dma_start3A_1201 = arith.constant 0 : i32
    %dma_start3A_1202 = tpu.memref_slice %arg5[%add3A_1200, %dma_start3A_1201] : memref<544x512xf32, #tpu.memory_space<hbm>> -> memref<1x512xf32, #tpu.memory_space<hbm>>
    %dma_start3A_1203 = tpu.memref_squeeze %dma_start3A_1202 : memref<1x512xf32, #tpu.memory_space<hbm>> -> memref<512xf32, #tpu.memory_space<hbm>>
    %dma_start3A_1204 = arith.constant 0 : i32
    %dma_start3A_1205 = tpu.memref_slice %arg5[%add3A_1200, %dma_start3A_1204] : memref<544x512xf32, #tpu.memory_space<hbm>> -> memref<1x512xf32, #tpu.memory_space<hbm>>
    %dma_start3A_1206 = tpu.memref_squeeze %dma_start3A_1205 : memref<1x512xf32, #tpu.memory_space<hbm>> -> memref<512xf32, #tpu.memory_space<hbm>>
    tpu.enqueue_dma source(%arg25 : memref<512xf32, #tpu.memory_space<vmem>>) target(%dma_start3A_1206 : memref<512xf32, #tpu.memory_space<hbm>>) target_semaphore(%arg16 : memref<!tpu.dma_semaphore, #tpu.memory_space<semaphore_mem>>)
    %mul3A_1207 = arith.constant 17 : i32
    %mul3A_1208 = arith.muli %add3A, %mul3A_1207 : i32
    %add3A_1209 = arith.constant 9 : i32
    %add3A_1210 = arith.addi %mul3A_1208, %add3A_1209 : i32
    %dma_start3A_1211 = arith.constant 0 : i32
    %dma_start3A_1212 = tpu.memref_slice %arg5[%add3A_1210, %dma_start3A_1211] : memref<544x512xf32, #tpu.memory_space<hbm>> -> memref<1x512xf32, #tpu.memory_space<hbm>>
    %dma_start3A_1213 = tpu.memref_squeeze %dma_start3A_1212 : memref<1x512xf32, #tpu.memory_space<hbm>> -> memref<512xf32, #tpu.memory_space<hbm>>
    %dma_start3A_1214 = arith.constant 0 : i32
    %dma_start3A_1215 = tpu.memref_slice %arg5[%add3A_1210, %dma_start3A_1214] : memref<544x512xf32, #tpu.memory_space<hbm>> -> memref<1x512xf32, #tpu.memory_space<hbm>>
    %dma_start3A_1216 = tpu.memref_squeeze %dma_start3A_1215 : memref<1x512xf32, #tpu.memory_space<hbm>> -> memref<512xf32, #tpu.memory_space<hbm>>
    tpu.enqueue_dma source(%arg26 : memref<512xf32, #tpu.memory_space<vmem>>) target(%dma_start3A_1216 : memref<512xf32, #tpu.memory_space<hbm>>) target_semaphore(%arg16 : memref<!tpu.dma_semaphore, #tpu.memory_space<semaphore_mem>>)
    %mul3A_1217 = arith.constant 17 : i32
    %mul3A_1218 = arith.muli %add3A, %mul3A_1217 : i32
    %add3A_1219 = arith.constant 10 : i32
    %add3A_1220 = arith.addi %mul3A_1218, %add3A_1219 : i32
    %dma_start3A_1221 = arith.constant 0 : i32
    %dma_start3A_1222 = tpu.memref_slice %arg5[%add3A_1220, %dma_start3A_1221] : memref<544x512xf32, #tpu.memory_space<hbm>> -> memref<1x512xf32, #tpu.memory_space<hbm>>
    %dma_start3A_1223 = tpu.memref_squeeze %dma_start3A_1222 : memref<1x512xf32, #tpu.memory_space<hbm>> -> memref<512xf32, #tpu.memory_space<hbm>>
    %dma_start3A_1224 = arith.constant 0 : i32
    %dma_start3A_1225 = tpu.memref_slice %arg5[%add3A_1220, %dma_start3A_1224] : memref<544x512xf32, #tpu.memory_space<hbm>> -> memref<1x512xf32, #tpu.memory_space<hbm>>
    %dma_start3A_1226 = tpu.memref_squeeze %dma_start3A_1225 : memref<1x512xf32, #tpu.memory_space<hbm>> -> memref<512xf32, #tpu.memory_space<hbm>>
    tpu.enqueue_dma source(%arg27 : memref<512xf32, #tpu.memory_space<vmem>>) target(%dma_start3A_1226 : memref<512xf32, #tpu.memory_space<hbm>>) target_semaphore(%arg16 : memref<!tpu.dma_semaphore, #tpu.memory_space<semaphore_mem>>)
    %mul3A_1227 = arith.constant 17 : i32
    %mul3A_1228 = arith.muli %add3A, %mul3A_1227 : i32
    %add3A_1229 = arith.constant 11 : i32
    %add3A_1230 = arith.addi %mul3A_1228, %add3A_1229 : i32
    %dma_start3A_1231 = arith.constant 0 : i32
    %dma_start3A_1232 = tpu.memref_slice %arg5[%add3A_1230, %dma_start3A_1231] : memref<544x512xf32, #tpu.memory_space<hbm>> -> memref<1x512xf32, #tpu.memory_space<hbm>>
    %dma_start3A_1233 = tpu.memref_squeeze %dma_start3A_1232 : memref<1x512xf32, #tpu.memory_space<hbm>> -> memref<512xf32, #tpu.memory_space<hbm>>
    %dma_start3A_1234 = arith.constant 0 : i32
    %dma_start3A_1235 = tpu.memref_slice %arg5[%add3A_1230, %dma_start3A_1234] : memref<544x512xf32, #tpu.memory_space<hbm>> -> memref<1x512xf32, #tpu.memory_space<hbm>>
    %dma_start3A_1236 = tpu.memref_squeeze %dma_start3A_1235 : memref<1x512xf32, #tpu.memory_space<hbm>> -> memref<512xf32, #tpu.memory_space<hbm>>
    tpu.enqueue_dma source(%arg28 : memref<512xf32, #tpu.memory_space<vmem>>) target(%dma_start3A_1236 : memref<512xf32, #tpu.memory_space<hbm>>) target_semaphore(%arg16 : memref<!tpu.dma_semaphore, #tpu.memory_space<semaphore_mem>>)
    %mul3A_1237 = arith.constant 17 : i32
    %mul3A_1238 = arith.muli %add3A, %mul3A_1237 : i32
    %add3A_1239 = arith.constant 12 : i32
    %add3A_1240 = arith.addi %mul3A_1238, %add3A_1239 : i32
    %dma_start3A_1241 = arith.constant 0 : i32
    %dma_start3A_1242 = tpu.memref_slice %arg5[%add3A_1240, %dma_start3A_1241] : memref<544x512xf32, #tpu.memory_space<hbm>> -> memref<1x512xf32, #tpu.memory_space<hbm>>
    %dma_start3A_1243 = tpu.memref_squeeze %dma_start3A_1242 : memref<1x512xf32, #tpu.memory_space<hbm>> -> memref<512xf32, #tpu.memory_space<hbm>>
    %dma_start3A_1244 = arith.constant 0 : i32
    %dma_start3A_1245 = tpu.memref_slice %arg5[%add3A_1240, %dma_start3A_1244] : memref<544x512xf32, #tpu.memory_space<hbm>> -> memref<1x512xf32, #tpu.memory_space<hbm>>
    %dma_start3A_1246 = tpu.memref_squeeze %dma_start3A_1245 : memref<1x512xf32, #tpu.memory_space<hbm>> -> memref<512xf32, #tpu.memory_space<hbm>>
    tpu.enqueue_dma source(%arg29 : memref<512xf32, #tpu.memory_space<vmem>>) target(%dma_start3A_1246 : memref<512xf32, #tpu.memory_space<hbm>>) target_semaphore(%arg16 : memref<!tpu.dma_semaphore, #tpu.memory_space<semaphore_mem>>)
    %mul3A_1247 = arith.constant 17 : i32
    %mul3A_1248 = arith.muli %add3A, %mul3A_1247 : i32
    %add3A_1249 = arith.constant 13 : i32
    %add3A_1250 = arith.addi %mul3A_1248, %add3A_1249 : i32
    %dma_start3A_1251 = arith.constant 0 : i32
    %dma_start3A_1252 = tpu.memref_slice %arg5[%add3A_1250, %dma_start3A_1251] : memref<544x512xf32, #tpu.memory_space<hbm>> -> memref<1x512xf32, #tpu.memory_space<hbm>>
    %dma_start3A_1253 = tpu.memref_squeeze %dma_start3A_1252 : memref<1x512xf32, #tpu.memory_space<hbm>> -> memref<512xf32, #tpu.memory_space<hbm>>
    %dma_start3A_1254 = arith.constant 0 : i32
    %dma_start3A_1255 = tpu.memref_slice %arg5[%add3A_1250, %dma_start3A_1254] : memref<544x512xf32, #tpu.memory_space<hbm>> -> memref<1x512xf32, #tpu.memory_space<hbm>>
    %dma_start3A_1256 = tpu.memref_squeeze %dma_start3A_1255 : memref<1x512xf32, #tpu.memory_space<hbm>> -> memref<512xf32, #tpu.memory_space<hbm>>
    tpu.enqueue_dma source(%arg30 : memref<512xf32, #tpu.memory_space<vmem>>) target(%dma_start3A_1256 : memref<512xf32, #tpu.memory_space<hbm>>) target_semaphore(%arg16 : memref<!tpu.dma_semaphore, #tpu.memory_space<semaphore_mem>>)
    %mul3A_1257 = arith.constant 17 : i32
    %mul3A_1258 = arith.muli %add3A, %mul3A_1257 : i32
    %add3A_1259 = arith.constant 14 : i32
    %add3A_1260 = arith.addi %mul3A_1258, %add3A_1259 : i32
    %dma_start3A_1261 = arith.constant 0 : i32
    %dma_start3A_1262 = tpu.memref_slice %arg5[%add3A_1260, %dma_start3A_1261] : memref<544x512xf32, #tpu.memory_space<hbm>> -> memref<1x512xf32, #tpu.memory_space<hbm>>
    %dma_start3A_1263 = tpu.memref_squeeze %dma_start3A_1262 : memref<1x512xf32, #tpu.memory_space<hbm>> -> memref<512xf32, #tpu.memory_space<hbm>>
    %dma_start3A_1264 = arith.constant 0 : i32
    %dma_start3A_1265 = tpu.memref_slice %arg5[%add3A_1260, %dma_start3A_1264] : memref<544x512xf32, #tpu.memory_space<hbm>> -> memref<1x512xf32, #tpu.memory_space<hbm>>
    %dma_start3A_1266 = tpu.memref_squeeze %dma_start3A_1265 : memref<1x512xf32, #tpu.memory_space<hbm>> -> memref<512xf32, #tpu.memory_space<hbm>>
    tpu.enqueue_dma source(%arg31 : memref<512xf32, #tpu.memory_space<vmem>>) target(%dma_start3A_1266 : memref<512xf32, #tpu.memory_space<hbm>>) target_semaphore(%arg16 : memref<!tpu.dma_semaphore, #tpu.memory_space<semaphore_mem>>)
    %mul3A_1267 = arith.constant 17 : i32
    %mul3A_1268 = arith.muli %add3A, %mul3A_1267 : i32
    %add3A_1269 = arith.constant 15 : i32
    %add3A_1270 = arith.addi %mul3A_1268, %add3A_1269 : i32
    %dma_start3A_1271 = arith.constant 0 : i32
    %dma_start3A_1272 = tpu.memref_slice %arg5[%add3A_1270, %dma_start3A_1271] : memref<544x512xf32, #tpu.memory_space<hbm>> -> memref<1x512xf32, #tpu.memory_space<hbm>>
    %dma_start3A_1273 = tpu.memref_squeeze %dma_start3A_1272 : memref<1x512xf32, #tpu.memory_space<hbm>> -> memref<512xf32, #tpu.memory_space<hbm>>
    %dma_start3A_1274 = arith.constant 0 : i32
    %dma_start3A_1275 = tpu.memref_slice %arg5[%add3A_1270, %dma_start3A_1274] : memref<544x512xf32, #tpu.memory_space<hbm>> -> memref<1x512xf32, #tpu.memory_space<hbm>>
    %dma_start3A_1276 = tpu.memref_squeeze %dma_start3A_1275 : memref<1x512xf32, #tpu.memory_space<hbm>> -> memref<512xf32, #tpu.memory_space<hbm>>
    tpu.enqueue_dma source(%arg32 : memref<512xf32, #tpu.memory_space<vmem>>) target(%dma_start3A_1276 : memref<512xf32, #tpu.memory_space<hbm>>) target_semaphore(%arg16 : memref<!tpu.dma_semaphore, #tpu.memory_space<semaphore_mem>>)
    %mul3A_1277 = arith.constant 17 : i32
    %mul3A_1278 = arith.muli %add3A, %mul3A_1277 : i32
    %add3A_1279 = arith.constant 16 : i32
    %add3A_1280 = arith.addi %mul3A_1278, %add3A_1279 : i32
    %dma_start3A_1281 = arith.constant 0 : i32
    %dma_start3A_1282 = tpu.memref_slice %arg5[%add3A_1280, %dma_start3A_1281] : memref<544x512xf32, #tpu.memory_space<hbm>> -> memref<1x512xf32, #tpu.memory_space<hbm>>
    %dma_start3A_1283 = tpu.memref_squeeze %dma_start3A_1282 : memref<1x512xf32, #tpu.memory_space<hbm>> -> memref<512xf32, #tpu.memory_space<hbm>>
    %dma_start3A_1284 = arith.constant 0 : i32
    %dma_start3A_1285 = tpu.memref_slice %arg5[%add3A_1280, %dma_start3A_1284] : memref<544x512xf32, #tpu.memory_space<hbm>> -> memref<1x512xf32, #tpu.memory_space<hbm>>
    %dma_start3A_1286 = tpu.memref_squeeze %dma_start3A_1285 : memref<1x512xf32, #tpu.memory_space<hbm>> -> memref<512xf32, #tpu.memory_space<hbm>>
    tpu.enqueue_dma source(%arg33 : memref<512xf32, #tpu.memory_space<vmem>>) target(%dma_start3A_1286 : memref<512xf32, #tpu.memory_space<hbm>>) target_semaphore(%arg16 : memref<!tpu.dma_semaphore, #tpu.memory_space<semaphore_mem>>)
    %mul3A_1287 = arith.constant 17 : i32
    %mul3A_1288 = arith.muli %add3A, %mul3A_1287 : i32
    %add3A_1289 = arith.constant 0 : i32
    %add3A_1290 = arith.addi %mul3A_1288, %add3A_1289 : i32
    %dma_wait3A_1291 = arith.constant 0 : i32
    %dma_wait3A_1292 = tpu.memref_slice %arg5[%add3A_1290, %dma_wait3A_1291] : memref<544x512xf32, #tpu.memory_space<hbm>> -> memref<1x512xf32, #tpu.memory_space<hbm>>
    %dma_wait3A_1293 = tpu.memref_squeeze %dma_wait3A_1292 : memref<1x512xf32, #tpu.memory_space<hbm>> -> memref<512xf32, #tpu.memory_space<hbm>>
    %dma_wait3A_1294 = arith.constant 0 : i32
    %dma_wait3A_1295 = tpu.memref_slice %arg5[%add3A_1290, %dma_wait3A_1294] : memref<544x512xf32, #tpu.memory_space<hbm>> -> memref<1x512xf32, #tpu.memory_space<hbm>>
    %dma_wait3A_1296 = tpu.memref_squeeze %dma_wait3A_1295 : memref<1x512xf32, #tpu.memory_space<hbm>> -> memref<512xf32, #tpu.memory_space<hbm>>
    tpu.wait_dma2 semaphore(%arg16 : memref<!tpu.dma_semaphore, #tpu.memory_space<semaphore_mem>>) src(%arg17 : memref<512xf32, #tpu.memory_space<vmem>>) dst(%dma_wait3A_1296 : memref<512xf32, #tpu.memory_space<hbm>>)
    %mul3A_1297 = arith.constant 17 : i32
    %mul3A_1298 = arith.muli %add3A, %mul3A_1297 : i32
    %add3A_1299 = arith.constant 1 : i32
    %add3A_1300 = arith.addi %mul3A_1298, %add3A_1299 : i32
    %dma_wait3A_1301 = arith.constant 0 : i32
    %dma_wait3A_1302 = tpu.memref_slice %arg5[%add3A_1300, %dma_wait3A_1301] : memref<544x512xf32, #tpu.memory_space<hbm>> -> memref<1x512xf32, #tpu.memory_space<hbm>>
    %dma_wait3A_1303 = tpu.memref_squeeze %dma_wait3A_1302 : memref<1x512xf32, #tpu.memory_space<hbm>> -> memref<512xf32, #tpu.memory_space<hbm>>
    %dma_wait3A_1304 = arith.constant 0 : i32
    %dma_wait3A_1305 = tpu.memref_slice %arg5[%add3A_1300, %dma_wait3A_1304] : memref<544x512xf32, #tpu.memory_space<hbm>> -> memref<1x512xf32, #tpu.memory_space<hbm>>
    %dma_wait3A_1306 = tpu.memref_squeeze %dma_wait3A_1305 : memref<1x512xf32, #tpu.memory_space<hbm>> -> memref<512xf32, #tpu.memory_space<hbm>>
    tpu.wait_dma2 semaphore(%arg16 : memref<!tpu.dma_semaphore, #tpu.memory_space<semaphore_mem>>) src(%arg18 : memref<512xf32, #tpu.memory_space<vmem>>) dst(%dma_wait3A_1306 : memref<512xf32, #tpu.memory_space<hbm>>)
    %mul3A_1307 = arith.constant 17 : i32
    %mul3A_1308 = arith.muli %add3A, %mul3A_1307 : i32
    %add3A_1309 = arith.constant 2 : i32
    %add3A_1310 = arith.addi %mul3A_1308, %add3A_1309 : i32
    %dma_wait3A_1311 = arith.constant 0 : i32
    %dma_wait3A_1312 = tpu.memref_slice %arg5[%add3A_1310, %dma_wait3A_1311] : memref<544x512xf32, #tpu.memory_space<hbm>> -> memref<1x512xf32, #tpu.memory_space<hbm>>
    %dma_wait3A_1313 = tpu.memref_squeeze %dma_wait3A_1312 : memref<1x512xf32, #tpu.memory_space<hbm>> -> memref<512xf32, #tpu.memory_space<hbm>>
    %dma_wait3A_1314 = arith.constant 0 : i32
    %dma_wait3A_1315 = tpu.memref_slice %arg5[%add3A_1310, %dma_wait3A_1314] : memref<544x512xf32, #tpu.memory_space<hbm>> -> memref<1x512xf32, #tpu.memory_space<hbm>>
    %dma_wait3A_1316 = tpu.memref_squeeze %dma_wait3A_1315 : memref<1x512xf32, #tpu.memory_space<hbm>> -> memref<512xf32, #tpu.memory_space<hbm>>
    tpu.wait_dma2 semaphore(%arg16 : memref<!tpu.dma_semaphore, #tpu.memory_space<semaphore_mem>>) src(%arg19 : memref<512xf32, #tpu.memory_space<vmem>>) dst(%dma_wait3A_1316 : memref<512xf32, #tpu.memory_space<hbm>>)
    %mul3A_1317 = arith.constant 17 : i32
    %mul3A_1318 = arith.muli %add3A, %mul3A_1317 : i32
    %add3A_1319 = arith.constant 3 : i32
    %add3A_1320 = arith.addi %mul3A_1318, %add3A_1319 : i32
    %dma_wait3A_1321 = arith.constant 0 : i32
    %dma_wait3A_1322 = tpu.memref_slice %arg5[%add3A_1320, %dma_wait3A_1321] : memref<544x512xf32, #tpu.memory_space<hbm>> -> memref<1x512xf32, #tpu.memory_space<hbm>>
    %dma_wait3A_1323 = tpu.memref_squeeze %dma_wait3A_1322 : memref<1x512xf32, #tpu.memory_space<hbm>> -> memref<512xf32, #tpu.memory_space<hbm>>
    %dma_wait3A_1324 = arith.constant 0 : i32
    %dma_wait3A_1325 = tpu.memref_slice %arg5[%add3A_1320, %dma_wait3A_1324] : memref<544x512xf32, #tpu.memory_space<hbm>> -> memref<1x512xf32, #tpu.memory_space<hbm>>
    %dma_wait3A_1326 = tpu.memref_squeeze %dma_wait3A_1325 : memref<1x512xf32, #tpu.memory_space<hbm>> -> memref<512xf32, #tpu.memory_space<hbm>>
    tpu.wait_dma2 semaphore(%arg16 : memref<!tpu.dma_semaphore, #tpu.memory_space<semaphore_mem>>) src(%arg20 : memref<512xf32, #tpu.memory_space<vmem>>) dst(%dma_wait3A_1326 : memref<512xf32, #tpu.memory_space<hbm>>)
    %mul3A_1327 = arith.constant 17 : i32
    %mul3A_1328 = arith.muli %add3A, %mul3A_1327 : i32
    %add3A_1329 = arith.constant 4 : i32
    %add3A_1330 = arith.addi %mul3A_1328, %add3A_1329 : i32
    %dma_wait3A_1331 = arith.constant 0 : i32
    %dma_wait3A_1332 = tpu.memref_slice %arg5[%add3A_1330, %dma_wait3A_1331] : memref<544x512xf32, #tpu.memory_space<hbm>> -> memref<1x512xf32, #tpu.memory_space<hbm>>
    %dma_wait3A_1333 = tpu.memref_squeeze %dma_wait3A_1332 : memref<1x512xf32, #tpu.memory_space<hbm>> -> memref<512xf32, #tpu.memory_space<hbm>>
    %dma_wait3A_1334 = arith.constant 0 : i32
    %dma_wait3A_1335 = tpu.memref_slice %arg5[%add3A_1330, %dma_wait3A_1334] : memref<544x512xf32, #tpu.memory_space<hbm>> -> memref<1x512xf32, #tpu.memory_space<hbm>>
    %dma_wait3A_1336 = tpu.memref_squeeze %dma_wait3A_1335 : memref<1x512xf32, #tpu.memory_space<hbm>> -> memref<512xf32, #tpu.memory_space<hbm>>
    tpu.wait_dma2 semaphore(%arg16 : memref<!tpu.dma_semaphore, #tpu.memory_space<semaphore_mem>>) src(%arg21 : memref<512xf32, #tpu.memory_space<vmem>>) dst(%dma_wait3A_1336 : memref<512xf32, #tpu.memory_space<hbm>>)
    %mul3A_1337 = arith.constant 17 : i32
    %mul3A_1338 = arith.muli %add3A, %mul3A_1337 : i32
    %add3A_1339 = arith.constant 5 : i32
    %add3A_1340 = arith.addi %mul3A_1338, %add3A_1339 : i32
    %dma_wait3A_1341 = arith.constant 0 : i32
    %dma_wait3A_1342 = tpu.memref_slice %arg5[%add3A_1340, %dma_wait3A_1341] : memref<544x512xf32, #tpu.memory_space<hbm>> -> memref<1x512xf32, #tpu.memory_space<hbm>>
    %dma_wait3A_1343 = tpu.memref_squeeze %dma_wait3A_1342 : memref<1x512xf32, #tpu.memory_space<hbm>> -> memref<512xf32, #tpu.memory_space<hbm>>
    %dma_wait3A_1344 = arith.constant 0 : i32
    %dma_wait3A_1345 = tpu.memref_slice %arg5[%add3A_1340, %dma_wait3A_1344] : memref<544x512xf32, #tpu.memory_space<hbm>> -> memref<1x512xf32, #tpu.memory_space<hbm>>
    %dma_wait3A_1346 = tpu.memref_squeeze %dma_wait3A_1345 : memref<1x512xf32, #tpu.memory_space<hbm>> -> memref<512xf32, #tpu.memory_space<hbm>>
    tpu.wait_dma2 semaphore(%arg16 : memref<!tpu.dma_semaphore, #tpu.memory_space<semaphore_mem>>) src(%arg22 : memref<512xf32, #tpu.memory_space<vmem>>) dst(%dma_wait3A_1346 : memref<512xf32, #tpu.memory_space<hbm>>)
    %mul3A_1347 = arith.constant 17 : i32
    %mul3A_1348 = arith.muli %add3A, %mul3A_1347 : i32
    %add3A_1349 = arith.constant 6 : i32
    %add3A_1350 = arith.addi %mul3A_1348, %add3A_1349 : i32
    %dma_wait3A_1351 = arith.constant 0 : i32
    %dma_wait3A_1352 = tpu.memref_slice %arg5[%add3A_1350, %dma_wait3A_1351] : memref<544x512xf32, #tpu.memory_space<hbm>> -> memref<1x512xf32, #tpu.memory_space<hbm>>
    %dma_wait3A_1353 = tpu.memref_squeeze %dma_wait3A_1352 : memref<1x512xf32, #tpu.memory_space<hbm>> -> memref<512xf32, #tpu.memory_space<hbm>>
    %dma_wait3A_1354 = arith.constant 0 : i32
    %dma_wait3A_1355 = tpu.memref_slice %arg5[%add3A_1350, %dma_wait3A_1354] : memref<544x512xf32, #tpu.memory_space<hbm>> -> memref<1x512xf32, #tpu.memory_space<hbm>>
    %dma_wait3A_1356 = tpu.memref_squeeze %dma_wait3A_1355 : memref<1x512xf32, #tpu.memory_space<hbm>> -> memref<512xf32, #tpu.memory_space<hbm>>
    tpu.wait_dma2 semaphore(%arg16 : memref<!tpu.dma_semaphore, #tpu.memory_space<semaphore_mem>>) src(%arg23 : memref<512xf32, #tpu.memory_space<vmem>>) dst(%dma_wait3A_1356 : memref<512xf32, #tpu.memory_space<hbm>>)
    %mul3A_1357 = arith.constant 17 : i32
    %mul3A_1358 = arith.muli %add3A, %mul3A_1357 : i32
    %add3A_1359 = arith.constant 7 : i32
    %add3A_1360 = arith.addi %mul3A_1358, %add3A_1359 : i32
    %dma_wait3A_1361 = arith.constant 0 : i32
    %dma_wait3A_1362 = tpu.memref_slice %arg5[%add3A_1360, %dma_wait3A_1361] : memref<544x512xf32, #tpu.memory_space<hbm>> -> memref<1x512xf32, #tpu.memory_space<hbm>>
    %dma_wait3A_1363 = tpu.memref_squeeze %dma_wait3A_1362 : memref<1x512xf32, #tpu.memory_space<hbm>> -> memref<512xf32, #tpu.memory_space<hbm>>
    %dma_wait3A_1364 = arith.constant 0 : i32
    %dma_wait3A_1365 = tpu.memref_slice %arg5[%add3A_1360, %dma_wait3A_1364] : memref<544x512xf32, #tpu.memory_space<hbm>> -> memref<1x512xf32, #tpu.memory_space<hbm>>
    %dma_wait3A_1366 = tpu.memref_squeeze %dma_wait3A_1365 : memref<1x512xf32, #tpu.memory_space<hbm>> -> memref<512xf32, #tpu.memory_space<hbm>>
    tpu.wait_dma2 semaphore(%arg16 : memref<!tpu.dma_semaphore, #tpu.memory_space<semaphore_mem>>) src(%arg24 : memref<512xf32, #tpu.memory_space<vmem>>) dst(%dma_wait3A_1366 : memref<512xf32, #tpu.memory_space<hbm>>)
    %mul3A_1367 = arith.constant 17 : i32
    %mul3A_1368 = arith.muli %add3A, %mul3A_1367 : i32
    %add3A_1369 = arith.constant 8 : i32
    %add3A_1370 = arith.addi %mul3A_1368, %add3A_1369 : i32
    %dma_wait3A_1371 = arith.constant 0 : i32
    %dma_wait3A_1372 = tpu.memref_slice %arg5[%add3A_1370, %dma_wait3A_1371] : memref<544x512xf32, #tpu.memory_space<hbm>> -> memref<1x512xf32, #tpu.memory_space<hbm>>
    %dma_wait3A_1373 = tpu.memref_squeeze %dma_wait3A_1372 : memref<1x512xf32, #tpu.memory_space<hbm>> -> memref<512xf32, #tpu.memory_space<hbm>>
    %dma_wait3A_1374 = arith.constant 0 : i32
    %dma_wait3A_1375 = tpu.memref_slice %arg5[%add3A_1370, %dma_wait3A_1374] : memref<544x512xf32, #tpu.memory_space<hbm>> -> memref<1x512xf32, #tpu.memory_space<hbm>>
    %dma_wait3A_1376 = tpu.memref_squeeze %dma_wait3A_1375 : memref<1x512xf32, #tpu.memory_space<hbm>> -> memref<512xf32, #tpu.memory_space<hbm>>
    tpu.wait_dma2 semaphore(%arg16 : memref<!tpu.dma_semaphore, #tpu.memory_space<semaphore_mem>>) src(%arg25 : memref<512xf32, #tpu.memory_space<vmem>>) dst(%dma_wait3A_1376 : memref<512xf32, #tpu.memory_space<hbm>>)
    %mul3A_1377 = arith.constant 17 : i32
    %mul3A_1378 = arith.muli %add3A, %mul3A_1377 : i32
    %add3A_1379 = arith.constant 9 : i32
    %add3A_1380 = arith.addi %mul3A_1378, %add3A_1379 : i32
    %dma_wait3A_1381 = arith.constant 0 : i32
    %dma_wait3A_1382 = tpu.memref_slice %arg5[%add3A_1380, %dma_wait3A_1381] : memref<544x512xf32, #tpu.memory_space<hbm>> -> memref<1x512xf32, #tpu.memory_space<hbm>>
    %dma_wait3A_1383 = tpu.memref_squeeze %dma_wait3A_1382 : memref<1x512xf32, #tpu.memory_space<hbm>> -> memref<512xf32, #tpu.memory_space<hbm>>
    %dma_wait3A_1384 = arith.constant 0 : i32
    %dma_wait3A_1385 = tpu.memref_slice %arg5[%add3A_1380, %dma_wait3A_1384] : memref<544x512xf32, #tpu.memory_space<hbm>> -> memref<1x512xf32, #tpu.memory_space<hbm>>
    %dma_wait3A_1386 = tpu.memref_squeeze %dma_wait3A_1385 : memref<1x512xf32, #tpu.memory_space<hbm>> -> memref<512xf32, #tpu.memory_space<hbm>>
    tpu.wait_dma2 semaphore(%arg16 : memref<!tpu.dma_semaphore, #tpu.memory_space<semaphore_mem>>) src(%arg26 : memref<512xf32, #tpu.memory_space<vmem>>) dst(%dma_wait3A_1386 : memref<512xf32, #tpu.memory_space<hbm>>)
    %mul3A_1387 = arith.constant 17 : i32
    %mul3A_1388 = arith.muli %add3A, %mul3A_1387 : i32
    %add3A_1389 = arith.constant 10 : i32
    %add3A_1390 = arith.addi %mul3A_1388, %add3A_1389 : i32
    %dma_wait3A_1391 = arith.constant 0 : i32
    %dma_wait3A_1392 = tpu.memref_slice %arg5[%add3A_1390, %dma_wait3A_1391] : memref<544x512xf32, #tpu.memory_space<hbm>> -> memref<1x512xf32, #tpu.memory_space<hbm>>
    %dma_wait3A_1393 = tpu.memref_squeeze %dma_wait3A_1392 : memref<1x512xf32, #tpu.memory_space<hbm>> -> memref<512xf32, #tpu.memory_space<hbm>>
    %dma_wait3A_1394 = arith.constant 0 : i32
    %dma_wait3A_1395 = tpu.memref_slice %arg5[%add3A_1390, %dma_wait3A_1394] : memref<544x512xf32, #tpu.memory_space<hbm>> -> memref<1x512xf32, #tpu.memory_space<hbm>>
    %dma_wait3A_1396 = tpu.memref_squeeze %dma_wait3A_1395 : memref<1x512xf32, #tpu.memory_space<hbm>> -> memref<512xf32, #tpu.memory_space<hbm>>
    tpu.wait_dma2 semaphore(%arg16 : memref<!tpu.dma_semaphore, #tpu.memory_space<semaphore_mem>>) src(%arg27 : memref<512xf32, #tpu.memory_space<vmem>>) dst(%dma_wait3A_1396 : memref<512xf32, #tpu.memory_space<hbm>>)
    %mul3A_1397 = arith.constant 17 : i32
    %mul3A_1398 = arith.muli %add3A, %mul3A_1397 : i32
    %add3A_1399 = arith.constant 11 : i32
    %add3A_1400 = arith.addi %mul3A_1398, %add3A_1399 : i32
    %dma_wait3A_1401 = arith.constant 0 : i32
    %dma_wait3A_1402 = tpu.memref_slice %arg5[%add3A_1400, %dma_wait3A_1401] : memref<544x512xf32, #tpu.memory_space<hbm>> -> memref<1x512xf32, #tpu.memory_space<hbm>>
    %dma_wait3A_1403 = tpu.memref_squeeze %dma_wait3A_1402 : memref<1x512xf32, #tpu.memory_space<hbm>> -> memref<512xf32, #tpu.memory_space<hbm>>
    %dma_wait3A_1404 = arith.constant 0 : i32
    %dma_wait3A_1405 = tpu.memref_slice %arg5[%add3A_1400, %dma_wait3A_1404] : memref<544x512xf32, #tpu.memory_space<hbm>> -> memref<1x512xf32, #tpu.memory_space<hbm>>
    %dma_wait3A_1406 = tpu.memref_squeeze %dma_wait3A_1405 : memref<1x512xf32, #tpu.memory_space<hbm>> -> memref<512xf32, #tpu.memory_space<hbm>>
    tpu.wait_dma2 semaphore(%arg16 : memref<!tpu.dma_semaphore, #tpu.memory_space<semaphore_mem>>) src(%arg28 : memref<512xf32, #tpu.memory_space<vmem>>) dst(%dma_wait3A_1406 : memref<512xf32, #tpu.memory_space<hbm>>)
    %mul3A_1407 = arith.constant 17 : i32
    %mul3A_1408 = arith.muli %add3A, %mul3A_1407 : i32
    %add3A_1409 = arith.constant 12 : i32
    %add3A_1410 = arith.addi %mul3A_1408, %add3A_1409 : i32
    %dma_wait3A_1411 = arith.constant 0 : i32
    %dma_wait3A_1412 = tpu.memref_slice %arg5[%add3A_1410, %dma_wait3A_1411] : memref<544x512xf32, #tpu.memory_space<hbm>> -> memref<1x512xf32, #tpu.memory_space<hbm>>
    %dma_wait3A_1413 = tpu.memref_squeeze %dma_wait3A_1412 : memref<1x512xf32, #tpu.memory_space<hbm>> -> memref<512xf32, #tpu.memory_space<hbm>>
    %dma_wait3A_1414 = arith.constant 0 : i32
    %dma_wait3A_1415 = tpu.memref_slice %arg5[%add3A_1410, %dma_wait3A_1414] : memref<544x512xf32, #tpu.memory_space<hbm>> -> memref<1x512xf32, #tpu.memory_space<hbm>>
    %dma_wait3A_1416 = tpu.memref_squeeze %dma_wait3A_1415 : memref<1x512xf32, #tpu.memory_space<hbm>> -> memref<512xf32, #tpu.memory_space<hbm>>
    tpu.wait_dma2 semaphore(%arg16 : memref<!tpu.dma_semaphore, #tpu.memory_space<semaphore_mem>>) src(%arg29 : memref<512xf32, #tpu.memory_space<vmem>>) dst(%dma_wait3A_1416 : memref<512xf32, #tpu.memory_space<hbm>>)
    %mul3A_1417 = arith.constant 17 : i32
    %mul3A_1418 = arith.muli %add3A, %mul3A_1417 : i32
    %add3A_1419 = arith.constant 13 : i32
    %add3A_1420 = arith.addi %mul3A_1418, %add3A_1419 : i32
    %dma_wait3A_1421 = arith.constant 0 : i32
    %dma_wait3A_1422 = tpu.memref_slice %arg5[%add3A_1420, %dma_wait3A_1421] : memref<544x512xf32, #tpu.memory_space<hbm>> -> memref<1x512xf32, #tpu.memory_space<hbm>>
    %dma_wait3A_1423 = tpu.memref_squeeze %dma_wait3A_1422 : memref<1x512xf32, #tpu.memory_space<hbm>> -> memref<512xf32, #tpu.memory_space<hbm>>
    %dma_wait3A_1424 = arith.constant 0 : i32
    %dma_wait3A_1425 = tpu.memref_slice %arg5[%add3A_1420, %dma_wait3A_1424] : memref<544x512xf32, #tpu.memory_space<hbm>> -> memref<1x512xf32, #tpu.memory_space<hbm>>
    %dma_wait3A_1426 = tpu.memref_squeeze %dma_wait3A_1425 : memref<1x512xf32, #tpu.memory_space<hbm>> -> memref<512xf32, #tpu.memory_space<hbm>>
    tpu.wait_dma2 semaphore(%arg16 : memref<!tpu.dma_semaphore, #tpu.memory_space<semaphore_mem>>) src(%arg30 : memref<512xf32, #tpu.memory_space<vmem>>) dst(%dma_wait3A_1426 : memref<512xf32, #tpu.memory_space<hbm>>)
    %mul3A_1427 = arith.constant 17 : i32
    %mul3A_1428 = arith.muli %add3A, %mul3A_1427 : i32
    %add3A_1429 = arith.constant 14 : i32
    %add3A_1430 = arith.addi %mul3A_1428, %add3A_1429 : i32
    %dma_wait3A_1431 = arith.constant 0 : i32
    %dma_wait3A_1432 = tpu.memref_slice %arg5[%add3A_1430, %dma_wait3A_1431] : memref<544x512xf32, #tpu.memory_space<hbm>> -> memref<1x512xf32, #tpu.memory_space<hbm>>
    %dma_wait3A_1433 = tpu.memref_squeeze %dma_wait3A_1432 : memref<1x512xf32, #tpu.memory_space<hbm>> -> memref<512xf32, #tpu.memory_space<hbm>>
    %dma_wait3A_1434 = arith.constant 0 : i32
    %dma_wait3A_1435 = tpu.memref_slice %arg5[%add3A_1430, %dma_wait3A_1434] : memref<544x512xf32, #tpu.memory_space<hbm>> -> memref<1x512xf32, #tpu.memory_space<hbm>>
    %dma_wait3A_1436 = tpu.memref_squeeze %dma_wait3A_1435 : memref<1x512xf32, #tpu.memory_space<hbm>> -> memref<512xf32, #tpu.memory_space<hbm>>
    tpu.wait_dma2 semaphore(%arg16 : memref<!tpu.dma_semaphore, #tpu.memory_space<semaphore_mem>>) src(%arg31 : memref<512xf32, #tpu.memory_space<vmem>>) dst(%dma_wait3A_1436 : memref<512xf32, #tpu.memory_space<hbm>>)
    %mul3A_1437 = arith.constant 17 : i32
    %mul3A_1438 = arith.muli %add3A, %mul3A_1437 : i32
    %add3A_1439 = arith.constant 15 : i32
    %add3A_1440 = arith.addi %mul3A_1438, %add3A_1439 : i32
    %dma_wait3A_1441 = arith.constant 0 : i32
    %dma_wait3A_1442 = tpu.memref_slice %arg5[%add3A_1440, %dma_wait3A_1441] : memref<544x512xf32, #tpu.memory_space<hbm>> -> memref<1x512xf32, #tpu.memory_space<hbm>>
    %dma_wait3A_1443 = tpu.memref_squeeze %dma_wait3A_1442 : memref<1x512xf32, #tpu.memory_space<hbm>> -> memref<512xf32, #tpu.memory_space<hbm>>
    %dma_wait3A_1444 = arith.constant 0 : i32
    %dma_wait3A_1445 = tpu.memref_slice %arg5[%add3A_1440, %dma_wait3A_1444] : memref<544x512xf32, #tpu.memory_space<hbm>> -> memref<1x512xf32, #tpu.memory_space<hbm>>
    %dma_wait3A_1446 = tpu.memref_squeeze %dma_wait3A_1445 : memref<1x512xf32, #tpu.memory_space<hbm>> -> memref<512xf32, #tpu.memory_space<hbm>>
    tpu.wait_dma2 semaphore(%arg16 : memref<!tpu.dma_semaphore, #tpu.memory_space<semaphore_mem>>) src(%arg32 : memref<512xf32, #tpu.memory_space<vmem>>) dst(%dma_wait3A_1446 : memref<512xf32, #tpu.memory_space<hbm>>)
    %mul3A_1447 = arith.constant 17 : i32
    %mul3A_1448 = arith.muli %add3A, %mul3A_1447 : i32
    %add3A_1449 = arith.constant 16 : i32
    %add3A_1450 = arith.addi %mul3A_1448, %add3A_1449 : i32
    %dma_wait3A_1451 = arith.constant 0 : i32
    %dma_wait3A_1452 = tpu.memref_slice %arg5[%add3A_1450, %dma_wait3A_1451] : memref<544x512xf32, #tpu.memory_space<hbm>> -> memref<1x512xf32, #tpu.memory_space<hbm>>
    %dma_wait3A_1453 = tpu.memref_squeeze %dma_wait3A_1452 : memref<1x512xf32, #tpu.memory_space<hbm>> -> memref<512xf32, #tpu.memory_space<hbm>>
    %dma_wait3A_1454 = arith.constant 0 : i32
    %dma_wait3A_1455 = tpu.memref_slice %arg5[%add3A_1450, %dma_wait3A_1454] : memref<544x512xf32, #tpu.memory_space<hbm>> -> memref<1x512xf32, #tpu.memory_space<hbm>>
    %dma_wait3A_1456 = tpu.memref_squeeze %dma_wait3A_1455 : memref<1x512xf32, #tpu.memory_space<hbm>> -> memref<512xf32, #tpu.memory_space<hbm>>
    tpu.wait_dma2 semaphore(%arg16 : memref<!tpu.dma_semaphore, #tpu.memory_space<semaphore_mem>>) src(%arg33 : memref<512xf32, #tpu.memory_space<vmem>>) dst(%dma_wait3A_1456 : memref<512xf32, #tpu.memory_space<hbm>>)
    return
  }
}

module attributes {stable_mosaic.version = 14 : i64} {
  func.func @_node_pool_body(%arg0: memref<10000x1xi32, #tpu.memory_space<vmem>>, %arg1: memref<10000x128xf32, #tpu.memory_space<vmem>>, %arg2: memref<64x128xf32, #tpu.memory_space<vmem>>, %arg3: memref<1x64xf32, #tpu.memory_space<vmem>>) attributes {dimension_semantics = [], scalar_prefetch = 0 : i64, scratch_operands = 0 : i64, tpu.core_type = #tpu.core_type<tc>} {
    %iota3A = tpu.iota {dimensions = array<i32: 1>} : vector<1x64xi32>
    %get3A = arith.constant 0 : index
    %get3A_0 = arith.constant 0 : index
    %get3A_1 = vector.load %arg0[%get3A, %get3A_0] : memref<10000x1xi32, #tpu.memory_space<vmem>>, vector<10000x1xi32>
    %eq3A = vector.broadcast %get3A_1 : vector<10000x1xi32> to vector<10000x64xi32>
    %eq3A_2 = vector.broadcast %iota3A : vector<1x64xi32> to vector<10000x64xi32>
    %eq3A_3 = arith.cmpi eq, %eq3A, %eq3A_2 : vector<10000x64xi32>
    %convert_element_type3A = arith.extui %eq3A_3 : vector<10000x64xi1> to vector<10000x64xi32>
    %convert_element_type3A_4 = arith.sitofp %convert_element_type3A : vector<10000x64xi32> to vector<10000x64xf32>
    %get3A_5 = arith.constant 0 : index
    %get3A_6 = arith.constant 0 : index
    %get3A_7 = vector.load %arg1[%get3A_5, %get3A_6] : memref<10000x128xf32, #tpu.memory_space<vmem>>, vector<10000x128xf32>
    %dot_general3A = arith.constant dense<0.000000e+00> : vector<64x128xf32>
    %dot_general3A_8 = tpu.matmul %convert_element_type3A_4, %get3A_7, %dot_general3A {dimension_numbers = #tpu.dot_dimension_numbers<[0], [0], [1], [1], [0, 1, 1, 1], [], []>, precision = #tpu.contract_precision<fp32>, transpose_lhs_hint = false} : vector<10000x64xf32>, vector<10000x128xf32>, vector<64x128xf32> -> vector<64x128xf32>
    %swap3A = arith.constant 0 : index
    %swap3A_9 = arith.constant 0 : index
    %swap3A_10 = vector.load %arg2[%swap3A, %swap3A_9] : memref<64x128xf32, #tpu.memory_space<vmem>>, vector<64x128xf32>
    tpu.vector_store %arg2[%swap3A, %swap3A_9], %dot_general3A_8 {strides = array<i32>} : memref<64x128xf32, #tpu.memory_space<vmem>>, vector<64x128xf32>,
    %reduce_sum3A = arith.constant dense<0.000000e+00> : vector<64xf32>
    %reduce_sum3A_11 = vector.multi_reduction <add>, %convert_element_type3A_4, %reduce_sum3A [0] : vector<10000x64xf32> to vector<64xf32>
    %broadcast_in_dim3A = vector.shape_cast %reduce_sum3A_11 : vector<64xf32> to vector<1x64xf32>
    %swap3A_12 = arith.constant 0 : index
    %swap3A_13 = arith.constant 0 : index
    %swap3A_14 = vector.load %arg3[%swap3A_12, %swap3A_13] : memref<1x64xf32, #tpu.memory_space<vmem>>, vector<1x64xf32>
    tpu.vector_store %arg3[%swap3A_12, %swap3A_13], %broadcast_in_dim3A {strides = array<i32>} : memref<1x64xf32, #tpu.memory_space<vmem>>, vector<1x64xf32>,
    return
  }
}

module attributes {stable_mosaic.version = 14 : i64} {
  func.func @_mlp_body(%arg0: memref<64x128xf32, #tpu.memory_space<vmem>>, %arg1: memref<1x64xf32, #tpu.memory_space<vmem>>, %arg2: memref<544x512xf32, #tpu.memory_space<vmem>>, %arg3: memref<144x256xf32, #tpu.memory_space<vmem>>, %arg4: memref<1x256xf32, #tpu.memory_space<vmem>>, %arg5: memref<256x128xf32, #tpu.memory_space<vmem>>, %arg6: memref<1x128xf32, #tpu.memory_space<vmem>>, %arg7: memref<64x128xf32, #tpu.memory_space<vmem>>) attributes {dimension_semantics = [], scalar_prefetch = 0 : i64, scratch_operands = 0 : i64, tpu.core_type = #tpu.core_type<tc>} {
    %get3A = arith.constant 0 : index
    %get3A_0 = arith.constant 0 : index
    %get3A_1 = vector.load %arg0[%get3A, %get3A_0] : memref<64x128xf32, #tpu.memory_space<vmem>>, vector<64x128xf32>
    %get3A_2 = arith.constant 0 : index
    %get3A_3 = arith.constant 0 : index
    %get3A_4 = vector.load %arg1[%get3A_2, %get3A_3] : memref<1x64xf32, #tpu.memory_space<vmem>>, vector<1x64xf32>
    %reshape3A = vector.shape_cast %get3A_4 : vector<1x64xf32> to vector<64x1xf32>
    %get3A_5 = arith.constant 0 : index
    %get3A_6 = arith.constant 0 : index
    %get3A_7 = vector.load %arg2[%get3A_5, %get3A_6] : memref<544x512xf32, #tpu.memory_space<vmem>>, vector<544x512xf32>
    %reshape3A_8 = vector.shape_cast %get3A_7 : vector<544x512xf32> to vector<32x17x64x8xf32>
    %reduce_sum3A = arith.constant dense<0.000000e+00> : vector<17x64xf32>
    %reduce_sum3A_9 = vector.multi_reduction <add>, %reshape3A_8, %reduce_sum3A [0, 3] : vector<32x17x64x8xf32> to vector<17x64xf32>
    %slice3A = vector.extract_strided_slice %reduce_sum3A_9 {offsets = [0, 0], sizes = [16, 64], strides = [1, 1]} : vector<17x64xf32> to vector<16x64xf32>
    %transpose3A = tpu.transpose %slice3A, [1, 0] : vector<16x64xf32> -> vector<64x16xf32>
    %slice3A_10 = vector.extract_strided_slice %reduce_sum3A_9 {offsets = [16, 0], sizes = [1, 64], strides = [1, 1]} : vector<17x64xf32> to vector<1x64xf32>
    %squeeze3A = vector.shape_cast %slice3A_10 : vector<1x64xf32> to vector<64xf32>
    %broadcast_in_dim3A = vector.shape_cast %squeeze3A : vector<64xf32> to vector<64x1xf32>
    %max3A = arith.constant 1.000000e+00 : f32
    %max3A_11 = vector.broadcast %max3A : f32 to vector<64x1xf32>
    %max3A_12 = arith.maximumf %reshape3A, %max3A_11 : vector<64x1xf32>
    %div3A = vector.broadcast %max3A_12 : vector<64x1xf32> to vector<64x128xf32>
    %div3A_13 = arith.divf %get3A_1, %div3A : vector<64x128xf32>
    %max3A_14 = arith.constant 1.000000e+00 : f32
    %max3A_15 = vector.broadcast %max3A_14 : f32 to vector<64x1xf32>
    %max3A_16 = arith.maximumf %broadcast_in_dim3A, %max3A_15 : vector<64x1xf32>
    %div3A_17 = vector.broadcast %max3A_16 : vector<64x1xf32> to vector<64x16xf32>
    %div3A_18 = arith.divf %transpose3A, %div3A_17 : vector<64x16xf32>
    %get3A_19 = arith.constant 0 : index
    %get3A_20 = arith.constant 0 : index
    %get3A_21 = vector.load %arg3[%get3A_19, %get3A_20] : memref<144x256xf32, #tpu.memory_space<vmem>>, vector<144x256xf32>
    %slice3A_22 = vector.extract_strided_slice %get3A_21 {offsets = [0, 0], sizes = [128, 256], strides = [1, 1]} : vector<144x256xf32> to vector<128x256xf32>
    %dot_general3A = arith.constant dense<0.000000e+00> : vector<64x256xf32>
    %dot_general3A_23 = tpu.matmul %div3A_13, %slice3A_22, %dot_general3A {dimension_numbers = #tpu.dot_dimension_numbers<[1], [0], [0], [1], [0, 0, 1, 1], [], []>, transpose_lhs_hint = false} : vector<64x128xf32>, vector<128x256xf32>, vector<64x256xf32> -> vector<64x256xf32>
    %slice3A_24 = vector.extract_strided_slice %get3A_21 {offsets = [128, 0], sizes = [16, 256], strides = [1, 1]} : vector<144x256xf32> to vector<16x256xf32>
    %dot_general3A_25 = arith.constant dense<0.000000e+00> : vector<64x256xf32>
    %dot_general3A_26 = tpu.matmul %div3A_18, %slice3A_24, %dot_general3A_25 {dimension_numbers = #tpu.dot_dimension_numbers<[1], [0], [0], [1], [0, 0, 1, 1], [], []>, transpose_lhs_hint = false} : vector<64x16xf32>, vector<16x256xf32>, vector<64x256xf32> -> vector<64x256xf32>
    %add3A = arith.addf %dot_general3A_23, %dot_general3A_26 : vector<64x256xf32>
    %get3A_27 = arith.constant 0 : index
    %get3A_28 = arith.constant 0 : index
    %get3A_29 = vector.load %arg4[%get3A_27, %get3A_28] : memref<1x256xf32, #tpu.memory_space<vmem>>, vector<1x256xf32>
    %add3A_30 = vector.broadcast %get3A_29 : vector<1x256xf32> to vector<64x256xf32>
    %add3A_31 = arith.addf %add3A, %add3A_30 : vector<64x256xf32>
    %max3A_32 = arith.constant 0.000000e+00 : f32
    %max3A_33 = vector.broadcast %max3A_32 : f32 to vector<64x256xf32>
    %max3A_34 = arith.maximumf %add3A_31, %max3A_33 : vector<64x256xf32>
    %get3A_35 = arith.constant 0 : index
    %get3A_36 = arith.constant 0 : index
    %get3A_37 = vector.load %arg5[%get3A_35, %get3A_36] : memref<256x128xf32, #tpu.memory_space<vmem>>, vector<256x128xf32>
    %dot_general3A_38 = arith.constant dense<0.000000e+00> : vector<64x128xf32>
    %dot_general3A_39 = tpu.matmul %max3A_34, %get3A_37, %dot_general3A_38 {dimension_numbers = #tpu.dot_dimension_numbers<[1], [0], [0], [1], [0, 0, 1, 1], [], []>, transpose_lhs_hint = false} : vector<64x256xf32>, vector<256x128xf32>, vector<64x128xf32> -> vector<64x128xf32>
    %get3A_40 = arith.constant 0 : index
    %get3A_41 = arith.constant 0 : index
    %get3A_42 = vector.load %arg6[%get3A_40, %get3A_41] : memref<1x128xf32, #tpu.memory_space<vmem>>, vector<1x128xf32>
    %add3A_43 = vector.broadcast %get3A_42 : vector<1x128xf32> to vector<64x128xf32>
    %add3A_44 = arith.addf %dot_general3A_39, %add3A_43 : vector<64x128xf32>
    %swap3A = arith.constant 0 : index
    %swap3A_45 = arith.constant 0 : index
    %swap3A_46 = vector.load %arg7[%swap3A, %swap3A_45] : memref<64x128xf32, #tpu.memory_space<vmem>>, vector<64x128xf32>
    tpu.vector_store %arg7[%swap3A, %swap3A_45], %add3A_44 {strides = array<i32>} : memref<64x128xf32, #tpu.memory_space<vmem>>, vector<64x128xf32>,
    return
  }
}

</mosaic_0001>

<sc_bundles>
// kernel: kernel.5.cloned.1.call-start
scs
__scs_entry_jumppad:
0x0: {  	(pc) =	sbr.rel $0x88, $3  }
0x1: {  	(tag) =	ssettag $0x0;
	lr =	simm.s32 $0x1  }
0x2: {  	[smem:$0x3F99] =	sst lr;
	_ =	strace $0xD0000000  }
0x3: {  	_ = 	snop  }
0x4: {  	_ = 	snop  }
0x5: {  	_ = 	snop  }
0x6: {  	_ = 	snop  }
0x7: {  	_ = 	snop  }
__scs_overlays_trampoline_lowered:
0x8: {  	[smem:$0x3FA8] =	sst s0  }
0x9: {  	[smem:$0x3FA9] =	sst s1  }
0xa: {  	[smem:$0x3FAA] =	sst s2  }
0xb: {  	[smem:$0x3FAB] =	sst s3  }
0xc: {  	[smem:$0x3FAC] =	sst s4  }
0xd: {  	[smem:$0x3FAD] =	sst s5  }
0xe: {  	[smem:$0x3FAE] =	sst s6  }
0xf: {  	[smem:$0x3FAF] =	sst s7  }
0x10: {  	[smem:$0x3FB0] =	sst s8  }
0x11: {  	[smem:$0x3FB1] =	sst s9;
	s0 =	simm.s32 @!p0 $0x0  }
0x12: {  	s1 =	sld [smem:$0x3F97];
	s0 =	simm.s32 @p0 $0x1  }
0x13: {  	[smem:$0x3FB2] =	sst s0;
	s0 =	simm.s32 @!p1 $0x0  }
0x14: {  	s2 =	sld [smem:$0x3F96];
	s0 =	simm.s32 @p1 $0x1  }
0x15: {  	[smem:$0x3FB3] =	sst s0;
	s0 =	simm.s32 @!p2 $0x0  }
0x16: {  	s3 =	sld [smem:$0x3FDB];
	s0 =	simm.s32 @p2 $0x1  }
0x17: {  	s4 =	simm.s32 $0x1BF5;
	[smem:$0x3FB5] =	sst s0  }
0x18: {  	s0 =	sld [smem:$0x3F98];
	_ =	swait.ge [sflag:s4], $0x0  }
0x19: {  	s7 =	sld [smem:$0x3F99]  }
0x1a: {  	s8 =	sadd.s32 $0xFFFFE003, lr  }
0x1b: {  	s9 =	sadd.s32 $0xFFFFFEF7, lr;
	s5 =	simm.s32 $0xFFFFFFFF;
	p2 =	slt.u32 s8, $0xFFFFF086  }
0x1c: {  	p1 =	slt.u32 s9, $0xF7A;
	s5 =	simm.s32 @!p2 $0x0  }
0x1d: {  	s5 =	simm.s32 @p1 $0x1;
	p0 =	seq.s32 s7, s2  }
0x1e: {  	s7 =	smul.u32 @!p0 $0xF7A, s2;
	p2 =	seq.s32 @!p0 s5, $0x0  }
0x1f: {  	s9 =	smul.u32 $0xF7A, s1;
	s8 =	simm.s32 @!p0 $0x1BF5;
	p2 =	por !p2, p0  }
0x20: {  	[sflag:s8] =	ssyncset.s32 @!p0 $0xFFFFF086;
	s6 =	sadd.s32 @!p0 s3, s7;
	s7 =	simm.s32 @!p0 $0x108  }
0x21: {  	s3 =	sadd.s32 s3, s9;
	s6 =	sadd.s32 @!p0 $0x88, s6;
	s7 =	simm.s32 @p2 $0x1082  }
0x22: {  	[simem:s7], [sflag:s8] =	dma.local @!p0 [hbm:s6], $0xF7A  }
0x23: {  	s9 =	sor.u32 $0xD0000000, s2;
	s6 =	simm.s32 $0x108;
	_ =	swait.ge @!p0 [sflag:s8], $0x0  }
0x24: {  	s3 =	sadd.s32 $0x88, s3;
	s6 =	simm.s32 @!p1 $0x1082;
	[sflag:s4] =	ssyncset.s32 $0xFFFFF086  }
0x25: {  	[simem:s6], [sflag:s4] =	dma.local [hbm:s3], $0xF7A  }
0x26: {  	[smem:$0x3F99] =	sst s1;
	(tag) =	ssettag s2;
	_ =	strace s9  }
0x27: {  	s1 =	sld [smem:$0x3FA9]  }
0x28: {  	s2 =	sld [smem:$0x3FAA]  }
0x29: {  	s4 =	sld [smem:$0x3FAC]  }
0x2a: {  	p0 =	seq.s32 s5, $0x0;
	s5 =	sld [smem:$0x3FAD]  }
0x2b: {  	s6 =	sld [smem:$0x3FAE]  }
0x2c: {  	s7 =	sld [smem:$0x3FAF]  }
0x2d: {  	s3 =	simm.s32 $0x108;
	s8 =	sld [smem:$0x3FB0]  }
0x2e: {  	s3 =	simm.s32 @!p0 $0x1082;
	s9 =	sld [smem:$0x3FB1]  }
0x2f: {  	lr =	sadd.s32 s0, s3;
	s0 =	sld [smem:$0x3FA8]  }
0x30: {  	s3 =	sld [smem:$0x3FAB]  }
0x31: {  	[smem:$0x3FB4] =	sst s10  }
0x32: {  	s10 =	sld [smem:$0x3FB2];
	_ =	sdelay $0x3  }
0x33: {  	p0 =	seq.s32 s10, $0x1;
	s10 =	sld [smem:$0x3FB4];
	_ =	sdelay $0x3  }
0x34: {  	[smem:$0x3FB4] =	sst s10  }
0x35: {  	s10 =	sld [smem:$0x3FB3];
	_ =	sdelay $0x3  }
0x36: {  	p1 =	seq.s32 s10, $0x1;
	s10 =	sld [smem:$0x3FB4];
	_ =	sdelay $0x3  }
0x37: {  	[smem:$0x3FB4] =	sst s10  }
0x38: {  	s10 =	sld [smem:$0x3FB5]  }
0x39: {  	_ = 	snop;
	(pc) =	sbr.ind lr, $3  }
0x3a: {  	_ = 	snop  }
0x3b: {  	_ = 	snop  }
0x3c: {  	p2 =	seq.s32 s10, $0x1;
	s10 =	sld [smem:$0x3FB4]  }
0x3d: {  	_ =	shalt  }
0x3e: {  	_ =	shalt  }
0x3f: {  	_ =	shalt  }
0x40: {  	_ =	shalt  }
0x41: {  	_ =	shalt  }
0x42: {  	_ =	shalt  }
0x43: {  	_ =	shalt  }
0x44: {  	_ =	shalt  }
0x45: {  	_ =	shalt  }
0x46: {  	_ =	shalt  }
0x47: {  	_ =	shalt  }
0x48: {  	_ =	shalt  }
0x49: {  	_ =	shalt  }
0x4a: {  	_ =	shalt  }
0x4b: {  	_ =	shalt  }
0x4c: {  	_ =	shalt  }
0x4d: {  	_ =	shalt  }
0x4e: {  	_ =	shalt  }
0x4f: {  	_ =	shalt  }
0x50: {  	_ =	shalt  }
0x51: {  	_ =	shalt  }
0x52: {  	_ =	shalt  }
0x53: {  	_ =	shalt  }
0x54: {  	_ =	shalt  }
0x55: {  	_ =	shalt  }
0x56: {  	_ =	shalt  }
0x57: {  	_ =	shalt  }
0x58: {  	_ =	shalt  }
0x59: {  	_ =	shalt  }
0x5a: {  	_ =	shalt  }
0x5b: {  	_ =	shalt  }
0x5c: {  	_ =	shalt  }
0x5d: {  	_ =	shalt  }
0x5e: {  	_ =	shalt  }
0x5f: {  	_ =	shalt  }
0x60: {  	_ =	shalt  }
0x61: {  	_ =	shalt  }
0x62: {  	_ =	shalt  }
0x63: {  	_ =	shalt  }
0x64: {  	_ =	shalt  }
0x65: {  	_ =	shalt  }
0x66: {  	_ =	shalt  }
0x67: {  	_ =	shalt  }
0x68: {  	_ =	shalt  }
0x69: {  	_ =	shalt  }
0x6a: {  	_ =	shalt  }
0x6b: {  	_ =	shalt  }
0x6c: {  	_ =	shalt  }
0x6d: {  	_ =	shalt  }
0x6e: {  	_ =	shalt  }
0x6f: {  	_ =	shalt  }
0x70: {  	_ =	shalt  }
0x71: {  	_ =	shalt  }
0x72: {  	_ =	shalt  }
0x73: {  	_ =	shalt  }
0x74: {  	_ =	shalt  }
0x75: {  	_ =	shalt  }
0x76: {  	_ =	shalt  }
0x77: {  	_ =	shalt  }
0x78: {  	_ =	shalt  }
0x79: {  	_ =	shalt  }
0x7a: {  	_ =	shalt  }
0x7b: {  	_ =	shalt  }
0x7c: {  	_ =	shalt  }
0x7d: {  	_ =	shalt  }
0x7e: {  	_ =	shalt  }
0x7f: {  	_ =	shalt  }
0x80: {  	_ =	shalt  }
0x81: {  	_ =	shalt  }
0x82: {  	_ =	shalt  }
0x83: {  	_ =	shalt  }
0x84: {  	_ =	shalt  }
0x85: {  	_ =	shalt  }
0x86: {  	_ =	shalt  }
0x87: {  	_ =	shalt  }
.Lfunc_end0:
.L_simem_size_0:
called_computation_lowered:
.L_overlay_start_0:
0x88: {  	s2 =	sld [smem:$0x3FD9]  }
0x89: {  	s3 =	sld [smem:$0x3FFE];
	_ =	sdelay $0x1  }
0x8a: {  	s1 =	srdreg.scid  }
0x8b: {  	s0 =	sand.u32 $0x1, s1  }
0x8c: {  	s17 =	sshll.u32 s0, $0xA;
	s2 =	sadd.s32 s3, s2  }
0x8d: {  	s2 =	sadd.s32 s2, s17  }
0x8e: {  	[smem:$0x3FC0] =	sst s2  }
0x8f: {  	_ = 	snop  }
0x90: {  	s2 =	sld [smem:$0x3FC7]  }
0x91: {  	s18 =	sld [smem:$0x3FC6];
	(tm) =	ssettm $0x1  }
0x92: {  	s4 =	sld [smem:$0x3FFB];
	_ =	sdelay $0x3  }
0x93: {  	_ =	strace s4  }
0x94: {  	s4 =	sld [smem:$0x3FFC];
	_ =	sdelay $0x3  }
0x95: {  	_ =	strace s4  }
0x96: {  	s4 =	sld [smem:$0x3FFD];
	_ =	sdelay $0x3  }
0x97: {  	_ =	strace s4  }
0x98: {  	_ =	strace $0x8FFFFFFF  }
0x99: {  	s19 =	sld [smem:$0x3FDB];
	_ =	sdelay $0x1  }
0x9a: {  	s5 =	simm.s32 $_scs_section_size  }
0x9b: {  	s6 =	simm.s32 $_size__tile_overlayer_lowered;
	s7 =	simm.s32 $_tile_overlayer_lowered  }
0x9c: {  	s22 =	simm.s32 $0x1BFF;
	s21 =	sshll.u32 s7, $0x1;
	s4 =	sadd.s32 s5, s19  }
0x9d: {  	s8 =	simm.s32 $0x0;
	s20 =	sshll.u32 s6, $0x1;
	s6 =	sadd.s32 s21, s4  }
0x9e: {  	[timem:s8], [sflag:s22] =	dma.local [hbm:s6], s20  }
0x9f: {  	_ =	swait.ge [sflag:s22], s20  }
0xa0: {  	s5 =	ssub.s32 $0x0, s20;
	[sflag:s22] =	ssyncset.done $0x0  }
0xa1: {  	[sflag:s22] =	ssyncadd.s32 s5;
	_ =	sdelay $0x1  }
0xa2: {  	s23 =	simm.s32 $0x1B8B  }
0xa3: {  	_ =	swait.ge [sflag:s23], $0x1  }
0xa4: {  	[sflag:s23] =	ssyncset.done $0x0  }
0xa5: {  	s25 =	simm.s32 $0x1B8E;
	s24 =	sld [smem:$0x3FFE];
	[sflag:s23] =	ssyncadd.s32 $0xFFFFFFFF  }
0xa6: {  	s26 =	simm.s32 $execute0_lowered;
	[smem:$0x3FD2] =	sst s25  }
0xa7: {  	s6 =	sshll.u32 s26, $0x1;
	_ =	strace $0x80000046;
	[dreg:$0x1] =	wrdreg $0xFFFFFFFF  }
0xa8: {  	s28 =	simm.s32 $_size_execute0_lowered;
	s4 =	sadd.s32 s4, s6;
	[dreg:$0x0] =	wrdreg $0x0  }
0xa9: {  	s6 =	sshll.u32 s28, $0x1;
	[dreg:$0x2] =	wrdreg s4  }
0xaa: {  	[dreg:$0x3] =	wrdreg s6  }
0xab: {  	[dreg:$0x4] =	wrdreg $0xC0  }
0xac: {  	_ =	task [dreg:s8], $0x5FFFF  }
0xad: {  	[dreg:$0x1] =	wrdreg $0xFFFFFFFF  }
0xae: {  	[dreg:$0x0] =	wrdreg $0x60  }
0xaf: {  	[dreg:$0x2] =	wrdreg s24  }
0xb0: {  	[dreg:$0x3] =	wrdreg s2  }
0xb1: {  	[dreg:$0x4] =	wrdreg s18  }
0xb2: {  	[dreg:$0x5] =	wrdreg $0x9  }
0xb3: {  	_ =	task.clear_ibuf [dreg:s8], $0x6FFFF;
	_ =	strace $0x90000046  }
0xb4: {  	s29 =	simm.s32 $0x9;
	_ =	strace $0x80000048  }
0xb5: {  	_ =	swait.ge [sflag:s29], $0x1  }
0xb6: {  	[sflag:s29] =	ssyncadd.s32 $0xFFFFFFFF  }
0xb7: {  	_ =	strace $0x90000048  }
0xb8: {  	_ =	sfence  }
0xb9: {  	s30 =	sld [smem:$0x0];
	_ =	sdelay $0x2  }
0xba: {  	s31 =	sshll.u32 s1, $0xD;
	s1 =	sshrl.u32 s1, $0x2  }
0xbb: {  	s3 =	sand.u32 $0x4000, s31;
	s1 =	sadd.s32 s1, s30  }
0xbc: {  	s0 =	sor.u32 s3, s0;
	s1 =	sshll.u32 s1, $0x11  }
0xbd: {  	s0 =	sor.u32 s1, s0  }
0xbe: {  	s0 =	sadd.s32 $0x8F2B, s0  }
0xbf: {  	[sflag:s0] =	ssyncadd.remote.s32 $0x1  }
0xc0: {  	_ =	sfence.sel $0xFFFF  }
0xc1: {  	[dreg:$0x0] =	wrdreg $0xFFFFFFFF;
	(pc) =	sbr.abs _section_cstart, $3  }
0xc2: {  	[dreg:$0x1] =	wrdreg $0xFFFFFFFF  }
0xc3: {  	_ =	task.clear_ibuf [dreg:s8], $0x2FFFF;
	_ =	strace $0x9FFFFFFF  }
0xc4: {  	(tm) =	ssettm $0x7FFFFFFF  }
0xc5: {  	_ =	shalt  }
tec
execute0_lowered:
.L_overlay_start_1:
0x0: {  	(tag) =	ssettag $0x1  }
0x1: {  	s1 =	rddreg [dreg:$0x0];
	s0 =	srdreg.scid  }
0x2: {  	s3 =	stileid.u32;
	s11 =	rddreg [dreg:$0x1]  }
0x3: {  	s12 =	simm.s32 $0x0;
	s2 =	sand.u32 $0x1, s0;
	s22 =	sshll.u32 s3, $0x1  }
0x4: {  	[smem:$0x7FF] =	sst s12;
	s13 =	sadd.s32 $0x1A00, s1;
	s0 =	sor.u32 s2, s22  }
0x5: {  	s23 =	ssub.s32 $0x2, s2;
	s2 =	sadd.s32 $0x15400, s1;
	s5 =	smul.u32 $0x11, s0  }
0x6: {  	s4 =	sshrl.u32 s23, $0x1;
	s6 =	smul.u32 $0x2200, s0;
	s24 =	sshll.u32 s0, $0x7  }
0x7: {  	s3 =	smul.u32 $0xA0, s0;
	s1 =	ssub.s32 s23, s4;
	s26 =	sand.u32 $0x380, s24  }
0x8: {  	s25 =	sand.u32 $0x7F000, s6;
	s7 =	sadd.s32 $0x1, s5;
	s8 =	sadd.s32 $0x2, s5  }
0x9: {  	s31 =	sadd.s32 $0x3, s5;
	s10 =	sadd.s32 $0x4, s5;
	s16 =	sadd.s32 $0x5, s5  }
0xa: {  	s18 =	sadd.s32 $0x6, s5;
	s23 =	sadd.s32 $0x9, s5;
	s1 =	smax.u32 s1, $0x1  }
0xb: {  	s4 =	sor.u32 s26, s25;
	s28 =	sshll.u32 s7, $0x4;
	s7 =	sshll.u32 s7, $0x6  }
0xc: {  	s9 =	sshll.u32 s8, $0x4;
	s29 =	sshll.u32 s8, $0x6;
	s8 =	sshll.u32 s31, $0x4  }
0xd: {  	s14 =	sshll.u32 s10, $0x4;
	s17 =	sshll.u32 s16, $0x6;
	s19 =	sshll.u32 s18, $0x4  }
0xe: {  	s24 =	sshll.u32 s23, $0x4;
	s25 =	sshll.u32 s23, $0x6;
	s6 =	sand.u32 $0x70, s28  }
0xf: {  	s7 =	sand.u32 $0x1FE00, s7;
	s30 =	sand.u32 $0x70, s9;
	s9 =	sshll.u32 s31, $0x6  }
0x10: {  	s8 =	sand.u32 $0x70, s8;
	s26 =	sand.u32 $0x70, s24;
	s28 =	sadd.s32 $0xA, s5  }
0x11: {  	s23 =	sadd.s32 $0x1000, s4;
	s24 =	sshrl.u32 s4, $0x3;
	s4 =	sadd.s32 $0x2000, s4  }
0x12: {  	s6 =	sadd.s32 s2, s6;
	s8 =	sadd.s32 s2, s8;
	s4 =	sshrl.u32 s4, $0x3  }
0x13: {  	s6 =	sadd.s32 s7, s6;
	s7 =	sadd.s32 s2, s30;
	s30 =	sadd.s32 $0xB, s5  }
0x14: {  	[dreg:$0x5] =	wrdreg s6;
	s6 =	sand.u32 $0x1FE00, s29;
	s29 =	sshll.u32 s28, $0x6  }
0x15: {  	s31 =	sshll.u32 s30, $0x4;
	s6 =	sadd.s32 s6, s7;
	s7 =	sshll.u32 s10, $0x6  }
0x16: {  	s10 =	sadd.s32 $0x7, s5;
	[dreg:$0x6] =	wrdreg s6;
	s6 =	sand.u32 $0x1FE00, s9  }
0x17: {  	s9 =	sand.u32 $0x70, s14;
	s7 =	sand.u32 $0x1FE00, s7;
	s21 =	sshll.u32 s10, $0x4  }
0x18: {  	s22 =	sshll.u32 s10, $0x6;
	s10 =	sadd.s32 $0xC, s5;
	s9 =	sadd.s32 s2, s9  }
0x19: {  	s6 =	sadd.s32 s6, s8;
	s8 =	sshll.u32 s18, $0x6;
	s14 =	sshll.u32 s10, $0x6  }
0x1a: {  	[dreg:$0x7] =	wrdreg s6;
	s15 =	sadd.s32 s7, s9;
	s6 =	sshll.u32 s16, $0x4  }
0x1b: {  	s7 =	sand.u32 $0x1FE00, s17;
	s9 =	sand.u32 $0x70, s19;
	s8 =	sand.u32 $0x1FE00, s8  }
0x1c: {  	s17 =	sadd.s32 $0xE, s5;
	[dreg:$0x8] =	wrdreg s15;
	s6 =	sand.u32 $0x70, s6  }
0x1d: {  	s9 =	sadd.s32 s2, s9;
	s15 =	sadd.s32 $0xD, s5;
	s19 =	sshll.u32 s17, $0x4  }
0x1e: {  	s5 =	sadd.s32 $0xF, s5;
	s6 =	sadd.s32 s2, s6;
	s20 =	sadd.s32 s8, s9  }
0x1f: {  	s8 =	sshll.u32 s28, $0x4;
	s9 =	sand.u32 $0x70, s31;
	s16 =	sshll.u32 s15, $0x4  }
0x20: {  	s28 =	smul.u32 $0x500, s0;
	s6 =	sadd.s32 s7, s6;
	[dreg:$0xa] =	wrdreg s20  }
0x21: {  	s7 =	sand.u32 $0x1FE00, s22;
	[dreg:$0x9] =	wrdreg s6;
	s6 =	sand.u32 $0x70, s21  }
0x22: {  	s8 =	sand.u32 $0x70, s8;
	s9 =	sadd.s32 s2, s9;
	s6 =	sadd.s32 s2, s6  }
0x23: {  	s20 =	sshll.u32 s17, $0x6;
	s8 =	sadd.s32 s2, s8;
	s6 =	sadd.s32 s7, s6  }
0x24: {  	s7 =	sadd.s32 s2, s26;
	[dreg:$0xb] =	wrdreg s6;
	s6 =	sand.u32 $0x1FE00, s25  }
0x25: {  	s21 =	sshll.u32 s5, $0x4;
	s5 =	sshll.u32 s5, $0x6;
	s6 =	sadd.s32 s6, s7  }
0x26: {  	s22 =	sand.u32 $0x70, s21;
	[dreg:$0xc] =	wrdreg s6;
	s6 =	sand.u32 $0x1FE00, s29  }
0x27: {  	s25 =	sshrl.u32 s23, $0x3;
	s7 =	sshll.u32 s30, $0x6;
	s6 =	sadd.s32 s6, s8  }
0x28: {  	s26 =	sadd.s32 s2, s25;
	[dreg:$0xd] =	wrdreg s6;
	s6 =	sshll.u32 s10, $0x4  }
0x29: {  	s7 =	sand.u32 $0x1FE00, s7;
	[dreg:$0x14] =	wrdreg s26;
	s6 =	sand.u32 $0x70, s6  }
0x2a: {  	s9 =	sadd.s32 s7, s9;
	s7 =	sand.u32 $0x1FE00, s14;
	s6 =	sadd.s32 s2, s6  }
0x2b: {  	s5 =	sand.u32 $0x1FE00, s5;
	[dreg:$0xe] =	wrdreg s9;
	s6 =	sadd.s32 s7, s6  }
0x2c: {  	s8 =	sshll.u32 s15, $0x6;
	[dreg:$0xf] =	wrdreg s6;
	s6 =	sand.u32 $0x70, s19  }
0x2d: {  	s9 =	sand.u32 $0x70, s16;
	s7 =	sand.u32 $0x1FE00, s20;
	s6 =	sadd.s32 s2, s6  }
0x2e: {  	s8 =	sand.u32 $0x1FE00, s8;
	s9 =	sadd.s32 s2, s9;
	s6 =	sadd.s32 s7, s6  }
0x2f: {  	s18 =	sadd.s32 s8, s9;
	[dreg:$0x11] =	wrdreg s6;
	s6 =	sadd.s32 s2, s22  }
0x30: {  	s31 =	sor.u32 $0x40, s0;
	[dreg:$0x10] =	wrdreg s18;
	s5 =	sadd.s32 s5, s6  }
0x31: {  	s0 =	sor.u32 $0x20, s0;
	[dreg:$0x12] =	wrdreg s5;
	s5 =	sadd.s32 s2, s24  }
0x32: {  	s17 =	simm.s32 $0xDB80;
	s2 =	sadd.s32 s2, s4;
	[dreg:$0x13] =	wrdreg s5  }
0x33: {  	s30 =	sadd.s32 s11, s28;
	s11 =	simm.s32 $0xD180;
	[dreg:$0x15] =	wrdreg s2  }
0x34: {  	s29 =	sadd.s32 s13, s3;
	_ =	strace $0x80000047;
	[dreg:$0x4] =	wrdreg s13  }
.Ltmp0:
0x35: {  	s14 =	simm.s32 $0xD580;
	[dreg:$0x16] =	wrdreg s29;
	(pc) =	sbr.rel .LBB2_1-.Ltmp0, $4  }
0x36: {  	s15 =	simm.s32 $0xD780;
	s10 =	simm.s32 $0xF180;
	[dreg:$0x17] =	wrdreg s30  }
0x37: {  	s16 =	simm.s32 $0xD980;
	s9 =	simm.s32 $0xDD80;
	[dreg:$0x18] =	wrdreg s1  }
0x38: {  	v1 =	vlaneseq.u32;
	s18 =	simm.s32 $0xDF80;
	s20 =	simm.s32 $0xE180;
	[dreg:$0x19] =	wrdreg s31  }
0x39: {  	v0 =	vimm.f32 $0.0e+00;
	v2 =	vimm.f32 $1.000000000e+00;
	v1 =	vand.u32 $0x7, v1;
	s2 =	simm.s32 $0x0;
	[dreg:$0x1a] =	wrdreg s0;
	s13 =	simm.s32 $0xD380  }
.LBB2_8:
0x3a: {  	s0 =	simm.s32 $0x2  }
0x3b: {  	_ =	swait.ge [sflag:s0], $0x500  }
0x3c: {  	[sflag:s0] =	ssyncset.done $0x0  }
0x3d: {  	s19 =	simm.s32 $0x4;
	[sflag:s0] =	ssyncadd.s32 $0xFFFFFB00  }
0x3e: {  	_ =	swait.ge [sflag:s19], $0x5000  }
0x3f: {  	s2 =	simm.s32 $0x80;
	[sflag:s19] =	ssyncset.done $0x0  }
0x40: {  	s3 =	simm.s32 $0x400;
	s21 =	rddreg [dreg:$0x13];
	[sflag:s19] =	ssyncadd.s32 $0xFFFFB000  }
0x41: {  	[hbm4b:s21+s2] =	stream.strided.scatter [tilespmem:s11], [sflag:$0x6], $0x200, s3, s2, $0x38;
	[tilespmem:$0xF380] =	vst v63  }
0x42: {  	s22 =	rddreg [dreg:$0x5]  }
0x43: {  	[hbm4b:s22+s2] =	stream.strided.scatter [tilespmem:s13], [sflag:$0x6], $0x200, s3, s2, $0x38;
	[tilespmem:$0xF380] =	vst v63  }
0x44: {  	s23 =	rddreg [dreg:$0x6]  }
0x45: {  	[hbm4b:s23+s2] =	stream.strided.scatter [tilespmem:s14], [sflag:$0x6], $0x200, s3, s2, $0x38;
	[tilespmem:$0xF380] =	vst v63  }
0x46: {  	s24 =	rddreg [dreg:$0x7]  }
0x47: {  	[hbm4b:s24+s2] =	stream.strided.scatter [tilespmem:s15], [sflag:$0x6], $0x200, s3, s2, $0x38;
	[tilespmem:$0xF380] =	vst v63  }
0x48: {  	s25 =	rddreg [dreg:$0x8]  }
0x49: {  	[hbm4b:s25+s2] =	stream.strided.scatter [tilespmem:s16], [sflag:$0x6], $0x200, s3, s2, $0x38;
	[tilespmem:$0xF380] =	vst v63  }
0x4a: {  	s26 =	rddreg [dreg:$0x9]  }
0x4b: {  	[hbm4b:s26+s2] =	stream.strided.scatter [tilespmem:s17], [sflag:$0x6], $0x200, s3, s2, $0x38;
	[tilespmem:$0xF380] =	vst v63  }
0x4c: {  	s28 =	rddreg [dreg:$0xa]  }
0x4d: {  	[hbm4b:s28+s2] =	stream.strided.scatter [tilespmem:s9], [sflag:$0x6], $0x200, s3, s2, $0x38;
	[tilespmem:$0xF380] =	vst v63  }
0x4e: {  	s29 =	rddreg [dreg:$0xb]  }
0x4f: {  	[hbm4b:s29+s2] =	stream.strided.scatter [tilespmem:s18], [sflag:$0x6], $0x200, s3, s2, $0x38;
	[tilespmem:$0xF380] =	vst v63  }
0x50: {  	s30 =	rddreg [dreg:$0x14]  }
0x51: {  	[hbm4b:s30+s2] =	stream.strided.scatter [tilespmem:s20], [sflag:$0x6], $0x200, s3, s2, $0x38;
	[tilespmem:$0xF380] =	vst v63  }
0x52: {  	s1 =	simm.s32 $0xE380;
	s31 =	rddreg [dreg:$0xc]  }
0x53: {  	[hbm4b:s31+s2] =	stream.strided.scatter [tilespmem:s1], [sflag:$0x6], $0x200, s3, s2, $0x38;
	[tilespmem:$0xF380] =	vst v63  }
0x54: {  	s5 =	simm.s32 $0xE580;
	s4 =	rddreg [dreg:$0xd]  }
0x55: {  	[hbm4b:s4+s2] =	stream.strided.scatter [tilespmem:s5], [sflag:$0x6], $0x200, s3, s2, $0x38;
	[tilespmem:$0xF380] =	vst v63  }
0x56: {  	s7 =	simm.s32 $0xE780;
	s6 =	rddreg [dreg:$0xe]  }
0x57: {  	[hbm4b:s6+s2] =	stream.strided.scatter [tilespmem:s7], [sflag:$0x6], $0x200, s3, s2, $0x38;
	[tilespmem:$0xF380] =	vst v63  }
0x58: {  	s8 =	rddreg [dreg:$0xf];
	s19 =	simm.s32 $0xE980  }
0x59: {  	[hbm4b:s8+s2] =	stream.strided.scatter [tilespmem:s19], [sflag:$0x6], $0x200, s3, s2, $0x38;
	[tilespmem:$0xF380] =	vst v63  }
0x5a: {  	s21 =	rddreg [dreg:$0x10];
	s22 =	simm.s32 $0xEB80  }
0x5b: {  	[hbm4b:s21+s2] =	stream.strided.scatter [tilespmem:s22], [sflag:$0x6], $0x200, s3, s2, $0x38;
	[tilespmem:$0xF380] =	vst v63  }
0x5c: {  	s23 =	rddreg [dreg:$0x11];
	s24 =	simm.s32 $0xED80  }
0x5d: {  	[hbm4b:s23+s2] =	stream.strided.scatter [tilespmem:s24], [sflag:$0x6], $0x200, s3, s2, $0x38;
	[tilespmem:$0xF380] =	vst v63  }
0x5e: {  	s25 =	rddreg [dreg:$0x12];
	s26 =	simm.s32 $0xEF80  }
0x5f: {  	[hbm4b:s25+s2] =	stream.strided.scatter [tilespmem:s26], [sflag:$0x6], $0x200, s3, s2, $0x38;
	[tilespmem:$0xF380] =	vst v63  }
0x60: {  	s28 =	rddreg [dreg:$0x15];
	s29 =	simm.s32 $0x6  }
0x61: {  	[hbm4b:s28+s2] =	stream.strided.scatter [tilespmem:s10], [sflag:$0x6], $0x200, s3, s2, $0x38;
	[tilespmem:$0xF380] =	vst v63  }
0x62: {  	_ =	swait.ge [sflag:s29], $0x200  }
0x63: {  	[sflag:s29] =	ssyncset.done $0x0  }
0x64: {  	[sflag:s29] =	ssyncadd.s32 $0xFFFFFE00  }
0x65: {  	_ =	swait.ge [sflag:s29], $0x200  }
0x66: {  	[sflag:s29] =	ssyncset.done $0x0  }
0x67: {  	[sflag:s29] =	ssyncadd.s32 $0xFFFFFE00  }
0x68: {  	_ =	swait.ge [sflag:s29], $0x200  }
0x69: {  	[sflag:s29] =	ssyncset.done $0x0  }
0x6a: {  	[sflag:s29] =	ssyncadd.s32 $0xFFFFFE00  }
0x6b: {  	_ =	swait.ge [sflag:s29], $0x200  }
0x6c: {  	[sflag:s29] =	ssyncset.done $0x0  }
0x6d: {  	[sflag:s29] =	ssyncadd.s32 $0xFFFFFE00  }
0x6e: {  	_ =	swait.ge [sflag:s29], $0x200  }
0x6f: {  	[sflag:s29] =	ssyncset.done $0x0  }
0x70: {  	[sflag:s29] =	ssyncadd.s32 $0xFFFFFE00  }
0x71: {  	_ =	swait.ge [sflag:s29], $0x200  }
0x72: {  	[sflag:s29] =	ssyncset.done $0x0  }
0x73: {  	[sflag:s29] =	ssyncadd.s32 $0xFFFFFE00  }
0x74: {  	_ =	swait.ge [sflag:s29], $0x200  }
0x75: {  	[sflag:s29] =	ssyncset.done $0x0  }
0x76: {  	[sflag:s29] =	ssyncadd.s32 $0xFFFFFE00  }
0x77: {  	_ =	swait.ge [sflag:s29], $0x200  }
0x78: {  	[sflag:s29] =	ssyncset.done $0x0  }
0x79: {  	[sflag:s29] =	ssyncadd.s32 $0xFFFFFE00  }
0x7a: {  	_ =	swait.ge [sflag:s29], $0x200  }
0x7b: {  	[sflag:s29] =	ssyncset.done $0x0  }
0x7c: {  	[sflag:s29] =	ssyncadd.s32 $0xFFFFFE00  }
0x7d: {  	_ =	swait.ge [sflag:s29], $0x200  }
0x7e: {  	[sflag:s29] =	ssyncset.done $0x0  }
0x7f: {  	[sflag:s29] =	ssyncadd.s32 $0xFFFFFE00  }
0x80: {  	_ =	swait.ge [sflag:s29], $0x200  }
0x81: {  	[sflag:s29] =	ssyncset.done $0x0  }
0x82: {  	[sflag:s29] =	ssyncadd.s32 $0xFFFFFE00  }
0x83: {  	_ =	swait.ge [sflag:s29], $0x200  }
0x84: {  	[sflag:s29] =	ssyncset.done $0x0  }
0x85: {  	[sflag:s29] =	ssyncadd.s32 $0xFFFFFE00  }
0x86: {  	_ =	swait.ge [sflag:s29], $0x200  }
0x87: {  	[sflag:s29] =	ssyncset.done $0x0  }
0x88: {  	[sflag:s29] =	ssyncadd.s32 $0xFFFFFE00  }
0x89: {  	_ =	swait.ge [sflag:s29], $0x200  }
0x8a: {  	[sflag:s29] =	ssyncset.done $0x0  }
0x8b: {  	[sflag:s29] =	ssyncadd.s32 $0xFFFFFE00  }
0x8c: {  	_ =	swait.ge [sflag:s29], $0x200  }
0x8d: {  	[sflag:s29] =	ssyncset.done $0x0  }
0x8e: {  	[sflag:s29] =	ssyncadd.s32 $0xFFFFFE00  }
0x8f: {  	_ =	swait.ge [sflag:s29], $0x200  }
0x90: {  	[sflag:s29] =	ssyncset.done $0x0  }
0x91: {  	[sflag:s29] =	ssyncadd.s32 $0xFFFFFE00  }
0x92: {  	_ =	swait.ge [sflag:s29], $0x200  }
0x93: {  	s30 =	rddreg [dreg:$0x1b]  }
0x94: {  	s31 =	rddreg [dreg:$0x18];
	s2 =	sadd.s32 $0x1, s30  }
0x95: {  	p0 =	sne.s32 s2, s31  }
.Ltmp1:
0x96: {  	_ = 	snop;
	(pc) =	sbr.rel @!p0 .LBB2_9-.Ltmp1, $3  }
0x97: {  	_ =	sdelay $0x1  }
0x98: {  	[sflag:s29] =	ssyncset.done $0x0  }
0x99: {  	[sflag:s29] =	ssyncadd.s32 $0xFFFFFE00  }
.LBB2_1:
0x9a: {  	s0 =	rddreg [dreg:$0x2]  }
0x9b: {  	[tilespmem:s12], [sflag:$0x1] =	stream.linear.gather [hbm4b:s0+s12], $0x2780, $0x38;
	[tilespmem:$0xF380] =	vst v63  }
0x9c: {  	[tilespmem:$0xD180] =	vst v0  }
0x9d: {  	[tilespmem:$0xD190] =	vst v0  }
0x9e: {  	[tilespmem:$0xD1A0] =	vst v0  }
0x9f: {  	[tilespmem:$0xD1B0] =	vst v0  }
0xa0: {  	[tilespmem:$0xD1C0] =	vst v0  }
0xa1: {  	[tilespmem:$0xD1D0] =	vst v0  }
0xa2: {  	[tilespmem:$0xD1E0] =	vst v0  }
0xa3: {  	[tilespmem:$0xD1F0] =	vst v0  }
0xa4: {  	[tilespmem:$0xD200] =	vst v0  }
0xa5: {  	[tilespmem:$0xD210] =	vst v0  }
0xa6: {  	[tilespmem:$0xD220] =	vst v0  }
0xa7: {  	[tilespmem:$0xD230] =	vst v0  }
0xa8: {  	[tilespmem:$0xD240] =	vst v0  }
0xa9: {  	[tilespmem:$0xD250] =	vst v0  }
0xaa: {  	[tilespmem:$0xD260] =	vst v0  }
0xab: {  	[tilespmem:$0xD270] =	vst v0  }
0xac: {  	[tilespmem:$0xD280] =	vst v0  }
0xad: {  	[tilespmem:$0xD290] =	vst v0  }
0xae: {  	[tilespmem:$0xD2A0] =	vst v0  }
0xaf: {  	[tilespmem:$0xD2B0] =	vst v0  }
0xb0: {  	[tilespmem:$0xD2C0] =	vst v0  }
0xb1: {  	[tilespmem:$0xD2D0] =	vst v0  }
0xb2: {  	[tilespmem:$0xD2E0] =	vst v0  }
0xb3: {  	[tilespmem:$0xD2F0] =	vst v0  }
0xb4: {  	[tilespmem:$0xD300] =	vst v0  }
0xb5: {  	[tilespmem:$0xD310] =	vst v0  }
0xb6: {  	[tilespmem:$0xD320] =	vst v0  }
0xb7: {  	[tilespmem:$0xD330] =	vst v0  }
0xb8: {  	[tilespmem:$0xD340] =	vst v0  }
0xb9: {  	[tilespmem:$0xD350] =	vst v0  }
0xba: {  	[tilespmem:$0xD360] =	vst v0  }
0xbb: {  	[tilespmem:$0xD370] =	vst v0  }
0xbc: {  	[tilespmem:$0xD380] =	vst v0  }
0xbd: {  	[tilespmem:$0xD390] =	vst v0  }
0xbe: {  	[tilespmem:$0xD3A0] =	vst v0  }
0xbf: {  	[tilespmem:$0xD3B0] =	vst v0  }
0xc0: {  	[tilespmem:$0xD3C0] =	vst v0  }
0xc1: {  	[tilespmem:$0xD3D0] =	vst v0  }
0xc2: {  	[tilespmem:$0xD3E0] =	vst v0  }
0xc3: {  	[tilespmem:$0xD3F0] =	vst v0  }
0xc4: {  	[tilespmem:$0xD400] =	vst v0  }
0xc5: {  	[tilespmem:$0xD410] =	vst v0  }
0xc6: {  	[tilespmem:$0xD420] =	vst v0  }
0xc7: {  	[tilespmem:$0xD430] =	vst v0  }
0xc8: {  	[tilespmem:$0xD440] =	vst v0  }
0xc9: {  	[tilespmem:$0xD450] =	vst v0  }
0xca: {  	[tilespmem:$0xD460] =	vst v0  }
0xcb: {  	[tilespmem:$0xD470] =	vst v0  }
0xcc: {  	[tilespmem:$0xD480] =	vst v0  }
0xcd: {  	[tilespmem:$0xD490] =	vst v0  }
0xce: {  	[dreg:$0x1b] =	wrdreg s2;
	[tilespmem:$0xD4A0] =	vst v0  }
0xcf: {  	[tilespmem:$0xD4B0] =	vst v0  }
0xd0: {  	[tilespmem:$0xD4C0] =	vst v0  }
0xd1: {  	[tilespmem:$0xD4D0] =	vst v0  }
0xd2: {  	[tilespmem:$0xD4E0] =	vst v0  }
0xd3: {  	[tilespmem:$0xD4F0] =	vst v0  }
0xd4: {  	[tilespmem:$0xD500] =	vst v0  }
0xd5: {  	[tilespmem:$0xD510] =	vst v0  }
0xd6: {  	[tilespmem:$0xD520] =	vst v0  }
0xd7: {  	[tilespmem:$0xD530] =	vst v0  }
0xd8: {  	[tilespmem:$0xD540] =	vst v0  }
0xd9: {  	[tilespmem:$0xD550] =	vst v0  }
0xda: {  	[tilespmem:$0xD560] =	vst v0  }
0xdb: {  	[tilespmem:$0xD570] =	vst v0  }
0xdc: {  	[tilespmem:$0xD580] =	vst v0  }
0xdd: {  	[tilespmem:$0xD590] =	vst v0  }
0xde: {  	[tilespmem:$0xD5A0] =	vst v0  }
0xdf: {  	[tilespmem:$0xD5B0] =	vst v0  }
0xe0: {  	[tilespmem:$0xD5C0] =	vst v0  }
0xe1: {  	[tilespmem:$0xD5D0] =	vst v0  }
0xe2: {  	[tilespmem:$0xD5E0] =	vst v0  }
0xe3: {  	[tilespmem:$0xD5F0] =	vst v0  }
0xe4: {  	[tilespmem:$0xD600] =	vst v0  }
0xe5: {  	[tilespmem:$0xD610] =	vst v0  }
0xe6: {  	[tilespmem:$0xD620] =	vst v0  }
0xe7: {  	[tilespmem:$0xD630] =	vst v0  }
0xe8: {  	[tilespmem:$0xD640] =	vst v0  }
0xe9: {  	[tilespmem:$0xD650] =	vst v0  }
0xea: {  	[tilespmem:$0xD660] =	vst v0  }
0xeb: {  	[tilespmem:$0xD670] =	vst v0  }
0xec: {  	[tilespmem:$0xD680] =	vst v0  }
0xed: {  	[tilespmem:$0xD690] =	vst v0  }
0xee: {  	[tilespmem:$0xD6A0] =	vst v0  }
0xef: {  	[tilespmem:$0xD6B0] =	vst v0  }
0xf0: {  	[tilespmem:$0xD6C0] =	vst v0  }
0xf1: {  	[tilespmem:$0xD6D0] =	vst v0  }
0xf2: {  	[tilespmem:$0xD6E0] =	vst v0  }
0xf3: {  	[tilespmem:$0xD6F0] =	vst v0  }
0xf4: {  	[tilespmem:$0xD700] =	vst v0  }
0xf5: {  	[tilespmem:$0xD710] =	vst v0  }
0xf6: {  	[tilespmem:$0xD720] =	vst v0  }
0xf7: {  	[tilespmem:$0xD730] =	vst v0  }
0xf8: {  	[tilespmem:$0xD740] =	vst v0  }
0xf9: {  	[tilespmem:$0xD750] =	vst v0  }
0xfa: {  	[tilespmem:$0xD760] =	vst v0  }
0xfb: {  	[tilespmem:$0xD770] =	vst v0  }
0xfc: {  	[tilespmem:$0xD780] =	vst v0  }
0xfd: {  	[tilespmem:$0xD790] =	vst v0  }
0xfe: {  	[tilespmem:$0xD7A0] =	vst v0  }
0xff: {  	[tilespmem:$0xD7B0] =	vst v0  }
0x100: {  	[tilespmem:$0xD7C0] =	vst v0  }
0x101: {  	[tilespmem:$0xD7D0] =	vst v0  }
0x102: {  	[tilespmem:$0xD7E0] =	vst v0  }
0x103: {  	[tilespmem:$0xD7F0] =	vst v0  }
0x104: {  	[tilespmem:$0xD800] =	vst v0  }
0x105: {  	[tilespmem:$0xD810] =	vst v0  }
0x106: {  	[tilespmem:$0xD820] =	vst v0  }
0x107: {  	[tilespmem:$0xD830] =	vst v0  }
0x108: {  	[tilespmem:$0xD840] =	vst v0  }
0x109: {  	[tilespmem:$0xD850] =	vst v0  }
0x10a: {  	[tilespmem:$0xD860] =	vst v0  }
0x10b: {  	[tilespmem:$0xD870] =	vst v0  }
0x10c: {  	[tilespmem:$0xD880] =	vst v0  }
0x10d: {  	[tilespmem:$0xD890] =	vst v0  }
0x10e: {  	[tilespmem:$0xD8A0] =	vst v0  }
0x10f: {  	[tilespmem:$0xD8B0] =	vst v0  }
0x110: {  	[tilespmem:$0xD8C0] =	vst v0  }
0x111: {  	[tilespmem:$0xD8D0] =	vst v0  }
0x112: {  	[tilespmem:$0xD8E0] =	vst v0  }
0x113: {  	[tilespmem:$0xD8F0] =	vst v0  }
0x114: {  	[tilespmem:$0xD900] =	vst v0  }
0x115: {  	[tilespmem:$0xD910] =	vst v0  }
0x116: {  	[tilespmem:$0xD920] =	vst v0  }
0x117: {  	[tilespmem:$0xD930] =	vst v0  }
0x118: {  	[tilespmem:$0xD940] =	vst v0  }
0x119: {  	[tilespmem:$0xD950] =	vst v0  }
0x11a: {  	[tilespmem:$0xD960] =	vst v0  }
0x11b: {  	[tilespmem:$0xD970] =	vst v0  }
0x11c: {  	[tilespmem:$0xD980] =	vst v0  }
0x11d: {  	[tilespmem:$0xD990] =	vst v0  }
0x11e: {  	[tilespmem:$0xD9A0] =	vst v0  }
0x11f: {  	[tilespmem:$0xD9B0] =	vst v0  }
0x120: {  	[tilespmem:$0xD9C0] =	vst v0  }
0x121: {  	[tilespmem:$0xD9D0] =	vst v0  }
0x122: {  	[tilespmem:$0xD9E0] =	vst v0  }
0x123: {  	[tilespmem:$0xD9F0] =	vst v0  }
0x124: {  	[tilespmem:$0xDA00] =	vst v0  }
0x125: {  	[tilespmem:$0xDA10] =	vst v0  }
0x126: {  	[tilespmem:$0xDA20] =	vst v0  }
0x127: {  	[tilespmem:$0xDA30] =	vst v0  }
0x128: {  	[tilespmem:$0xDA40] =	vst v0  }
0x129: {  	[tilespmem:$0xDA50] =	vst v0  }
0x12a: {  	[tilespmem:$0xDA60] =	vst v0  }
0x12b: {  	[tilespmem:$0xDA70] =	vst v0  }
0x12c: {  	[tilespmem:$0xDA80] =	vst v0  }
0x12d: {  	[tilespmem:$0xDA90] =	vst v0  }
0x12e: {  	[tilespmem:$0xDAA0] =	vst v0  }
0x12f: {  	[tilespmem:$0xDAB0] =	vst v0  }
0x130: {  	[tilespmem:$0xDAC0] =	vst v0  }
0x131: {  	[tilespmem:$0xDAD0] =	vst v0  }
0x132: {  	[tilespmem:$0xDAE0] =	vst v0  }
0x133: {  	[tilespmem:$0xDAF0] =	vst v0  }
0x134: {  	[tilespmem:$0xDB00] =	vst v0  }
0x135: {  	[tilespmem:$0xDB10] =	vst v0  }
0x136: {  	[tilespmem:$0xDB20] =	vst v0  }
0x137: {  	[tilespmem:$0xDB30] =	vst v0  }
0x138: {  	[tilespmem:$0xDB40] =	vst v0  }
0x139: {  	[tilespmem:$0xDB50] =	vst v0  }
0x13a: {  	[tilespmem:$0xDB60] =	vst v0  }
0x13b: {  	[tilespmem:$0xDB70] =	vst v0  }
0x13c: {  	[tilespmem:$0xDB80] =	vst v0  }
0x13d: {  	[tilespmem:$0xDB90] =	vst v0  }
0x13e: {  	[tilespmem:$0xDBA0] =	vst v0  }
0x13f: {  	[tilespmem:$0xDBB0] =	vst v0  }
0x140: {  	[tilespmem:$0xDBC0] =	vst v0  }
0x141: {  	[tilespmem:$0xDBD0] =	vst v0  }
0x142: {  	[tilespmem:$0xDBE0] =	vst v0  }
0x143: {  	[tilespmem:$0xDBF0] =	vst v0  }
0x144: {  	[tilespmem:$0xDC00] =	vst v0  }
0x145: {  	[tilespmem:$0xDC10] =	vst v0  }
0x146: {  	[tilespmem:$0xDC20] =	vst v0  }
0x147: {  	[tilespmem:$0xDC30] =	vst v0  }
0x148: {  	[tilespmem:$0xDC40] =	vst v0  }
0x149: {  	[tilespmem:$0xDC50] =	vst v0  }
0x14a: {  	[tilespmem:$0xDC60] =	vst v0  }
0x14b: {  	[tilespmem:$0xDC70] =	vst v0  }
0x14c: {  	[tilespmem:$0xDC80] =	vst v0  }
0x14d: {  	[tilespmem:$0xDC90] =	vst v0  }
0x14e: {  	[tilespmem:$0xDCA0] =	vst v0  }
0x14f: {  	[tilespmem:$0xDCB0] =	vst v0  }
0x150: {  	[tilespmem:$0xDCC0] =	vst v0  }
0x151: {  	[tilespmem:$0xDCD0] =	vst v0  }
0x152: {  	[tilespmem:$0xDCE0] =	vst v0  }
0x153: {  	[tilespmem:$0xDCF0] =	vst v0  }
0x154: {  	[tilespmem:$0xDD00] =	vst v0  }
0x155: {  	[tilespmem:$0xDD10] =	vst v0  }
0x156: {  	[tilespmem:$0xDD20] =	vst v0  }
0x157: {  	[tilespmem:$0xDD30] =	vst v0  }
0x158: {  	[tilespmem:$0xDD40] =	vst v0  }
0x159: {  	[tilespmem:$0xDD50] =	vst v0  }
0x15a: {  	[tilespmem:$0xDD60] =	vst v0  }
0x15b: {  	[tilespmem:$0xDD70] =	vst v0  }
0x15c: {  	[tilespmem:$0xDD80] =	vst v0  }
0x15d: {  	[tilespmem:$0xDD90] =	vst v0  }
0x15e: {  	[tilespmem:$0xDDA0] =	vst v0  }
0x15f: {  	[tilespmem:$0xDDB0] =	vst v0  }
0x160: {  	[tilespmem:$0xDDC0] =	vst v0  }
0x161: {  	[tilespmem:$0xDDD0] =	vst v0  }
0x162: {  	[tilespmem:$0xDDE0] =	vst v0  }
0x163: {  	[tilespmem:$0xDDF0] =	vst v0  }
0x164: {  	[tilespmem:$0xDE00] =	vst v0  }
0x165: {  	[tilespmem:$0xDE10] =	vst v0  }
0x166: {  	[tilespmem:$0xDE20] =	vst v0  }
0x167: {  	[tilespmem:$0xDE30] =	vst v0  }
0x168: {  	[tilespmem:$0xDE40] =	vst v0  }
0x169: {  	[tilespmem:$0xDE50] =	vst v0  }
0x16a: {  	[tilespmem:$0xDE60] =	vst v0  }
0x16b: {  	[tilespmem:$0xDE70] =	vst v0  }
0x16c: {  	[tilespmem:$0xDE80] =	vst v0  }
0x16d: {  	[tilespmem:$0xDE90] =	vst v0  }
0x16e: {  	[tilespmem:$0xDEA0] =	vst v0  }
0x16f: {  	[tilespmem:$0xDEB0] =	vst v0  }
0x170: {  	[tilespmem:$0xDEC0] =	vst v0  }
0x171: {  	[tilespmem:$0xDED0] =	vst v0  }
0x172: {  	[tilespmem:$0xDEE0] =	vst v0  }
0x173: {  	[tilespmem:$0xDEF0] =	vst v0  }
0x174: {  	[tilespmem:$0xDF00] =	vst v0  }
0x175: {  	[tilespmem:$0xDF10] =	vst v0  }
0x176: {  	[tilespmem:$0xDF20] =	vst v0  }
0x177: {  	[tilespmem:$0xDF30] =	vst v0  }
0x178: {  	[tilespmem:$0xDF40] =	vst v0  }
0x179: {  	[tilespmem:$0xDF50] =	vst v0  }
0x17a: {  	[tilespmem:$0xDF60] =	vst v0  }
0x17b: {  	[tilespmem:$0xDF70] =	vst v0  }
0x17c: {  	[tilespmem:$0xDF80] =	vst v0  }
0x17d: {  	[tilespmem:$0xDF90] =	vst v0  }
0x17e: {  	[tilespmem:$0xDFA0] =	vst v0  }
0x17f: {  	[tilespmem:$0xDFB0] =	vst v0  }
0x180: {  	[tilespmem:$0xDFC0] =	vst v0  }
0x181: {  	[tilespmem:$0xDFD0] =	vst v0  }
0x182: {  	[tilespmem:$0xDFE0] =	vst v0  }
0x183: {  	[tilespmem:$0xDFF0] =	vst v0  }
0x184: {  	[tilespmem:$0xE000] =	vst v0  }
0x185: {  	[tilespmem:$0xE010] =	vst v0  }
0x186: {  	[tilespmem:$0xE020] =	vst v0  }
0x187: {  	[tilespmem:$0xE030] =	vst v0  }
0x188: {  	[tilespmem:$0xE040] =	vst v0  }
0x189: {  	[tilespmem:$0xE050] =	vst v0  }
0x18a: {  	[tilespmem:$0xE060] =	vst v0  }
0x18b: {  	[tilespmem:$0xE070] =	vst v0  }
0x18c: {  	[tilespmem:$0xE080] =	vst v0  }
0x18d: {  	[tilespmem:$0xE090] =	vst v0  }
0x18e: {  	[tilespmem:$0xE0A0] =	vst v0  }
0x18f: {  	[tilespmem:$0xE0B0] =	vst v0  }
0x190: {  	[tilespmem:$0xE0C0] =	vst v0  }
0x191: {  	[tilespmem:$0xE0D0] =	vst v0  }
0x192: {  	[tilespmem:$0xE0E0] =	vst v0  }
0x193: {  	[tilespmem:$0xE0F0] =	vst v0  }
0x194: {  	[tilespmem:$0xE100] =	vst v0  }
0x195: {  	[tilespmem:$0xE110] =	vst v0  }
0x196: {  	[tilespmem:$0xE120] =	vst v0  }
0x197: {  	[tilespmem:$0xE130] =	vst v0  }
0x198: {  	[tilespmem:$0xE140] =	vst v0  }
0x199: {  	[tilespmem:$0xE150] =	vst v0  }
0x19a: {  	[tilespmem:$0xE160] =	vst v0  }
0x19b: {  	[tilespmem:$0xE170] =	vst v0  }
0x19c: {  	[tilespmem:$0xE180] =	vst v0  }
0x19d: {  	[tilespmem:$0xE190] =	vst v0  }
0x19e: {  	[tilespmem:$0xE1A0] =	vst v0  }
0x19f: {  	[tilespmem:$0xE1B0] =	vst v0  }
0x1a0: {  	[tilespmem:$0xE1C0] =	vst v0  }
0x1a1: {  	[tilespmem:$0xE1D0] =	vst v0  }
0x1a2: {  	[tilespmem:$0xE1E0] =	vst v0  }
0x1a3: {  	[tilespmem:$0xE1F0] =	vst v0  }
0x1a4: {  	[tilespmem:$0xE200] =	vst v0  }
0x1a5: {  	[tilespmem:$0xE210] =	vst v0  }
0x1a6: {  	[tilespmem:$0xE220] =	vst v0  }
0x1a7: {  	[tilespmem:$0xE230] =	vst v0  }
0x1a8: {  	[tilespmem:$0xE240] =	vst v0  }
0x1a9: {  	[tilespmem:$0xE250] =	vst v0  }
0x1aa: {  	[tilespmem:$0xE260] =	vst v0  }
0x1ab: {  	[tilespmem:$0xE270] =	vst v0  }
0x1ac: {  	[tilespmem:$0xE280] =	vst v0  }
0x1ad: {  	[tilespmem:$0xE290] =	vst v0  }
0x1ae: {  	[tilespmem:$0xE2A0] =	vst v0  }
0x1af: {  	[tilespmem:$0xE2B0] =	vst v0  }
0x1b0: {  	[tilespmem:$0xE2C0] =	vst v0  }
0x1b1: {  	[tilespmem:$0xE2D0] =	vst v0  }
0x1b2: {  	[tilespmem:$0xE2E0] =	vst v0  }
0x1b3: {  	[tilespmem:$0xE2F0] =	vst v0  }
0x1b4: {  	[tilespmem:$0xE300] =	vst v0  }
0x1b5: {  	[tilespmem:$0xE310] =	vst v0  }
0x1b6: {  	[tilespmem:$0xE320] =	vst v0  }
0x1b7: {  	[tilespmem:$0xE330] =	vst v0  }
0x1b8: {  	[tilespmem:$0xE340] =	vst v0  }
0x1b9: {  	[tilespmem:$0xE350] =	vst v0  }
0x1ba: {  	[tilespmem:$0xE360] =	vst v0  }
0x1bb: {  	[tilespmem:$0xE370] =	vst v0  }
0x1bc: {  	[tilespmem:$0xE380] =	vst v0  }
0x1bd: {  	[tilespmem:$0xE390] =	vst v0  }
0x1be: {  	[tilespmem:$0xE3A0] =	vst v0  }
0x1bf: {  	[tilespmem:$0xE3B0] =	vst v0  }
0x1c0: {  	[tilespmem:$0xE3C0] =	vst v0  }
0x1c1: {  	[tilespmem:$0xE3D0] =	vst v0  }
0x1c2: {  	[tilespmem:$0xE3E0] =	vst v0  }
0x1c3: {  	[tilespmem:$0xE3F0] =	vst v0  }
0x1c4: {  	[tilespmem:$0xE400] =	vst v0  }
0x1c5: {  	[tilespmem:$0xE410] =	vst v0  }
0x1c6: {  	[tilespmem:$0xE420] =	vst v0  }
0x1c7: {  	[tilespmem:$0xE430] =	vst v0  }
0x1c8: {  	[tilespmem:$0xE440] =	vst v0  }
0x1c9: {  	[tilespmem:$0xE450] =	vst v0  }
0x1ca: {  	[tilespmem:$0xE460] =	vst v0  }
0x1cb: {  	[tilespmem:$0xE470] =	vst v0  }
0x1cc: {  	[tilespmem:$0xF360] =	vst v0  }
0x1cd: {  	[tilespmem:$0xF340] =	vst v0  }
0x1ce: {  	[tilespmem:$0xF370] =	vst v0  }
0x1cf: {  	[tilespmem:$0xE480] =	vst v0  }
0x1d0: {  	[tilespmem:$0xE490] =	vst v0  }
0x1d1: {  	[tilespmem:$0xE4A0] =	vst v0  }
0x1d2: {  	[tilespmem:$0xE4B0] =	vst v0  }
0x1d3: {  	[tilespmem:$0xE4C0] =	vst v0  }
0x1d4: {  	[tilespmem:$0xE4D0] =	vst v0  }
0x1d5: {  	[tilespmem:$0xE4E0] =	vst v0  }
0x1d6: {  	[tilespmem:$0xE4F0] =	vst v0  }
0x1d7: {  	[tilespmem:$0xE500] =	vst v0  }
0x1d8: {  	[tilespmem:$0xE510] =	vst v0  }
0x1d9: {  	[tilespmem:$0xE520] =	vst v0  }
0x1da: {  	[tilespmem:$0xE530] =	vst v0  }
0x1db: {  	[tilespmem:$0xE540] =	vst v0  }
0x1dc: {  	[tilespmem:$0xE550] =	vst v0  }
0x1dd: {  	[tilespmem:$0xE560] =	vst v0  }
0x1de: {  	[tilespmem:$0xE570] =	vst v0  }
0x1df: {  	[tilespmem:$0xE580] =	vst v0  }
0x1e0: {  	[tilespmem:$0xE590] =	vst v0  }
0x1e1: {  	[tilespmem:$0xE5A0] =	vst v0  }
0x1e2: {  	[tilespmem:$0xE5B0] =	vst v0  }
0x1e3: {  	[tilespmem:$0xE5C0] =	vst v0  }
0x1e4: {  	[tilespmem:$0xE5D0] =	vst v0  }
0x1e5: {  	[tilespmem:$0xE5E0] =	vst v0  }
0x1e6: {  	[tilespmem:$0xE5F0] =	vst v0  }
0x1e7: {  	[tilespmem:$0xE600] =	vst v0  }
0x1e8: {  	[tilespmem:$0xE610] =	vst v0  }
0x1e9: {  	[tilespmem:$0xE620] =	vst v0  }
0x1ea: {  	[tilespmem:$0xE630] =	vst v0  }
0x1eb: {  	[tilespmem:$0xE640] =	vst v0  }
0x1ec: {  	[tilespmem:$0xE650] =	vst v0  }
0x1ed: {  	[tilespmem:$0xE660] =	vst v0  }
0x1ee: {  	[tilespmem:$0xE670] =	vst v0  }
0x1ef: {  	[tilespmem:$0xE680] =	vst v0  }
0x1f0: {  	[tilespmem:$0xE690] =	vst v0  }
0x1f1: {  	[tilespmem:$0xE6A0] =	vst v0  }
0x1f2: {  	[tilespmem:$0xE6B0] =	vst v0  }
0x1f3: {  	[tilespmem:$0xE6C0] =	vst v0  }
0x1f4: {  	[tilespmem:$0xE6D0] =	vst v0  }
0x1f5: {  	[tilespmem:$0xE6E0] =	vst v0  }
0x1f6: {  	[tilespmem:$0xE6F0] =	vst v0  }
0x1f7: {  	[tilespmem:$0xE700] =	vst v0  }
0x1f8: {  	[tilespmem:$0xE710] =	vst v0  }
0x1f9: {  	[tilespmem:$0xE720] =	vst v0  }
0x1fa: {  	[tilespmem:$0xE730] =	vst v0  }
0x1fb: {  	[tilespmem:$0xE740] =	vst v0  }
0x1fc: {  	[tilespmem:$0xE750] =	vst v0  }
0x1fd: {  	[tilespmem:$0xE760] =	vst v0  }
0x1fe: {  	[tilespmem:$0xE770] =	vst v0  }
0x1ff: {  	[tilespmem:$0xE780] =	vst v0  }
0x200: {  	[tilespmem:$0xE790] =	vst v0  }
0x201: {  	[tilespmem:$0xE7A0] =	vst v0  }
0x202: {  	[tilespmem:$0xE7B0] =	vst v0  }
0x203: {  	[tilespmem:$0xE7C0] =	vst v0  }
0x204: {  	[tilespmem:$0xE7D0] =	vst v0  }
0x205: {  	[tilespmem:$0xE7E0] =	vst v0  }
0x206: {  	[tilespmem:$0xE7F0] =	vst v0  }
0x207: {  	[tilespmem:$0xE800] =	vst v0  }
0x208: {  	[tilespmem:$0xE810] =	vst v0  }
0x209: {  	[tilespmem:$0xE820] =	vst v0  }
0x20a: {  	[tilespmem:$0xE830] =	vst v0  }
0x20b: {  	[tilespmem:$0xE840] =	vst v0  }
0x20c: {  	[tilespmem:$0xE850] =	vst v0  }
0x20d: {  	[tilespmem:$0xE860] =	vst v0  }
0x20e: {  	[tilespmem:$0xE870] =	vst v0  }
0x20f: {  	[tilespmem:$0xE880] =	vst v0  }
0x210: {  	[tilespmem:$0xE890] =	vst v0  }
0x211: {  	[tilespmem:$0xE8A0] =	vst v0  }
0x212: {  	[tilespmem:$0xE8B0] =	vst v0  }
0x213: {  	[tilespmem:$0xE8C0] =	vst v0  }
0x214: {  	[tilespmem:$0xE8D0] =	vst v0  }
0x215: {  	[tilespmem:$0xE8E0] =	vst v0  }
0x216: {  	[tilespmem:$0xE8F0] =	vst v0  }
0x217: {  	[tilespmem:$0xE900] =	vst v0  }
0x218: {  	[tilespmem:$0xE910] =	vst v0  }
0x219: {  	[tilespmem:$0xE920] =	vst v0  }
0x21a: {  	[tilespmem:$0xE930] =	vst v0  }
0x21b: {  	[tilespmem:$0xE940] =	vst v0  }
0x21c: {  	[tilespmem:$0xE950] =	vst v0  }
0x21d: {  	[tilespmem:$0xE960] =	vst v0  }
0x21e: {  	[tilespmem:$0xE970] =	vst v0  }
0x21f: {  	[tilespmem:$0xE980] =	vst v0  }
0x220: {  	[tilespmem:$0xE990] =	vst v0  }
0x221: {  	[tilespmem:$0xE9A0] =	vst v0  }
0x222: {  	[tilespmem:$0xE9B0] =	vst v0  }
0x223: {  	[tilespmem:$0xE9C0] =	vst v0  }
0x224: {  	[tilespmem:$0xE9D0] =	vst v0  }
0x225: {  	[tilespmem:$0xE9E0] =	vst v0  }
0x226: {  	[tilespmem:$0xE9F0] =	vst v0  }
0x227: {  	[tilespmem:$0xEA00] =	vst v0  }
0x228: {  	[tilespmem:$0xEA10] =	vst v0  }
0x229: {  	[tilespmem:$0xEA20] =	vst v0  }
0x22a: {  	[tilespmem:$0xEA30] =	vst v0  }
0x22b: {  	[tilespmem:$0xEA40] =	vst v0  }
0x22c: {  	[tilespmem:$0xEA50] =	vst v0  }
0x22d: {  	[tilespmem:$0xEA60] =	vst v0  }
0x22e: {  	[tilespmem:$0xEA70] =	vst v0  }
0x22f: {  	[tilespmem:$0xEA80] =	vst v0  }
0x230: {  	[tilespmem:$0xEA90] =	vst v0  }
0x231: {  	[tilespmem:$0xEAA0] =	vst v0  }
0x232: {  	[tilespmem:$0xEAB0] =	vst v0  }
0x233: {  	[tilespmem:$0xEAC0] =	vst v0  }
0x234: {  	[tilespmem:$0xEAD0] =	vst v0  }
0x235: {  	[tilespmem:$0xEAE0] =	vst v0  }
0x236: {  	[tilespmem:$0xEAF0] =	vst v0  }
0x237: {  	[tilespmem:$0xEB00] =	vst v0  }
0x238: {  	[tilespmem:$0xEB10] =	vst v0  }
0x239: {  	[tilespmem:$0xEB20] =	vst v0  }
0x23a: {  	[tilespmem:$0xEB30] =	vst v0  }
0x23b: {  	[tilespmem:$0xEB40] =	vst v0  }
0x23c: {  	[tilespmem:$0xEB50] =	vst v0  }
0x23d: {  	[tilespmem:$0xEB60] =	vst v0  }
0x23e: {  	[tilespmem:$0xEB70] =	vst v0  }
0x23f: {  	[tilespmem:$0xEB80] =	vst v0  }
0x240: {  	[tilespmem:$0xEB90] =	vst v0  }
0x241: {  	[tilespmem:$0xEBA0] =	vst v0  }
0x242: {  	[tilespmem:$0xEBB0] =	vst v0  }
0x243: {  	[tilespmem:$0xEBC0] =	vst v0  }
0x244: {  	[tilespmem:$0xEBD0] =	vst v0  }
0x245: {  	[tilespmem:$0xEBE0] =	vst v0  }
0x246: {  	[tilespmem:$0xEBF0] =	vst v0  }
0x247: {  	[tilespmem:$0xEC00] =	vst v0  }
0x248: {  	[tilespmem:$0xEC10] =	vst v0  }
0x249: {  	[tilespmem:$0xEC20] =	vst v0  }
0x24a: {  	[tilespmem:$0xEC30] =	vst v0  }
0x24b: {  	[tilespmem:$0xEC40] =	vst v0  }
0x24c: {  	[tilespmem:$0xEC50] =	vst v0  }
0x24d: {  	[tilespmem:$0xEC60] =	vst v0  }
0x24e: {  	[tilespmem:$0xEC70] =	vst v0  }
0x24f: {  	[tilespmem:$0xEC80] =	vst v0  }
0x250: {  	[tilespmem:$0xEC90] =	vst v0  }
0x251: {  	[tilespmem:$0xECA0] =	vst v0  }
0x252: {  	[tilespmem:$0xECB0] =	vst v0  }
0x253: {  	[tilespmem:$0xECC0] =	vst v0  }
0x254: {  	[tilespmem:$0xECD0] =	vst v0  }
0x255: {  	[tilespmem:$0xECE0] =	vst v0  }
0x256: {  	[tilespmem:$0xECF0] =	vst v0  }
0x257: {  	[tilespmem:$0xED00] =	vst v0  }
0x258: {  	[tilespmem:$0xED10] =	vst v0  }
0x259: {  	[tilespmem:$0xED20] =	vst v0  }
0x25a: {  	[tilespmem:$0xED30] =	vst v0  }
0x25b: {  	[tilespmem:$0xED40] =	vst v0  }
0x25c: {  	[tilespmem:$0xED50] =	vst v0  }
0x25d: {  	[tilespmem:$0xED60] =	vst v0  }
0x25e: {  	[tilespmem:$0xED70] =	vst v0  }
0x25f: {  	[tilespmem:$0xED80] =	vst v0  }
0x260: {  	[tilespmem:$0xED90] =	vst v0  }
0x261: {  	[tilespmem:$0xEDA0] =	vst v0  }
0x262: {  	[tilespmem:$0xEDB0] =	vst v0  }
0x263: {  	[tilespmem:$0xEDC0] =	vst v0  }
0x264: {  	[tilespmem:$0xEDD0] =	vst v0  }
0x265: {  	[tilespmem:$0xEDE0] =	vst v0  }
0x266: {  	[tilespmem:$0xEDF0] =	vst v0  }
0x267: {  	[tilespmem:$0xEE00] =	vst v0  }
0x268: {  	[tilespmem:$0xEE10] =	vst v0  }
0x269: {  	[tilespmem:$0xEE20] =	vst v0  }
0x26a: {  	[tilespmem:$0xEE30] =	vst v0  }
0x26b: {  	[tilespmem:$0xEE40] =	vst v0  }
0x26c: {  	[tilespmem:$0xEE50] =	vst v0  }
0x26d: {  	[tilespmem:$0xEE60] =	vst v0  }
0x26e: {  	[tilespmem:$0xEE70] =	vst v0  }
0x26f: {  	[tilespmem:$0xEE80] =	vst v0  }
0x270: {  	[tilespmem:$0xEE90] =	vst v0  }
0x271: {  	[tilespmem:$0xEEA0] =	vst v0  }
0x272: {  	[tilespmem:$0xEEB0] =	vst v0  }
0x273: {  	[tilespmem:$0xEEC0] =	vst v0  }
0x274: {  	[tilespmem:$0xEED0] =	vst v0  }
0x275: {  	[tilespmem:$0xEEE0] =	vst v0  }
0x276: {  	[tilespmem:$0xEEF0] =	vst v0  }
0x277: {  	[tilespmem:$0xEF00] =	vst v0  }
0x278: {  	[tilespmem:$0xEF10] =	vst v0  }
0x279: {  	[tilespmem:$0xEF20] =	vst v0  }
0x27a: {  	[tilespmem:$0xEF30] =	vst v0  }
0x27b: {  	[tilespmem:$0xEF40] =	vst v0  }
0x27c: {  	[tilespmem:$0xEF50] =	vst v0  }
0x27d: {  	[tilespmem:$0xEF60] =	vst v0  }
0x27e: {  	[tilespmem:$0xEF70] =	vst v0  }
0x27f: {  	[tilespmem:$0xEF80] =	vst v0  }
0x280: {  	[tilespmem:$0xEF90] =	vst v0  }
0x281: {  	[tilespmem:$0xEFA0] =	vst v0  }
0x282: {  	[tilespmem:$0xEFB0] =	vst v0  }
0x283: {  	[tilespmem:$0xEFC0] =	vst v0  }
0x284: {  	[tilespmem:$0xEFD0] =	vst v0  }
0x285: {  	[tilespmem:$0xEFE0] =	vst v0  }
0x286: {  	[tilespmem:$0xEFF0] =	vst v0  }
0x287: {  	[tilespmem:$0xF000] =	vst v0  }
0x288: {  	[tilespmem:$0xF010] =	vst v0  }
0x289: {  	[tilespmem:$0xF020] =	vst v0  }
0x28a: {  	[tilespmem:$0xF030] =	vst v0  }
0x28b: {  	[tilespmem:$0xF040] =	vst v0  }
0x28c: {  	[tilespmem:$0xF050] =	vst v0  }
0x28d: {  	[tilespmem:$0xF060] =	vst v0  }
0x28e: {  	[tilespmem:$0xF070] =	vst v0  }
0x28f: {  	[tilespmem:$0xF080] =	vst v0  }
0x290: {  	[tilespmem:$0xF090] =	vst v0  }
0x291: {  	[tilespmem:$0xF0A0] =	vst v0  }
0x292: {  	[tilespmem:$0xF0B0] =	vst v0  }
0x293: {  	[tilespmem:$0xF0C0] =	vst v0  }
0x294: {  	[tilespmem:$0xF0D0] =	vst v0  }
0x295: {  	[tilespmem:$0xF0E0] =	vst v0  }
0x296: {  	[tilespmem:$0xF0F0] =	vst v0  }
0x297: {  	[tilespmem:$0xF100] =	vst v0  }
0x298: {  	[tilespmem:$0xF110] =	vst v0  }
0x299: {  	[tilespmem:$0xF120] =	vst v0  }
0x29a: {  	[tilespmem:$0xF130] =	vst v0  }
0x29b: {  	[tilespmem:$0xF140] =	vst v0  }
0x29c: {  	[tilespmem:$0xF150] =	vst v0  }
0x29d: {  	[tilespmem:$0xF160] =	vst v0  }
0x29e: {  	[tilespmem:$0xF170] =	vst v0  }
0x29f: {  	[tilespmem:$0xF180] =	vst v0  }
0x2a0: {  	[tilespmem:$0xF190] =	vst v0  }
0x2a1: {  	[tilespmem:$0xF1A0] =	vst v0  }
0x2a2: {  	[tilespmem:$0xF1B0] =	vst v0  }
0x2a3: {  	[tilespmem:$0xF1C0] =	vst v0  }
0x2a4: {  	[tilespmem:$0xF1D0] =	vst v0  }
0x2a5: {  	[tilespmem:$0xF1E0] =	vst v0  }
0x2a6: {  	[tilespmem:$0xF1F0] =	vst v0  }
0x2a7: {  	[tilespmem:$0xF200] =	vst v0  }
0x2a8: {  	[tilespmem:$0xF210] =	vst v0  }
0x2a9: {  	[tilespmem:$0xF220] =	vst v0  }
0x2aa: {  	[tilespmem:$0xF230] =	vst v0  }
0x2ab: {  	[tilespmem:$0xF240] =	vst v0  }
0x2ac: {  	[tilespmem:$0xF250] =	vst v0  }
0x2ad: {  	[tilespmem:$0xF260] =	vst v0  }
0x2ae: {  	[tilespmem:$0xF270] =	vst v0  }
0x2af: {  	[tilespmem:$0xF280] =	vst v0  }
0x2b0: {  	[tilespmem:$0xF290] =	vst v0  }
0x2b1: {  	[tilespmem:$0xF2A0] =	vst v0  }
0x2b2: {  	[tilespmem:$0xF2B0] =	vst v0  }
0x2b3: {  	[tilespmem:$0xF2C0] =	vst v0  }
0x2b4: {  	[tilespmem:$0xF2D0] =	vst v0  }
0x2b5: {  	[tilespmem:$0xF2E0] =	vst v0  }
0x2b6: {  	[tilespmem:$0xF2F0] =	vst v0  }
0x2b7: {  	[tilespmem:$0xF300] =	vst v0  }
0x2b8: {  	[tilespmem:$0xF310] =	vst v0  }
0x2b9: {  	[tilespmem:$0xF320] =	vst v0  }
0x2ba: {  	[tilespmem:$0xF330] =	vst v0  }
0x2bb: {  	s26 =	simm.s32 $0x1;
	[tilespmem:$0xF350] =	vst v0  }
0x2bc: {  	s1 =	simm.s32 $0x2780;
	_ =	swait.ge [sflag:s26], $0x2780  }
.Ltmp2:
0x2bd: {  	s30 =	simm.s32 $0x2800;
	[sflag:s26] =	ssyncset.done $0x0;
	(pc) =	sbr.rel .LBB2_2-.Ltmp2, $4  }
0x2be: {  	s31 =	simm.s32 $0x4E2000;
	s28 =	rddreg [dreg:$0x16];
	[sflag:s26] =	ssyncadd.s32 $0xFFFFD880  }
0x2bf: {  	[tilespmem:s1], [sflag:$0x2] =	stream.linear.gather [hbm4b:s28+s12], $0x500, $0x38;
	[tilespmem:$0xF380] =	vst v63  }
0x2c0: {  	s3 =	simm.s32 $0x3180;
	s0 =	simm.s32 $0x0;
	s29 =	rddreg [dreg:$0x17]  }
0x2c1: {  	[tilespmem:s3], [sflag:$0x4] =	stream.strided.gather [hbm4b:s29+s30], $0x5000, s31, s30, $0x38;
	[tilespmem:$0xF380] =	vst v63  }
.LBB2_7:
0x2c2: {  	s0 =	rddreg [dreg:$0x1c]  }
0x2c3: {  	s0 =	sadd.s32 $0x1, s0  }
0x2c4: {  	p0 =	sne.s32 s0, $0x8  }
.Ltmp3:
0x2c5: {  	_ = 	snop;
	(pc) =	sbr.rel @!p0 .LBB2_8-.Ltmp3, $1  }
0x2c6: {  	_ =	sdelay $0x3  }
.LBB2_2:
0x2c7: {  	[dreg:$0x1c] =	wrdreg s0  }
0x2c8: {  	s1 =	sshll.u32 s0, $0x6;
	s22 =	rddreg [dreg:$0x1a]  }
0x2c9: {  	[dreg:$0x1e] =	wrdreg s1;
	s1 =	sor.u32 s22, s1  }
0x2ca: {  	s2 =	rddreg [dreg:$0x4];
	s0 =	smul.u32 $0xA, s1  }
0x2cb: {  	s3 =	simm.s32 $0x2C80;
	s24 =	rddreg [dreg:$0x1];
	p0 =	slt.u32 s1, $0x1F4  }
0x2cc: {  	s25 =	simm.s32 $0x2800;
	s26 =	simm.s32 $0x4E2000;
	s0 =	simm.s32 @!p0 $0x0  }
0x2cd: {  	[dreg:$0x1d] =	wrdreg s1;
	s23 =	sshll.u32 s0, $0x4;
	s0 =	sshll.u32 s0, $0x7  }
0x2ce: {  	s1 =	simm.s32 $0x0;
	s2 =	sadd.s32 s2, s23;
	s0 =	sand.u32 $0x1FFFFF00, s0  }
0x2cf: {  	[tilespmem:s3], [sflag:$0x3] =	stream.linear.gather [hbm4b:s2+s1], $0x500, $0x38;
	[tilespmem:$0xF380] =	vst v63  }
0x2d0: {  	s4 =	simm.s32 $0x8180;
	s29 =	simm.s32 $0x2;
	s0 =	sadd.s32 s24, s0  }
0x2d1: {  	[tilespmem:s4], [sflag:$0x5] =	stream.strided.gather [hbm4b:s0+s25], $0x5000, s26, s25, $0x38;
	[tilespmem:$0xF380] =	vst v63  }
0x2d2: {  	_ =	swait.ge [sflag:s29], $0x500  }
0x2d3: {  	[sflag:s29] =	ssyncset.done $0x0  }
0x2d4: {  	s30 =	simm.s32 $0x4;
	[sflag:s29] =	ssyncadd.s32 $0xFFFFFB00  }
0x2d5: {  	_ =	swait.ge [sflag:s30], $0x5000  }
0x2d6: {  	s28 =	simm.s32 $0x2780;
	s31 =	simm.s32 $0x0;
	[sflag:s30] =	ssyncset.done $0x0  }
0x2d7: {  	p0 =	por $0x0, $0x0;
	s26 =	simm.s32 $0xFFFFFFFC;
	[sflag:s30] =	ssyncadd.s32 $0xFFFFB000  }
.LBB2_3:
0x2d8: {  	v3 =	vld [tilespmem:s28+$0x0];
	_ =	sdelay $0x7  }
0x2d9: {  	v3 =	vld.idx.msk [tilespmem:v3+s12+$0x0], $0xffff;
	_ =	sdelay $0x4  }
0x2da: {  	v3 =	vshll.u32 v3, $0x3  }
0x2db: {  	v3 =	vor.u32 v1, v3;
	_ =	sdelay $0x2  }
0x2dc: {  	s8 =	sand.u32 $0x3C00, s31  }
0x2dd: {  	s4 =	sand.u32 $0x40, s1;
	s19 =	sadd.s32 $0x3180, s8  }
0x2de: {  	s0 =	sor.u32 s4, s19;
	[tilespmem:v3+s10+$0x0] =	vst.idx.add.f32.msk $0xffff, v2  }
0x2df: {  	v4 =	vld [tilespmem:s0+$0x0];
	_ =	sdelay $0x4  }
0x2e0: {  	[tilespmem:v3+s11+$0x0] =	vst.idx.add.f32.msk $0xffff, v4  }
0x2e1: {  	v4 =	vld [tilespmem:s0+$0x80];
	_ =	sdelay $0x4  }
0x2e2: {  	[tilespmem:v3+s13+$0x0] =	vst.idx.add.f32.msk $0xffff, v4  }
0x2e3: {  	v4 =	vld [tilespmem:s0+$0x100];
	_ =	sdelay $0x4  }
0x2e4: {  	[tilespmem:v3+s14+$0x0] =	vst.idx.add.f32.msk $0xffff, v4  }
0x2e5: {  	v4 =	vld [tilespmem:s0+$0x180]  }
0x2e6: {  	s0 =	simm.s32 $0x1  }
0x2e7: {  	s0 =	simm.s32 @!p0 $0x0  }
0x2e8: {  	s0 =	sshll.u32 s0, $0x6  }
0x2e9: {  	s2 =	sadd.s32 s0, s31  }
0x2ea: {  	s0 =	sor.u32 $0x200, s2;
	[tilespmem:v3+s15+$0x0] =	vst.idx.add.f32.msk $0xffff, v4  }
0x2eb: {  	v4 =	vld [tilespmem:s0+$0x3180];
	_ =	sdelay $0x4  }
0x2ec: {  	s15 =	sor.u32 $0x280, s2;
	[tilespmem:v3+s16+$0x0] =	vst.idx.add.f32.msk $0xffff, v4  }
0x2ed: {  	v4 =	vld [tilespmem:s15+$0x3180];
	_ =	sdelay $0x4  }
0x2ee: {  	s16 =	sor.u32 $0x300, s2;
	[tilespmem:v3+s17+$0x0] =	vst.idx.add.f32.msk $0xffff, v4  }
0x2ef: {  	v4 =	vld [tilespmem:s16+$0x3180];
	_ =	sdelay $0x4  }
0x2f0: {  	s17 =	sor.u32 $0x380, s2;
	[tilespmem:v3+s9+$0x0] =	vst.idx.add.f32.msk $0xffff, v4  }
0x2f1: {  	v4 =	vld [tilespmem:s17+$0x3180];
	_ =	sdelay $0x3  }
0x2f2: {  	s29 =	sadd.s32 $0x5980, s8  }
0x2f3: {  	[tilespmem:v3+s18+$0x0] =	vst.idx.add.f32.msk $0xffff, v4;
	s18 =	sor.u32 s4, s29  }
0x2f4: {  	v4 =	vld [tilespmem:s18+$0x0];
	_ =	sdelay $0x3  }
0x2f5: {  	s6 =	sadd.s32 $0x5A00, s8  }
0x2f6: {  	[tilespmem:v3+s20+$0x0] =	vst.idx.add.f32.msk $0xffff, v4;
	s20 =	sor.u32 s4, s6  }
0x2f7: {  	v4 =	vld [tilespmem:s20+$0x0];
	_ =	sdelay $0x3  }
0x2f8: {  	s23 =	simm.s32 $0xE380;
	s7 =	sadd.s32 $0x5A80, s8  }
0x2f9: {  	s30 =	sor.u32 s4, s7;
	[tilespmem:v3+s23+$0x0] =	vst.idx.add.f32.msk $0xffff, v4  }
0x2fa: {  	v4 =	vld [tilespmem:s30+$0x0];
	_ =	sdelay $0x3  }
0x2fb: {  	s24 =	simm.s32 $0xE580;
	s5 =	sadd.s32 $0x5B00, s8  }
0x2fc: {  	s3 =	sor.u32 s4, s5;
	[tilespmem:v3+s24+$0x0] =	vst.idx.add.f32.msk $0xffff, v4  }
0x2fd: {  	v4 =	vld [tilespmem:s3+$0x0];
	_ =	sdelay $0x3  }
0x2fe: {  	s25 =	simm.s32 $0xE780;
	s0 =	sadd.s32 $0x5B80, s8  }
0x2ff: {  	s3 =	sor.u32 s4, s0;
	[tilespmem:v3+s25+$0x0] =	vst.idx.add.f32.msk $0xffff, v4  }
0x300: {  	v4 =	vld [tilespmem:s3+$0x0];
	_ =	sdelay $0x3  }
0x301: {  	s21 =	simm.s32 $0xE980;
	s30 =	sadd.s32 $0x5C00, s8  }
0x302: {  	s9 =	sor.u32 s4, s30;
	[tilespmem:v3+s21+$0x0] =	vst.idx.add.f32.msk $0xffff, v4  }
0x303: {  	v4 =	vld [tilespmem:s9+$0x0];
	_ =	sdelay $0x3  }
0x304: {  	s22 =	simm.s32 $0xEB80;
	s3 =	sadd.s32 $0x5C80, s8  }
0x305: {  	s10 =	sor.u32 s4, s3;
	[tilespmem:v3+s22+$0x0] =	vst.idx.add.f32.msk $0xffff, v4  }
0x306: {  	v4 =	vld [tilespmem:s10+$0x0];
	_ =	sdelay $0x3  }
0x307: {  	s11 =	simm.s32 $0xED80;
	s8 =	sadd.s32 $0x5D00, s8  }
0x308: {  	s14 =	sor.u32 s4, s8;
	[tilespmem:v3+s11+$0x0] =	vst.idx.add.f32.msk $0xffff, v4  }
0x309: {  	v4 =	vld [tilespmem:s14+$0x0];
	_ =	sdelay $0x2  }
0x30a: {  	s15 =	sand.u32 $0x780, s1  }
0x30b: {  	s17 =	simm.s32 $0xEF80;
	s9 =	sadd.s32 $0x2780, s15;
	s10 =	sor.u32 $0x10, s4  }
0x30c: {  	s11 =	sor.u32 s10, s9;
	[tilespmem:v3+s17+$0x0] =	vst.idx.add.f32.msk $0xffff, v4  }
0x30d: {  	v3 =	vld [tilespmem:s11+$0x0];
	_ =	sdelay $0x7  }
0x30e: {  	v3 =	vld.idx.msk [tilespmem:v3+s12+$0x0], $0xffff;
	_ =	sdelay $0x4  }
0x30f: {  	v3 =	vshll.u32 v3, $0x3  }
0x310: {  	v3 =	vor.u32 v1, v3;
	_ =	sdelay $0x3  }
0x311: {  	s14 =	simm.s32 $0xF180  }
0x312: {  	s12 =	sor.u32 s10, s19;
	[tilespmem:v3+s14+$0x0] =	vst.idx.add.f32.msk $0xffff, v2  }
0x313: {  	v4 =	vld [tilespmem:s12+$0x0];
	_ =	sdelay $0x3  }
0x314: {  	s15 =	simm.s32 $0xD180  }
0x315: {  	[tilespmem:v3+s15+$0x0] =	vst.idx.add.f32.msk $0xffff, v4  }
0x316: {  	v4 =	vld [tilespmem:s12+$0x80];
	_ =	sdelay $0x4  }
0x317: {  	[tilespmem:v3+s13+$0x0] =	vst.idx.add.f32.msk $0xffff, v4  }
0x318: {  	v4 =	vld [tilespmem:s12+$0x100];
	_ =	sdelay $0x3  }
0x319: {  	s16 =	simm.s32 $0xD580  }
0x31a: {  	[tilespmem:v3+s16+$0x0] =	vst.idx.add.f32.msk $0xffff, v4  }
0x31b: {  	v4 =	vld [tilespmem:s12+$0x180];
	_ =	sdelay $0x3  }
0x31c: {  	s17 =	simm.s32 $0xD780;
	s11 =	sadd.s32 $0x10, s2  }
0x31d: {  	s12 =	sor.u32 $0x200, s11;
	[tilespmem:v3+s17+$0x0] =	vst.idx.add.f32.msk $0xffff, v4  }
0x31e: {  	v4 =	vld [tilespmem:s12+$0x3180];
	_ =	sdelay $0x3  }
0x31f: {  	s16 =	simm.s32 $0xD980  }
0x320: {  	s12 =	sor.u32 $0x280, s11;
	[tilespmem:v3+s16+$0x0] =	vst.idx.add.f32.msk $0xffff, v4  }
0x321: {  	v4 =	vld [tilespmem:s12+$0x3180];
	_ =	sdelay $0x3  }
0x322: {  	s17 =	simm.s32 $0xDB80  }
0x323: {  	s12 =	sor.u32 $0x300, s11;
	[tilespmem:v3+s17+$0x0] =	vst.idx.add.f32.msk $0xffff, v4  }
0x324: {  	v4 =	vld [tilespmem:s12+$0x3180];
	_ =	sdelay $0x3  }
0x325: {  	s18 =	simm.s32 $0xDD80  }
0x326: {  	s11 =	sor.u32 $0x380, s11;
	[tilespmem:v3+s18+$0x0] =	vst.idx.add.f32.msk $0xffff, v4  }
0x327: {  	v4 =	vld [tilespmem:s11+$0x3180];
	_ =	sdelay $0x3  }
0x328: {  	s20 =	simm.s32 $0xDF80  }
0x329: {  	s12 =	sor.u32 s10, s29;
	[tilespmem:v3+s20+$0x0] =	vst.idx.add.f32.msk $0xffff, v4  }
0x32a: {  	v4 =	vld [tilespmem:s12+$0x0];
	_ =	sdelay $0x3  }
0x32b: {  	s20 =	simm.s32 $0xE180  }
0x32c: {  	s12 =	sor.u32 s10, s6;
	[tilespmem:v3+s20+$0x0] =	vst.idx.add.f32.msk $0xffff, v4  }
0x32d: {  	v4 =	vld [tilespmem:s12+$0x0];
	_ =	sdelay $0x4  }
0x32e: {  	s12 =	sor.u32 s10, s7;
	[tilespmem:v3+s23+$0x0] =	vst.idx.add.f32.msk $0xffff, v4  }
0x32f: {  	v4 =	vld [tilespmem:s12+$0x0];
	_ =	sdelay $0x4  }
0x330: {  	s12 =	sor.u32 s10, s5;
	[tilespmem:v3+s24+$0x0] =	vst.idx.add.f32.msk $0xffff, v4  }
0x331: {  	v4 =	vld [tilespmem:s12+$0x0];
	_ =	sdelay $0x4  }
0x332: {  	s12 =	sor.u32 s10, s0;
	[tilespmem:v3+s25+$0x0] =	vst.idx.add.f32.msk $0xffff, v4  }
0x333: {  	v4 =	vld [tilespmem:s12+$0x0];
	_ =	sdelay $0x4  }
0x334: {  	s12 =	sor.u32 s10, s30;
	[tilespmem:v3+s21+$0x0] =	vst.idx.add.f32.msk $0xffff, v4  }
0x335: {  	v4 =	vld [tilespmem:s12+$0x0];
	_ =	sdelay $0x4  }
0x336: {  	s12 =	sor.u32 s10, s3;
	[tilespmem:v3+s22+$0x0] =	vst.idx.add.f32.msk $0xffff, v4  }
0x337: {  	v4 =	vld [tilespmem:s12+$0x0];
	_ =	sdelay $0x3  }
0x338: {  	s12 =	simm.s32 $0xED80  }
0x339: {  	s10 =	sor.u32 s10, s8;
	[tilespmem:v3+s12+$0x0] =	vst.idx.add.f32.msk $0xffff, v4  }
0x33a: {  	v4 =	vld [tilespmem:s10+$0x0];
	_ =	sdelay $0x3  }
0x33b: {  	s12 =	simm.s32 $0xEF80;
	s10 =	sor.u32 $0x20, s4  }
0x33c: {  	[tilespmem:v3+s12+$0x0] =	vst.idx.add.f32.msk $0xffff, v4;
	s12 =	sor.u32 s10, s9  }
0x33d: {  	v3 =	vld [tilespmem:s12+$0x0];
	_ =	sdelay $0x6  }
0x33e: {  	s13 =	simm.s32 $0x0  }
0x33f: {  	v3 =	vld.idx.msk [tilespmem:v3+s13+$0x0], $0xffff;
	_ =	sdelay $0x4  }
0x340: {  	v3 =	vshll.u32 v3, $0x3  }
0x341: {  	v3 =	vor.u32 v1, v3;
	_ =	sdelay $0x4  }
0x342: {  	s12 =	sor.u32 s10, s19;
	[tilespmem:v3+s14+$0x0] =	vst.idx.add.f32.msk $0xffff, v2  }
0x343: {  	v4 =	vld [tilespmem:s12+$0x0];
	_ =	sdelay $0x4  }
0x344: {  	[tilespmem:v3+s15+$0x0] =	vst.idx.add.f32.msk $0xffff, v4  }
0x345: {  	v4 =	vld [tilespmem:s12+$0x80];
	_ =	sdelay $0x3  }
0x346: {  	s13 =	simm.s32 $0xD380  }
0x347: {  	[tilespmem:v3+s13+$0x0] =	vst.idx.add.f32.msk $0xffff, v4  }
0x348: {  	v4 =	vld [tilespmem:s12+$0x100];
	_ =	sdelay $0x3  }
0x349: {  	s14 =	simm.s32 $0xD580  }
0x34a: {  	[tilespmem:v3+s14+$0x0] =	vst.idx.add.f32.msk $0xffff, v4  }
0x34b: {  	v4 =	vld [tilespmem:s12+$0x180];
	_ =	sdelay $0x3  }
0x34c: {  	s11 =	sadd.s32 $0x20, s2;
	s15 =	simm.s32 $0xD780  }
0x34d: {  	s12 =	sor.u32 $0x200, s11;
	[tilespmem:v3+s15+$0x0] =	vst.idx.add.f32.msk $0xffff, v4  }
0x34e: {  	v4 =	vld [tilespmem:s12+$0x3180];
	_ =	sdelay $0x4  }
0x34f: {  	s12 =	sor.u32 $0x280, s11;
	[tilespmem:v3+s16+$0x0] =	vst.idx.add.f32.msk $0xffff, v4  }
0x350: {  	v4 =	vld [tilespmem:s12+$0x3180];
	_ =	sdelay $0x4  }
0x351: {  	s12 =	sor.u32 $0x300, s11;
	[tilespmem:v3+s17+$0x0] =	vst.idx.add.f32.msk $0xffff, v4  }
0x352: {  	v4 =	vld [tilespmem:s12+$0x3180];
	_ =	sdelay $0x4  }
0x353: {  	s11 =	sor.u32 $0x380, s11;
	[tilespmem:v3+s18+$0x0] =	vst.idx.add.f32.msk $0xffff, v4  }
0x354: {  	v4 =	vld [tilespmem:s11+$0x3180];
	_ =	sdelay $0x3  }
0x355: {  	s18 =	simm.s32 $0xDF80  }
0x356: {  	s11 =	sor.u32 s10, s29;
	[tilespmem:v3+s18+$0x0] =	vst.idx.add.f32.msk $0xffff, v4  }
0x357: {  	v4 =	vld [tilespmem:s11+$0x0];
	_ =	sdelay $0x4  }
0x358: {  	s11 =	sor.u32 s10, s6;
	[tilespmem:v3+s20+$0x0] =	vst.idx.add.f32.msk $0xffff, v4  }
0x359: {  	v4 =	vld [tilespmem:s11+$0x0];
	_ =	sdelay $0x4  }
0x35a: {  	[tilespmem:v3+s23+$0x0] =	vst.idx.add.f32.msk $0xffff, v4;
	s23 =	sor.u32 s10, s7  }
0x35b: {  	v4 =	vld [tilespmem:s23+$0x0];
	_ =	sdelay $0x4  }
0x35c: {  	s23 =	sor.u32 s10, s5;
	[tilespmem:v3+s24+$0x0] =	vst.idx.add.f32.msk $0xffff, v4  }
0x35d: {  	v4 =	vld [tilespmem:s23+$0x0];
	_ =	sdelay $0x4  }
0x35e: {  	s24 =	sor.u32 s10, s0;
	[tilespmem:v3+s25+$0x0] =	vst.idx.add.f32.msk $0xffff, v4  }
0x35f: {  	v4 =	vld [tilespmem:s24+$0x0];
	_ =	sdelay $0x4  }
0x360: {  	s25 =	sor.u32 s10, s30;
	[tilespmem:v3+s21+$0x0] =	vst.idx.add.f32.msk $0xffff, v4  }
0x361: {  	v4 =	vld [tilespmem:s25+$0x0];
	_ =	sdelay $0x4  }
0x362: {  	s21 =	sor.u32 s10, s3;
	[tilespmem:v3+s22+$0x0] =	vst.idx.add.f32.msk $0xffff, v4  }
0x363: {  	v4 =	vld [tilespmem:s21+$0x0];
	_ =	sdelay $0x3  }
0x364: {  	s22 =	simm.s32 $0xED80  }
0x365: {  	s10 =	sor.u32 s10, s8;
	[tilespmem:v3+s22+$0x0] =	vst.idx.add.f32.msk $0xffff, v4  }
0x366: {  	v4 =	vld [tilespmem:s10+$0x0];
	_ =	sdelay $0x3  }
0x367: {  	s4 =	sor.u32 $0x30, s4;
	s23 =	simm.s32 $0xEF80  }
0x368: {  	s9 =	sor.u32 s4, s9;
	[tilespmem:v3+s23+$0x0] =	vst.idx.add.f32.msk $0xffff, v4  }
0x369: {  	v3 =	vld [tilespmem:s9+$0x0];
	_ =	sdelay $0x6  }
0x36a: {  	s12 =	simm.s32 $0x0  }
0x36b: {  	v3 =	vld.idx.msk [tilespmem:v3+s12+$0x0], $0xffff;
	_ =	sdelay $0x4  }
0x36c: {  	v3 =	vshll.u32 v3, $0x3  }
0x36d: {  	v3 =	vor.u32 v1, v3;
	_ =	sdelay $0x3  }
0x36e: {  	s10 =	simm.s32 $0xF180  }
0x36f: {  	s24 =	sor.u32 s4, s19;
	[tilespmem:v3+s10+$0x0] =	vst.idx.add.f32.msk $0xffff, v2  }
0x370: {  	v4 =	vld [tilespmem:s24+$0x0];
	_ =	sdelay $0x3  }
0x371: {  	s11 =	simm.s32 $0xD180  }
0x372: {  	[tilespmem:v3+s11+$0x0] =	vst.idx.add.f32.msk $0xffff, v4  }
0x373: {  	v4 =	vld [tilespmem:s24+$0x80];
	_ =	sdelay $0x4  }
0x374: {  	[tilespmem:v3+s13+$0x0] =	vst.idx.add.f32.msk $0xffff, v4  }
0x375: {  	v4 =	vld [tilespmem:s24+$0x100];
	_ =	sdelay $0x4  }
0x376: {  	[tilespmem:v3+s14+$0x0] =	vst.idx.add.f32.msk $0xffff, v4  }
0x377: {  	v4 =	vld [tilespmem:s24+$0x180];
	_ =	sdelay $0x3  }
0x378: {  	s2 =	sadd.s32 $0x30, s2  }
0x379: {  	s25 =	sor.u32 $0x200, s2;
	[tilespmem:v3+s15+$0x0] =	vst.idx.add.f32.msk $0xffff, v4  }
0x37a: {  	v4 =	vld [tilespmem:s25+$0x3180];
	_ =	sdelay $0x4  }
0x37b: {  	s19 =	sor.u32 $0x280, s2;
	[tilespmem:v3+s16+$0x0] =	vst.idx.add.f32.msk $0xffff, v4  }
0x37c: {  	v4 =	vld [tilespmem:s19+$0x3180];
	_ =	sdelay $0x4  }
0x37d: {  	s21 =	sor.u32 $0x300, s2;
	[tilespmem:v3+s17+$0x0] =	vst.idx.add.f32.msk $0xffff, v4  }
0x37e: {  	v4 =	vld [tilespmem:s21+$0x3180];
	_ =	sdelay $0x3  }
0x37f: {  	s9 =	simm.s32 $0xDD80  }
0x380: {  	s2 =	sor.u32 $0x380, s2;
	[tilespmem:v3+s9+$0x0] =	vst.idx.add.f32.msk $0xffff, v4  }
0x381: {  	v4 =	vld [tilespmem:s2+$0x3180];
	_ =	sdelay $0x4  }
0x382: {  	s22 =	sor.u32 s4, s29;
	[tilespmem:v3+s18+$0x0] =	vst.idx.add.f32.msk $0xffff, v4  }
0x383: {  	v4 =	vld [tilespmem:s22+$0x0];
	_ =	sdelay $0x4  }
0x384: {  	s23 =	sor.u32 s4, s6;
	[tilespmem:v3+s20+$0x0] =	vst.idx.add.f32.msk $0xffff, v4  }
0x385: {  	v4 =	vld [tilespmem:s23+$0x0];
	_ =	sdelay $0x3  }
0x386: {  	s24 =	simm.s32 $0xE380  }
0x387: {  	s29 =	sor.u32 s4, s7;
	[tilespmem:v3+s24+$0x0] =	vst.idx.add.f32.msk $0xffff, v4  }
0x388: {  	v4 =	vld [tilespmem:s29+$0x0];
	_ =	sdelay $0x3  }
0x389: {  	s25 =	simm.s32 $0xE580  }
0x38a: {  	s19 =	sor.u32 s4, s5;
	[tilespmem:v3+s25+$0x0] =	vst.idx.add.f32.msk $0xffff, v4  }
0x38b: {  	v4 =	vld [tilespmem:s19+$0x0];
	_ =	sdelay $0x3  }
0x38c: {  	s7 =	simm.s32 $0xE780  }
0x38d: {  	s0 =	sor.u32 s4, s0;
	[tilespmem:v3+s7+$0x0] =	vst.idx.add.f32.msk $0xffff, v4  }
0x38e: {  	v4 =	vld [tilespmem:s0+$0x0];
	_ =	sdelay $0x3  }
0x38f: {  	s22 =	simm.s32 $0xE980  }
0x390: {  	s23 =	sor.u32 s4, s30;
	[tilespmem:v3+s22+$0x0] =	vst.idx.add.f32.msk $0xffff, v4  }
0x391: {  	v4 =	vld [tilespmem:s23+$0x0];
	_ =	sdelay $0x3  }
0x392: {  	s21 =	simm.s32 $0xEB80  }
0x393: {  	s24 =	sor.u32 s4, s3;
	[tilespmem:v3+s21+$0x0] =	vst.idx.add.f32.msk $0xffff, v4  }
0x394: {  	v4 =	vld [tilespmem:s24+$0x0];
	_ =	sdelay $0x3  }
0x395: {  	s30 =	simm.s32 $0xED80  }
0x396: {  	s26 =	sadd.s32 $0x4, s26;
	s25 =	sor.u32 s4, s8;
	[tilespmem:v3+s30+$0x0] =	vst.idx.add.f32.msk $0xffff, v4  }
0x397: {  	p1 =	slt.u32 s26, $0x4C;
	v4 =	vld [tilespmem:s25+$0x0]  }
.Ltmp4:
0x398: {  	_ = 	snop;
	(pc) =	sbr.rel @p1 .LBB2_3-.Ltmp4, $3  }
0x399: {  	_ =	sdelay $0x1  }
0x39a: {  	s28 =	sadd.s32 $0x40, s28;
	s29 =	simm.s32 $0xEF80  }
0x39b: {  	p0 =	por !p0, !p0;
	s31 =	sadd.s32 $0x200, s31;
	s1 =	sadd.s32 $0x40, s1;
	[tilespmem:v3+s29+$0x0] =	vst.idx.add.f32.msk $0xffff, v4  }
0x39c: {  	s0 =	rddreg [dreg:$0x19]  }
0x39d: {  	s1 =	rddreg [dreg:$0x1e]  }
0x39e: {  	s0 =	sadd.s32 s0, s1  }
0x39f: {  	s1 =	smul.u32 $0xA, s0  }
0x3a0: {  	p0 =	slt.u32 s0, $0x1F4  }
0x3a1: {  	s2 =	rddreg [dreg:$0x4];
	s1 =	simm.s32 @!p0 $0x0  }
0x3a2: {  	s5 =	simm.s32 $0x0;
	s23 =	simm.s32 $0x2780;
	s22 =	sshll.u32 s1, $0x4  }
0x3a3: {  	s25 =	rddreg [dreg:$0x1];
	s24 =	sshll.u32 s1, $0x7;
	s0 =	sadd.s32 s2, s22  }
0x3a4: {  	[tilespmem:s23], [sflag:$0x2] =	stream.linear.gather [hbm4b:s0+s5], $0x500, $0x38;
	[tilespmem:$0xF380] =	vst v63  }
0x3a5: {  	s26 =	simm.s32 $0x2800;
	s28 =	simm.s32 $0x4E2000;
	s0 =	sand.u32 $0x1FFFFF00, s24  }
0x3a6: {  	s3 =	simm.s32 $0x3180;
	s29 =	simm.s32 $0x3;
	s0 =	sadd.s32 s25, s0  }
0x3a7: {  	[tilespmem:s3], [sflag:$0x4] =	stream.strided.gather [hbm4b:s0+s26], $0x5000, s28, s26, $0x38;
	[tilespmem:$0xF380] =	vst v63  }
0x3a8: {  	_ =	swait.ge [sflag:s29], $0x500  }
0x3a9: {  	[sflag:s29] =	ssyncset.done $0x0  }
0x3aa: {  	s30 =	simm.s32 $0x5;
	[sflag:s29] =	ssyncadd.s32 $0xFFFFFB00  }
0x3ab: {  	_ =	swait.ge [sflag:s30], $0x5000  }
0x3ac: {  	s31 =	rddreg [dreg:$0x1d]  }
0x3ad: {  	p0 =	sgt.u32 s31, $0x1F3  }
.Ltmp5:
0x3ae: {  	_ = 	snop;
	(pc) =	sbr.rel @p0 .LBB2_7-.Ltmp5, $3  }
0x3af: {  	_ =	sdelay $0x1  }
0x3b0: {  	[sflag:s30] =	ssyncset.done $0x0  }
0x3b1: {  	[sflag:s30] =	ssyncadd.s32 $0xFFFFB000  }
0x3b2: {  	s0 =	simm.s32 $0xFFFFFFFC  }
0x3b3: {  	p0 =	por $0x0, $0x0;
	s1 =	simm.s32 $0x2C80;
	s26 =	simm.s32 $0x0  }
.LBB2_6:
0x3b4: {  	v3 =	vld [tilespmem:s1+$0x0];
	_ =	sdelay $0x7  }
0x3b5: {  	v3 =	vld.idx.msk [tilespmem:v3+s12+$0x0], $0xffff;
	_ =	sdelay $0x4  }
0x3b6: {  	v3 =	vshll.u32 v3, $0x3  }
0x3b7: {  	v3 =	vor.u32 v1, v3;
	_ =	sdelay $0x2  }
0x3b8: {  	s8 =	sand.u32 $0x3C00, s26  }
0x3b9: {  	s4 =	sand.u32 $0x40, s5;
	s19 =	sor.u32 $0x8180, s8  }
0x3ba: {  	s2 =	sor.u32 s4, s19;
	[tilespmem:v3+s10+$0x0] =	vst.idx.add.f32.msk $0xffff, v2  }
0x3bb: {  	v4 =	vld [tilespmem:s2+$0x0];
	_ =	sdelay $0x4  }
0x3bc: {  	[tilespmem:v3+s11+$0x0] =	vst.idx.add.f32.msk $0xffff, v4  }
0x3bd: {  	v4 =	vld [tilespmem:s2+$0x80];
	_ =	sdelay $0x4  }
0x3be: {  	[tilespmem:v3+s13+$0x0] =	vst.idx.add.f32.msk $0xffff, v4  }
0x3bf: {  	v4 =	vld [tilespmem:s2+$0x100];
	_ =	sdelay $0x4  }
0x3c0: {  	[tilespmem:v3+s14+$0x0] =	vst.idx.add.f32.msk $0xffff, v4  }
0x3c1: {  	v4 =	vld [tilespmem:s2+$0x180]  }
0x3c2: {  	s2 =	simm.s32 $0x1  }
0x3c3: {  	s2 =	simm.s32 @!p0 $0x0  }
0x3c4: {  	s2 =	sshll.u32 s2, $0x6  }
0x3c5: {  	s2 =	sadd.s32 s2, s26  }
0x3c6: {  	s3 =	sor.u32 $0x200, s2;
	[tilespmem:v3+s15+$0x0] =	vst.idx.add.f32.msk $0xffff, v4  }
0x3c7: {  	v4 =	vld [tilespmem:s3+$0x8180];
	_ =	sdelay $0x4  }
0x3c8: {  	s11 =	sor.u32 $0x280, s2;
	[tilespmem:v3+s16+$0x0] =	vst.idx.add.f32.msk $0xffff, v4  }
0x3c9: {  	v4 =	vld [tilespmem:s11+$0x8180];
	_ =	sdelay $0x4  }
0x3ca: {  	s14 =	sor.u32 $0x300, s2;
	[tilespmem:v3+s17+$0x0] =	vst.idx.add.f32.msk $0xffff, v4  }
0x3cb: {  	v4 =	vld [tilespmem:s14+$0x8180];
	_ =	sdelay $0x4  }
0x3cc: {  	s15 =	sor.u32 $0x380, s2;
	[tilespmem:v3+s9+$0x0] =	vst.idx.add.f32.msk $0xffff, v4  }
0x3cd: {  	v4 =	vld [tilespmem:s15+$0x8180];
	_ =	sdelay $0x3  }
0x3ce: {  	s28 =	sadd.s32 $0xA980, s8  }
0x3cf: {  	s16 =	sor.u32 s4, s28;
	[tilespmem:v3+s18+$0x0] =	vst.idx.add.f32.msk $0xffff, v4  }
0x3d0: {  	v4 =	vld [tilespmem:s16+$0x0];
	_ =	sdelay $0x3  }
0x3d1: {  	s6 =	sadd.s32 $0xAA00, s8  }
0x3d2: {  	s17 =	sor.u32 s4, s6;
	[tilespmem:v3+s20+$0x0] =	vst.idx.add.f32.msk $0xffff, v4  }
0x3d3: {  	v4 =	vld [tilespmem:s17+$0x0];
	_ =	sdelay $0x3  }
0x3d4: {  	s23 =	simm.s32 $0xE380;
	s7 =	sadd.s32 $0xAA80, s8  }
0x3d5: {  	s18 =	sor.u32 s4, s7;
	[tilespmem:v3+s23+$0x0] =	vst.idx.add.f32.msk $0xffff, v4  }
0x3d6: {  	v4 =	vld [tilespmem:s18+$0x0];
	_ =	sdelay $0x3  }
0x3d7: {  	s24 =	simm.s32 $0xE580;
	s29 =	sadd.s32 $0xAB00, s8  }
0x3d8: {  	s20 =	sor.u32 s4, s29;
	[tilespmem:v3+s24+$0x0] =	vst.idx.add.f32.msk $0xffff, v4  }
0x3d9: {  	v4 =	vld [tilespmem:s20+$0x0];
	_ =	sdelay $0x3  }
0x3da: {  	s25 =	simm.s32 $0xE780;
	s31 =	sadd.s32 $0xAB80, s8  }
0x3db: {  	s30 =	sor.u32 s4, s31;
	[tilespmem:v3+s25+$0x0] =	vst.idx.add.f32.msk $0xffff, v4  }
0x3dc: {  	v4 =	vld [tilespmem:s30+$0x0];
	_ =	sdelay $0x3  }
0x3dd: {  	s21 =	simm.s32 $0xE980;
	s30 =	sadd.s32 $0xAC00, s8  }
0x3de: {  	s9 =	sor.u32 s4, s30;
	[tilespmem:v3+s21+$0x0] =	vst.idx.add.f32.msk $0xffff, v4  }
0x3df: {  	v4 =	vld [tilespmem:s9+$0x0];
	_ =	sdelay $0x3  }
0x3e0: {  	s22 =	simm.s32 $0xEB80;
	s3 =	sadd.s32 $0xAC80, s8  }
0x3e1: {  	s10 =	sor.u32 s4, s3;
	[tilespmem:v3+s22+$0x0] =	vst.idx.add.f32.msk $0xffff, v4  }
0x3e2: {  	v4 =	vld [tilespmem:s10+$0x0];
	_ =	sdelay $0x3  }
0x3e3: {  	s11 =	simm.s32 $0xED80;
	s8 =	sadd.s32 $0xAD00, s8  }
0x3e4: {  	s14 =	sor.u32 s4, s8;
	[tilespmem:v3+s11+$0x0] =	vst.idx.add.f32.msk $0xffff, v4  }
0x3e5: {  	v4 =	vld [tilespmem:s14+$0x0];
	_ =	sdelay $0x2  }
0x3e6: {  	s15 =	sand.u32 $0x780, s5  }
0x3e7: {  	s17 =	simm.s32 $0xEF80;
	s9 =	sadd.s32 $0x2C80, s15;
	s10 =	sor.u32 $0x10, s4  }
0x3e8: {  	s11 =	sor.u32 s10, s9;
	[tilespmem:v3+s17+$0x0] =	vst.idx.add.f32.msk $0xffff, v4  }
0x3e9: {  	v3 =	vld [tilespmem:s11+$0x0];
	_ =	sdelay $0x7  }
0x3ea: {  	v3 =	vld.idx.msk [tilespmem:v3+s12+$0x0], $0xffff;
	_ =	sdelay $0x4  }
0x3eb: {  	v3 =	vshll.u32 v3, $0x3  }
0x3ec: {  	v3 =	vor.u32 v1, v3;
	_ =	sdelay $0x3  }
0x3ed: {  	s14 =	simm.s32 $0xF180  }
0x3ee: {  	s12 =	sor.u32 s10, s19;
	[tilespmem:v3+s14+$0x0] =	vst.idx.add.f32.msk $0xffff, v2  }
0x3ef: {  	v4 =	vld [tilespmem:s12+$0x0];
	_ =	sdelay $0x3  }
0x3f0: {  	s15 =	simm.s32 $0xD180  }
0x3f1: {  	[tilespmem:v3+s15+$0x0] =	vst.idx.add.f32.msk $0xffff, v4  }
0x3f2: {  	v4 =	vld [tilespmem:s12+$0x80];
	_ =	sdelay $0x4  }
0x3f3: {  	[tilespmem:v3+s13+$0x0] =	vst.idx.add.f32.msk $0xffff, v4  }
0x3f4: {  	v4 =	vld [tilespmem:s12+$0x100];
	_ =	sdelay $0x3  }
0x3f5: {  	s16 =	simm.s32 $0xD580  }
0x3f6: {  	[tilespmem:v3+s16+$0x0] =	vst.idx.add.f32.msk $0xffff, v4  }
0x3f7: {  	v4 =	vld [tilespmem:s12+$0x180];
	_ =	sdelay $0x3  }
0x3f8: {  	s17 =	simm.s32 $0xD780;
	s11 =	sadd.s32 $0x10, s2  }
0x3f9: {  	s12 =	sor.u32 $0x200, s11;
	[tilespmem:v3+s17+$0x0] =	vst.idx.add.f32.msk $0xffff, v4  }
0x3fa: {  	v4 =	vld [tilespmem:s12+$0x8180];
	_ =	sdelay $0x3  }
0x3fb: {  	s16 =	simm.s32 $0xD980  }
0x3fc: {  	s12 =	sor.u32 $0x280, s11;
	[tilespmem:v3+s16+$0x0] =	vst.idx.add.f32.msk $0xffff, v4  }
0x3fd: {  	v4 =	vld [tilespmem:s12+$0x8180];
	_ =	sdelay $0x3  }
0x3fe: {  	s17 =	simm.s32 $0xDB80  }
0x3ff: {  	s12 =	sor.u32 $0x300, s11;
	[tilespmem:v3+s17+$0x0] =	vst.idx.add.f32.msk $0xffff, v4  }
0x400: {  	v4 =	vld [tilespmem:s12+$0x8180];
	_ =	sdelay $0x3  }
0x401: {  	s18 =	simm.s32 $0xDD80  }
0x402: {  	s11 =	sor.u32 $0x380, s11;
	[tilespmem:v3+s18+$0x0] =	vst.idx.add.f32.msk $0xffff, v4  }
0x403: {  	v4 =	vld [tilespmem:s11+$0x8180];
	_ =	sdelay $0x3  }
0x404: {  	s20 =	simm.s32 $0xDF80  }
0x405: {  	s12 =	sor.u32 s10, s28;
	[tilespmem:v3+s20+$0x0] =	vst.idx.add.f32.msk $0xffff, v4  }
0x406: {  	v4 =	vld [tilespmem:s12+$0x0];
	_ =	sdelay $0x3  }
0x407: {  	s20 =	simm.s32 $0xE180  }
0x408: {  	s12 =	sor.u32 s10, s6;
	[tilespmem:v3+s20+$0x0] =	vst.idx.add.f32.msk $0xffff, v4  }
0x409: {  	v4 =	vld [tilespmem:s12+$0x0];
	_ =	sdelay $0x4  }
0x40a: {  	s12 =	sor.u32 s10, s7;
	[tilespmem:v3+s23+$0x0] =	vst.idx.add.f32.msk $0xffff, v4  }
0x40b: {  	v4 =	vld [tilespmem:s12+$0x0];
	_ =	sdelay $0x4  }
0x40c: {  	s12 =	sor.u32 s10, s29;
	[tilespmem:v3+s24+$0x0] =	vst.idx.add.f32.msk $0xffff, v4  }
0x40d: {  	v4 =	vld [tilespmem:s12+$0x0];
	_ =	sdelay $0x4  }
0x40e: {  	s12 =	sor.u32 s10, s31;
	[tilespmem:v3+s25+$0x0] =	vst.idx.add.f32.msk $0xffff, v4  }
0x40f: {  	v4 =	vld [tilespmem:s12+$0x0];
	_ =	sdelay $0x4  }
0x410: {  	s12 =	sor.u32 s10, s30;
	[tilespmem:v3+s21+$0x0] =	vst.idx.add.f32.msk $0xffff, v4  }
0x411: {  	v4 =	vld [tilespmem:s12+$0x0];
	_ =	sdelay $0x4  }
0x412: {  	s12 =	sor.u32 s10, s3;
	[tilespmem:v3+s22+$0x0] =	vst.idx.add.f32.msk $0xffff, v4  }
0x413: {  	v4 =	vld [tilespmem:s12+$0x0];
	_ =	sdelay $0x3  }
0x414: {  	s12 =	simm.s32 $0xED80  }
0x415: {  	s10 =	sor.u32 s10, s8;
	[tilespmem:v3+s12+$0x0] =	vst.idx.add.f32.msk $0xffff, v4  }
0x416: {  	v4 =	vld [tilespmem:s10+$0x0];
	_ =	sdelay $0x3  }
0x417: {  	s12 =	simm.s32 $0xEF80;
	s10 =	sor.u32 $0x20, s4  }
0x418: {  	[tilespmem:v3+s12+$0x0] =	vst.idx.add.f32.msk $0xffff, v4;
	s12 =	sor.u32 s10, s9  }
0x419: {  	v3 =	vld [tilespmem:s12+$0x0];
	_ =	sdelay $0x6  }
0x41a: {  	s13 =	simm.s32 $0x0  }
0x41b: {  	v3 =	vld.idx.msk [tilespmem:v3+s13+$0x0], $0xffff;
	_ =	sdelay $0x4  }
0x41c: {  	v3 =	vshll.u32 v3, $0x3  }
0x41d: {  	v3 =	vor.u32 v1, v3;
	_ =	sdelay $0x4  }
0x41e: {  	s12 =	sor.u32 s10, s19;
	[tilespmem:v3+s14+$0x0] =	vst.idx.add.f32.msk $0xffff, v2  }
0x41f: {  	v4 =	vld [tilespmem:s12+$0x0];
	_ =	sdelay $0x4  }
0x420: {  	[tilespmem:v3+s15+$0x0] =	vst.idx.add.f32.msk $0xffff, v4  }
0x421: {  	v4 =	vld [tilespmem:s12+$0x80];
	_ =	sdelay $0x3  }
0x422: {  	s13 =	simm.s32 $0xD380  }
0x423: {  	[tilespmem:v3+s13+$0x0] =	vst.idx.add.f32.msk $0xffff, v4  }
0x424: {  	v4 =	vld [tilespmem:s12+$0x100];
	_ =	sdelay $0x3  }
0x425: {  	s14 =	simm.s32 $0xD580  }
0x426: {  	[tilespmem:v3+s14+$0x0] =	vst.idx.add.f32.msk $0xffff, v4  }
0x427: {  	v4 =	vld [tilespmem:s12+$0x180];
	_ =	sdelay $0x3  }
0x428: {  	s11 =	sadd.s32 $0x20, s2;
	s15 =	simm.s32 $0xD780  }
0x429: {  	s12 =	sor.u32 $0x200, s11;
	[tilespmem:v3+s15+$0x0] =	vst.idx.add.f32.msk $0xffff, v4  }
0x42a: {  	v4 =	vld [tilespmem:s12+$0x8180];
	_ =	sdelay $0x4  }
0x42b: {  	s12 =	sor.u32 $0x280, s11;
	[tilespmem:v3+s16+$0x0] =	vst.idx.add.f32.msk $0xffff, v4  }
0x42c: {  	v4 =	vld [tilespmem:s12+$0x8180];
	_ =	sdelay $0x4  }
0x42d: {  	s12 =	sor.u32 $0x300, s11;
	[tilespmem:v3+s17+$0x0] =	vst.idx.add.f32.msk $0xffff, v4  }
0x42e: {  	v4 =	vld [tilespmem:s12+$0x8180];
	_ =	sdelay $0x4  }
0x42f: {  	s11 =	sor.u32 $0x380, s11;
	[tilespmem:v3+s18+$0x0] =	vst.idx.add.f32.msk $0xffff, v4  }
0x430: {  	v4 =	vld [tilespmem:s11+$0x8180];
	_ =	sdelay $0x3  }
0x431: {  	s18 =	simm.s32 $0xDF80  }
0x432: {  	s11 =	sor.u32 s10, s28;
	[tilespmem:v3+s18+$0x0] =	vst.idx.add.f32.msk $0xffff, v4  }
0x433: {  	v4 =	vld [tilespmem:s11+$0x0];
	_ =	sdelay $0x4  }
0x434: {  	s11 =	sor.u32 s10, s6;
	[tilespmem:v3+s20+$0x0] =	vst.idx.add.f32.msk $0xffff, v4  }
0x435: {  	v4 =	vld [tilespmem:s11+$0x0];
	_ =	sdelay $0x4  }
0x436: {  	[tilespmem:v3+s23+$0x0] =	vst.idx.add.f32.msk $0xffff, v4;
	s23 =	sor.u32 s10, s7  }
0x437: {  	v4 =	vld [tilespmem:s23+$0x0];
	_ =	sdelay $0x4  }
0x438: {  	[tilespmem:v3+s24+$0x0] =	vst.idx.add.f32.msk $0xffff, v4;
	s24 =	sor.u32 s10, s29  }
0x439: {  	v4 =	vld [tilespmem:s24+$0x0];
	_ =	sdelay $0x4  }
0x43a: {  	[tilespmem:v3+s25+$0x0] =	vst.idx.add.f32.msk $0xffff, v4;
	s25 =	sor.u32 s10, s31  }
0x43b: {  	v4 =	vld [tilespmem:s25+$0x0];
	_ =	sdelay $0x4  }
0x43c: {  	[tilespmem:v3+s21+$0x0] =	vst.idx.add.f32.msk $0xffff, v4;
	s21 =	sor.u32 s10, s30  }
0x43d: {  	v4 =	vld [tilespmem:s21+$0x0];
	_ =	sdelay $0x4  }
0x43e: {  	[tilespmem:v3+s22+$0x0] =	vst.idx.add.f32.msk $0xffff, v4;
	s22 =	sor.u32 s10, s3  }
0x43f: {  	v4 =	vld [tilespmem:s22+$0x0];
	_ =	sdelay $0x3  }
0x440: {  	s23 =	simm.s32 $0xED80  }
0x441: {  	s10 =	sor.u32 s10, s8;
	[tilespmem:v3+s23+$0x0] =	vst.idx.add.f32.msk $0xffff, v4  }
0x442: {  	v4 =	vld [tilespmem:s10+$0x0];
	_ =	sdelay $0x3  }
0x443: {  	s4 =	sor.u32 $0x30, s4;
	s24 =	simm.s32 $0xEF80  }
0x444: {  	s9 =	sor.u32 s4, s9;
	[tilespmem:v3+s24+$0x0] =	vst.idx.add.f32.msk $0xffff, v4  }
0x445: {  	v3 =	vld [tilespmem:s9+$0x0];
	_ =	sdelay $0x6  }
0x446: {  	s12 =	simm.s32 $0x0  }
0x447: {  	v3 =	vld.idx.msk [tilespmem:v3+s12+$0x0], $0xffff;
	_ =	sdelay $0x4  }
0x448: {  	v3 =	vshll.u32 v3, $0x3  }
0x449: {  	v3 =	vor.u32 v1, v3;
	_ =	sdelay $0x3  }
0x44a: {  	s10 =	simm.s32 $0xF180  }
0x44b: {  	s25 =	sor.u32 s4, s19;
	[tilespmem:v3+s10+$0x0] =	vst.idx.add.f32.msk $0xffff, v2  }
0x44c: {  	v4 =	vld [tilespmem:s25+$0x0];
	_ =	sdelay $0x3  }
0x44d: {  	s11 =	simm.s32 $0xD180  }
0x44e: {  	[tilespmem:v3+s11+$0x0] =	vst.idx.add.f32.msk $0xffff, v4  }
0x44f: {  	v4 =	vld [tilespmem:s25+$0x80];
	_ =	sdelay $0x4  }
0x450: {  	[tilespmem:v3+s13+$0x0] =	vst.idx.add.f32.msk $0xffff, v4  }
0x451: {  	v4 =	vld [tilespmem:s25+$0x100];
	_ =	sdelay $0x4  }
0x452: {  	[tilespmem:v3+s14+$0x0] =	vst.idx.add.f32.msk $0xffff, v4  }
0x453: {  	v4 =	vld [tilespmem:s25+$0x180];
	_ =	sdelay $0x3  }
0x454: {  	s2 =	sadd.s32 $0x30, s2  }
0x455: {  	s19 =	sor.u32 $0x200, s2;
	[tilespmem:v3+s15+$0x0] =	vst.idx.add.f32.msk $0xffff, v4  }
0x456: {  	v4 =	vld [tilespmem:s19+$0x8180];
	_ =	sdelay $0x4  }
0x457: {  	s21 =	sor.u32 $0x280, s2;
	[tilespmem:v3+s16+$0x0] =	vst.idx.add.f32.msk $0xffff, v4  }
0x458: {  	v4 =	vld [tilespmem:s21+$0x8180];
	_ =	sdelay $0x4  }
0x459: {  	s22 =	sor.u32 $0x300, s2;
	[tilespmem:v3+s17+$0x0] =	vst.idx.add.f32.msk $0xffff, v4  }
0x45a: {  	v4 =	vld [tilespmem:s22+$0x8180];
	_ =	sdelay $0x3  }
0x45b: {  	s9 =	simm.s32 $0xDD80  }
0x45c: {  	s2 =	sor.u32 $0x380, s2;
	[tilespmem:v3+s9+$0x0] =	vst.idx.add.f32.msk $0xffff, v4  }
0x45d: {  	v4 =	vld [tilespmem:s2+$0x8180];
	_ =	sdelay $0x4  }
0x45e: {  	s23 =	sor.u32 s4, s28;
	[tilespmem:v3+s18+$0x0] =	vst.idx.add.f32.msk $0xffff, v4  }
0x45f: {  	v4 =	vld [tilespmem:s23+$0x0];
	_ =	sdelay $0x4  }
0x460: {  	s24 =	sor.u32 s4, s6;
	[tilespmem:v3+s20+$0x0] =	vst.idx.add.f32.msk $0xffff, v4  }
0x461: {  	v4 =	vld [tilespmem:s24+$0x0];
	_ =	sdelay $0x3  }
0x462: {  	s25 =	simm.s32 $0xE380  }
0x463: {  	s7 =	sor.u32 s4, s7;
	[tilespmem:v3+s25+$0x0] =	vst.idx.add.f32.msk $0xffff, v4  }
0x464: {  	v4 =	vld [tilespmem:s7+$0x0];
	_ =	sdelay $0x3  }
0x465: {  	s28 =	simm.s32 $0xE580  }
0x466: {  	s21 =	sor.u32 s4, s29;
	[tilespmem:v3+s28+$0x0] =	vst.idx.add.f32.msk $0xffff, v4  }
0x467: {  	v4 =	vld [tilespmem:s21+$0x0];
	_ =	sdelay $0x3  }
0x468: {  	s19 =	simm.s32 $0xE780  }
0x469: {  	s23 =	sor.u32 s4, s31;
	[tilespmem:v3+s19+$0x0] =	vst.idx.add.f32.msk $0xffff, v4  }
0x46a: {  	v4 =	vld [tilespmem:s23+$0x0];
	_ =	sdelay $0x3  }
0x46b: {  	s22 =	simm.s32 $0xE980  }
0x46c: {  	s25 =	sor.u32 s4, s30;
	[tilespmem:v3+s22+$0x0] =	vst.idx.add.f32.msk $0xffff, v4  }
0x46d: {  	v4 =	vld [tilespmem:s25+$0x0];
	_ =	sdelay $0x3  }
0x46e: {  	s24 =	simm.s32 $0xEB80  }
0x46f: {  	s28 =	sor.u32 s4, s3;
	[tilespmem:v3+s24+$0x0] =	vst.idx.add.f32.msk $0xffff, v4  }
0x470: {  	v4 =	vld [tilespmem:s28+$0x0];
	_ =	sdelay $0x3  }
0x471: {  	s31 =	simm.s32 $0xED80  }
0x472: {  	s0 =	sadd.s32 $0x4, s0;
	s29 =	sor.u32 s4, s8;
	[tilespmem:v3+s31+$0x0] =	vst.idx.add.f32.msk $0xffff, v4  }
0x473: {  	p1 =	slt.u32 s0, $0x4C;
	v4 =	vld [tilespmem:s29+$0x0]  }
.Ltmp6:
0x474: {  	_ = 	snop;
	(pc) =	sbr.rel @p1 .LBB2_6-.Ltmp6, $3  }
0x475: {  	_ =	sdelay $0x1  }
0x476: {  	s1 =	sadd.s32 $0x40, s1;
	s30 =	simm.s32 $0xEF80  }
0x477: {  	p0 =	por !p0, !p0;
	s26 =	sadd.s32 $0x200, s26;
	s5 =	sadd.s32 $0x40, s5;
	[tilespmem:v3+s30+$0x0] =	vst.idx.add.f32.msk $0xffff, v4  }
.Ltmp7:
0x478: {  	_ = 	snop;
	(pc) =	sbr.rel .LBB2_7-.Ltmp7, $1  }
0x479: {  	_ =	sdelay $0x3  }
.LBB2_9:
0x47a: {  	_ =	sfence.sel $0x180000  }
0x47b: {  	[bflag:$0x0] =	sbarrier.arrive $0xFFFF  }
0x47c: {  	_ =	strace $0x90000047  }
0x47d: {  	s0 =	stileid.u32;
	[bflag:$0x2] =	sbarrier.arrive $0xFFFF  }
0x47e: {  	p0 =	sne.s32 s0, $0x0;
	s0 =	rddreg [dreg:$0x3]  }
0x47f: {  	s0 =	sadd.s32 @!p0 $0x100000, s0  }
0x480: {  	[sflag:s0] =	ssyncadd.tile.s32 @!p0 $0x1;
	_ =	shalt  }
.Lfunc_end2:
_tile_overlayer_lowered:
.L_overlay_start_2:
0x481: {  	(tag) =	ssettag $0x2  }
0x482: {  	s0 =	rddreg [dreg:$0x0];
	s2 =	stileid.u32  }
0x483: {  	s1 =	rddreg [dreg:$0x1];
	p0 =	sne.s32 s2, $0x0  }
0x484: {  	s3 =	rddreg [dreg:$0x2];
	[bflag:$0x3] =	sbarrier.arrive $0xFFFF;
	s2 =	simm.s32 @!p0 $0x1C07  }
0x485: {  	[timem:s3], [sflag:s2] =	dma.local @!p0 [hbm:s0], s1  }
0x486: {  	s0 =	simm.s32 @!p0 $0x7  }
0x487: {  	_ =	swait.ge @!p0 [sflag:s0], s1  }
0x488: {  	s1 =	ssub.s32 @!p0 $0x0, s1;
	[sflag:s0] =	ssyncset.done @!p0 $0x0  }
0x489: {  	[sflag:s0] =	ssyncadd.s32 @!p0 s1  }
0x48a: {  	[bflag:$0x3] =	sbarrier.arrive $0xFFFF  }
0x48b: {  	_ =	shalt  }

</sc_bundles>
